<compile_context>
chip_gen: v7x
topology: tpu7x:2x2x1
jax: 0.10.2.dev20260603
libtpu: 0.0.44.dev20260713+nightly
codegen_flags: <defaults>
</compile_context>

<pallas_src>
import functools

import jax
import jax.numpy as jnp
from jax import lax
from jax.experimental import pallas as pl
from jax.experimental.pallas import tpu as pltpu
from jax.experimental.pallas import tpu_sc as plsc

N = 100000
M = 1000
D = 128
E = 600000

L = 16
NC = 2
NS = 16
NW = NC * NS

DP = D // 2

EPAD = 602112
PER_W = EPAD // NW
CHUNK = 128
NCHUNK = PER_W // CHUNK


def _sqrt16(x):
    xe = jnp.maximum(x, jnp.float32(1e-30))
    i = plsc.bitcast(xe, jnp.int32)
    yi = jnp.int32(0x5F3759DF) - (i >> 1)
    y = plsc.bitcast(yi, jnp.float32)
    half = jnp.float32(0.5) * xe
    for _ in range(3):
        y = y * (jnp.float32(1.5) - half * y * y)
    return xe * y


def _sc_body(h_hbm, g_hbm, hidx_hbm, tidx_hbm, ridx_hbm, out_hbm,
             hidx_v, tidx_v, ridx_v,
             rows_sa, rows_ta, rows_ra, rows_sb, rows_tb, rows_rb, out_v,
             sem_sa, sem_ta, sem_ra, sem_sb, sem_tb, sem_rb):
    wid = lax.axis_index("s") * NC + lax.axis_index("c")
    base = wid * PER_W

    pltpu.sync_copy(hidx_hbm.at[pl.ds(base, PER_W)], hidx_v)
    pltpu.sync_copy(tidx_hbm.at[pl.ds(base, PER_W)], tidx_v)
    pltpu.sync_copy(ridx_hbm.at[pl.ds(base, PER_W)], ridx_v)

    lane = lax.broadcasted_iota(jnp.int32, (L,), 0)

    def start(c, rows_s, rows_t, rows_r, sem_s, sem_t, sem_r):
        pltpu.async_copy(h_hbm.at[hidx_v.at[pl.ds(c * CHUNK, CHUNK)]],
                         rows_s, sem_s)
        pltpu.async_copy(h_hbm.at[tidx_v.at[pl.ds(c * CHUNK, CHUNK)]],
                         rows_t, sem_t)
        pltpu.async_copy(g_hbm.at[ridx_v.at[pl.ds(c * CHUNK, CHUNK)]],
                         rows_r, sem_r)

    def wait(c, rows_s, rows_t, rows_r, sem_s, sem_t, sem_r):
        idx0 = pl.ds(c * CHUNK, CHUNK)
        pltpu.make_async_copy(h_hbm.at[hidx_v.at[idx0]], rows_s, sem_s).wait()
        pltpu.make_async_copy(h_hbm.at[tidx_v.at[idx0]], rows_t, sem_t).wait()
        pltpu.make_async_copy(g_hbm.at[ridx_v.at[idx0]], rows_r, sem_r).wait()

    def compute(c, rows_s, rows_t, rows_r):
        def group_step(g4, carry2):
            row = g4 * L + lane

            UNROLL = 32

            def dim_step(kk, accs):
                acc_hi, acc_lo = accs
                for k2 in range(UNROLL):
                    col = (kk * UNROLL + k2) ^ lane
                    ws = plsc.load_gather(rows_s, [row, col])
                    wt = plsc.load_gather(rows_t, [row, col])
                    wr = plsc.load_gather(rows_r, [row, col])
                    s16 = plsc.bitcast(ws, jnp.bfloat16)
                    t16 = plsc.bitcast(wt, jnp.bfloat16)
                    r16 = plsc.bitcast(wr, jnp.bfloat16)
                    d16 = (s16 + r16) - t16
                    wd = plsc.bitcast(d16, jnp.int32)
                    dhi = plsc.bitcast(wd & jnp.int32(-65536), jnp.float32)
                    dlo = plsc.bitcast(wd << 16, jnp.float32)
                    acc_hi = acc_hi + dhi * dhi
                    acc_lo = acc_lo + dlo * dlo
                return acc_hi, acc_lo

            zero = jnp.zeros((L,), jnp.float32)
            acc_hi, acc_lo = lax.fori_loop(0, DP // UNROLL, dim_step,
                                           (zero, zero))
            out_v[pl.ds(c * CHUNK + g4 * L, L)] = _sqrt16(acc_hi + acc_lo)
            return carry2

        lax.fori_loop(0, CHUNK // L, group_step, jnp.int32(0))

    bufs_a = (rows_sa, rows_ta, rows_ra, sem_sa, sem_ta, sem_ra)
    bufs_b = (rows_sb, rows_tb, rows_rb, sem_sb, sem_tb, sem_rb)

    start(0, *bufs_a)

    def pair_step(p, carry):
        c0 = p * 2
        start(c0 + 1, *bufs_b)
        wait(c0, *bufs_a)
        compute(c0, *bufs_a[:3])
        start(c0 + 2, *bufs_a)
        wait(c0 + 1, *bufs_b)
        compute(c0 + 1, *bufs_b[:3])
        return carry

    lax.fori_loop(0, (NCHUNK - 1) // 2, pair_step, jnp.int32(0))
    wait(NCHUNK - 1, *bufs_a)
    compute(NCHUNK - 1, *bufs_a[:3])

    pltpu.sync_copy(out_v, out_hbm.at[pl.ds(wid * PER_W, PER_W)])


@jax.jit
def _sc_scores(h, g, hidx, tidx, ridx):
    mesh = plsc.VectorSubcoreMesh(core_axis_name="c", subcore_axis_name="s")
    f = pl.kernel(
        _sc_body,
        out_type=jax.ShapeDtypeStruct((EPAD,), jnp.float32),
        mesh=mesh,
        compiler_params=pltpu.CompilerParams(needs_layout_passes=False,
                                             use_tc_tiling_on_sc=False),
        scratch_types=[
            pltpu.VMEM((PER_W,), jnp.int32),
            pltpu.VMEM((PER_W,), jnp.int32),
            pltpu.VMEM((PER_W,), jnp.int32),
            pltpu.VMEM((CHUNK, DP), jnp.int32),
            pltpu.VMEM((CHUNK, DP), jnp.int32),
            pltpu.VMEM((CHUNK, DP), jnp.int32),
            pltpu.VMEM((CHUNK, DP), jnp.int32),
            pltpu.VMEM((CHUNK, DP), jnp.int32),
            pltpu.VMEM((CHUNK, DP), jnp.int32),
            pltpu.VMEM((PER_W,), jnp.float32),
            pltpu.SemaphoreType.DMA,
            pltpu.SemaphoreType.DMA,
            pltpu.SemaphoreType.DMA,
            pltpu.SemaphoreType.DMA,
            pltpu.SemaphoreType.DMA,
            pltpu.SemaphoreType.DMA,
        ],
    )
    return f(h, g, hidx, tidx, ridx)


def _pack_bf16(x):
    lo = jax.lax.bitcast_convert_type(x[:, :DP].astype(jnp.bfloat16), jnp.int16)
    hi = jax.lax.bitcast_convert_type(x[:, DP:].astype(jnp.bfloat16), jnp.int16)
    return ((hi.astype(jnp.int32) << 16)
            | (lo.astype(jnp.int32) & jnp.int32(0xFFFF)))


def kernel(h, g, eval_idx, eval_type):
    pad = EPAD - E
    head = jnp.pad(eval_idx[0].astype(jnp.int32), (0, pad))
    tail = jnp.pad(eval_idx[1].astype(jnp.int32), (0, pad))
    rel = jnp.pad(eval_type.astype(jnp.int32), (0, pad))
    scores = _sc_scores(_pack_bf16(h), _pack_bf16(g), head, tail, rel)
    return scores[:E]

# --- scband reference (transcript-rebuilt; emitter-appended) ---
"""Pipeline reference for scband-kb-4990751998390 (READ-ONLY COPY).

The authoritative reference and input builder live on the scoring server;
editing this copy changes nothing except your own understanding.
"""

import jax, jax.numpy as jnp
import numpy as np

N = 100000   # entities
M = 1000     # relation types
D = 128      # embedding dim
E = 600000   # eval triples


def setup_inputs(seed: int = 0) -> dict:
    key = jax.random.key(seed)
    k1, k2, k3, k4 = jax.random.split(key, 4)
    h = jax.random.normal(k1, (N, D), dtype=jnp.float32)          # entity embeddings (x_initial)
    g = jax.random.normal(k2, (M, D), dtype=jnp.float32)          # relation embeddings (g_initial)
    eval_idx = jax.random.randint(k3, (2, E), 0, N)               # (head, tail) entity ids
    eval_type = jax.random.randint(k4, (E,), 0, M)                # relation ids
    return {"h": h, "g": g, "eval_idx": eval_idx, "eval_type": eval_type}


def reference(h, g, eval_idx, eval_type):
    # KB.evaluate: scores = dissimilarity(h, g, eval_idx, eval_type)
    # TransE-style L2 dissimilarity: || h[head] + g[rel] - h[tail] ||_2
    src = jnp.take(h, eval_idx[0], axis=0)
    dst = jnp.take(h, eval_idx[1], axis=0)
    rel = jnp.take(g, eval_type, axis=0)
    diff = src + rel - dst
    scores = jnp.sqrt(jnp.sum(diff * diff, axis=1))
    return scores

if __name__ == "__main__":
    import jax
    _d = setup_inputs()
    print(jax.jit(kernel)(*tuple(_d.values())))

</pallas_src>

<mosaic_0001>
#map = affine_map<(d0, d1) -> (0, 0)>
#map1 = affine_map<(d0, d1) -> (0)>
module attributes {stable_mosaic.version = 14 : i64} {
  func.func @_sc_body(%arg0: i32, %arg1: i32, %arg2: memref<100000x64xi32, #tpu.memory_space<hbm>>, %arg3: memref<1000x64xi32, #tpu.memory_space<hbm>>, %arg4: memref<602112xi32, #tpu.memory_space<hbm>>, %arg5: memref<602112xi32, #tpu.memory_space<hbm>>, %arg6: memref<602112xi32, #tpu.memory_space<hbm>>, %arg7: memref<602112xf32, #tpu.memory_space<hbm>>, %arg8: memref<18816xi32, #tpu.memory_space<vmem>>, %arg9: memref<18816xi32, #tpu.memory_space<vmem>>, %arg10: memref<18816xi32, #tpu.memory_space<vmem>>, %arg11: memref<128x64xi32, #tpu.memory_space<vmem>>, %arg12: memref<128x64xi32, #tpu.memory_space<vmem>>, %arg13: memref<128x64xi32, #tpu.memory_space<vmem>>, %arg14: memref<128x64xi32, #tpu.memory_space<vmem>>, %arg15: memref<128x64xi32, #tpu.memory_space<vmem>>, %arg16: memref<128x64xi32, #tpu.memory_space<vmem>>, %arg17: memref<18816xf32, #tpu.memory_space<vmem>>, %arg18: memref<!tpu.dma_semaphore, #tpu.memory_space<semaphore_mem>>, %arg19: memref<!tpu.dma_semaphore, #tpu.memory_space<semaphore_mem>>, %arg20: memref<!tpu.dma_semaphore, #tpu.memory_space<semaphore_mem>>, %arg21: memref<!tpu.dma_semaphore, #tpu.memory_space<semaphore_mem>>, %arg22: memref<!tpu.dma_semaphore, #tpu.memory_space<semaphore_mem>>, %arg23: memref<!tpu.dma_semaphore, #tpu.memory_space<semaphore_mem>>) attributes {dimension_semantics = [#tpu.dimension_semantics<core_parallel>, #tpu.dimension_semantics<subcore_parallel>], iteration_bounds = array<i64: 2, 16>, scalar_prefetch = 0 : i64, scratch_operands = 16 : i64, tpu.core_type = #tpu.core_type<sc_vector_subcore>, window_params = [{transform_indices = #map}, {transform_indices = #map}, {transform_indices = #map1}, {transform_indices = #map1}, {transform_indices = #map1}, {transform_indices = #map1}]} {
    %mul3A = arith.constant 2 : i32
    %mul3A_0 = arith.muli %arg1, %mul3A : i32
    %add3A = arith.addi %mul3A_0, %arg0 : i32
    %mul3A_1 = arith.constant 18816 : i32
    %mul3A_2 = arith.muli %add3A, %mul3A_1 : i32
    "tpu.region"() ({
      %run_scoped3A = tpu.sem_alloc : memref<!tpu.dma_semaphore, #tpu.memory_space<semaphore_mem>>
      %dma_start3A_44 = tpu.memref_slice %arg4[%mul3A_2] : memref<602112xi32, #tpu.memory_space<hbm>> -> memref<18816xi32, #tpu.memory_space<hbm>>
      %dma_start3A_45 = tpu.memref_slice %arg4[%mul3A_2] : memref<602112xi32, #tpu.memory_space<hbm>> -> memref<18816xi32, #tpu.memory_space<hbm>>
      tpu.enqueue_dma source(%dma_start3A_45 : memref<18816xi32, #tpu.memory_space<hbm>>) target(%arg8 : memref<18816xi32, #tpu.memory_space<vmem>>) target_semaphore(%run_scoped3A : memref<!tpu.dma_semaphore, #tpu.memory_space<semaphore_mem>>)
      %dma_wait3A_46 = tpu.memref_slice %arg4[%mul3A_2] : memref<602112xi32, #tpu.memory_space<hbm>> -> memref<18816xi32, #tpu.memory_space<hbm>>
      %dma_wait3A_47 = tpu.memref_slice %arg4[%mul3A_2] : memref<602112xi32, #tpu.memory_space<hbm>> -> memref<18816xi32, #tpu.memory_space<hbm>>
      tpu.wait_dma2 semaphore(%run_scoped3A : memref<!tpu.dma_semaphore, #tpu.memory_space<semaphore_mem>>) src(%dma_wait3A_47 : memref<18816xi32, #tpu.memory_space<hbm>>) dst(%arg8 : memref<18816xi32, #tpu.memory_space<vmem>>)
      tpu.yield
    }) : () -> ()
    "tpu.region"() ({
      %run_scoped3A = tpu.sem_alloc : memref<!tpu.dma_semaphore, #tpu.memory_space<semaphore_mem>>
      %dma_start3A_44 = tpu.memref_slice %arg5[%mul3A_2] : memref<602112xi32, #tpu.memory_space<hbm>> -> memref<18816xi32, #tpu.memory_space<hbm>>
      %dma_start3A_45 = tpu.memref_slice %arg5[%mul3A_2] : memref<602112xi32, #tpu.memory_space<hbm>> -> memref<18816xi32, #tpu.memory_space<hbm>>
      tpu.enqueue_dma source(%dma_start3A_45 : memref<18816xi32, #tpu.memory_space<hbm>>) target(%arg9 : memref<18816xi32, #tpu.memory_space<vmem>>) target_semaphore(%run_scoped3A : memref<!tpu.dma_semaphore, #tpu.memory_space<semaphore_mem>>)
      %dma_wait3A_46 = tpu.memref_slice %arg5[%mul3A_2] : memref<602112xi32, #tpu.memory_space<hbm>> -> memref<18816xi32, #tpu.memory_space<hbm>>
      %dma_wait3A_47 = tpu.memref_slice %arg5[%mul3A_2] : memref<602112xi32, #tpu.memory_space<hbm>> -> memref<18816xi32, #tpu.memory_space<hbm>>
      tpu.wait_dma2 semaphore(%run_scoped3A : memref<!tpu.dma_semaphore, #tpu.memory_space<semaphore_mem>>) src(%dma_wait3A_47 : memref<18816xi32, #tpu.memory_space<hbm>>) dst(%arg9 : memref<18816xi32, #tpu.memory_space<vmem>>)
      tpu.yield
    }) : () -> ()
    "tpu.region"() ({
      %run_scoped3A = tpu.sem_alloc : memref<!tpu.dma_semaphore, #tpu.memory_space<semaphore_mem>>
      %dma_start3A_44 = tpu.memref_slice %arg6[%mul3A_2] : memref<602112xi32, #tpu.memory_space<hbm>> -> memref<18816xi32, #tpu.memory_space<hbm>>
      %dma_start3A_45 = tpu.memref_slice %arg6[%mul3A_2] : memref<602112xi32, #tpu.memory_space<hbm>> -> memref<18816xi32, #tpu.memory_space<hbm>>
      tpu.enqueue_dma source(%dma_start3A_45 : memref<18816xi32, #tpu.memory_space<hbm>>) target(%arg10 : memref<18816xi32, #tpu.memory_space<vmem>>) target_semaphore(%run_scoped3A : memref<!tpu.dma_semaphore, #tpu.memory_space<semaphore_mem>>)
      %dma_wait3A_46 = tpu.memref_slice %arg6[%mul3A_2] : memref<602112xi32, #tpu.memory_space<hbm>> -> memref<18816xi32, #tpu.memory_space<hbm>>
      %dma_wait3A_47 = tpu.memref_slice %arg6[%mul3A_2] : memref<602112xi32, #tpu.memory_space<hbm>> -> memref<18816xi32, #tpu.memory_space<hbm>>
      tpu.wait_dma2 semaphore(%run_scoped3A : memref<!tpu.dma_semaphore, #tpu.memory_space<semaphore_mem>>) src(%dma_wait3A_47 : memref<18816xi32, #tpu.memory_space<hbm>>) dst(%arg10 : memref<18816xi32, #tpu.memory_space<vmem>>)
      tpu.yield
    }) : () -> ()
    %iota3A = tpu.iota {dimensions = array<i32: 0>} : vector<16xi32>
    %dma_start3A = arith.constant 0 : i32
    %dma_start3A_3 = tpu.memref_slice %arg8[%dma_start3A] : memref<18816xi32, #tpu.memory_space<vmem>> -> memref<128xi32, #tpu.memory_space<vmem>>
    %dma_start3A_4 = arith.constant 0 : i32
    %dma_start3A_5 = arith.constant 0 : i32
    %dma_start3A_6 = tpu.memref_slice %arg2[%dma_start3A_4, %dma_start3A_5] : memref<100000x64xi32, #tpu.memory_space<hbm>> -> memref<100000x64xi32, #tpu.memory_space<hbm>>
    tpu.enqueue_indirect_dma source(%dma_start3A_6 : memref<100000x64xi32, #tpu.memory_space<hbm>>) target(%arg11 : memref<128x64xi32, #tpu.memory_space<vmem>>) offsets(%dma_start3A_3 : memref<128xi32, #tpu.memory_space<vmem>>) semaphore(%arg18 : memref<!tpu.dma_semaphore, #tpu.memory_space<semaphore_mem>>)
    %dma_start3A_7 = arith.constant 0 : i32
    %dma_start3A_8 = tpu.memref_slice %arg9[%dma_start3A_7] : memref<18816xi32, #tpu.memory_space<vmem>> -> memref<128xi32, #tpu.memory_space<vmem>>
    %dma_start3A_9 = arith.constant 0 : i32
    %dma_start3A_10 = arith.constant 0 : i32
    %dma_start3A_11 = tpu.memref_slice %arg2[%dma_start3A_9, %dma_start3A_10] : memref<100000x64xi32, #tpu.memory_space<hbm>> -> memref<100000x64xi32, #tpu.memory_space<hbm>>
    tpu.enqueue_indirect_dma source(%dma_start3A_11 : memref<100000x64xi32, #tpu.memory_space<hbm>>) target(%arg12 : memref<128x64xi32, #tpu.memory_space<vmem>>) offsets(%dma_start3A_8 : memref<128xi32, #tpu.memory_space<vmem>>) semaphore(%arg19 : memref<!tpu.dma_semaphore, #tpu.memory_space<semaphore_mem>>)
    %dma_start3A_12 = arith.constant 0 : i32
    %dma_start3A_13 = tpu.memref_slice %arg10[%dma_start3A_12] : memref<18816xi32, #tpu.memory_space<vmem>> -> memref<128xi32, #tpu.memory_space<vmem>>
    %dma_start3A_14 = arith.constant 0 : i32
    %dma_start3A_15 = arith.constant 0 : i32
    %dma_start3A_16 = tpu.memref_slice %arg3[%dma_start3A_14, %dma_start3A_15] : memref<1000x64xi32, #tpu.memory_space<hbm>> -> memref<1000x64xi32, #tpu.memory_space<hbm>>
    tpu.enqueue_indirect_dma source(%dma_start3A_16 : memref<1000x64xi32, #tpu.memory_space<hbm>>) target(%arg13 : memref<128x64xi32, #tpu.memory_space<vmem>>) offsets(%dma_start3A_13 : memref<128xi32, #tpu.memory_space<vmem>>) semaphore(%arg20 : memref<!tpu.dma_semaphore, #tpu.memory_space<semaphore_mem>>)
    %scan3A = arith.constant 0 : i32
    %scan3A_17 = arith.constant 0 : i32
    %scan3A_18 = arith.constant 73 : i32
    %scan3A_19 = arith.addi %scan3A_17, %scan3A_18 : i32
    %scan3A_20 = arith.constant 1 : i32
    scf.for %scan3A_44 = %scan3A_17 to %scan3A_19 step %scan3A_20  : i32 {
      %mul3A_45 = arith.constant 2 : i32
      %mul3A_46 = arith.muli %scan3A_44, %mul3A_45 : i32
      %add3A_47 = arith.constant 1 : i32
      %add3A_48 = arith.addi %mul3A_46, %add3A_47 : i32
      %mul3A_49 = arith.constant 128 : i32
      %mul3A_50 = arith.muli %add3A_48, %mul3A_49 : i32
      %dma_start3A_51 = tpu.memref_slice %arg8[%mul3A_50] : memref<18816xi32, #tpu.memory_space<vmem>> -> memref<128xi32, #tpu.memory_space<vmem>>
      %dma_start3A_52 = arith.constant 0 : i32
      %dma_start3A_53 = arith.constant 0 : i32
      %dma_start3A_54 = tpu.memref_slice %arg2[%dma_start3A_52, %dma_start3A_53] : memref<100000x64xi32, #tpu.memory_space<hbm>> -> memref<100000x64xi32, #tpu.memory_space<hbm>>
      tpu.enqueue_indirect_dma source(%dma_start3A_54 : memref<100000x64xi32, #tpu.memory_space<hbm>>) target(%arg14 : memref<128x64xi32, #tpu.memory_space<vmem>>) offsets(%dma_start3A_51 : memref<128xi32, #tpu.memory_space<vmem>>) semaphore(%arg21 : memref<!tpu.dma_semaphore, #tpu.memory_space<semaphore_mem>>)
      %mul3A_55 = arith.constant 128 : i32
      %mul3A_56 = arith.muli %add3A_48, %mul3A_55 : i32
      %dma_start3A_57 = tpu.memref_slice %arg9[%mul3A_56] : memref<18816xi32, #tpu.memory_space<vmem>> -> memref<128xi32, #tpu.memory_space<vmem>>
      %dma_start3A_58 = arith.constant 0 : i32
      %dma_start3A_59 = arith.constant 0 : i32
      %dma_start3A_60 = tpu.memref_slice %arg2[%dma_start3A_58, %dma_start3A_59] : memref<100000x64xi32, #tpu.memory_space<hbm>> -> memref<100000x64xi32, #tpu.memory_space<hbm>>
      tpu.enqueue_indirect_dma source(%dma_start3A_60 : memref<100000x64xi32, #tpu.memory_space<hbm>>) target(%arg15 : memref<128x64xi32, #tpu.memory_space<vmem>>) offsets(%dma_start3A_57 : memref<128xi32, #tpu.memory_space<vmem>>) semaphore(%arg22 : memref<!tpu.dma_semaphore, #tpu.memory_space<semaphore_mem>>)
      %mul3A_61 = arith.constant 128 : i32
      %mul3A_62 = arith.muli %add3A_48, %mul3A_61 : i32
      %dma_start3A_63 = tpu.memref_slice %arg10[%mul3A_62] : memref<18816xi32, #tpu.memory_space<vmem>> -> memref<128xi32, #tpu.memory_space<vmem>>
      %dma_start3A_64 = arith.constant 0 : i32
      %dma_start3A_65 = arith.constant 0 : i32
      %dma_start3A_66 = tpu.memref_slice %arg3[%dma_start3A_64, %dma_start3A_65] : memref<1000x64xi32, #tpu.memory_space<hbm>> -> memref<1000x64xi32, #tpu.memory_space<hbm>>
      tpu.enqueue_indirect_dma source(%dma_start3A_66 : memref<1000x64xi32, #tpu.memory_space<hbm>>) target(%arg16 : memref<128x64xi32, #tpu.memory_space<vmem>>) offsets(%dma_start3A_63 : memref<128xi32, #tpu.memory_space<vmem>>) semaphore(%arg23 : memref<!tpu.dma_semaphore, #tpu.memory_space<semaphore_mem>>)
      %mul3A_67 = arith.constant 128 : i32
      %mul3A_68 = arith.muli %mul3A_46, %mul3A_67 : i32
      %dma_wait3A_69 = tpu.memref_slice %arg8[%mul3A_68] : memref<18816xi32, #tpu.memory_space<vmem>> -> memref<128xi32, #tpu.memory_space<vmem>>
      %dma_wait3A_70 = arith.constant 0 : i32
      %dma_wait3A_71 = arith.constant 0 : i32
      %dma_wait3A_72 = tpu.memref_slice %arg2[%dma_wait3A_70, %dma_wait3A_71] : memref<100000x64xi32, #tpu.memory_space<hbm>> -> memref<100000x64xi32, #tpu.memory_space<hbm>>
      tpu.wait_indirect_dma semaphore(%arg18 : memref<!tpu.dma_semaphore, #tpu.memory_space<semaphore_mem>>) src(%dma_wait3A_72 : memref<100000x64xi32, #tpu.memory_space<hbm>>) dst(%arg11 : memref<128x64xi32, #tpu.memory_space<vmem>>)
      %dma_wait3A_73 = tpu.memref_slice %arg9[%mul3A_68] : memref<18816xi32, #tpu.memory_space<vmem>> -> memref<128xi32, #tpu.memory_space<vmem>>
      %dma_wait3A_74 = arith.constant 0 : i32
      %dma_wait3A_75 = arith.constant 0 : i32
      %dma_wait3A_76 = tpu.memref_slice %arg2[%dma_wait3A_74, %dma_wait3A_75] : memref<100000x64xi32, #tpu.memory_space<hbm>> -> memref<100000x64xi32, #tpu.memory_space<hbm>>
      tpu.wait_indirect_dma semaphore(%arg19 : memref<!tpu.dma_semaphore, #tpu.memory_space<semaphore_mem>>) src(%dma_wait3A_76 : memref<100000x64xi32, #tpu.memory_space<hbm>>) dst(%arg12 : memref<128x64xi32, #tpu.memory_space<vmem>>)
      %dma_wait3A_77 = tpu.memref_slice %arg10[%mul3A_68] : memref<18816xi32, #tpu.memory_space<vmem>> -> memref<128xi32, #tpu.memory_space<vmem>>
      %dma_wait3A_78 = arith.constant 0 : i32
      %dma_wait3A_79 = arith.constant 0 : i32
      %dma_wait3A_80 = tpu.memref_slice %arg3[%dma_wait3A_78, %dma_wait3A_79] : memref<1000x64xi32, #tpu.memory_space<hbm>> -> memref<1000x64xi32, #tpu.memory_space<hbm>>
      tpu.wait_indirect_dma semaphore(%arg20 : memref<!tpu.dma_semaphore, #tpu.memory_space<semaphore_mem>>) src(%dma_wait3A_80 : memref<1000x64xi32, #tpu.memory_space<hbm>>) dst(%arg13 : memref<128x64xi32, #tpu.memory_space<vmem>>)
      %scan3A_81 = arith.constant 0 : i32
      %scan3A_82 = arith.constant 0 : i32
      %scan3A_83 = arith.constant 8 : i32
      %scan3A_84 = arith.addi %scan3A_82, %scan3A_83 : i32
      %scan3A_85 = arith.constant 1 : i32
      scf.for %scan3A_131 = %scan3A_82 to %scan3A_84 step %scan3A_85  : i32 {
        %mul3A_132 = arith.constant 16 : i32
        %mul3A_133 = arith.muli %scan3A_131, %mul3A_132 : i32
        %add3A_134 = vector.broadcast %mul3A_133 : i32 to vector<16xi32>
        %add3A_135 = arith.addi %add3A_134, %iota3A : vector<16xi32>
        %broadcast_in_dim3A = arith.constant 0.000000e+00 : f32
        %broadcast_in_dim3A_136 = vector.broadcast %broadcast_in_dim3A : f32 to vector<16xf32>
        %scan3A_137 = arith.constant 0 : i32
        %scan3A_138 = arith.constant 2 : i32
        %scan3A_139 = arith.addi %scan3A_137, %scan3A_138 : i32
        %scan3A_140 = arith.constant 1 : i32
        %scan3A_141:2 = scf.for %scan3A_179 = %scan3A_137 to %scan3A_139 step %scan3A_140 iter_args(%scan3A_180 = %broadcast_in_dim3A_136, %scan3A_181 = %broadcast_in_dim3A_136) -> (vector<16xf32>, vector<16xf32>)  : i32 {
          %mul3A_182 = arith.constant 32 : i32
          %mul3A_183 = arith.muli %scan3A_179, %mul3A_182 : i32
          %add3A_184 = arith.constant 0 : i32
          %add3A_185 = arith.addi %mul3A_183, %add3A_184 : i32
          %xor3A = vector.broadcast %add3A_185 : i32 to vector<16xi32>
          %xor3A_186 = arith.xori %xor3A, %iota3A : vector<16xi32>
          %gather3A = tpu.vector_load_idx %arg11[%add3A_135, %xor3A_186] : memref<128x64xi32, #tpu.memory_space<vmem>>[vector<16xi32>, vector<16xi32>], vector<16xi32>,
          %gather3A_187 = tpu.vector_load_idx %arg12[%add3A_135, %xor3A_186] : memref<128x64xi32, #tpu.memory_space<vmem>>[vector<16xi32>, vector<16xi32>], vector<16xi32>,
          %gather3A_188 = tpu.vector_load_idx %arg13[%add3A_135, %xor3A_186] : memref<128x64xi32, #tpu.memory_space<vmem>>[vector<16xi32>, vector<16xi32>], vector<16xi32>,
          %bitcast3A_189 = vector.bitcast %gather3A : vector<16xi32> to vector<32xbf16>
          %bitcast3A_190 = vector.bitcast %gather3A_187 : vector<16xi32> to vector<32xbf16>
          %bitcast3A_191 = vector.bitcast %gather3A_188 : vector<16xi32> to vector<32xbf16>
          %add3A_192 = arith.addf %bitcast3A_189, %bitcast3A_191 : vector<32xbf16>
          %sub3A_193 = arith.subf %add3A_192, %bitcast3A_190 : vector<32xbf16>
          %bitcast3A_194 = vector.bitcast %sub3A_193 : vector<32xbf16> to vector<16xi32>
          %and3A = arith.constant -65536 : i32
          %and3A_195 = vector.broadcast %and3A : i32 to vector<16xi32>
          %and3A_196 = arith.andi %bitcast3A_194, %and3A_195 : vector<16xi32>
          %bitcast3A_197 = vector.bitcast %and3A_196 : vector<16xi32> to vector<16xf32>
          %shift_left3A = arith.constant 16 : i32
          %shift_left3A_198 = vector.broadcast %shift_left3A : i32 to vector<16xi32>
          %shift_left3A_199 = arith.shli %bitcast3A_194, %shift_left3A_198 : vector<16xi32>
          %bitcast3A_200 = vector.bitcast %shift_left3A_199 : vector<16xi32> to vector<16xf32>
          %mul3A_201 = arith.mulf %bitcast3A_197, %bitcast3A_197 : vector<16xf32>
          %add3A_202 = arith.addf %scan3A_180, %mul3A_201 : vector<16xf32>
          %mul3A_203 = arith.mulf %bitcast3A_200, %bitcast3A_200 : vector<16xf32>
          %add3A_204 = arith.addf %scan3A_181, %mul3A_203 : vector<16xf32>
          %mul3A_205 = arith.constant 32 : i32
          %mul3A_206 = arith.muli %scan3A_179, %mul3A_205 : i32
          %add3A_207 = arith.constant 1 : i32
          %add3A_208 = arith.addi %mul3A_206, %add3A_207 : i32
          %xor3A_209 = vector.broadcast %add3A_208 : i32 to vector<16xi32>
          %xor3A_210 = arith.xori %xor3A_209, %iota3A : vector<16xi32>
          %gather3A_211 = tpu.vector_load_idx %arg11[%add3A_135, %xor3A_210] : memref<128x64xi32, #tpu.memory_space<vmem>>[vector<16xi32>, vector<16xi32>], vector<16xi32>,
          %gather3A_212 = tpu.vector_load_idx %arg12[%add3A_135, %xor3A_210] : memref<128x64xi32, #tpu.memory_space<vmem>>[vector<16xi32>, vector<16xi32>], vector<16xi32>,
          %gather3A_213 = tpu.vector_load_idx %arg13[%add3A_135, %xor3A_210] : memref<128x64xi32, #tpu.memory_space<vmem>>[vector<16xi32>, vector<16xi32>], vector<16xi32>,
          %bitcast3A_214 = vector.bitcast %gather3A_211 : vector<16xi32> to vector<32xbf16>
          %bitcast3A_215 = vector.bitcast %gather3A_212 : vector<16xi32> to vector<32xbf16>
          %bitcast3A_216 = vector.bitcast %gather3A_213 : vector<16xi32> to vector<32xbf16>
          %add3A_217 = arith.addf %bitcast3A_214, %bitcast3A_216 : vector<32xbf16>
          %sub3A_218 = arith.subf %add3A_217, %bitcast3A_215 : vector<32xbf16>
          %bitcast3A_219 = vector.bitcast %sub3A_218 : vector<32xbf16> to vector<16xi32>
          %and3A_220 = arith.constant -65536 : i32
          %and3A_221 = vector.broadcast %and3A_220 : i32 to vector<16xi32>
          %and3A_222 = arith.andi %bitcast3A_219, %and3A_221 : vector<16xi32>
          %bitcast3A_223 = vector.bitcast %and3A_222 : vector<16xi32> to vector<16xf32>
          %shift_left3A_224 = arith.constant 16 : i32
          %shift_left3A_225 = vector.broadcast %shift_left3A_224 : i32 to vector<16xi32>
          %shift_left3A_226 = arith.shli %bitcast3A_219, %shift_left3A_225 : vector<16xi32>
          %bitcast3A_227 = vector.bitcast %shift_left3A_226 : vector<16xi32> to vector<16xf32>
          %mul3A_228 = arith.mulf %bitcast3A_223, %bitcast3A_223 : vector<16xf32>
          %add3A_229 = arith.addf %add3A_202, %mul3A_228 : vector<16xf32>
          %mul3A_230 = arith.mulf %bitcast3A_227, %bitcast3A_227 : vector<16xf32>
          %add3A_231 = arith.addf %add3A_204, %mul3A_230 : vector<16xf32>
          %mul3A_232 = arith.constant 32 : i32
          %mul3A_233 = arith.muli %scan3A_179, %mul3A_232 : i32
          %add3A_234 = arith.constant 2 : i32
          %add3A_235 = arith.addi %mul3A_233, %add3A_234 : i32
          %xor3A_236 = vector.broadcast %add3A_235 : i32 to vector<16xi32>
          %xor3A_237 = arith.xori %xor3A_236, %iota3A : vector<16xi32>
          %gather3A_238 = tpu.vector_load_idx %arg11[%add3A_135, %xor3A_237] : memref<128x64xi32, #tpu.memory_space<vmem>>[vector<16xi32>, vector<16xi32>], vector<16xi32>,
          %gather3A_239 = tpu.vector_load_idx %arg12[%add3A_135, %xor3A_237] : memref<128x64xi32, #tpu.memory_space<vmem>>[vector<16xi32>, vector<16xi32>], vector<16xi32>,
          %gather3A_240 = tpu.vector_load_idx %arg13[%add3A_135, %xor3A_237] : memref<128x64xi32, #tpu.memory_space<vmem>>[vector<16xi32>, vector<16xi32>], vector<16xi32>,
          %bitcast3A_241 = vector.bitcast %gather3A_238 : vector<16xi32> to vector<32xbf16>
          %bitcast3A_242 = vector.bitcast %gather3A_239 : vector<16xi32> to vector<32xbf16>
          %bitcast3A_243 = vector.bitcast %gather3A_240 : vector<16xi32> to vector<32xbf16>
          %add3A_244 = arith.addf %bitcast3A_241, %bitcast3A_243 : vector<32xbf16>
          %sub3A_245 = arith.subf %add3A_244, %bitcast3A_242 : vector<32xbf16>
          %bitcast3A_246 = vector.bitcast %sub3A_245 : vector<32xbf16> to vector<16xi32>
          %and3A_247 = arith.constant -65536 : i32
          %and3A_248 = vector.broadcast %and3A_247 : i32 to vector<16xi32>
          %and3A_249 = arith.andi %bitcast3A_246, %and3A_248 : vector<16xi32>
          %bitcast3A_250 = vector.bitcast %and3A_249 : vector<16xi32> to vector<16xf32>
          %shift_left3A_251 = arith.constant 16 : i32
          %shift_left3A_252 = vector.broadcast %shift_left3A_251 : i32 to vector<16xi32>
          %shift_left3A_253 = arith.shli %bitcast3A_246, %shift_left3A_252 : vector<16xi32>
          %bitcast3A_254 = vector.bitcast %shift_left3A_253 : vector<16xi32> to vector<16xf32>
          %mul3A_255 = arith.mulf %bitcast3A_250, %bitcast3A_250 : vector<16xf32>
          %add3A_256 = arith.addf %add3A_229, %mul3A_255 : vector<16xf32>
          %mul3A_257 = arith.mulf %bitcast3A_254, %bitcast3A_254 : vector<16xf32>
          %add3A_258 = arith.addf %add3A_231, %mul3A_257 : vector<16xf32>
          %mul3A_259 = arith.constant 32 : i32
          %mul3A_260 = arith.muli %scan3A_179, %mul3A_259 : i32
          %add3A_261 = arith.constant 3 : i32
          %add3A_262 = arith.addi %mul3A_260, %add3A_261 : i32
          %xor3A_263 = vector.broadcast %add3A_262 : i32 to vector<16xi32>
          %xor3A_264 = arith.xori %xor3A_263, %iota3A : vector<16xi32>
          %gather3A_265 = tpu.vector_load_idx %arg11[%add3A_135, %xor3A_264] : memref<128x64xi32, #tpu.memory_space<vmem>>[vector<16xi32>, vector<16xi32>], vector<16xi32>,
          %gather3A_266 = tpu.vector_load_idx %arg12[%add3A_135, %xor3A_264] : memref<128x64xi32, #tpu.memory_space<vmem>>[vector<16xi32>, vector<16xi32>], vector<16xi32>,
          %gather3A_267 = tpu.vector_load_idx %arg13[%add3A_135, %xor3A_264] : memref<128x64xi32, #tpu.memory_space<vmem>>[vector<16xi32>, vector<16xi32>], vector<16xi32>,
          %bitcast3A_268 = vector.bitcast %gather3A_265 : vector<16xi32> to vector<32xbf16>
          %bitcast3A_269 = vector.bitcast %gather3A_266 : vector<16xi32> to vector<32xbf16>
          %bitcast3A_270 = vector.bitcast %gather3A_267 : vector<16xi32> to vector<32xbf16>
          %add3A_271 = arith.addf %bitcast3A_268, %bitcast3A_270 : vector<32xbf16>
          %sub3A_272 = arith.subf %add3A_271, %bitcast3A_269 : vector<32xbf16>
          %bitcast3A_273 = vector.bitcast %sub3A_272 : vector<32xbf16> to vector<16xi32>
          %and3A_274 = arith.constant -65536 : i32
          %and3A_275 = vector.broadcast %and3A_274 : i32 to vector<16xi32>
          %and3A_276 = arith.andi %bitcast3A_273, %and3A_275 : vector<16xi32>
          %bitcast3A_277 = vector.bitcast %and3A_276 : vector<16xi32> to vector<16xf32>
          %shift_left3A_278 = arith.constant 16 : i32
          %shift_left3A_279 = vector.broadcast %shift_left3A_278 : i32 to vector<16xi32>
          %shift_left3A_280 = arith.shli %bitcast3A_273, %shift_left3A_279 : vector<16xi32>
          %bitcast3A_281 = vector.bitcast %shift_left3A_280 : vector<16xi32> to vector<16xf32>
          %mul3A_282 = arith.mulf %bitcast3A_277, %bitcast3A_277 : vector<16xf32>
          %add3A_283 = arith.addf %add3A_256, %mul3A_282 : vector<16xf32>
          %mul3A_284 = arith.mulf %bitcast3A_281, %bitcast3A_281 : vector<16xf32>
          %add3A_285 = arith.addf %add3A_258, %mul3A_284 : vector<16xf32>
          %mul3A_286 = arith.constant 32 : i32
          %mul3A_287 = arith.muli %scan3A_179, %mul3A_286 : i32
          %add3A_288 = arith.constant 4 : i32
          %add3A_289 = arith.addi %mul3A_287, %add3A_288 : i32
          %xor3A_290 = vector.broadcast %add3A_289 : i32 to vector<16xi32>
          %xor3A_291 = arith.xori %xor3A_290, %iota3A : vector<16xi32>
          %gather3A_292 = tpu.vector_load_idx %arg11[%add3A_135, %xor3A_291] : memref<128x64xi32, #tpu.memory_space<vmem>>[vector<16xi32>, vector<16xi32>], vector<16xi32>,
          %gather3A_293 = tpu.vector_load_idx %arg12[%add3A_135, %xor3A_291] : memref<128x64xi32, #tpu.memory_space<vmem>>[vector<16xi32>, vector<16xi32>], vector<16xi32>,
          %gather3A_294 = tpu.vector_load_idx %arg13[%add3A_135, %xor3A_291] : memref<128x64xi32, #tpu.memory_space<vmem>>[vector<16xi32>, vector<16xi32>], vector<16xi32>,
          %bitcast3A_295 = vector.bitcast %gather3A_292 : vector<16xi32> to vector<32xbf16>
          %bitcast3A_296 = vector.bitcast %gather3A_293 : vector<16xi32> to vector<32xbf16>
          %bitcast3A_297 = vector.bitcast %gather3A_294 : vector<16xi32> to vector<32xbf16>
          %add3A_298 = arith.addf %bitcast3A_295, %bitcast3A_297 : vector<32xbf16>
          %sub3A_299 = arith.subf %add3A_298, %bitcast3A_296 : vector<32xbf16>
          %bitcast3A_300 = vector.bitcast %sub3A_299 : vector<32xbf16> to vector<16xi32>
          %and3A_301 = arith.constant -65536 : i32
          %and3A_302 = vector.broadcast %and3A_301 : i32 to vector<16xi32>
          %and3A_303 = arith.andi %bitcast3A_300, %and3A_302 : vector<16xi32>
          %bitcast3A_304 = vector.bitcast %and3A_303 : vector<16xi32> to vector<16xf32>
          %shift_left3A_305 = arith.constant 16 : i32
          %shift_left3A_306 = vector.broadcast %shift_left3A_305 : i32 to vector<16xi32>
          %shift_left3A_307 = arith.shli %bitcast3A_300, %shift_left3A_306 : vector<16xi32>
          %bitcast3A_308 = vector.bitcast %shift_left3A_307 : vector<16xi32> to vector<16xf32>
          %mul3A_309 = arith.mulf %bitcast3A_304, %bitcast3A_304 : vector<16xf32>
          %add3A_310 = arith.addf %add3A_283, %mul3A_309 : vector<16xf32>
          %mul3A_311 = arith.mulf %bitcast3A_308, %bitcast3A_308 : vector<16xf32>
          %add3A_312 = arith.addf %add3A_285, %mul3A_311 : vector<16xf32>
          %mul3A_313 = arith.constant 32 : i32
          %mul3A_314 = arith.muli %scan3A_179, %mul3A_313 : i32
          %add3A_315 = arith.constant 5 : i32
          %add3A_316 = arith.addi %mul3A_314, %add3A_315 : i32
          %xor3A_317 = vector.broadcast %add3A_316 : i32 to vector<16xi32>
          %xor3A_318 = arith.xori %xor3A_317, %iota3A : vector<16xi32>
          %gather3A_319 = tpu.vector_load_idx %arg11[%add3A_135, %xor3A_318] : memref<128x64xi32, #tpu.memory_space<vmem>>[vector<16xi32>, vector<16xi32>], vector<16xi32>,
          %gather3A_320 = tpu.vector_load_idx %arg12[%add3A_135, %xor3A_318] : memref<128x64xi32, #tpu.memory_space<vmem>>[vector<16xi32>, vector<16xi32>], vector<16xi32>,
          %gather3A_321 = tpu.vector_load_idx %arg13[%add3A_135, %xor3A_318] : memref<128x64xi32, #tpu.memory_space<vmem>>[vector<16xi32>, vector<16xi32>], vector<16xi32>,
          %bitcast3A_322 = vector.bitcast %gather3A_319 : vector<16xi32> to vector<32xbf16>
          %bitcast3A_323 = vector.bitcast %gather3A_320 : vector<16xi32> to vector<32xbf16>
          %bitcast3A_324 = vector.bitcast %gather3A_321 : vector<16xi32> to vector<32xbf16>
          %add3A_325 = arith.addf %bitcast3A_322, %bitcast3A_324 : vector<32xbf16>
          %sub3A_326 = arith.subf %add3A_325, %bitcast3A_323 : vector<32xbf16>
          %bitcast3A_327 = vector.bitcast %sub3A_326 : vector<32xbf16> to vector<16xi32>
          %and3A_328 = arith.constant -65536 : i32
          %and3A_329 = vector.broadcast %and3A_328 : i32 to vector<16xi32>
          %and3A_330 = arith.andi %bitcast3A_327, %and3A_329 : vector<16xi32>
          %bitcast3A_331 = vector.bitcast %and3A_330 : vector<16xi32> to vector<16xf32>
          %shift_left3A_332 = arith.constant 16 : i32
          %shift_left3A_333 = vector.broadcast %shift_left3A_332 : i32 to vector<16xi32>
          %shift_left3A_334 = arith.shli %bitcast3A_327, %shift_left3A_333 : vector<16xi32>
          %bitcast3A_335 = vector.bitcast %shift_left3A_334 : vector<16xi32> to vector<16xf32>
          %mul3A_336 = arith.mulf %bitcast3A_331, %bitcast3A_331 : vector<16xf32>
          %add3A_337 = arith.addf %add3A_310, %mul3A_336 : vector<16xf32>
          %mul3A_338 = arith.mulf %bitcast3A_335, %bitcast3A_335 : vector<16xf32>
          %add3A_339 = arith.addf %add3A_312, %mul3A_338 : vector<16xf32>
          %mul3A_340 = arith.constant 32 : i32
          %mul3A_341 = arith.muli %scan3A_179, %mul3A_340 : i32
          %add3A_342 = arith.constant 6 : i32
          %add3A_343 = arith.addi %mul3A_341, %add3A_342 : i32
          %xor3A_344 = vector.broadcast %add3A_343 : i32 to vector<16xi32>
          %xor3A_345 = arith.xori %xor3A_344, %iota3A : vector<16xi32>
          %gather3A_346 = tpu.vector_load_idx %arg11[%add3A_135, %xor3A_345] : memref<128x64xi32, #tpu.memory_space<vmem>>[vector<16xi32>, vector<16xi32>], vector<16xi32>,
          %gather3A_347 = tpu.vector_load_idx %arg12[%add3A_135, %xor3A_345] : memref<128x64xi32, #tpu.memory_space<vmem>>[vector<16xi32>, vector<16xi32>], vector<16xi32>,
          %gather3A_348 = tpu.vector_load_idx %arg13[%add3A_135, %xor3A_345] : memref<128x64xi32, #tpu.memory_space<vmem>>[vector<16xi32>, vector<16xi32>], vector<16xi32>,
          %bitcast3A_349 = vector.bitcast %gather3A_346 : vector<16xi32> to vector<32xbf16>
          %bitcast3A_350 = vector.bitcast %gather3A_347 : vector<16xi32> to vector<32xbf16>
          %bitcast3A_351 = vector.bitcast %gather3A_348 : vector<16xi32> to vector<32xbf16>
          %add3A_352 = arith.addf %bitcast3A_349, %bitcast3A_351 : vector<32xbf16>
          %sub3A_353 = arith.subf %add3A_352, %bitcast3A_350 : vector<32xbf16>
          %bitcast3A_354 = vector.bitcast %sub3A_353 : vector<32xbf16> to vector<16xi32>
          %and3A_355 = arith.constant -65536 : i32
          %and3A_356 = vector.broadcast %and3A_355 : i32 to vector<16xi32>
          %and3A_357 = arith.andi %bitcast3A_354, %and3A_356 : vector<16xi32>
          %bitcast3A_358 = vector.bitcast %and3A_357 : vector<16xi32> to vector<16xf32>
          %shift_left3A_359 = arith.constant 16 : i32
          %shift_left3A_360 = vector.broadcast %shift_left3A_359 : i32 to vector<16xi32>
          %shift_left3A_361 = arith.shli %bitcast3A_354, %shift_left3A_360 : vector<16xi32>
          %bitcast3A_362 = vector.bitcast %shift_left3A_361 : vector<16xi32> to vector<16xf32>
          %mul3A_363 = arith.mulf %bitcast3A_358, %bitcast3A_358 : vector<16xf32>
          %add3A_364 = arith.addf %add3A_337, %mul3A_363 : vector<16xf32>
          %mul3A_365 = arith.mulf %bitcast3A_362, %bitcast3A_362 : vector<16xf32>
          %add3A_366 = arith.addf %add3A_339, %mul3A_365 : vector<16xf32>
          %mul3A_367 = arith.constant 32 : i32
          %mul3A_368 = arith.muli %scan3A_179, %mul3A_367 : i32
          %add3A_369 = arith.constant 7 : i32
          %add3A_370 = arith.addi %mul3A_368, %add3A_369 : i32
          %xor3A_371 = vector.broadcast %add3A_370 : i32 to vector<16xi32>
          %xor3A_372 = arith.xori %xor3A_371, %iota3A : vector<16xi32>
          %gather3A_373 = tpu.vector_load_idx %arg11[%add3A_135, %xor3A_372] : memref<128x64xi32, #tpu.memory_space<vmem>>[vector<16xi32>, vector<16xi32>], vector<16xi32>,
          %gather3A_374 = tpu.vector_load_idx %arg12[%add3A_135, %xor3A_372] : memref<128x64xi32, #tpu.memory_space<vmem>>[vector<16xi32>, vector<16xi32>], vector<16xi32>,
          %gather3A_375 = tpu.vector_load_idx %arg13[%add3A_135, %xor3A_372] : memref<128x64xi32, #tpu.memory_space<vmem>>[vector<16xi32>, vector<16xi32>], vector<16xi32>,
          %bitcast3A_376 = vector.bitcast %gather3A_373 : vector<16xi32> to vector<32xbf16>
          %bitcast3A_377 = vector.bitcast %gather3A_374 : vector<16xi32> to vector<32xbf16>
          %bitcast3A_378 = vector.bitcast %gather3A_375 : vector<16xi32> to vector<32xbf16>
          %add3A_379 = arith.addf %bitcast3A_376, %bitcast3A_378 : vector<32xbf16>
          %sub3A_380 = arith.subf %add3A_379, %bitcast3A_377 : vector<32xbf16>
          %bitcast3A_381 = vector.bitcast %sub3A_380 : vector<32xbf16> to vector<16xi32>
          %and3A_382 = arith.constant -65536 : i32
          %and3A_383 = vector.broadcast %and3A_382 : i32 to vector<16xi32>
          %and3A_384 = arith.andi %bitcast3A_381, %and3A_383 : vector<16xi32>
          %bitcast3A_385 = vector.bitcast %and3A_384 : vector<16xi32> to vector<16xf32>
          %shift_left3A_386 = arith.constant 16 : i32
          %shift_left3A_387 = vector.broadcast %shift_left3A_386 : i32 to vector<16xi32>
          %shift_left3A_388 = arith.shli %bitcast3A_381, %shift_left3A_387 : vector<16xi32>
          %bitcast3A_389 = vector.bitcast %shift_left3A_388 : vector<16xi32> to vector<16xf32>
          %mul3A_390 = arith.mulf %bitcast3A_385, %bitcast3A_385 : vector<16xf32>
          %add3A_391 = arith.addf %add3A_364, %mul3A_390 : vector<16xf32>
          %mul3A_392 = arith.mulf %bitcast3A_389, %bitcast3A_389 : vector<16xf32>
          %add3A_393 = arith.addf %add3A_366, %mul3A_392 : vector<16xf32>
          %mul3A_394 = arith.constant 32 : i32
          %mul3A_395 = arith.muli %scan3A_179, %mul3A_394 : i32
          %add3A_396 = arith.constant 8 : i32
          %add3A_397 = arith.addi %mul3A_395, %add3A_396 : i32
          %xor3A_398 = vector.broadcast %add3A_397 : i32 to vector<16xi32>
          %xor3A_399 = arith.xori %xor3A_398, %iota3A : vector<16xi32>
          %gather3A_400 = tpu.vector_load_idx %arg11[%add3A_135, %xor3A_399] : memref<128x64xi32, #tpu.memory_space<vmem>>[vector<16xi32>, vector<16xi32>], vector<16xi32>,
          %gather3A_401 = tpu.vector_load_idx %arg12[%add3A_135, %xor3A_399] : memref<128x64xi32, #tpu.memory_space<vmem>>[vector<16xi32>, vector<16xi32>], vector<16xi32>,
          %gather3A_402 = tpu.vector_load_idx %arg13[%add3A_135, %xor3A_399] : memref<128x64xi32, #tpu.memory_space<vmem>>[vector<16xi32>, vector<16xi32>], vector<16xi32>,
          %bitcast3A_403 = vector.bitcast %gather3A_400 : vector<16xi32> to vector<32xbf16>
          %bitcast3A_404 = vector.bitcast %gather3A_401 : vector<16xi32> to vector<32xbf16>
          %bitcast3A_405 = vector.bitcast %gather3A_402 : vector<16xi32> to vector<32xbf16>
          %add3A_406 = arith.addf %bitcast3A_403, %bitcast3A_405 : vector<32xbf16>
          %sub3A_407 = arith.subf %add3A_406, %bitcast3A_404 : vector<32xbf16>
          %bitcast3A_408 = vector.bitcast %sub3A_407 : vector<32xbf16> to vector<16xi32>
          %and3A_409 = arith.constant -65536 : i32
          %and3A_410 = vector.broadcast %and3A_409 : i32 to vector<16xi32>
          %and3A_411 = arith.andi %bitcast3A_408, %and3A_410 : vector<16xi32>
          %bitcast3A_412 = vector.bitcast %and3A_411 : vector<16xi32> to vector<16xf32>
          %shift_left3A_413 = arith.constant 16 : i32
          %shift_left3A_414 = vector.broadcast %shift_left3A_413 : i32 to vector<16xi32>
          %shift_left3A_415 = arith.shli %bitcast3A_408, %shift_left3A_414 : vector<16xi32>
          %bitcast3A_416 = vector.bitcast %shift_left3A_415 : vector<16xi32> to vector<16xf32>
          %mul3A_417 = arith.mulf %bitcast3A_412, %bitcast3A_412 : vector<16xf32>
          %add3A_418 = arith.addf %add3A_391, %mul3A_417 : vector<16xf32>
          %mul3A_419 = arith.mulf %bitcast3A_416, %bitcast3A_416 : vector<16xf32>
          %add3A_420 = arith.addf %add3A_393, %mul3A_419 : vector<16xf32>
          %mul3A_421 = arith.constant 32 : i32
          %mul3A_422 = arith.muli %scan3A_179, %mul3A_421 : i32
          %add3A_423 = arith.constant 9 : i32
          %add3A_424 = arith.addi %mul3A_422, %add3A_423 : i32
          %xor3A_425 = vector.broadcast %add3A_424 : i32 to vector<16xi32>
          %xor3A_426 = arith.xori %xor3A_425, %iota3A : vector<16xi32>
          %gather3A_427 = tpu.vector_load_idx %arg11[%add3A_135, %xor3A_426] : memref<128x64xi32, #tpu.memory_space<vmem>>[vector<16xi32>, vector<16xi32>], vector<16xi32>,
          %gather3A_428 = tpu.vector_load_idx %arg12[%add3A_135, %xor3A_426] : memref<128x64xi32, #tpu.memory_space<vmem>>[vector<16xi32>, vector<16xi32>], vector<16xi32>,
          %gather3A_429 = tpu.vector_load_idx %arg13[%add3A_135, %xor3A_426] : memref<128x64xi32, #tpu.memory_space<vmem>>[vector<16xi32>, vector<16xi32>], vector<16xi32>,
          %bitcast3A_430 = vector.bitcast %gather3A_427 : vector<16xi32> to vector<32xbf16>
          %bitcast3A_431 = vector.bitcast %gather3A_428 : vector<16xi32> to vector<32xbf16>
          %bitcast3A_432 = vector.bitcast %gather3A_429 : vector<16xi32> to vector<32xbf16>
          %add3A_433 = arith.addf %bitcast3A_430, %bitcast3A_432 : vector<32xbf16>
          %sub3A_434 = arith.subf %add3A_433, %bitcast3A_431 : vector<32xbf16>
          %bitcast3A_435 = vector.bitcast %sub3A_434 : vector<32xbf16> to vector<16xi32>
          %and3A_436 = arith.constant -65536 : i32
          %and3A_437 = vector.broadcast %and3A_436 : i32 to vector<16xi32>
          %and3A_438 = arith.andi %bitcast3A_435, %and3A_437 : vector<16xi32>
          %bitcast3A_439 = vector.bitcast %and3A_438 : vector<16xi32> to vector<16xf32>
          %shift_left3A_440 = arith.constant 16 : i32
          %shift_left3A_441 = vector.broadcast %shift_left3A_440 : i32 to vector<16xi32>
          %shift_left3A_442 = arith.shli %bitcast3A_435, %shift_left3A_441 : vector<16xi32>
          %bitcast3A_443 = vector.bitcast %shift_left3A_442 : vector<16xi32> to vector<16xf32>
          %mul3A_444 = arith.mulf %bitcast3A_439, %bitcast3A_439 : vector<16xf32>
          %add3A_445 = arith.addf %add3A_418, %mul3A_444 : vector<16xf32>
          %mul3A_446 = arith.mulf %bitcast3A_443, %bitcast3A_443 : vector<16xf32>
          %add3A_447 = arith.addf %add3A_420, %mul3A_446 : vector<16xf32>
          %mul3A_448 = arith.constant 32 : i32
          %mul3A_449 = arith.muli %scan3A_179, %mul3A_448 : i32
          %add3A_450 = arith.constant 10 : i32
          %add3A_451 = arith.addi %mul3A_449, %add3A_450 : i32
          %xor3A_452 = vector.broadcast %add3A_451 : i32 to vector<16xi32>
          %xor3A_453 = arith.xori %xor3A_452, %iota3A : vector<16xi32>
          %gather3A_454 = tpu.vector_load_idx %arg11[%add3A_135, %xor3A_453] : memref<128x64xi32, #tpu.memory_space<vmem>>[vector<16xi32>, vector<16xi32>], vector<16xi32>,
          %gather3A_455 = tpu.vector_load_idx %arg12[%add3A_135, %xor3A_453] : memref<128x64xi32, #tpu.memory_space<vmem>>[vector<16xi32>, vector<16xi32>], vector<16xi32>,
          %gather3A_456 = tpu.vector_load_idx %arg13[%add3A_135, %xor3A_453] : memref<128x64xi32, #tpu.memory_space<vmem>>[vector<16xi32>, vector<16xi32>], vector<16xi32>,
          %bitcast3A_457 = vector.bitcast %gather3A_454 : vector<16xi32> to vector<32xbf16>
          %bitcast3A_458 = vector.bitcast %gather3A_455 : vector<16xi32> to vector<32xbf16>
          %bitcast3A_459 = vector.bitcast %gather3A_456 : vector<16xi32> to vector<32xbf16>
          %add3A_460 = arith.addf %bitcast3A_457, %bitcast3A_459 : vector<32xbf16>
          %sub3A_461 = arith.subf %add3A_460, %bitcast3A_458 : vector<32xbf16>
          %bitcast3A_462 = vector.bitcast %sub3A_461 : vector<32xbf16> to vector<16xi32>
          %and3A_463 = arith.constant -65536 : i32
          %and3A_464 = vector.broadcast %and3A_463 : i32 to vector<16xi32>
          %and3A_465 = arith.andi %bitcast3A_462, %and3A_464 : vector<16xi32>
          %bitcast3A_466 = vector.bitcast %and3A_465 : vector<16xi32> to vector<16xf32>
          %shift_left3A_467 = arith.constant 16 : i32
          %shift_left3A_468 = vector.broadcast %shift_left3A_467 : i32 to vector<16xi32>
          %shift_left3A_469 = arith.shli %bitcast3A_462, %shift_left3A_468 : vector<16xi32>
          %bitcast3A_470 = vector.bitcast %shift_left3A_469 : vector<16xi32> to vector<16xf32>
          %mul3A_471 = arith.mulf %bitcast3A_466, %bitcast3A_466 : vector<16xf32>
          %add3A_472 = arith.addf %add3A_445, %mul3A_471 : vector<16xf32>
          %mul3A_473 = arith.mulf %bitcast3A_470, %bitcast3A_470 : vector<16xf32>
          %add3A_474 = arith.addf %add3A_447, %mul3A_473 : vector<16xf32>
          %mul3A_475 = arith.constant 32 : i32
          %mul3A_476 = arith.muli %scan3A_179, %mul3A_475 : i32
          %add3A_477 = arith.constant 11 : i32
          %add3A_478 = arith.addi %mul3A_476, %add3A_477 : i32
          %xor3A_479 = vector.broadcast %add3A_478 : i32 to vector<16xi32>
          %xor3A_480 = arith.xori %xor3A_479, %iota3A : vector<16xi32>
          %gather3A_481 = tpu.vector_load_idx %arg11[%add3A_135, %xor3A_480] : memref<128x64xi32, #tpu.memory_space<vmem>>[vector<16xi32>, vector<16xi32>], vector<16xi32>,
          %gather3A_482 = tpu.vector_load_idx %arg12[%add3A_135, %xor3A_480] : memref<128x64xi32, #tpu.memory_space<vmem>>[vector<16xi32>, vector<16xi32>], vector<16xi32>,
          %gather3A_483 = tpu.vector_load_idx %arg13[%add3A_135, %xor3A_480] : memref<128x64xi32, #tpu.memory_space<vmem>>[vector<16xi32>, vector<16xi32>], vector<16xi32>,
          %bitcast3A_484 = vector.bitcast %gather3A_481 : vector<16xi32> to vector<32xbf16>
          %bitcast3A_485 = vector.bitcast %gather3A_482 : vector<16xi32> to vector<32xbf16>
          %bitcast3A_486 = vector.bitcast %gather3A_483 : vector<16xi32> to vector<32xbf16>
          %add3A_487 = arith.addf %bitcast3A_484, %bitcast3A_486 : vector<32xbf16>
          %sub3A_488 = arith.subf %add3A_487, %bitcast3A_485 : vector<32xbf16>
          %bitcast3A_489 = vector.bitcast %sub3A_488 : vector<32xbf16> to vector<16xi32>
          %and3A_490 = arith.constant -65536 : i32
          %and3A_491 = vector.broadcast %and3A_490 : i32 to vector<16xi32>
          %and3A_492 = arith.andi %bitcast3A_489, %and3A_491 : vector<16xi32>
          %bitcast3A_493 = vector.bitcast %and3A_492 : vector<16xi32> to vector<16xf32>
          %shift_left3A_494 = arith.constant 16 : i32
          %shift_left3A_495 = vector.broadcast %shift_left3A_494 : i32 to vector<16xi32>
          %shift_left3A_496 = arith.shli %bitcast3A_489, %shift_left3A_495 : vector<16xi32>
          %bitcast3A_497 = vector.bitcast %shift_left3A_496 : vector<16xi32> to vector<16xf32>
          %mul3A_498 = arith.mulf %bitcast3A_493, %bitcast3A_493 : vector<16xf32>
          %add3A_499 = arith.addf %add3A_472, %mul3A_498 : vector<16xf32>
          %mul3A_500 = arith.mulf %bitcast3A_497, %bitcast3A_497 : vector<16xf32>
          %add3A_501 = arith.addf %add3A_474, %mul3A_500 : vector<16xf32>
          %mul3A_502 = arith.constant 32 : i32
          %mul3A_503 = arith.muli %scan3A_179, %mul3A_502 : i32
          %add3A_504 = arith.constant 12 : i32
          %add3A_505 = arith.addi %mul3A_503, %add3A_504 : i32
          %xor3A_506 = vector.broadcast %add3A_505 : i32 to vector<16xi32>
          %xor3A_507 = arith.xori %xor3A_506, %iota3A : vector<16xi32>
          %gather3A_508 = tpu.vector_load_idx %arg11[%add3A_135, %xor3A_507] : memref<128x64xi32, #tpu.memory_space<vmem>>[vector<16xi32>, vector<16xi32>], vector<16xi32>,
          %gather3A_509 = tpu.vector_load_idx %arg12[%add3A_135, %xor3A_507] : memref<128x64xi32, #tpu.memory_space<vmem>>[vector<16xi32>, vector<16xi32>], vector<16xi32>,
          %gather3A_510 = tpu.vector_load_idx %arg13[%add3A_135, %xor3A_507] : memref<128x64xi32, #tpu.memory_space<vmem>>[vector<16xi32>, vector<16xi32>], vector<16xi32>,
          %bitcast3A_511 = vector.bitcast %gather3A_508 : vector<16xi32> to vector<32xbf16>
          %bitcast3A_512 = vector.bitcast %gather3A_509 : vector<16xi32> to vector<32xbf16>
          %bitcast3A_513 = vector.bitcast %gather3A_510 : vector<16xi32> to vector<32xbf16>
          %add3A_514 = arith.addf %bitcast3A_511, %bitcast3A_513 : vector<32xbf16>
          %sub3A_515 = arith.subf %add3A_514, %bitcast3A_512 : vector<32xbf16>
          %bitcast3A_516 = vector.bitcast %sub3A_515 : vector<32xbf16> to vector<16xi32>
          %and3A_517 = arith.constant -65536 : i32
          %and3A_518 = vector.broadcast %and3A_517 : i32 to vector<16xi32>
          %and3A_519 = arith.andi %bitcast3A_516, %and3A_518 : vector<16xi32>
          %bitcast3A_520 = vector.bitcast %and3A_519 : vector<16xi32> to vector<16xf32>
          %shift_left3A_521 = arith.constant 16 : i32
          %shift_left3A_522 = vector.broadcast %shift_left3A_521 : i32 to vector<16xi32>
          %shift_left3A_523 = arith.shli %bitcast3A_516, %shift_left3A_522 : vector<16xi32>
          %bitcast3A_524 = vector.bitcast %shift_left3A_523 : vector<16xi32> to vector<16xf32>
          %mul3A_525 = arith.mulf %bitcast3A_520, %bitcast3A_520 : vector<16xf32>
          %add3A_526 = arith.addf %add3A_499, %mul3A_525 : vector<16xf32>
          %mul3A_527 = arith.mulf %bitcast3A_524, %bitcast3A_524 : vector<16xf32>
          %add3A_528 = arith.addf %add3A_501, %mul3A_527 : vector<16xf32>
          %mul3A_529 = arith.constant 32 : i32
          %mul3A_530 = arith.muli %scan3A_179, %mul3A_529 : i32
          %add3A_531 = arith.constant 13 : i32
          %add3A_532 = arith.addi %mul3A_530, %add3A_531 : i32
          %xor3A_533 = vector.broadcast %add3A_532 : i32 to vector<16xi32>
          %xor3A_534 = arith.xori %xor3A_533, %iota3A : vector<16xi32>
          %gather3A_535 = tpu.vector_load_idx %arg11[%add3A_135, %xor3A_534] : memref<128x64xi32, #tpu.memory_space<vmem>>[vector<16xi32>, vector<16xi32>], vector<16xi32>,
          %gather3A_536 = tpu.vector_load_idx %arg12[%add3A_135, %xor3A_534] : memref<128x64xi32, #tpu.memory_space<vmem>>[vector<16xi32>, vector<16xi32>], vector<16xi32>,
          %gather3A_537 = tpu.vector_load_idx %arg13[%add3A_135, %xor3A_534] : memref<128x64xi32, #tpu.memory_space<vmem>>[vector<16xi32>, vector<16xi32>], vector<16xi32>,
          %bitcast3A_538 = vector.bitcast %gather3A_535 : vector<16xi32> to vector<32xbf16>
          %bitcast3A_539 = vector.bitcast %gather3A_536 : vector<16xi32> to vector<32xbf16>
          %bitcast3A_540 = vector.bitcast %gather3A_537 : vector<16xi32> to vector<32xbf16>
          %add3A_541 = arith.addf %bitcast3A_538, %bitcast3A_540 : vector<32xbf16>
          %sub3A_542 = arith.subf %add3A_541, %bitcast3A_539 : vector<32xbf16>
          %bitcast3A_543 = vector.bitcast %sub3A_542 : vector<32xbf16> to vector<16xi32>
          %and3A_544 = arith.constant -65536 : i32
          %and3A_545 = vector.broadcast %and3A_544 : i32 to vector<16xi32>
          %and3A_546 = arith.andi %bitcast3A_543, %and3A_545 : vector<16xi32>
          %bitcast3A_547 = vector.bitcast %and3A_546 : vector<16xi32> to vector<16xf32>
          %shift_left3A_548 = arith.constant 16 : i32
          %shift_left3A_549 = vector.broadcast %shift_left3A_548 : i32 to vector<16xi32>
          %shift_left3A_550 = arith.shli %bitcast3A_543, %shift_left3A_549 : vector<16xi32>
          %bitcast3A_551 = vector.bitcast %shift_left3A_550 : vector<16xi32> to vector<16xf32>
          %mul3A_552 = arith.mulf %bitcast3A_547, %bitcast3A_547 : vector<16xf32>
          %add3A_553 = arith.addf %add3A_526, %mul3A_552 : vector<16xf32>
          %mul3A_554 = arith.mulf %bitcast3A_551, %bitcast3A_551 : vector<16xf32>
          %add3A_555 = arith.addf %add3A_528, %mul3A_554 : vector<16xf32>
          %mul3A_556 = arith.constant 32 : i32
          %mul3A_557 = arith.muli %scan3A_179, %mul3A_556 : i32
          %add3A_558 = arith.constant 14 : i32
          %add3A_559 = arith.addi %mul3A_557, %add3A_558 : i32
          %xor3A_560 = vector.broadcast %add3A_559 : i32 to vector<16xi32>
          %xor3A_561 = arith.xori %xor3A_560, %iota3A : vector<16xi32>
          %gather3A_562 = tpu.vector_load_idx %arg11[%add3A_135, %xor3A_561] : memref<128x64xi32, #tpu.memory_space<vmem>>[vector<16xi32>, vector<16xi32>], vector<16xi32>,
          %gather3A_563 = tpu.vector_load_idx %arg12[%add3A_135, %xor3A_561] : memref<128x64xi32, #tpu.memory_space<vmem>>[vector<16xi32>, vector<16xi32>], vector<16xi32>,
          %gather3A_564 = tpu.vector_load_idx %arg13[%add3A_135, %xor3A_561] : memref<128x64xi32, #tpu.memory_space<vmem>>[vector<16xi32>, vector<16xi32>], vector<16xi32>,
          %bitcast3A_565 = vector.bitcast %gather3A_562 : vector<16xi32> to vector<32xbf16>
          %bitcast3A_566 = vector.bitcast %gather3A_563 : vector<16xi32> to vector<32xbf16>
          %bitcast3A_567 = vector.bitcast %gather3A_564 : vector<16xi32> to vector<32xbf16>
          %add3A_568 = arith.addf %bitcast3A_565, %bitcast3A_567 : vector<32xbf16>
          %sub3A_569 = arith.subf %add3A_568, %bitcast3A_566 : vector<32xbf16>
          %bitcast3A_570 = vector.bitcast %sub3A_569 : vector<32xbf16> to vector<16xi32>
          %and3A_571 = arith.constant -65536 : i32
          %and3A_572 = vector.broadcast %and3A_571 : i32 to vector<16xi32>
          %and3A_573 = arith.andi %bitcast3A_570, %and3A_572 : vector<16xi32>
          %bitcast3A_574 = vector.bitcast %and3A_573 : vector<16xi32> to vector<16xf32>
          %shift_left3A_575 = arith.constant 16 : i32
          %shift_left3A_576 = vector.broadcast %shift_left3A_575 : i32 to vector<16xi32>
          %shift_left3A_577 = arith.shli %bitcast3A_570, %shift_left3A_576 : vector<16xi32>
          %bitcast3A_578 = vector.bitcast %shift_left3A_577 : vector<16xi32> to vector<16xf32>
          %mul3A_579 = arith.mulf %bitcast3A_574, %bitcast3A_574 : vector<16xf32>
          %add3A_580 = arith.addf %add3A_553, %mul3A_579 : vector<16xf32>
          %mul3A_581 = arith.mulf %bitcast3A_578, %bitcast3A_578 : vector<16xf32>
          %add3A_582 = arith.addf %add3A_555, %mul3A_581 : vector<16xf32>
          %mul3A_583 = arith.constant 32 : i32
          %mul3A_584 = arith.muli %scan3A_179, %mul3A_583 : i32
          %add3A_585 = arith.constant 15 : i32
          %add3A_586 = arith.addi %mul3A_584, %add3A_585 : i32
          %xor3A_587 = vector.broadcast %add3A_586 : i32 to vector<16xi32>
          %xor3A_588 = arith.xori %xor3A_587, %iota3A : vector<16xi32>
          %gather3A_589 = tpu.vector_load_idx %arg11[%add3A_135, %xor3A_588] : memref<128x64xi32, #tpu.memory_space<vmem>>[vector<16xi32>, vector<16xi32>], vector<16xi32>,
          %gather3A_590 = tpu.vector_load_idx %arg12[%add3A_135, %xor3A_588] : memref<128x64xi32, #tpu.memory_space<vmem>>[vector<16xi32>, vector<16xi32>], vector<16xi32>,
          %gather3A_591 = tpu.vector_load_idx %arg13[%add3A_135, %xor3A_588] : memref<128x64xi32, #tpu.memory_space<vmem>>[vector<16xi32>, vector<16xi32>], vector<16xi32>,
          %bitcast3A_592 = vector.bitcast %gather3A_589 : vector<16xi32> to vector<32xbf16>
          %bitcast3A_593 = vector.bitcast %gather3A_590 : vector<16xi32> to vector<32xbf16>
          %bitcast3A_594 = vector.bitcast %gather3A_591 : vector<16xi32> to vector<32xbf16>
          %add3A_595 = arith.addf %bitcast3A_592, %bitcast3A_594 : vector<32xbf16>
          %sub3A_596 = arith.subf %add3A_595, %bitcast3A_593 : vector<32xbf16>
          %bitcast3A_597 = vector.bitcast %sub3A_596 : vector<32xbf16> to vector<16xi32>
          %and3A_598 = arith.constant -65536 : i32
          %and3A_599 = vector.broadcast %and3A_598 : i32 to vector<16xi32>
          %and3A_600 = arith.andi %bitcast3A_597, %and3A_599 : vector<16xi32>
          %bitcast3A_601 = vector.bitcast %and3A_600 : vector<16xi32> to vector<16xf32>
          %shift_left3A_602 = arith.constant 16 : i32
          %shift_left3A_603 = vector.broadcast %shift_left3A_602 : i32 to vector<16xi32>
          %shift_left3A_604 = arith.shli %bitcast3A_597, %shift_left3A_603 : vector<16xi32>
          %bitcast3A_605 = vector.bitcast %shift_left3A_604 : vector<16xi32> to vector<16xf32>
          %mul3A_606 = arith.mulf %bitcast3A_601, %bitcast3A_601 : vector<16xf32>
          %add3A_607 = arith.addf %add3A_580, %mul3A_606 : vector<16xf32>
          %mul3A_608 = arith.mulf %bitcast3A_605, %bitcast3A_605 : vector<16xf32>
          %add3A_609 = arith.addf %add3A_582, %mul3A_608 : vector<16xf32>
          %mul3A_610 = arith.constant 32 : i32
          %mul3A_611 = arith.muli %scan3A_179, %mul3A_610 : i32
          %add3A_612 = arith.constant 16 : i32
          %add3A_613 = arith.addi %mul3A_611, %add3A_612 : i32
          %xor3A_614 = vector.broadcast %add3A_613 : i32 to vector<16xi32>
          %xor3A_615 = arith.xori %xor3A_614, %iota3A : vector<16xi32>
          %gather3A_616 = tpu.vector_load_idx %arg11[%add3A_135, %xor3A_615] : memref<128x64xi32, #tpu.memory_space<vmem>>[vector<16xi32>, vector<16xi32>], vector<16xi32>,
          %gather3A_617 = tpu.vector_load_idx %arg12[%add3A_135, %xor3A_615] : memref<128x64xi32, #tpu.memory_space<vmem>>[vector<16xi32>, vector<16xi32>], vector<16xi32>,
          %gather3A_618 = tpu.vector_load_idx %arg13[%add3A_135, %xor3A_615] : memref<128x64xi32, #tpu.memory_space<vmem>>[vector<16xi32>, vector<16xi32>], vector<16xi32>,
          %bitcast3A_619 = vector.bitcast %gather3A_616 : vector<16xi32> to vector<32xbf16>
          %bitcast3A_620 = vector.bitcast %gather3A_617 : vector<16xi32> to vector<32xbf16>
          %bitcast3A_621 = vector.bitcast %gather3A_618 : vector<16xi32> to vector<32xbf16>
          %add3A_622 = arith.addf %bitcast3A_619, %bitcast3A_621 : vector<32xbf16>
          %sub3A_623 = arith.subf %add3A_622, %bitcast3A_620 : vector<32xbf16>
          %bitcast3A_624 = vector.bitcast %sub3A_623 : vector<32xbf16> to vector<16xi32>
          %and3A_625 = arith.constant -65536 : i32
          %and3A_626 = vector.broadcast %and3A_625 : i32 to vector<16xi32>
          %and3A_627 = arith.andi %bitcast3A_624, %and3A_626 : vector<16xi32>
          %bitcast3A_628 = vector.bitcast %and3A_627 : vector<16xi32> to vector<16xf32>
          %shift_left3A_629 = arith.constant 16 : i32
          %shift_left3A_630 = vector.broadcast %shift_left3A_629 : i32 to vector<16xi32>
          %shift_left3A_631 = arith.shli %bitcast3A_624, %shift_left3A_630 : vector<16xi32>
          %bitcast3A_632 = vector.bitcast %shift_left3A_631 : vector<16xi32> to vector<16xf32>
          %mul3A_633 = arith.mulf %bitcast3A_628, %bitcast3A_628 : vector<16xf32>
          %add3A_634 = arith.addf %add3A_607, %mul3A_633 : vector<16xf32>
          %mul3A_635 = arith.mulf %bitcast3A_632, %bitcast3A_632 : vector<16xf32>
          %add3A_636 = arith.addf %add3A_609, %mul3A_635 : vector<16xf32>
          %mul3A_637 = arith.constant 32 : i32
          %mul3A_638 = arith.muli %scan3A_179, %mul3A_637 : i32
          %add3A_639 = arith.constant 17 : i32
          %add3A_640 = arith.addi %mul3A_638, %add3A_639 : i32
          %xor3A_641 = vector.broadcast %add3A_640 : i32 to vector<16xi32>
          %xor3A_642 = arith.xori %xor3A_641, %iota3A : vector<16xi32>
          %gather3A_643 = tpu.vector_load_idx %arg11[%add3A_135, %xor3A_642] : memref<128x64xi32, #tpu.memory_space<vmem>>[vector<16xi32>, vector<16xi32>], vector<16xi32>,
          %gather3A_644 = tpu.vector_load_idx %arg12[%add3A_135, %xor3A_642] : memref<128x64xi32, #tpu.memory_space<vmem>>[vector<16xi32>, vector<16xi32>], vector<16xi32>,
          %gather3A_645 = tpu.vector_load_idx %arg13[%add3A_135, %xor3A_642] : memref<128x64xi32, #tpu.memory_space<vmem>>[vector<16xi32>, vector<16xi32>], vector<16xi32>,
          %bitcast3A_646 = vector.bitcast %gather3A_643 : vector<16xi32> to vector<32xbf16>
          %bitcast3A_647 = vector.bitcast %gather3A_644 : vector<16xi32> to vector<32xbf16>
          %bitcast3A_648 = vector.bitcast %gather3A_645 : vector<16xi32> to vector<32xbf16>
          %add3A_649 = arith.addf %bitcast3A_646, %bitcast3A_648 : vector<32xbf16>
          %sub3A_650 = arith.subf %add3A_649, %bitcast3A_647 : vector<32xbf16>
          %bitcast3A_651 = vector.bitcast %sub3A_650 : vector<32xbf16> to vector<16xi32>
          %and3A_652 = arith.constant -65536 : i32
          %and3A_653 = vector.broadcast %and3A_652 : i32 to vector<16xi32>
          %and3A_654 = arith.andi %bitcast3A_651, %and3A_653 : vector<16xi32>
          %bitcast3A_655 = vector.bitcast %and3A_654 : vector<16xi32> to vector<16xf32>
          %shift_left3A_656 = arith.constant 16 : i32
          %shift_left3A_657 = vector.broadcast %shift_left3A_656 : i32 to vector<16xi32>
          %shift_left3A_658 = arith.shli %bitcast3A_651, %shift_left3A_657 : vector<16xi32>
          %bitcast3A_659 = vector.bitcast %shift_left3A_658 : vector<16xi32> to vector<16xf32>
          %mul3A_660 = arith.mulf %bitcast3A_655, %bitcast3A_655 : vector<16xf32>
          %add3A_661 = arith.addf %add3A_634, %mul3A_660 : vector<16xf32>
          %mul3A_662 = arith.mulf %bitcast3A_659, %bitcast3A_659 : vector<16xf32>
          %add3A_663 = arith.addf %add3A_636, %mul3A_662 : vector<16xf32>
          %mul3A_664 = arith.constant 32 : i32
          %mul3A_665 = arith.muli %scan3A_179, %mul3A_664 : i32
          %add3A_666 = arith.constant 18 : i32
          %add3A_667 = arith.addi %mul3A_665, %add3A_666 : i32
          %xor3A_668 = vector.broadcast %add3A_667 : i32 to vector<16xi32>
          %xor3A_669 = arith.xori %xor3A_668, %iota3A : vector<16xi32>
          %gather3A_670 = tpu.vector_load_idx %arg11[%add3A_135, %xor3A_669] : memref<128x64xi32, #tpu.memory_space<vmem>>[vector<16xi32>, vector<16xi32>], vector<16xi32>,
          %gather3A_671 = tpu.vector_load_idx %arg12[%add3A_135, %xor3A_669] : memref<128x64xi32, #tpu.memory_space<vmem>>[vector<16xi32>, vector<16xi32>], vector<16xi32>,
          %gather3A_672 = tpu.vector_load_idx %arg13[%add3A_135, %xor3A_669] : memref<128x64xi32, #tpu.memory_space<vmem>>[vector<16xi32>, vector<16xi32>], vector<16xi32>,
          %bitcast3A_673 = vector.bitcast %gather3A_670 : vector<16xi32> to vector<32xbf16>
          %bitcast3A_674 = vector.bitcast %gather3A_671 : vector<16xi32> to vector<32xbf16>
          %bitcast3A_675 = vector.bitcast %gather3A_672 : vector<16xi32> to vector<32xbf16>
          %add3A_676 = arith.addf %bitcast3A_673, %bitcast3A_675 : vector<32xbf16>
          %sub3A_677 = arith.subf %add3A_676, %bitcast3A_674 : vector<32xbf16>
          %bitcast3A_678 = vector.bitcast %sub3A_677 : vector<32xbf16> to vector<16xi32>
          %and3A_679 = arith.constant -65536 : i32
          %and3A_680 = vector.broadcast %and3A_679 : i32 to vector<16xi32>
          %and3A_681 = arith.andi %bitcast3A_678, %and3A_680 : vector<16xi32>
          %bitcast3A_682 = vector.bitcast %and3A_681 : vector<16xi32> to vector<16xf32>
          %shift_left3A_683 = arith.constant 16 : i32
          %shift_left3A_684 = vector.broadcast %shift_left3A_683 : i32 to vector<16xi32>
          %shift_left3A_685 = arith.shli %bitcast3A_678, %shift_left3A_684 : vector<16xi32>
          %bitcast3A_686 = vector.bitcast %shift_left3A_685 : vector<16xi32> to vector<16xf32>
          %mul3A_687 = arith.mulf %bitcast3A_682, %bitcast3A_682 : vector<16xf32>
          %add3A_688 = arith.addf %add3A_661, %mul3A_687 : vector<16xf32>
          %mul3A_689 = arith.mulf %bitcast3A_686, %bitcast3A_686 : vector<16xf32>
          %add3A_690 = arith.addf %add3A_663, %mul3A_689 : vector<16xf32>
          %mul3A_691 = arith.constant 32 : i32
          %mul3A_692 = arith.muli %scan3A_179, %mul3A_691 : i32
          %add3A_693 = arith.constant 19 : i32
          %add3A_694 = arith.addi %mul3A_692, %add3A_693 : i32
          %xor3A_695 = vector.broadcast %add3A_694 : i32 to vector<16xi32>
          %xor3A_696 = arith.xori %xor3A_695, %iota3A : vector<16xi32>
          %gather3A_697 = tpu.vector_load_idx %arg11[%add3A_135, %xor3A_696] : memref<128x64xi32, #tpu.memory_space<vmem>>[vector<16xi32>, vector<16xi32>], vector<16xi32>,
          %gather3A_698 = tpu.vector_load_idx %arg12[%add3A_135, %xor3A_696] : memref<128x64xi32, #tpu.memory_space<vmem>>[vector<16xi32>, vector<16xi32>], vector<16xi32>,
          %gather3A_699 = tpu.vector_load_idx %arg13[%add3A_135, %xor3A_696] : memref<128x64xi32, #tpu.memory_space<vmem>>[vector<16xi32>, vector<16xi32>], vector<16xi32>,
          %bitcast3A_700 = vector.bitcast %gather3A_697 : vector<16xi32> to vector<32xbf16>
          %bitcast3A_701 = vector.bitcast %gather3A_698 : vector<16xi32> to vector<32xbf16>
          %bitcast3A_702 = vector.bitcast %gather3A_699 : vector<16xi32> to vector<32xbf16>
          %add3A_703 = arith.addf %bitcast3A_700, %bitcast3A_702 : vector<32xbf16>
          %sub3A_704 = arith.subf %add3A_703, %bitcast3A_701 : vector<32xbf16>
          %bitcast3A_705 = vector.bitcast %sub3A_704 : vector<32xbf16> to vector<16xi32>
          %and3A_706 = arith.constant -65536 : i32
          %and3A_707 = vector.broadcast %and3A_706 : i32 to vector<16xi32>
          %and3A_708 = arith.andi %bitcast3A_705, %and3A_707 : vector<16xi32>
          %bitcast3A_709 = vector.bitcast %and3A_708 : vector<16xi32> to vector<16xf32>
          %shift_left3A_710 = arith.constant 16 : i32
          %shift_left3A_711 = vector.broadcast %shift_left3A_710 : i32 to vector<16xi32>
          %shift_left3A_712 = arith.shli %bitcast3A_705, %shift_left3A_711 : vector<16xi32>
          %bitcast3A_713 = vector.bitcast %shift_left3A_712 : vector<16xi32> to vector<16xf32>
          %mul3A_714 = arith.mulf %bitcast3A_709, %bitcast3A_709 : vector<16xf32>
          %add3A_715 = arith.addf %add3A_688, %mul3A_714 : vector<16xf32>
          %mul3A_716 = arith.mulf %bitcast3A_713, %bitcast3A_713 : vector<16xf32>
          %add3A_717 = arith.addf %add3A_690, %mul3A_716 : vector<16xf32>
          %mul3A_718 = arith.constant 32 : i32
          %mul3A_719 = arith.muli %scan3A_179, %mul3A_718 : i32
          %add3A_720 = arith.constant 20 : i32
          %add3A_721 = arith.addi %mul3A_719, %add3A_720 : i32
          %xor3A_722 = vector.broadcast %add3A_721 : i32 to vector<16xi32>
          %xor3A_723 = arith.xori %xor3A_722, %iota3A : vector<16xi32>
          %gather3A_724 = tpu.vector_load_idx %arg11[%add3A_135, %xor3A_723] : memref<128x64xi32, #tpu.memory_space<vmem>>[vector<16xi32>, vector<16xi32>], vector<16xi32>,
          %gather3A_725 = tpu.vector_load_idx %arg12[%add3A_135, %xor3A_723] : memref<128x64xi32, #tpu.memory_space<vmem>>[vector<16xi32>, vector<16xi32>], vector<16xi32>,
          %gather3A_726 = tpu.vector_load_idx %arg13[%add3A_135, %xor3A_723] : memref<128x64xi32, #tpu.memory_space<vmem>>[vector<16xi32>, vector<16xi32>], vector<16xi32>,
          %bitcast3A_727 = vector.bitcast %gather3A_724 : vector<16xi32> to vector<32xbf16>
          %bitcast3A_728 = vector.bitcast %gather3A_725 : vector<16xi32> to vector<32xbf16>
          %bitcast3A_729 = vector.bitcast %gather3A_726 : vector<16xi32> to vector<32xbf16>
          %add3A_730 = arith.addf %bitcast3A_727, %bitcast3A_729 : vector<32xbf16>
          %sub3A_731 = arith.subf %add3A_730, %bitcast3A_728 : vector<32xbf16>
          %bitcast3A_732 = vector.bitcast %sub3A_731 : vector<32xbf16> to vector<16xi32>
          %and3A_733 = arith.constant -65536 : i32
          %and3A_734 = vector.broadcast %and3A_733 : i32 to vector<16xi32>
          %and3A_735 = arith.andi %bitcast3A_732, %and3A_734 : vector<16xi32>
          %bitcast3A_736 = vector.bitcast %and3A_735 : vector<16xi32> to vector<16xf32>
          %shift_left3A_737 = arith.constant 16 : i32
          %shift_left3A_738 = vector.broadcast %shift_left3A_737 : i32 to vector<16xi32>
          %shift_left3A_739 = arith.shli %bitcast3A_732, %shift_left3A_738 : vector<16xi32>
          %bitcast3A_740 = vector.bitcast %shift_left3A_739 : vector<16xi32> to vector<16xf32>
          %mul3A_741 = arith.mulf %bitcast3A_736, %bitcast3A_736 : vector<16xf32>
          %add3A_742 = arith.addf %add3A_715, %mul3A_741 : vector<16xf32>
          %mul3A_743 = arith.mulf %bitcast3A_740, %bitcast3A_740 : vector<16xf32>
          %add3A_744 = arith.addf %add3A_717, %mul3A_743 : vector<16xf32>
          %mul3A_745 = arith.constant 32 : i32
          %mul3A_746 = arith.muli %scan3A_179, %mul3A_745 : i32
          %add3A_747 = arith.constant 21 : i32
          %add3A_748 = arith.addi %mul3A_746, %add3A_747 : i32
          %xor3A_749 = vector.broadcast %add3A_748 : i32 to vector<16xi32>
          %xor3A_750 = arith.xori %xor3A_749, %iota3A : vector<16xi32>
          %gather3A_751 = tpu.vector_load_idx %arg11[%add3A_135, %xor3A_750] : memref<128x64xi32, #tpu.memory_space<vmem>>[vector<16xi32>, vector<16xi32>], vector<16xi32>,
          %gather3A_752 = tpu.vector_load_idx %arg12[%add3A_135, %xor3A_750] : memref<128x64xi32, #tpu.memory_space<vmem>>[vector<16xi32>, vector<16xi32>], vector<16xi32>,
          %gather3A_753 = tpu.vector_load_idx %arg13[%add3A_135, %xor3A_750] : memref<128x64xi32, #tpu.memory_space<vmem>>[vector<16xi32>, vector<16xi32>], vector<16xi32>,
          %bitcast3A_754 = vector.bitcast %gather3A_751 : vector<16xi32> to vector<32xbf16>
          %bitcast3A_755 = vector.bitcast %gather3A_752 : vector<16xi32> to vector<32xbf16>
          %bitcast3A_756 = vector.bitcast %gather3A_753 : vector<16xi32> to vector<32xbf16>
          %add3A_757 = arith.addf %bitcast3A_754, %bitcast3A_756 : vector<32xbf16>
          %sub3A_758 = arith.subf %add3A_757, %bitcast3A_755 : vector<32xbf16>
          %bitcast3A_759 = vector.bitcast %sub3A_758 : vector<32xbf16> to vector<16xi32>
          %and3A_760 = arith.constant -65536 : i32
          %and3A_761 = vector.broadcast %and3A_760 : i32 to vector<16xi32>
          %and3A_762 = arith.andi %bitcast3A_759, %and3A_761 : vector<16xi32>
          %bitcast3A_763 = vector.bitcast %and3A_762 : vector<16xi32> to vector<16xf32>
          %shift_left3A_764 = arith.constant 16 : i32
          %shift_left3A_765 = vector.broadcast %shift_left3A_764 : i32 to vector<16xi32>
          %shift_left3A_766 = arith.shli %bitcast3A_759, %shift_left3A_765 : vector<16xi32>
          %bitcast3A_767 = vector.bitcast %shift_left3A_766 : vector<16xi32> to vector<16xf32>
          %mul3A_768 = arith.mulf %bitcast3A_763, %bitcast3A_763 : vector<16xf32>
          %add3A_769 = arith.addf %add3A_742, %mul3A_768 : vector<16xf32>
          %mul3A_770 = arith.mulf %bitcast3A_767, %bitcast3A_767 : vector<16xf32>
          %add3A_771 = arith.addf %add3A_744, %mul3A_770 : vector<16xf32>
          %mul3A_772 = arith.constant 32 : i32
          %mul3A_773 = arith.muli %scan3A_179, %mul3A_772 : i32
          %add3A_774 = arith.constant 22 : i32
          %add3A_775 = arith.addi %mul3A_773, %add3A_774 : i32
          %xor3A_776 = vector.broadcast %add3A_775 : i32 to vector<16xi32>
          %xor3A_777 = arith.xori %xor3A_776, %iota3A : vector<16xi32>
          %gather3A_778 = tpu.vector_load_idx %arg11[%add3A_135, %xor3A_777] : memref<128x64xi32, #tpu.memory_space<vmem>>[vector<16xi32>, vector<16xi32>], vector<16xi32>,
          %gather3A_779 = tpu.vector_load_idx %arg12[%add3A_135, %xor3A_777] : memref<128x64xi32, #tpu.memory_space<vmem>>[vector<16xi32>, vector<16xi32>], vector<16xi32>,
          %gather3A_780 = tpu.vector_load_idx %arg13[%add3A_135, %xor3A_777] : memref<128x64xi32, #tpu.memory_space<vmem>>[vector<16xi32>, vector<16xi32>], vector<16xi32>,
          %bitcast3A_781 = vector.bitcast %gather3A_778 : vector<16xi32> to vector<32xbf16>
          %bitcast3A_782 = vector.bitcast %gather3A_779 : vector<16xi32> to vector<32xbf16>
          %bitcast3A_783 = vector.bitcast %gather3A_780 : vector<16xi32> to vector<32xbf16>
          %add3A_784 = arith.addf %bitcast3A_781, %bitcast3A_783 : vector<32xbf16>
          %sub3A_785 = arith.subf %add3A_784, %bitcast3A_782 : vector<32xbf16>
          %bitcast3A_786 = vector.bitcast %sub3A_785 : vector<32xbf16> to vector<16xi32>
          %and3A_787 = arith.constant -65536 : i32
          %and3A_788 = vector.broadcast %and3A_787 : i32 to vector<16xi32>
          %and3A_789 = arith.andi %bitcast3A_786, %and3A_788 : vector<16xi32>
          %bitcast3A_790 = vector.bitcast %and3A_789 : vector<16xi32> to vector<16xf32>
          %shift_left3A_791 = arith.constant 16 : i32
          %shift_left3A_792 = vector.broadcast %shift_left3A_791 : i32 to vector<16xi32>
          %shift_left3A_793 = arith.shli %bitcast3A_786, %shift_left3A_792 : vector<16xi32>
          %bitcast3A_794 = vector.bitcast %shift_left3A_793 : vector<16xi32> to vector<16xf32>
          %mul3A_795 = arith.mulf %bitcast3A_790, %bitcast3A_790 : vector<16xf32>
          %add3A_796 = arith.addf %add3A_769, %mul3A_795 : vector<16xf32>
          %mul3A_797 = arith.mulf %bitcast3A_794, %bitcast3A_794 : vector<16xf32>
          %add3A_798 = arith.addf %add3A_771, %mul3A_797 : vector<16xf32>
          %mul3A_799 = arith.constant 32 : i32
          %mul3A_800 = arith.muli %scan3A_179, %mul3A_799 : i32
          %add3A_801 = arith.constant 23 : i32
          %add3A_802 = arith.addi %mul3A_800, %add3A_801 : i32
          %xor3A_803 = vector.broadcast %add3A_802 : i32 to vector<16xi32>
          %xor3A_804 = arith.xori %xor3A_803, %iota3A : vector<16xi32>
          %gather3A_805 = tpu.vector_load_idx %arg11[%add3A_135, %xor3A_804] : memref<128x64xi32, #tpu.memory_space<vmem>>[vector<16xi32>, vector<16xi32>], vector<16xi32>,
          %gather3A_806 = tpu.vector_load_idx %arg12[%add3A_135, %xor3A_804] : memref<128x64xi32, #tpu.memory_space<vmem>>[vector<16xi32>, vector<16xi32>], vector<16xi32>,
          %gather3A_807 = tpu.vector_load_idx %arg13[%add3A_135, %xor3A_804] : memref<128x64xi32, #tpu.memory_space<vmem>>[vector<16xi32>, vector<16xi32>], vector<16xi32>,
          %bitcast3A_808 = vector.bitcast %gather3A_805 : vector<16xi32> to vector<32xbf16>
          %bitcast3A_809 = vector.bitcast %gather3A_806 : vector<16xi32> to vector<32xbf16>
          %bitcast3A_810 = vector.bitcast %gather3A_807 : vector<16xi32> to vector<32xbf16>
          %add3A_811 = arith.addf %bitcast3A_808, %bitcast3A_810 : vector<32xbf16>
          %sub3A_812 = arith.subf %add3A_811, %bitcast3A_809 : vector<32xbf16>
          %bitcast3A_813 = vector.bitcast %sub3A_812 : vector<32xbf16> to vector<16xi32>
          %and3A_814 = arith.constant -65536 : i32
          %and3A_815 = vector.broadcast %and3A_814 : i32 to vector<16xi32>
          %and3A_816 = arith.andi %bitcast3A_813, %and3A_815 : vector<16xi32>
          %bitcast3A_817 = vector.bitcast %and3A_816 : vector<16xi32> to vector<16xf32>
          %shift_left3A_818 = arith.constant 16 : i32
          %shift_left3A_819 = vector.broadcast %shift_left3A_818 : i32 to vector<16xi32>
          %shift_left3A_820 = arith.shli %bitcast3A_813, %shift_left3A_819 : vector<16xi32>
          %bitcast3A_821 = vector.bitcast %shift_left3A_820 : vector<16xi32> to vector<16xf32>
          %mul3A_822 = arith.mulf %bitcast3A_817, %bitcast3A_817 : vector<16xf32>
          %add3A_823 = arith.addf %add3A_796, %mul3A_822 : vector<16xf32>
          %mul3A_824 = arith.mulf %bitcast3A_821, %bitcast3A_821 : vector<16xf32>
          %add3A_825 = arith.addf %add3A_798, %mul3A_824 : vector<16xf32>
          %mul3A_826 = arith.constant 32 : i32
          %mul3A_827 = arith.muli %scan3A_179, %mul3A_826 : i32
          %add3A_828 = arith.constant 24 : i32
          %add3A_829 = arith.addi %mul3A_827, %add3A_828 : i32
          %xor3A_830 = vector.broadcast %add3A_829 : i32 to vector<16xi32>
          %xor3A_831 = arith.xori %xor3A_830, %iota3A : vector<16xi32>
          %gather3A_832 = tpu.vector_load_idx %arg11[%add3A_135, %xor3A_831] : memref<128x64xi32, #tpu.memory_space<vmem>>[vector<16xi32>, vector<16xi32>], vector<16xi32>,
          %gather3A_833 = tpu.vector_load_idx %arg12[%add3A_135, %xor3A_831] : memref<128x64xi32, #tpu.memory_space<vmem>>[vector<16xi32>, vector<16xi32>], vector<16xi32>,
          %gather3A_834 = tpu.vector_load_idx %arg13[%add3A_135, %xor3A_831] : memref<128x64xi32, #tpu.memory_space<vmem>>[vector<16xi32>, vector<16xi32>], vector<16xi32>,
          %bitcast3A_835 = vector.bitcast %gather3A_832 : vector<16xi32> to vector<32xbf16>
          %bitcast3A_836 = vector.bitcast %gather3A_833 : vector<16xi32> to vector<32xbf16>
          %bitcast3A_837 = vector.bitcast %gather3A_834 : vector<16xi32> to vector<32xbf16>
          %add3A_838 = arith.addf %bitcast3A_835, %bitcast3A_837 : vector<32xbf16>
          %sub3A_839 = arith.subf %add3A_838, %bitcast3A_836 : vector<32xbf16>
          %bitcast3A_840 = vector.bitcast %sub3A_839 : vector<32xbf16> to vector<16xi32>
          %and3A_841 = arith.constant -65536 : i32
          %and3A_842 = vector.broadcast %and3A_841 : i32 to vector<16xi32>
          %and3A_843 = arith.andi %bitcast3A_840, %and3A_842 : vector<16xi32>
          %bitcast3A_844 = vector.bitcast %and3A_843 : vector<16xi32> to vector<16xf32>
          %shift_left3A_845 = arith.constant 16 : i32
          %shift_left3A_846 = vector.broadcast %shift_left3A_845 : i32 to vector<16xi32>
          %shift_left3A_847 = arith.shli %bitcast3A_840, %shift_left3A_846 : vector<16xi32>
          %bitcast3A_848 = vector.bitcast %shift_left3A_847 : vector<16xi32> to vector<16xf32>
          %mul3A_849 = arith.mulf %bitcast3A_844, %bitcast3A_844 : vector<16xf32>
          %add3A_850 = arith.addf %add3A_823, %mul3A_849 : vector<16xf32>
          %mul3A_851 = arith.mulf %bitcast3A_848, %bitcast3A_848 : vector<16xf32>
          %add3A_852 = arith.addf %add3A_825, %mul3A_851 : vector<16xf32>
          %mul3A_853 = arith.constant 32 : i32
          %mul3A_854 = arith.muli %scan3A_179, %mul3A_853 : i32
          %add3A_855 = arith.constant 25 : i32
          %add3A_856 = arith.addi %mul3A_854, %add3A_855 : i32
          %xor3A_857 = vector.broadcast %add3A_856 : i32 to vector<16xi32>
          %xor3A_858 = arith.xori %xor3A_857, %iota3A : vector<16xi32>
          %gather3A_859 = tpu.vector_load_idx %arg11[%add3A_135, %xor3A_858] : memref<128x64xi32, #tpu.memory_space<vmem>>[vector<16xi32>, vector<16xi32>], vector<16xi32>,
          %gather3A_860 = tpu.vector_load_idx %arg12[%add3A_135, %xor3A_858] : memref<128x64xi32, #tpu.memory_space<vmem>>[vector<16xi32>, vector<16xi32>], vector<16xi32>,
          %gather3A_861 = tpu.vector_load_idx %arg13[%add3A_135, %xor3A_858] : memref<128x64xi32, #tpu.memory_space<vmem>>[vector<16xi32>, vector<16xi32>], vector<16xi32>,
          %bitcast3A_862 = vector.bitcast %gather3A_859 : vector<16xi32> to vector<32xbf16>
          %bitcast3A_863 = vector.bitcast %gather3A_860 : vector<16xi32> to vector<32xbf16>
          %bitcast3A_864 = vector.bitcast %gather3A_861 : vector<16xi32> to vector<32xbf16>
          %add3A_865 = arith.addf %bitcast3A_862, %bitcast3A_864 : vector<32xbf16>
          %sub3A_866 = arith.subf %add3A_865, %bitcast3A_863 : vector<32xbf16>
          %bitcast3A_867 = vector.bitcast %sub3A_866 : vector<32xbf16> to vector<16xi32>
          %and3A_868 = arith.constant -65536 : i32
          %and3A_869 = vector.broadcast %and3A_868 : i32 to vector<16xi32>
          %and3A_870 = arith.andi %bitcast3A_867, %and3A_869 : vector<16xi32>
          %bitcast3A_871 = vector.bitcast %and3A_870 : vector<16xi32> to vector<16xf32>
          %shift_left3A_872 = arith.constant 16 : i32
          %shift_left3A_873 = vector.broadcast %shift_left3A_872 : i32 to vector<16xi32>
          %shift_left3A_874 = arith.shli %bitcast3A_867, %shift_left3A_873 : vector<16xi32>
          %bitcast3A_875 = vector.bitcast %shift_left3A_874 : vector<16xi32> to vector<16xf32>
          %mul3A_876 = arith.mulf %bitcast3A_871, %bitcast3A_871 : vector<16xf32>
          %add3A_877 = arith.addf %add3A_850, %mul3A_876 : vector<16xf32>
          %mul3A_878 = arith.mulf %bitcast3A_875, %bitcast3A_875 : vector<16xf32>
          %add3A_879 = arith.addf %add3A_852, %mul3A_878 : vector<16xf32>
          %mul3A_880 = arith.constant 32 : i32
          %mul3A_881 = arith.muli %scan3A_179, %mul3A_880 : i32
          %add3A_882 = arith.constant 26 : i32
          %add3A_883 = arith.addi %mul3A_881, %add3A_882 : i32
          %xor3A_884 = vector.broadcast %add3A_883 : i32 to vector<16xi32>
          %xor3A_885 = arith.xori %xor3A_884, %iota3A : vector<16xi32>
          %gather3A_886 = tpu.vector_load_idx %arg11[%add3A_135, %xor3A_885] : memref<128x64xi32, #tpu.memory_space<vmem>>[vector<16xi32>, vector<16xi32>], vector<16xi32>,
          %gather3A_887 = tpu.vector_load_idx %arg12[%add3A_135, %xor3A_885] : memref<128x64xi32, #tpu.memory_space<vmem>>[vector<16xi32>, vector<16xi32>], vector<16xi32>,
          %gather3A_888 = tpu.vector_load_idx %arg13[%add3A_135, %xor3A_885] : memref<128x64xi32, #tpu.memory_space<vmem>>[vector<16xi32>, vector<16xi32>], vector<16xi32>,
          %bitcast3A_889 = vector.bitcast %gather3A_886 : vector<16xi32> to vector<32xbf16>
          %bitcast3A_890 = vector.bitcast %gather3A_887 : vector<16xi32> to vector<32xbf16>
          %bitcast3A_891 = vector.bitcast %gather3A_888 : vector<16xi32> to vector<32xbf16>
          %add3A_892 = arith.addf %bitcast3A_889, %bitcast3A_891 : vector<32xbf16>
          %sub3A_893 = arith.subf %add3A_892, %bitcast3A_890 : vector<32xbf16>
          %bitcast3A_894 = vector.bitcast %sub3A_893 : vector<32xbf16> to vector<16xi32>
          %and3A_895 = arith.constant -65536 : i32
          %and3A_896 = vector.broadcast %and3A_895 : i32 to vector<16xi32>
          %and3A_897 = arith.andi %bitcast3A_894, %and3A_896 : vector<16xi32>
          %bitcast3A_898 = vector.bitcast %and3A_897 : vector<16xi32> to vector<16xf32>
          %shift_left3A_899 = arith.constant 16 : i32
          %shift_left3A_900 = vector.broadcast %shift_left3A_899 : i32 to vector<16xi32>
          %shift_left3A_901 = arith.shli %bitcast3A_894, %shift_left3A_900 : vector<16xi32>
          %bitcast3A_902 = vector.bitcast %shift_left3A_901 : vector<16xi32> to vector<16xf32>
          %mul3A_903 = arith.mulf %bitcast3A_898, %bitcast3A_898 : vector<16xf32>
          %add3A_904 = arith.addf %add3A_877, %mul3A_903 : vector<16xf32>
          %mul3A_905 = arith.mulf %bitcast3A_902, %bitcast3A_902 : vector<16xf32>
          %add3A_906 = arith.addf %add3A_879, %mul3A_905 : vector<16xf32>
          %mul3A_907 = arith.constant 32 : i32
          %mul3A_908 = arith.muli %scan3A_179, %mul3A_907 : i32
          %add3A_909 = arith.constant 27 : i32
          %add3A_910 = arith.addi %mul3A_908, %add3A_909 : i32
          %xor3A_911 = vector.broadcast %add3A_910 : i32 to vector<16xi32>
          %xor3A_912 = arith.xori %xor3A_911, %iota3A : vector<16xi32>
          %gather3A_913 = tpu.vector_load_idx %arg11[%add3A_135, %xor3A_912] : memref<128x64xi32, #tpu.memory_space<vmem>>[vector<16xi32>, vector<16xi32>], vector<16xi32>,
          %gather3A_914 = tpu.vector_load_idx %arg12[%add3A_135, %xor3A_912] : memref<128x64xi32, #tpu.memory_space<vmem>>[vector<16xi32>, vector<16xi32>], vector<16xi32>,
          %gather3A_915 = tpu.vector_load_idx %arg13[%add3A_135, %xor3A_912] : memref<128x64xi32, #tpu.memory_space<vmem>>[vector<16xi32>, vector<16xi32>], vector<16xi32>,
          %bitcast3A_916 = vector.bitcast %gather3A_913 : vector<16xi32> to vector<32xbf16>
          %bitcast3A_917 = vector.bitcast %gather3A_914 : vector<16xi32> to vector<32xbf16>
          %bitcast3A_918 = vector.bitcast %gather3A_915 : vector<16xi32> to vector<32xbf16>
          %add3A_919 = arith.addf %bitcast3A_916, %bitcast3A_918 : vector<32xbf16>
          %sub3A_920 = arith.subf %add3A_919, %bitcast3A_917 : vector<32xbf16>
          %bitcast3A_921 = vector.bitcast %sub3A_920 : vector<32xbf16> to vector<16xi32>
          %and3A_922 = arith.constant -65536 : i32
          %and3A_923 = vector.broadcast %and3A_922 : i32 to vector<16xi32>
          %and3A_924 = arith.andi %bitcast3A_921, %and3A_923 : vector<16xi32>
          %bitcast3A_925 = vector.bitcast %and3A_924 : vector<16xi32> to vector<16xf32>
          %shift_left3A_926 = arith.constant 16 : i32
          %shift_left3A_927 = vector.broadcast %shift_left3A_926 : i32 to vector<16xi32>
          %shift_left3A_928 = arith.shli %bitcast3A_921, %shift_left3A_927 : vector<16xi32>
          %bitcast3A_929 = vector.bitcast %shift_left3A_928 : vector<16xi32> to vector<16xf32>
          %mul3A_930 = arith.mulf %bitcast3A_925, %bitcast3A_925 : vector<16xf32>
          %add3A_931 = arith.addf %add3A_904, %mul3A_930 : vector<16xf32>
          %mul3A_932 = arith.mulf %bitcast3A_929, %bitcast3A_929 : vector<16xf32>
          %add3A_933 = arith.addf %add3A_906, %mul3A_932 : vector<16xf32>
          %mul3A_934 = arith.constant 32 : i32
          %mul3A_935 = arith.muli %scan3A_179, %mul3A_934 : i32
          %add3A_936 = arith.constant 28 : i32
          %add3A_937 = arith.addi %mul3A_935, %add3A_936 : i32
          %xor3A_938 = vector.broadcast %add3A_937 : i32 to vector<16xi32>
          %xor3A_939 = arith.xori %xor3A_938, %iota3A : vector<16xi32>
          %gather3A_940 = tpu.vector_load_idx %arg11[%add3A_135, %xor3A_939] : memref<128x64xi32, #tpu.memory_space<vmem>>[vector<16xi32>, vector<16xi32>], vector<16xi32>,
          %gather3A_941 = tpu.vector_load_idx %arg12[%add3A_135, %xor3A_939] : memref<128x64xi32, #tpu.memory_space<vmem>>[vector<16xi32>, vector<16xi32>], vector<16xi32>,
          %gather3A_942 = tpu.vector_load_idx %arg13[%add3A_135, %xor3A_939] : memref<128x64xi32, #tpu.memory_space<vmem>>[vector<16xi32>, vector<16xi32>], vector<16xi32>,
          %bitcast3A_943 = vector.bitcast %gather3A_940 : vector<16xi32> to vector<32xbf16>
          %bitcast3A_944 = vector.bitcast %gather3A_941 : vector<16xi32> to vector<32xbf16>
          %bitcast3A_945 = vector.bitcast %gather3A_942 : vector<16xi32> to vector<32xbf16>
          %add3A_946 = arith.addf %bitcast3A_943, %bitcast3A_945 : vector<32xbf16>
          %sub3A_947 = arith.subf %add3A_946, %bitcast3A_944 : vector<32xbf16>
          %bitcast3A_948 = vector.bitcast %sub3A_947 : vector<32xbf16> to vector<16xi32>
          %and3A_949 = arith.constant -65536 : i32
          %and3A_950 = vector.broadcast %and3A_949 : i32 to vector<16xi32>
          %and3A_951 = arith.andi %bitcast3A_948, %and3A_950 : vector<16xi32>
          %bitcast3A_952 = vector.bitcast %and3A_951 : vector<16xi32> to vector<16xf32>
          %shift_left3A_953 = arith.constant 16 : i32
          %shift_left3A_954 = vector.broadcast %shift_left3A_953 : i32 to vector<16xi32>
          %shift_left3A_955 = arith.shli %bitcast3A_948, %shift_left3A_954 : vector<16xi32>
          %bitcast3A_956 = vector.bitcast %shift_left3A_955 : vector<16xi32> to vector<16xf32>
          %mul3A_957 = arith.mulf %bitcast3A_952, %bitcast3A_952 : vector<16xf32>
          %add3A_958 = arith.addf %add3A_931, %mul3A_957 : vector<16xf32>
          %mul3A_959 = arith.mulf %bitcast3A_956, %bitcast3A_956 : vector<16xf32>
          %add3A_960 = arith.addf %add3A_933, %mul3A_959 : vector<16xf32>
          %mul3A_961 = arith.constant 32 : i32
          %mul3A_962 = arith.muli %scan3A_179, %mul3A_961 : i32
          %add3A_963 = arith.constant 29 : i32
          %add3A_964 = arith.addi %mul3A_962, %add3A_963 : i32
          %xor3A_965 = vector.broadcast %add3A_964 : i32 to vector<16xi32>
          %xor3A_966 = arith.xori %xor3A_965, %iota3A : vector<16xi32>
          %gather3A_967 = tpu.vector_load_idx %arg11[%add3A_135, %xor3A_966] : memref<128x64xi32, #tpu.memory_space<vmem>>[vector<16xi32>, vector<16xi32>], vector<16xi32>,
          %gather3A_968 = tpu.vector_load_idx %arg12[%add3A_135, %xor3A_966] : memref<128x64xi32, #tpu.memory_space<vmem>>[vector<16xi32>, vector<16xi32>], vector<16xi32>,
          %gather3A_969 = tpu.vector_load_idx %arg13[%add3A_135, %xor3A_966] : memref<128x64xi32, #tpu.memory_space<vmem>>[vector<16xi32>, vector<16xi32>], vector<16xi32>,
          %bitcast3A_970 = vector.bitcast %gather3A_967 : vector<16xi32> to vector<32xbf16>
          %bitcast3A_971 = vector.bitcast %gather3A_968 : vector<16xi32> to vector<32xbf16>
          %bitcast3A_972 = vector.bitcast %gather3A_969 : vector<16xi32> to vector<32xbf16>
          %add3A_973 = arith.addf %bitcast3A_970, %bitcast3A_972 : vector<32xbf16>
          %sub3A_974 = arith.subf %add3A_973, %bitcast3A_971 : vector<32xbf16>
          %bitcast3A_975 = vector.bitcast %sub3A_974 : vector<32xbf16> to vector<16xi32>
          %and3A_976 = arith.constant -65536 : i32
          %and3A_977 = vector.broadcast %and3A_976 : i32 to vector<16xi32>
          %and3A_978 = arith.andi %bitcast3A_975, %and3A_977 : vector<16xi32>
          %bitcast3A_979 = vector.bitcast %and3A_978 : vector<16xi32> to vector<16xf32>
          %shift_left3A_980 = arith.constant 16 : i32
          %shift_left3A_981 = vector.broadcast %shift_left3A_980 : i32 to vector<16xi32>
          %shift_left3A_982 = arith.shli %bitcast3A_975, %shift_left3A_981 : vector<16xi32>
          %bitcast3A_983 = vector.bitcast %shift_left3A_982 : vector<16xi32> to vector<16xf32>
          %mul3A_984 = arith.mulf %bitcast3A_979, %bitcast3A_979 : vector<16xf32>
          %add3A_985 = arith.addf %add3A_958, %mul3A_984 : vector<16xf32>
          %mul3A_986 = arith.mulf %bitcast3A_983, %bitcast3A_983 : vector<16xf32>
          %add3A_987 = arith.addf %add3A_960, %mul3A_986 : vector<16xf32>
          %mul3A_988 = arith.constant 32 : i32
          %mul3A_989 = arith.muli %scan3A_179, %mul3A_988 : i32
          %add3A_990 = arith.constant 30 : i32
          %add3A_991 = arith.addi %mul3A_989, %add3A_990 : i32
          %xor3A_992 = vector.broadcast %add3A_991 : i32 to vector<16xi32>
          %xor3A_993 = arith.xori %xor3A_992, %iota3A : vector<16xi32>
          %gather3A_994 = tpu.vector_load_idx %arg11[%add3A_135, %xor3A_993] : memref<128x64xi32, #tpu.memory_space<vmem>>[vector<16xi32>, vector<16xi32>], vector<16xi32>,
          %gather3A_995 = tpu.vector_load_idx %arg12[%add3A_135, %xor3A_993] : memref<128x64xi32, #tpu.memory_space<vmem>>[vector<16xi32>, vector<16xi32>], vector<16xi32>,
          %gather3A_996 = tpu.vector_load_idx %arg13[%add3A_135, %xor3A_993] : memref<128x64xi32, #tpu.memory_space<vmem>>[vector<16xi32>, vector<16xi32>], vector<16xi32>,
          %bitcast3A_997 = vector.bitcast %gather3A_994 : vector<16xi32> to vector<32xbf16>
          %bitcast3A_998 = vector.bitcast %gather3A_995 : vector<16xi32> to vector<32xbf16>
          %bitcast3A_999 = vector.bitcast %gather3A_996 : vector<16xi32> to vector<32xbf16>
          %add3A_1000 = arith.addf %bitcast3A_997, %bitcast3A_999 : vector<32xbf16>
          %sub3A_1001 = arith.subf %add3A_1000, %bitcast3A_998 : vector<32xbf16>
          %bitcast3A_1002 = vector.bitcast %sub3A_1001 : vector<32xbf16> to vector<16xi32>
          %and3A_1003 = arith.constant -65536 : i32
          %and3A_1004 = vector.broadcast %and3A_1003 : i32 to vector<16xi32>
          %and3A_1005 = arith.andi %bitcast3A_1002, %and3A_1004 : vector<16xi32>
          %bitcast3A_1006 = vector.bitcast %and3A_1005 : vector<16xi32> to vector<16xf32>
          %shift_left3A_1007 = arith.constant 16 : i32
          %shift_left3A_1008 = vector.broadcast %shift_left3A_1007 : i32 to vector<16xi32>
          %shift_left3A_1009 = arith.shli %bitcast3A_1002, %shift_left3A_1008 : vector<16xi32>
          %bitcast3A_1010 = vector.bitcast %shift_left3A_1009 : vector<16xi32> to vector<16xf32>
          %mul3A_1011 = arith.mulf %bitcast3A_1006, %bitcast3A_1006 : vector<16xf32>
          %add3A_1012 = arith.addf %add3A_985, %mul3A_1011 : vector<16xf32>
          %mul3A_1013 = arith.mulf %bitcast3A_1010, %bitcast3A_1010 : vector<16xf32>
          %add3A_1014 = arith.addf %add3A_987, %mul3A_1013 : vector<16xf32>
          %mul3A_1015 = arith.constant 32 : i32
          %mul3A_1016 = arith.muli %scan3A_179, %mul3A_1015 : i32
          %add3A_1017 = arith.constant 31 : i32
          %add3A_1018 = arith.addi %mul3A_1016, %add3A_1017 : i32
          %xor3A_1019 = vector.broadcast %add3A_1018 : i32 to vector<16xi32>
          %xor3A_1020 = arith.xori %xor3A_1019, %iota3A : vector<16xi32>
          %gather3A_1021 = tpu.vector_load_idx %arg11[%add3A_135, %xor3A_1020] : memref<128x64xi32, #tpu.memory_space<vmem>>[vector<16xi32>, vector<16xi32>], vector<16xi32>,
          %gather3A_1022 = tpu.vector_load_idx %arg12[%add3A_135, %xor3A_1020] : memref<128x64xi32, #tpu.memory_space<vmem>>[vector<16xi32>, vector<16xi32>], vector<16xi32>,
          %gather3A_1023 = tpu.vector_load_idx %arg13[%add3A_135, %xor3A_1020] : memref<128x64xi32, #tpu.memory_space<vmem>>[vector<16xi32>, vector<16xi32>], vector<16xi32>,
          %bitcast3A_1024 = vector.bitcast %gather3A_1021 : vector<16xi32> to vector<32xbf16>
          %bitcast3A_1025 = vector.bitcast %gather3A_1022 : vector<16xi32> to vector<32xbf16>
          %bitcast3A_1026 = vector.bitcast %gather3A_1023 : vector<16xi32> to vector<32xbf16>
          %add3A_1027 = arith.addf %bitcast3A_1024, %bitcast3A_1026 : vector<32xbf16>
          %sub3A_1028 = arith.subf %add3A_1027, %bitcast3A_1025 : vector<32xbf16>
          %bitcast3A_1029 = vector.bitcast %sub3A_1028 : vector<32xbf16> to vector<16xi32>
          %and3A_1030 = arith.constant -65536 : i32
          %and3A_1031 = vector.broadcast %and3A_1030 : i32 to vector<16xi32>
          %and3A_1032 = arith.andi %bitcast3A_1029, %and3A_1031 : vector<16xi32>
          %bitcast3A_1033 = vector.bitcast %and3A_1032 : vector<16xi32> to vector<16xf32>
          %shift_left3A_1034 = arith.constant 16 : i32
          %shift_left3A_1035 = vector.broadcast %shift_left3A_1034 : i32 to vector<16xi32>
          %shift_left3A_1036 = arith.shli %bitcast3A_1029, %shift_left3A_1035 : vector<16xi32>
          %bitcast3A_1037 = vector.bitcast %shift_left3A_1036 : vector<16xi32> to vector<16xf32>
          %mul3A_1038 = arith.mulf %bitcast3A_1033, %bitcast3A_1033 : vector<16xf32>
          %add3A_1039 = arith.addf %add3A_1012, %mul3A_1038 : vector<16xf32>
          %mul3A_1040 = arith.mulf %bitcast3A_1037, %bitcast3A_1037 : vector<16xf32>
          %add3A_1041 = arith.addf %add3A_1014, %mul3A_1040 : vector<16xf32>
          scf.yield %add3A_1039, %add3A_1041 : vector<16xf32>, vector<16xf32>
        }
        %scan3A_142 = arith.constant 2 : i32
        %add3A_143 = arith.addf %scan3A_141#0, %scan3A_141#1 : vector<16xf32>
        %max3A = arith.constant 1.000000e-30 : f32
        %max3A_144 = vector.broadcast %max3A : f32 to vector<16xf32>
        %max3A_145 = arith.maximumf %add3A_143, %max3A_144 : vector<16xf32>
        %bitcast3A = vector.bitcast %max3A_145 : vector<16xf32> to vector<16xi32>
        %shift_right_arithmetic3A = arith.constant 1 : i32
        %shift_right_arithmetic3A_146 = vector.broadcast %shift_right_arithmetic3A : i32 to vector<16xi32>
        %shift_right_arithmetic3A_147 = arith.shrsi %bitcast3A, %shift_right_arithmetic3A_146 : vector<16xi32>
        %sub3A = arith.constant 1597463007 : i32
        %sub3A_148 = vector.broadcast %sub3A : i32 to vector<16xi32>
        %sub3A_149 = arith.subi %sub3A_148, %shift_right_arithmetic3A_147 : vector<16xi32>
        %bitcast3A_150 = vector.bitcast %sub3A_149 : vector<16xi32> to vector<16xf32>
        %mul3A_151 = arith.constant 5.000000e-01 : f32
        %mul3A_152 = vector.broadcast %mul3A_151 : f32 to vector<16xf32>
        %mul3A_153 = arith.mulf %mul3A_152, %max3A_145 : vector<16xf32>
        %mul3A_154 = arith.mulf %mul3A_153, %bitcast3A_150 : vector<16xf32>
        %mul3A_155 = arith.mulf %mul3A_154, %bitcast3A_150 : vector<16xf32>
        %sub3A_156 = arith.constant 1.500000e+00 : f32
        %sub3A_157 = vector.broadcast %sub3A_156 : f32 to vector<16xf32>
        %sub3A_158 = arith.subf %sub3A_157, %mul3A_155 : vector<16xf32>
        %mul3A_159 = arith.mulf %bitcast3A_150, %sub3A_158 : vector<16xf32>
        %mul3A_160 = arith.mulf %mul3A_153, %mul3A_159 : vector<16xf32>
        %mul3A_161 = arith.mulf %mul3A_160, %mul3A_159 : vector<16xf32>
        %sub3A_162 = arith.constant 1.500000e+00 : f32
        %sub3A_163 = vector.broadcast %sub3A_162 : f32 to vector<16xf32>
        %sub3A_164 = arith.subf %sub3A_163, %mul3A_161 : vector<16xf32>
        %mul3A_165 = arith.mulf %mul3A_159, %sub3A_164 : vector<16xf32>
        %mul3A_166 = arith.mulf %mul3A_153, %mul3A_165 : vector<16xf32>
        %mul3A_167 = arith.mulf %mul3A_166, %mul3A_165 : vector<16xf32>
        %sub3A_168 = arith.constant 1.500000e+00 : f32
        %sub3A_169 = vector.broadcast %sub3A_168 : f32 to vector<16xf32>
        %sub3A_170 = arith.subf %sub3A_169, %mul3A_167 : vector<16xf32>
        %mul3A_171 = arith.mulf %mul3A_165, %sub3A_170 : vector<16xf32>
        %mul3A_172 = arith.mulf %max3A_145, %mul3A_171 : vector<16xf32>
        %mul3A_173 = arith.constant 128 : i32
        %mul3A_174 = arith.muli %mul3A_46, %mul3A_173 : i32
        %mul3A_175 = arith.constant 16 : i32
        %mul3A_176 = arith.muli %scan3A_131, %mul3A_175 : i32
        %add3A_177 = arith.addi %mul3A_174, %mul3A_176 : i32
        %swap3A = arith.index_cast %add3A_177 : i32 to index
        %swap3A_178 = tpu.vector_load %arg17[%swap3A] {strides = array<i32>} : memref<18816xf32, #tpu.memory_space<vmem>>, vector<16xf32>,
        tpu.vector_store %arg17[%swap3A], %mul3A_172 {strides = array<i32>} : memref<18816xf32, #tpu.memory_space<vmem>>, vector<16xf32>,
      }
      %scan3A_86 = arith.constant 8 : i32
      %add3A_87 = arith.constant 2 : i32
      %add3A_88 = arith.addi %mul3A_46, %add3A_87 : i32
      %mul3A_89 = arith.constant 128 : i32
      %mul3A_90 = arith.muli %add3A_88, %mul3A_89 : i32
      %dma_start3A_91 = tpu.memref_slice %arg8[%mul3A_90] : memref<18816xi32, #tpu.memory_space<vmem>> -> memref<128xi32, #tpu.memory_space<vmem>>
      %dma_start3A_92 = arith.constant 0 : i32
      %dma_start3A_93 = arith.constant 0 : i32
      %dma_start3A_94 = tpu.memref_slice %arg2[%dma_start3A_92, %dma_start3A_93] : memref<100000x64xi32, #tpu.memory_space<hbm>> -> memref<100000x64xi32, #tpu.memory_space<hbm>>
      tpu.enqueue_indirect_dma source(%dma_start3A_94 : memref<100000x64xi32, #tpu.memory_space<hbm>>) target(%arg11 : memref<128x64xi32, #tpu.memory_space<vmem>>) offsets(%dma_start3A_91 : memref<128xi32, #tpu.memory_space<vmem>>) semaphore(%arg18 : memref<!tpu.dma_semaphore, #tpu.memory_space<semaphore_mem>>)
      %mul3A_95 = arith.constant 128 : i32
      %mul3A_96 = arith.muli %add3A_88, %mul3A_95 : i32
      %dma_start3A_97 = tpu.memref_slice %arg9[%mul3A_96] : memref<18816xi32, #tpu.memory_space<vmem>> -> memref<128xi32, #tpu.memory_space<vmem>>
      %dma_start3A_98 = arith.constant 0 : i32
      %dma_start3A_99 = arith.constant 0 : i32
      %dma_start3A_100 = tpu.memref_slice %arg2[%dma_start3A_98, %dma_start3A_99] : memref<100000x64xi32, #tpu.memory_space<hbm>> -> memref<100000x64xi32, #tpu.memory_space<hbm>>
      tpu.enqueue_indirect_dma source(%dma_start3A_100 : memref<100000x64xi32, #tpu.memory_space<hbm>>) target(%arg12 : memref<128x64xi32, #tpu.memory_space<vmem>>) offsets(%dma_start3A_97 : memref<128xi32, #tpu.memory_space<vmem>>) semaphore(%arg19 : memref<!tpu.dma_semaphore, #tpu.memory_space<semaphore_mem>>)
      %mul3A_101 = arith.constant 128 : i32
      %mul3A_102 = arith.muli %add3A_88, %mul3A_101 : i32
      %dma_start3A_103 = tpu.memref_slice %arg10[%mul3A_102] : memref<18816xi32, #tpu.memory_space<vmem>> -> memref<128xi32, #tpu.memory_space<vmem>>
      %dma_start3A_104 = arith.constant 0 : i32
      %dma_start3A_105 = arith.constant 0 : i32
      %dma_start3A_106 = tpu.memref_slice %arg3[%dma_start3A_104, %dma_start3A_105] : memref<1000x64xi32, #tpu.memory_space<hbm>> -> memref<1000x64xi32, #tpu.memory_space<hbm>>
      tpu.enqueue_indirect_dma source(%dma_start3A_106 : memref<1000x64xi32, #tpu.memory_space<hbm>>) target(%arg13 : memref<128x64xi32, #tpu.memory_space<vmem>>) offsets(%dma_start3A_103 : memref<128xi32, #tpu.memory_space<vmem>>) semaphore(%arg20 : memref<!tpu.dma_semaphore, #tpu.memory_space<semaphore_mem>>)
      %add3A_107 = arith.constant 1 : i32
      %add3A_108 = arith.addi %mul3A_46, %add3A_107 : i32
      %mul3A_109 = arith.constant 128 : i32
      %mul3A_110 = arith.muli %add3A_108, %mul3A_109 : i32
      %dma_wait3A_111 = tpu.memref_slice %arg8[%mul3A_110] : memref<18816xi32, #tpu.memory_space<vmem>> -> memref<128xi32, #tpu.memory_space<vmem>>
      %dma_wait3A_112 = arith.constant 0 : i32
      %dma_wait3A_113 = arith.constant 0 : i32
      %dma_wait3A_114 = tpu.memref_slice %arg2[%dma_wait3A_112, %dma_wait3A_113] : memref<100000x64xi32, #tpu.memory_space<hbm>> -> memref<100000x64xi32, #tpu.memory_space<hbm>>
      tpu.wait_indirect_dma semaphore(%arg21 : memref<!tpu.dma_semaphore, #tpu.memory_space<semaphore_mem>>) src(%dma_wait3A_114 : memref<100000x64xi32, #tpu.memory_space<hbm>>) dst(%arg14 : memref<128x64xi32, #tpu.memory_space<vmem>>)
      %dma_wait3A_115 = tpu.memref_slice %arg9[%mul3A_110] : memref<18816xi32, #tpu.memory_space<vmem>> -> memref<128xi32, #tpu.memory_space<vmem>>
      %dma_wait3A_116 = arith.constant 0 : i32
      %dma_wait3A_117 = arith.constant 0 : i32
      %dma_wait3A_118 = tpu.memref_slice %arg2[%dma_wait3A_116, %dma_wait3A_117] : memref<100000x64xi32, #tpu.memory_space<hbm>> -> memref<100000x64xi32, #tpu.memory_space<hbm>>
      tpu.wait_indirect_dma semaphore(%arg22 : memref<!tpu.dma_semaphore, #tpu.memory_space<semaphore_mem>>) src(%dma_wait3A_118 : memref<100000x64xi32, #tpu.memory_space<hbm>>) dst(%arg15 : memref<128x64xi32, #tpu.memory_space<vmem>>)
      %dma_wait3A_119 = tpu.memref_slice %arg10[%mul3A_110] : memref<18816xi32, #tpu.memory_space<vmem>> -> memref<128xi32, #tpu.memory_space<vmem>>
      %dma_wait3A_120 = arith.constant 0 : i32
      %dma_wait3A_121 = arith.constant 0 : i32
      %dma_wait3A_122 = tpu.memref_slice %arg3[%dma_wait3A_120, %dma_wait3A_121] : memref<1000x64xi32, #tpu.memory_space<hbm>> -> memref<1000x64xi32, #tpu.memory_space<hbm>>
      tpu.wait_indirect_dma semaphore(%arg23 : memref<!tpu.dma_semaphore, #tpu.memory_space<semaphore_mem>>) src(%dma_wait3A_122 : memref<1000x64xi32, #tpu.memory_space<hbm>>) dst(%arg16 : memref<128x64xi32, #tpu.memory_space<vmem>>)
      %add3A_123 = arith.constant 1 : i32
      %add3A_124 = arith.addi %mul3A_46, %add3A_123 : i32
      %scan3A_125 = arith.constant 0 : i32
      %scan3A_126 = arith.constant 0 : i32
      %scan3A_127 = arith.constant 8 : i32
      %scan3A_128 = arith.addi %scan3A_126, %scan3A_127 : i32
      %scan3A_129 = arith.constant 1 : i32
      scf.for %scan3A_131 = %scan3A_126 to %scan3A_128 step %scan3A_129  : i32 {
        %mul3A_132 = arith.constant 16 : i32
        %mul3A_133 = arith.muli %scan3A_131, %mul3A_132 : i32
        %add3A_134 = vector.broadcast %mul3A_133 : i32 to vector<16xi32>
        %add3A_135 = arith.addi %add3A_134, %iota3A : vector<16xi32>
        %broadcast_in_dim3A = arith.constant 0.000000e+00 : f32
        %broadcast_in_dim3A_136 = vector.broadcast %broadcast_in_dim3A : f32 to vector<16xf32>
        %scan3A_137 = arith.constant 0 : i32
        %scan3A_138 = arith.constant 2 : i32
        %scan3A_139 = arith.addi %scan3A_137, %scan3A_138 : i32
        %scan3A_140 = arith.constant 1 : i32
        %scan3A_141:2 = scf.for %scan3A_179 = %scan3A_137 to %scan3A_139 step %scan3A_140 iter_args(%scan3A_180 = %broadcast_in_dim3A_136, %scan3A_181 = %broadcast_in_dim3A_136) -> (vector<16xf32>, vector<16xf32>)  : i32 {
          %mul3A_182 = arith.constant 32 : i32
          %mul3A_183 = arith.muli %scan3A_179, %mul3A_182 : i32
          %add3A_184 = arith.constant 0 : i32
          %add3A_185 = arith.addi %mul3A_183, %add3A_184 : i32
          %xor3A = vector.broadcast %add3A_185 : i32 to vector<16xi32>
          %xor3A_186 = arith.xori %xor3A, %iota3A : vector<16xi32>
          %gather3A = tpu.vector_load_idx %arg14[%add3A_135, %xor3A_186] : memref<128x64xi32, #tpu.memory_space<vmem>>[vector<16xi32>, vector<16xi32>], vector<16xi32>,
          %gather3A_187 = tpu.vector_load_idx %arg15[%add3A_135, %xor3A_186] : memref<128x64xi32, #tpu.memory_space<vmem>>[vector<16xi32>, vector<16xi32>], vector<16xi32>,
          %gather3A_188 = tpu.vector_load_idx %arg16[%add3A_135, %xor3A_186] : memref<128x64xi32, #tpu.memory_space<vmem>>[vector<16xi32>, vector<16xi32>], vector<16xi32>,
          %bitcast3A_189 = vector.bitcast %gather3A : vector<16xi32> to vector<32xbf16>
          %bitcast3A_190 = vector.bitcast %gather3A_187 : vector<16xi32> to vector<32xbf16>
          %bitcast3A_191 = vector.bitcast %gather3A_188 : vector<16xi32> to vector<32xbf16>
          %add3A_192 = arith.addf %bitcast3A_189, %bitcast3A_191 : vector<32xbf16>
          %sub3A_193 = arith.subf %add3A_192, %bitcast3A_190 : vector<32xbf16>
          %bitcast3A_194 = vector.bitcast %sub3A_193 : vector<32xbf16> to vector<16xi32>
          %and3A = arith.constant -65536 : i32
          %and3A_195 = vector.broadcast %and3A : i32 to vector<16xi32>
          %and3A_196 = arith.andi %bitcast3A_194, %and3A_195 : vector<16xi32>
          %bitcast3A_197 = vector.bitcast %and3A_196 : vector<16xi32> to vector<16xf32>
          %shift_left3A = arith.constant 16 : i32
          %shift_left3A_198 = vector.broadcast %shift_left3A : i32 to vector<16xi32>
          %shift_left3A_199 = arith.shli %bitcast3A_194, %shift_left3A_198 : vector<16xi32>
          %bitcast3A_200 = vector.bitcast %shift_left3A_199 : vector<16xi32> to vector<16xf32>
          %mul3A_201 = arith.mulf %bitcast3A_197, %bitcast3A_197 : vector<16xf32>
          %add3A_202 = arith.addf %scan3A_180, %mul3A_201 : vector<16xf32>
          %mul3A_203 = arith.mulf %bitcast3A_200, %bitcast3A_200 : vector<16xf32>
          %add3A_204 = arith.addf %scan3A_181, %mul3A_203 : vector<16xf32>
          %mul3A_205 = arith.constant 32 : i32
          %mul3A_206 = arith.muli %scan3A_179, %mul3A_205 : i32
          %add3A_207 = arith.constant 1 : i32
          %add3A_208 = arith.addi %mul3A_206, %add3A_207 : i32
          %xor3A_209 = vector.broadcast %add3A_208 : i32 to vector<16xi32>
          %xor3A_210 = arith.xori %xor3A_209, %iota3A : vector<16xi32>
          %gather3A_211 = tpu.vector_load_idx %arg14[%add3A_135, %xor3A_210] : memref<128x64xi32, #tpu.memory_space<vmem>>[vector<16xi32>, vector<16xi32>], vector<16xi32>,
          %gather3A_212 = tpu.vector_load_idx %arg15[%add3A_135, %xor3A_210] : memref<128x64xi32, #tpu.memory_space<vmem>>[vector<16xi32>, vector<16xi32>], vector<16xi32>,
          %gather3A_213 = tpu.vector_load_idx %arg16[%add3A_135, %xor3A_210] : memref<128x64xi32, #tpu.memory_space<vmem>>[vector<16xi32>, vector<16xi32>], vector<16xi32>,
          %bitcast3A_214 = vector.bitcast %gather3A_211 : vector<16xi32> to vector<32xbf16>
          %bitcast3A_215 = vector.bitcast %gather3A_212 : vector<16xi32> to vector<32xbf16>
          %bitcast3A_216 = vector.bitcast %gather3A_213 : vector<16xi32> to vector<32xbf16>
          %add3A_217 = arith.addf %bitcast3A_214, %bitcast3A_216 : vector<32xbf16>
          %sub3A_218 = arith.subf %add3A_217, %bitcast3A_215 : vector<32xbf16>
          %bitcast3A_219 = vector.bitcast %sub3A_218 : vector<32xbf16> to vector<16xi32>
          %and3A_220 = arith.constant -65536 : i32
          %and3A_221 = vector.broadcast %and3A_220 : i32 to vector<16xi32>
          %and3A_222 = arith.andi %bitcast3A_219, %and3A_221 : vector<16xi32>
          %bitcast3A_223 = vector.bitcast %and3A_222 : vector<16xi32> to vector<16xf32>
          %shift_left3A_224 = arith.constant 16 : i32
          %shift_left3A_225 = vector.broadcast %shift_left3A_224 : i32 to vector<16xi32>
          %shift_left3A_226 = arith.shli %bitcast3A_219, %shift_left3A_225 : vector<16xi32>
          %bitcast3A_227 = vector.bitcast %shift_left3A_226 : vector<16xi32> to vector<16xf32>
          %mul3A_228 = arith.mulf %bitcast3A_223, %bitcast3A_223 : vector<16xf32>
          %add3A_229 = arith.addf %add3A_202, %mul3A_228 : vector<16xf32>
          %mul3A_230 = arith.mulf %bitcast3A_227, %bitcast3A_227 : vector<16xf32>
          %add3A_231 = arith.addf %add3A_204, %mul3A_230 : vector<16xf32>
          %mul3A_232 = arith.constant 32 : i32
          %mul3A_233 = arith.muli %scan3A_179, %mul3A_232 : i32
          %add3A_234 = arith.constant 2 : i32
          %add3A_235 = arith.addi %mul3A_233, %add3A_234 : i32
          %xor3A_236 = vector.broadcast %add3A_235 : i32 to vector<16xi32>
          %xor3A_237 = arith.xori %xor3A_236, %iota3A : vector<16xi32>
          %gather3A_238 = tpu.vector_load_idx %arg14[%add3A_135, %xor3A_237] : memref<128x64xi32, #tpu.memory_space<vmem>>[vector<16xi32>, vector<16xi32>], vector<16xi32>,
          %gather3A_239 = tpu.vector_load_idx %arg15[%add3A_135, %xor3A_237] : memref<128x64xi32, #tpu.memory_space<vmem>>[vector<16xi32>, vector<16xi32>], vector<16xi32>,
          %gather3A_240 = tpu.vector_load_idx %arg16[%add3A_135, %xor3A_237] : memref<128x64xi32, #tpu.memory_space<vmem>>[vector<16xi32>, vector<16xi32>], vector<16xi32>,
          %bitcast3A_241 = vector.bitcast %gather3A_238 : vector<16xi32> to vector<32xbf16>
          %bitcast3A_242 = vector.bitcast %gather3A_239 : vector<16xi32> to vector<32xbf16>
          %bitcast3A_243 = vector.bitcast %gather3A_240 : vector<16xi32> to vector<32xbf16>
          %add3A_244 = arith.addf %bitcast3A_241, %bitcast3A_243 : vector<32xbf16>
          %sub3A_245 = arith.subf %add3A_244, %bitcast3A_242 : vector<32xbf16>
          %bitcast3A_246 = vector.bitcast %sub3A_245 : vector<32xbf16> to vector<16xi32>
          %and3A_247 = arith.constant -65536 : i32
          %and3A_248 = vector.broadcast %and3A_247 : i32 to vector<16xi32>
          %and3A_249 = arith.andi %bitcast3A_246, %and3A_248 : vector<16xi32>
          %bitcast3A_250 = vector.bitcast %and3A_249 : vector<16xi32> to vector<16xf32>
          %shift_left3A_251 = arith.constant 16 : i32
          %shift_left3A_252 = vector.broadcast %shift_left3A_251 : i32 to vector<16xi32>
          %shift_left3A_253 = arith.shli %bitcast3A_246, %shift_left3A_252 : vector<16xi32>
          %bitcast3A_254 = vector.bitcast %shift_left3A_253 : vector<16xi32> to vector<16xf32>
          %mul3A_255 = arith.mulf %bitcast3A_250, %bitcast3A_250 : vector<16xf32>
          %add3A_256 = arith.addf %add3A_229, %mul3A_255 : vector<16xf32>
          %mul3A_257 = arith.mulf %bitcast3A_254, %bitcast3A_254 : vector<16xf32>
          %add3A_258 = arith.addf %add3A_231, %mul3A_257 : vector<16xf32>
          %mul3A_259 = arith.constant 32 : i32
          %mul3A_260 = arith.muli %scan3A_179, %mul3A_259 : i32
          %add3A_261 = arith.constant 3 : i32
          %add3A_262 = arith.addi %mul3A_260, %add3A_261 : i32
          %xor3A_263 = vector.broadcast %add3A_262 : i32 to vector<16xi32>
          %xor3A_264 = arith.xori %xor3A_263, %iota3A : vector<16xi32>
          %gather3A_265 = tpu.vector_load_idx %arg14[%add3A_135, %xor3A_264] : memref<128x64xi32, #tpu.memory_space<vmem>>[vector<16xi32>, vector<16xi32>], vector<16xi32>,
          %gather3A_266 = tpu.vector_load_idx %arg15[%add3A_135, %xor3A_264] : memref<128x64xi32, #tpu.memory_space<vmem>>[vector<16xi32>, vector<16xi32>], vector<16xi32>,
          %gather3A_267 = tpu.vector_load_idx %arg16[%add3A_135, %xor3A_264] : memref<128x64xi32, #tpu.memory_space<vmem>>[vector<16xi32>, vector<16xi32>], vector<16xi32>,
          %bitcast3A_268 = vector.bitcast %gather3A_265 : vector<16xi32> to vector<32xbf16>
          %bitcast3A_269 = vector.bitcast %gather3A_266 : vector<16xi32> to vector<32xbf16>
          %bitcast3A_270 = vector.bitcast %gather3A_267 : vector<16xi32> to vector<32xbf16>
          %add3A_271 = arith.addf %bitcast3A_268, %bitcast3A_270 : vector<32xbf16>
          %sub3A_272 = arith.subf %add3A_271, %bitcast3A_269 : vector<32xbf16>
          %bitcast3A_273 = vector.bitcast %sub3A_272 : vector<32xbf16> to vector<16xi32>
          %and3A_274 = arith.constant -65536 : i32
          %and3A_275 = vector.broadcast %and3A_274 : i32 to vector<16xi32>
          %and3A_276 = arith.andi %bitcast3A_273, %and3A_275 : vector<16xi32>
          %bitcast3A_277 = vector.bitcast %and3A_276 : vector<16xi32> to vector<16xf32>
          %shift_left3A_278 = arith.constant 16 : i32
          %shift_left3A_279 = vector.broadcast %shift_left3A_278 : i32 to vector<16xi32>
          %shift_left3A_280 = arith.shli %bitcast3A_273, %shift_left3A_279 : vector<16xi32>
          %bitcast3A_281 = vector.bitcast %shift_left3A_280 : vector<16xi32> to vector<16xf32>
          %mul3A_282 = arith.mulf %bitcast3A_277, %bitcast3A_277 : vector<16xf32>
          %add3A_283 = arith.addf %add3A_256, %mul3A_282 : vector<16xf32>
          %mul3A_284 = arith.mulf %bitcast3A_281, %bitcast3A_281 : vector<16xf32>
          %add3A_285 = arith.addf %add3A_258, %mul3A_284 : vector<16xf32>
          %mul3A_286 = arith.constant 32 : i32
          %mul3A_287 = arith.muli %scan3A_179, %mul3A_286 : i32
          %add3A_288 = arith.constant 4 : i32
          %add3A_289 = arith.addi %mul3A_287, %add3A_288 : i32
          %xor3A_290 = vector.broadcast %add3A_289 : i32 to vector<16xi32>
          %xor3A_291 = arith.xori %xor3A_290, %iota3A : vector<16xi32>
          %gather3A_292 = tpu.vector_load_idx %arg14[%add3A_135, %xor3A_291] : memref<128x64xi32, #tpu.memory_space<vmem>>[vector<16xi32>, vector<16xi32>], vector<16xi32>,
          %gather3A_293 = tpu.vector_load_idx %arg15[%add3A_135, %xor3A_291] : memref<128x64xi32, #tpu.memory_space<vmem>>[vector<16xi32>, vector<16xi32>], vector<16xi32>,
          %gather3A_294 = tpu.vector_load_idx %arg16[%add3A_135, %xor3A_291] : memref<128x64xi32, #tpu.memory_space<vmem>>[vector<16xi32>, vector<16xi32>], vector<16xi32>,
          %bitcast3A_295 = vector.bitcast %gather3A_292 : vector<16xi32> to vector<32xbf16>
          %bitcast3A_296 = vector.bitcast %gather3A_293 : vector<16xi32> to vector<32xbf16>
          %bitcast3A_297 = vector.bitcast %gather3A_294 : vector<16xi32> to vector<32xbf16>
          %add3A_298 = arith.addf %bitcast3A_295, %bitcast3A_297 : vector<32xbf16>
          %sub3A_299 = arith.subf %add3A_298, %bitcast3A_296 : vector<32xbf16>
          %bitcast3A_300 = vector.bitcast %sub3A_299 : vector<32xbf16> to vector<16xi32>
          %and3A_301 = arith.constant -65536 : i32
          %and3A_302 = vector.broadcast %and3A_301 : i32 to vector<16xi32>
          %and3A_303 = arith.andi %bitcast3A_300, %and3A_302 : vector<16xi32>
          %bitcast3A_304 = vector.bitcast %and3A_303 : vector<16xi32> to vector<16xf32>
          %shift_left3A_305 = arith.constant 16 : i32
          %shift_left3A_306 = vector.broadcast %shift_left3A_305 : i32 to vector<16xi32>
          %shift_left3A_307 = arith.shli %bitcast3A_300, %shift_left3A_306 : vector<16xi32>
          %bitcast3A_308 = vector.bitcast %shift_left3A_307 : vector<16xi32> to vector<16xf32>
          %mul3A_309 = arith.mulf %bitcast3A_304, %bitcast3A_304 : vector<16xf32>
          %add3A_310 = arith.addf %add3A_283, %mul3A_309 : vector<16xf32>
          %mul3A_311 = arith.mulf %bitcast3A_308, %bitcast3A_308 : vector<16xf32>
          %add3A_312 = arith.addf %add3A_285, %mul3A_311 : vector<16xf32>
          %mul3A_313 = arith.constant 32 : i32
          %mul3A_314 = arith.muli %scan3A_179, %mul3A_313 : i32
          %add3A_315 = arith.constant 5 : i32
          %add3A_316 = arith.addi %mul3A_314, %add3A_315 : i32
          %xor3A_317 = vector.broadcast %add3A_316 : i32 to vector<16xi32>
          %xor3A_318 = arith.xori %xor3A_317, %iota3A : vector<16xi32>
          %gather3A_319 = tpu.vector_load_idx %arg14[%add3A_135, %xor3A_318] : memref<128x64xi32, #tpu.memory_space<vmem>>[vector<16xi32>, vector<16xi32>], vector<16xi32>,
          %gather3A_320 = tpu.vector_load_idx %arg15[%add3A_135, %xor3A_318] : memref<128x64xi32, #tpu.memory_space<vmem>>[vector<16xi32>, vector<16xi32>], vector<16xi32>,
          %gather3A_321 = tpu.vector_load_idx %arg16[%add3A_135, %xor3A_318] : memref<128x64xi32, #tpu.memory_space<vmem>>[vector<16xi32>, vector<16xi32>], vector<16xi32>,
          %bitcast3A_322 = vector.bitcast %gather3A_319 : vector<16xi32> to vector<32xbf16>
          %bitcast3A_323 = vector.bitcast %gather3A_320 : vector<16xi32> to vector<32xbf16>
          %bitcast3A_324 = vector.bitcast %gather3A_321 : vector<16xi32> to vector<32xbf16>
          %add3A_325 = arith.addf %bitcast3A_322, %bitcast3A_324 : vector<32xbf16>
          %sub3A_326 = arith.subf %add3A_325, %bitcast3A_323 : vector<32xbf16>
          %bitcast3A_327 = vector.bitcast %sub3A_326 : vector<32xbf16> to vector<16xi32>
          %and3A_328 = arith.constant -65536 : i32
          %and3A_329 = vector.broadcast %and3A_328 : i32 to vector<16xi32>
          %and3A_330 = arith.andi %bitcast3A_327, %and3A_329 : vector<16xi32>
          %bitcast3A_331 = vector.bitcast %and3A_330 : vector<16xi32> to vector<16xf32>
          %shift_left3A_332 = arith.constant 16 : i32
          %shift_left3A_333 = vector.broadcast %shift_left3A_332 : i32 to vector<16xi32>
          %shift_left3A_334 = arith.shli %bitcast3A_327, %shift_left3A_333 : vector<16xi32>
          %bitcast3A_335 = vector.bitcast %shift_left3A_334 : vector<16xi32> to vector<16xf32>
          %mul3A_336 = arith.mulf %bitcast3A_331, %bitcast3A_331 : vector<16xf32>
          %add3A_337 = arith.addf %add3A_310, %mul3A_336 : vector<16xf32>
          %mul3A_338 = arith.mulf %bitcast3A_335, %bitcast3A_335 : vector<16xf32>
          %add3A_339 = arith.addf %add3A_312, %mul3A_338 : vector<16xf32>
          %mul3A_340 = arith.constant 32 : i32
          %mul3A_341 = arith.muli %scan3A_179, %mul3A_340 : i32
          %add3A_342 = arith.constant 6 : i32
          %add3A_343 = arith.addi %mul3A_341, %add3A_342 : i32
          %xor3A_344 = vector.broadcast %add3A_343 : i32 to vector<16xi32>
          %xor3A_345 = arith.xori %xor3A_344, %iota3A : vector<16xi32>
          %gather3A_346 = tpu.vector_load_idx %arg14[%add3A_135, %xor3A_345] : memref<128x64xi32, #tpu.memory_space<vmem>>[vector<16xi32>, vector<16xi32>], vector<16xi32>,
          %gather3A_347 = tpu.vector_load_idx %arg15[%add3A_135, %xor3A_345] : memref<128x64xi32, #tpu.memory_space<vmem>>[vector<16xi32>, vector<16xi32>], vector<16xi32>,
          %gather3A_348 = tpu.vector_load_idx %arg16[%add3A_135, %xor3A_345] : memref<128x64xi32, #tpu.memory_space<vmem>>[vector<16xi32>, vector<16xi32>], vector<16xi32>,
          %bitcast3A_349 = vector.bitcast %gather3A_346 : vector<16xi32> to vector<32xbf16>
          %bitcast3A_350 = vector.bitcast %gather3A_347 : vector<16xi32> to vector<32xbf16>
          %bitcast3A_351 = vector.bitcast %gather3A_348 : vector<16xi32> to vector<32xbf16>
          %add3A_352 = arith.addf %bitcast3A_349, %bitcast3A_351 : vector<32xbf16>
          %sub3A_353 = arith.subf %add3A_352, %bitcast3A_350 : vector<32xbf16>
          %bitcast3A_354 = vector.bitcast %sub3A_353 : vector<32xbf16> to vector<16xi32>
          %and3A_355 = arith.constant -65536 : i32
          %and3A_356 = vector.broadcast %and3A_355 : i32 to vector<16xi32>
          %and3A_357 = arith.andi %bitcast3A_354, %and3A_356 : vector<16xi32>
          %bitcast3A_358 = vector.bitcast %and3A_357 : vector<16xi32> to vector<16xf32>
          %shift_left3A_359 = arith.constant 16 : i32
          %shift_left3A_360 = vector.broadcast %shift_left3A_359 : i32 to vector<16xi32>
          %shift_left3A_361 = arith.shli %bitcast3A_354, %shift_left3A_360 : vector<16xi32>
          %bitcast3A_362 = vector.bitcast %shift_left3A_361 : vector<16xi32> to vector<16xf32>
          %mul3A_363 = arith.mulf %bitcast3A_358, %bitcast3A_358 : vector<16xf32>
          %add3A_364 = arith.addf %add3A_337, %mul3A_363 : vector<16xf32>
          %mul3A_365 = arith.mulf %bitcast3A_362, %bitcast3A_362 : vector<16xf32>
          %add3A_366 = arith.addf %add3A_339, %mul3A_365 : vector<16xf32>
          %mul3A_367 = arith.constant 32 : i32
          %mul3A_368 = arith.muli %scan3A_179, %mul3A_367 : i32
          %add3A_369 = arith.constant 7 : i32
          %add3A_370 = arith.addi %mul3A_368, %add3A_369 : i32
          %xor3A_371 = vector.broadcast %add3A_370 : i32 to vector<16xi32>
          %xor3A_372 = arith.xori %xor3A_371, %iota3A : vector<16xi32>
          %gather3A_373 = tpu.vector_load_idx %arg14[%add3A_135, %xor3A_372] : memref<128x64xi32, #tpu.memory_space<vmem>>[vector<16xi32>, vector<16xi32>], vector<16xi32>,
          %gather3A_374 = tpu.vector_load_idx %arg15[%add3A_135, %xor3A_372] : memref<128x64xi32, #tpu.memory_space<vmem>>[vector<16xi32>, vector<16xi32>], vector<16xi32>,
          %gather3A_375 = tpu.vector_load_idx %arg16[%add3A_135, %xor3A_372] : memref<128x64xi32, #tpu.memory_space<vmem>>[vector<16xi32>, vector<16xi32>], vector<16xi32>,
          %bitcast3A_376 = vector.bitcast %gather3A_373 : vector<16xi32> to vector<32xbf16>
          %bitcast3A_377 = vector.bitcast %gather3A_374 : vector<16xi32> to vector<32xbf16>
          %bitcast3A_378 = vector.bitcast %gather3A_375 : vector<16xi32> to vector<32xbf16>
          %add3A_379 = arith.addf %bitcast3A_376, %bitcast3A_378 : vector<32xbf16>
          %sub3A_380 = arith.subf %add3A_379, %bitcast3A_377 : vector<32xbf16>
          %bitcast3A_381 = vector.bitcast %sub3A_380 : vector<32xbf16> to vector<16xi32>
          %and3A_382 = arith.constant -65536 : i32
          %and3A_383 = vector.broadcast %and3A_382 : i32 to vector<16xi32>
          %and3A_384 = arith.andi %bitcast3A_381, %and3A_383 : vector<16xi32>
          %bitcast3A_385 = vector.bitcast %and3A_384 : vector<16xi32> to vector<16xf32>
          %shift_left3A_386 = arith.constant 16 : i32
          %shift_left3A_387 = vector.broadcast %shift_left3A_386 : i32 to vector<16xi32>
          %shift_left3A_388 = arith.shli %bitcast3A_381, %shift_left3A_387 : vector<16xi32>
          %bitcast3A_389 = vector.bitcast %shift_left3A_388 : vector<16xi32> to vector<16xf32>
          %mul3A_390 = arith.mulf %bitcast3A_385, %bitcast3A_385 : vector<16xf32>
          %add3A_391 = arith.addf %add3A_364, %mul3A_390 : vector<16xf32>
          %mul3A_392 = arith.mulf %bitcast3A_389, %bitcast3A_389 : vector<16xf32>
          %add3A_393 = arith.addf %add3A_366, %mul3A_392 : vector<16xf32>
          %mul3A_394 = arith.constant 32 : i32
          %mul3A_395 = arith.muli %scan3A_179, %mul3A_394 : i32
          %add3A_396 = arith.constant 8 : i32
          %add3A_397 = arith.addi %mul3A_395, %add3A_396 : i32
          %xor3A_398 = vector.broadcast %add3A_397 : i32 to vector<16xi32>
          %xor3A_399 = arith.xori %xor3A_398, %iota3A : vector<16xi32>
          %gather3A_400 = tpu.vector_load_idx %arg14[%add3A_135, %xor3A_399] : memref<128x64xi32, #tpu.memory_space<vmem>>[vector<16xi32>, vector<16xi32>], vector<16xi32>,
          %gather3A_401 = tpu.vector_load_idx %arg15[%add3A_135, %xor3A_399] : memref<128x64xi32, #tpu.memory_space<vmem>>[vector<16xi32>, vector<16xi32>], vector<16xi32>,
          %gather3A_402 = tpu.vector_load_idx %arg16[%add3A_135, %xor3A_399] : memref<128x64xi32, #tpu.memory_space<vmem>>[vector<16xi32>, vector<16xi32>], vector<16xi32>,
          %bitcast3A_403 = vector.bitcast %gather3A_400 : vector<16xi32> to vector<32xbf16>
          %bitcast3A_404 = vector.bitcast %gather3A_401 : vector<16xi32> to vector<32xbf16>
          %bitcast3A_405 = vector.bitcast %gather3A_402 : vector<16xi32> to vector<32xbf16>
          %add3A_406 = arith.addf %bitcast3A_403, %bitcast3A_405 : vector<32xbf16>
          %sub3A_407 = arith.subf %add3A_406, %bitcast3A_404 : vector<32xbf16>
          %bitcast3A_408 = vector.bitcast %sub3A_407 : vector<32xbf16> to vector<16xi32>
          %and3A_409 = arith.constant -65536 : i32
          %and3A_410 = vector.broadcast %and3A_409 : i32 to vector<16xi32>
          %and3A_411 = arith.andi %bitcast3A_408, %and3A_410 : vector<16xi32>
          %bitcast3A_412 = vector.bitcast %and3A_411 : vector<16xi32> to vector<16xf32>
          %shift_left3A_413 = arith.constant 16 : i32
          %shift_left3A_414 = vector.broadcast %shift_left3A_413 : i32 to vector<16xi32>
          %shift_left3A_415 = arith.shli %bitcast3A_408, %shift_left3A_414 : vector<16xi32>
          %bitcast3A_416 = vector.bitcast %shift_left3A_415 : vector<16xi32> to vector<16xf32>
          %mul3A_417 = arith.mulf %bitcast3A_412, %bitcast3A_412 : vector<16xf32>
          %add3A_418 = arith.addf %add3A_391, %mul3A_417 : vector<16xf32>
          %mul3A_419 = arith.mulf %bitcast3A_416, %bitcast3A_416 : vector<16xf32>
          %add3A_420 = arith.addf %add3A_393, %mul3A_419 : vector<16xf32>
          %mul3A_421 = arith.constant 32 : i32
          %mul3A_422 = arith.muli %scan3A_179, %mul3A_421 : i32
          %add3A_423 = arith.constant 9 : i32
          %add3A_424 = arith.addi %mul3A_422, %add3A_423 : i32
          %xor3A_425 = vector.broadcast %add3A_424 : i32 to vector<16xi32>
          %xor3A_426 = arith.xori %xor3A_425, %iota3A : vector<16xi32>
          %gather3A_427 = tpu.vector_load_idx %arg14[%add3A_135, %xor3A_426] : memref<128x64xi32, #tpu.memory_space<vmem>>[vector<16xi32>, vector<16xi32>], vector<16xi32>,
          %gather3A_428 = tpu.vector_load_idx %arg15[%add3A_135, %xor3A_426] : memref<128x64xi32, #tpu.memory_space<vmem>>[vector<16xi32>, vector<16xi32>], vector<16xi32>,
          %gather3A_429 = tpu.vector_load_idx %arg16[%add3A_135, %xor3A_426] : memref<128x64xi32, #tpu.memory_space<vmem>>[vector<16xi32>, vector<16xi32>], vector<16xi32>,
          %bitcast3A_430 = vector.bitcast %gather3A_427 : vector<16xi32> to vector<32xbf16>
          %bitcast3A_431 = vector.bitcast %gather3A_428 : vector<16xi32> to vector<32xbf16>
          %bitcast3A_432 = vector.bitcast %gather3A_429 : vector<16xi32> to vector<32xbf16>
          %add3A_433 = arith.addf %bitcast3A_430, %bitcast3A_432 : vector<32xbf16>
          %sub3A_434 = arith.subf %add3A_433, %bitcast3A_431 : vector<32xbf16>
          %bitcast3A_435 = vector.bitcast %sub3A_434 : vector<32xbf16> to vector<16xi32>
          %and3A_436 = arith.constant -65536 : i32
          %and3A_437 = vector.broadcast %and3A_436 : i32 to vector<16xi32>
          %and3A_438 = arith.andi %bitcast3A_435, %and3A_437 : vector<16xi32>
          %bitcast3A_439 = vector.bitcast %and3A_438 : vector<16xi32> to vector<16xf32>
          %shift_left3A_440 = arith.constant 16 : i32
          %shift_left3A_441 = vector.broadcast %shift_left3A_440 : i32 to vector<16xi32>
          %shift_left3A_442 = arith.shli %bitcast3A_435, %shift_left3A_441 : vector<16xi32>
          %bitcast3A_443 = vector.bitcast %shift_left3A_442 : vector<16xi32> to vector<16xf32>
          %mul3A_444 = arith.mulf %bitcast3A_439, %bitcast3A_439 : vector<16xf32>
          %add3A_445 = arith.addf %add3A_418, %mul3A_444 : vector<16xf32>
          %mul3A_446 = arith.mulf %bitcast3A_443, %bitcast3A_443 : vector<16xf32>
          %add3A_447 = arith.addf %add3A_420, %mul3A_446 : vector<16xf32>
          %mul3A_448 = arith.constant 32 : i32
          %mul3A_449 = arith.muli %scan3A_179, %mul3A_448 : i32
          %add3A_450 = arith.constant 10 : i32
          %add3A_451 = arith.addi %mul3A_449, %add3A_450 : i32
          %xor3A_452 = vector.broadcast %add3A_451 : i32 to vector<16xi32>
          %xor3A_453 = arith.xori %xor3A_452, %iota3A : vector<16xi32>
          %gather3A_454 = tpu.vector_load_idx %arg14[%add3A_135, %xor3A_453] : memref<128x64xi32, #tpu.memory_space<vmem>>[vector<16xi32>, vector<16xi32>], vector<16xi32>,
          %gather3A_455 = tpu.vector_load_idx %arg15[%add3A_135, %xor3A_453] : memref<128x64xi32, #tpu.memory_space<vmem>>[vector<16xi32>, vector<16xi32>], vector<16xi32>,
          %gather3A_456 = tpu.vector_load_idx %arg16[%add3A_135, %xor3A_453] : memref<128x64xi32, #tpu.memory_space<vmem>>[vector<16xi32>, vector<16xi32>], vector<16xi32>,
          %bitcast3A_457 = vector.bitcast %gather3A_454 : vector<16xi32> to vector<32xbf16>
          %bitcast3A_458 = vector.bitcast %gather3A_455 : vector<16xi32> to vector<32xbf16>
          %bitcast3A_459 = vector.bitcast %gather3A_456 : vector<16xi32> to vector<32xbf16>
          %add3A_460 = arith.addf %bitcast3A_457, %bitcast3A_459 : vector<32xbf16>
          %sub3A_461 = arith.subf %add3A_460, %bitcast3A_458 : vector<32xbf16>
          %bitcast3A_462 = vector.bitcast %sub3A_461 : vector<32xbf16> to vector<16xi32>
          %and3A_463 = arith.constant -65536 : i32
          %and3A_464 = vector.broadcast %and3A_463 : i32 to vector<16xi32>
          %and3A_465 = arith.andi %bitcast3A_462, %and3A_464 : vector<16xi32>
          %bitcast3A_466 = vector.bitcast %and3A_465 : vector<16xi32> to vector<16xf32>
          %shift_left3A_467 = arith.constant 16 : i32
          %shift_left3A_468 = vector.broadcast %shift_left3A_467 : i32 to vector<16xi32>
          %shift_left3A_469 = arith.shli %bitcast3A_462, %shift_left3A_468 : vector<16xi32>
          %bitcast3A_470 = vector.bitcast %shift_left3A_469 : vector<16xi32> to vector<16xf32>
          %mul3A_471 = arith.mulf %bitcast3A_466, %bitcast3A_466 : vector<16xf32>
          %add3A_472 = arith.addf %add3A_445, %mul3A_471 : vector<16xf32>
          %mul3A_473 = arith.mulf %bitcast3A_470, %bitcast3A_470 : vector<16xf32>
          %add3A_474 = arith.addf %add3A_447, %mul3A_473 : vector<16xf32>
          %mul3A_475 = arith.constant 32 : i32
          %mul3A_476 = arith.muli %scan3A_179, %mul3A_475 : i32
          %add3A_477 = arith.constant 11 : i32
          %add3A_478 = arith.addi %mul3A_476, %add3A_477 : i32
          %xor3A_479 = vector.broadcast %add3A_478 : i32 to vector<16xi32>
          %xor3A_480 = arith.xori %xor3A_479, %iota3A : vector<16xi32>
          %gather3A_481 = tpu.vector_load_idx %arg14[%add3A_135, %xor3A_480] : memref<128x64xi32, #tpu.memory_space<vmem>>[vector<16xi32>, vector<16xi32>], vector<16xi32>,
          %gather3A_482 = tpu.vector_load_idx %arg15[%add3A_135, %xor3A_480] : memref<128x64xi32, #tpu.memory_space<vmem>>[vector<16xi32>, vector<16xi32>], vector<16xi32>,
          %gather3A_483 = tpu.vector_load_idx %arg16[%add3A_135, %xor3A_480] : memref<128x64xi32, #tpu.memory_space<vmem>>[vector<16xi32>, vector<16xi32>], vector<16xi32>,
          %bitcast3A_484 = vector.bitcast %gather3A_481 : vector<16xi32> to vector<32xbf16>
          %bitcast3A_485 = vector.bitcast %gather3A_482 : vector<16xi32> to vector<32xbf16>
          %bitcast3A_486 = vector.bitcast %gather3A_483 : vector<16xi32> to vector<32xbf16>
          %add3A_487 = arith.addf %bitcast3A_484, %bitcast3A_486 : vector<32xbf16>
          %sub3A_488 = arith.subf %add3A_487, %bitcast3A_485 : vector<32xbf16>
          %bitcast3A_489 = vector.bitcast %sub3A_488 : vector<32xbf16> to vector<16xi32>
          %and3A_490 = arith.constant -65536 : i32
          %and3A_491 = vector.broadcast %and3A_490 : i32 to vector<16xi32>
          %and3A_492 = arith.andi %bitcast3A_489, %and3A_491 : vector<16xi32>
          %bitcast3A_493 = vector.bitcast %and3A_492 : vector<16xi32> to vector<16xf32>
          %shift_left3A_494 = arith.constant 16 : i32
          %shift_left3A_495 = vector.broadcast %shift_left3A_494 : i32 to vector<16xi32>
          %shift_left3A_496 = arith.shli %bitcast3A_489, %shift_left3A_495 : vector<16xi32>
          %bitcast3A_497 = vector.bitcast %shift_left3A_496 : vector<16xi32> to vector<16xf32>
          %mul3A_498 = arith.mulf %bitcast3A_493, %bitcast3A_493 : vector<16xf32>
          %add3A_499 = arith.addf %add3A_472, %mul3A_498 : vector<16xf32>
          %mul3A_500 = arith.mulf %bitcast3A_497, %bitcast3A_497 : vector<16xf32>
          %add3A_501 = arith.addf %add3A_474, %mul3A_500 : vector<16xf32>
          %mul3A_502 = arith.constant 32 : i32
          %mul3A_503 = arith.muli %scan3A_179, %mul3A_502 : i32
          %add3A_504 = arith.constant 12 : i32
          %add3A_505 = arith.addi %mul3A_503, %add3A_504 : i32
          %xor3A_506 = vector.broadcast %add3A_505 : i32 to vector<16xi32>
          %xor3A_507 = arith.xori %xor3A_506, %iota3A : vector<16xi32>
          %gather3A_508 = tpu.vector_load_idx %arg14[%add3A_135, %xor3A_507] : memref<128x64xi32, #tpu.memory_space<vmem>>[vector<16xi32>, vector<16xi32>], vector<16xi32>,
          %gather3A_509 = tpu.vector_load_idx %arg15[%add3A_135, %xor3A_507] : memref<128x64xi32, #tpu.memory_space<vmem>>[vector<16xi32>, vector<16xi32>], vector<16xi32>,
          %gather3A_510 = tpu.vector_load_idx %arg16[%add3A_135, %xor3A_507] : memref<128x64xi32, #tpu.memory_space<vmem>>[vector<16xi32>, vector<16xi32>], vector<16xi32>,
          %bitcast3A_511 = vector.bitcast %gather3A_508 : vector<16xi32> to vector<32xbf16>
          %bitcast3A_512 = vector.bitcast %gather3A_509 : vector<16xi32> to vector<32xbf16>
          %bitcast3A_513 = vector.bitcast %gather3A_510 : vector<16xi32> to vector<32xbf16>
          %add3A_514 = arith.addf %bitcast3A_511, %bitcast3A_513 : vector<32xbf16>
          %sub3A_515 = arith.subf %add3A_514, %bitcast3A_512 : vector<32xbf16>
          %bitcast3A_516 = vector.bitcast %sub3A_515 : vector<32xbf16> to vector<16xi32>
          %and3A_517 = arith.constant -65536 : i32
          %and3A_518 = vector.broadcast %and3A_517 : i32 to vector<16xi32>
          %and3A_519 = arith.andi %bitcast3A_516, %and3A_518 : vector<16xi32>
          %bitcast3A_520 = vector.bitcast %and3A_519 : vector<16xi32> to vector<16xf32>
          %shift_left3A_521 = arith.constant 16 : i32
          %shift_left3A_522 = vector.broadcast %shift_left3A_521 : i32 to vector<16xi32>
          %shift_left3A_523 = arith.shli %bitcast3A_516, %shift_left3A_522 : vector<16xi32>
          %bitcast3A_524 = vector.bitcast %shift_left3A_523 : vector<16xi32> to vector<16xf32>
          %mul3A_525 = arith.mulf %bitcast3A_520, %bitcast3A_520 : vector<16xf32>
          %add3A_526 = arith.addf %add3A_499, %mul3A_525 : vector<16xf32>
          %mul3A_527 = arith.mulf %bitcast3A_524, %bitcast3A_524 : vector<16xf32>
          %add3A_528 = arith.addf %add3A_501, %mul3A_527 : vector<16xf32>
          %mul3A_529 = arith.constant 32 : i32
          %mul3A_530 = arith.muli %scan3A_179, %mul3A_529 : i32
          %add3A_531 = arith.constant 13 : i32
          %add3A_532 = arith.addi %mul3A_530, %add3A_531 : i32
          %xor3A_533 = vector.broadcast %add3A_532 : i32 to vector<16xi32>
          %xor3A_534 = arith.xori %xor3A_533, %iota3A : vector<16xi32>
          %gather3A_535 = tpu.vector_load_idx %arg14[%add3A_135, %xor3A_534] : memref<128x64xi32, #tpu.memory_space<vmem>>[vector<16xi32>, vector<16xi32>], vector<16xi32>,
          %gather3A_536 = tpu.vector_load_idx %arg15[%add3A_135, %xor3A_534] : memref<128x64xi32, #tpu.memory_space<vmem>>[vector<16xi32>, vector<16xi32>], vector<16xi32>,
          %gather3A_537 = tpu.vector_load_idx %arg16[%add3A_135, %xor3A_534] : memref<128x64xi32, #tpu.memory_space<vmem>>[vector<16xi32>, vector<16xi32>], vector<16xi32>,
          %bitcast3A_538 = vector.bitcast %gather3A_535 : vector<16xi32> to vector<32xbf16>
          %bitcast3A_539 = vector.bitcast %gather3A_536 : vector<16xi32> to vector<32xbf16>
          %bitcast3A_540 = vector.bitcast %gather3A_537 : vector<16xi32> to vector<32xbf16>
          %add3A_541 = arith.addf %bitcast3A_538, %bitcast3A_540 : vector<32xbf16>
          %sub3A_542 = arith.subf %add3A_541, %bitcast3A_539 : vector<32xbf16>
          %bitcast3A_543 = vector.bitcast %sub3A_542 : vector<32xbf16> to vector<16xi32>
          %and3A_544 = arith.constant -65536 : i32
          %and3A_545 = vector.broadcast %and3A_544 : i32 to vector<16xi32>
          %and3A_546 = arith.andi %bitcast3A_543, %and3A_545 : vector<16xi32>
          %bitcast3A_547 = vector.bitcast %and3A_546 : vector<16xi32> to vector<16xf32>
          %shift_left3A_548 = arith.constant 16 : i32
          %shift_left3A_549 = vector.broadcast %shift_left3A_548 : i32 to vector<16xi32>
          %shift_left3A_550 = arith.shli %bitcast3A_543, %shift_left3A_549 : vector<16xi32>
          %bitcast3A_551 = vector.bitcast %shift_left3A_550 : vector<16xi32> to vector<16xf32>
          %mul3A_552 = arith.mulf %bitcast3A_547, %bitcast3A_547 : vector<16xf32>
          %add3A_553 = arith.addf %add3A_526, %mul3A_552 : vector<16xf32>
          %mul3A_554 = arith.mulf %bitcast3A_551, %bitcast3A_551 : vector<16xf32>
          %add3A_555 = arith.addf %add3A_528, %mul3A_554 : vector<16xf32>
          %mul3A_556 = arith.constant 32 : i32
          %mul3A_557 = arith.muli %scan3A_179, %mul3A_556 : i32
          %add3A_558 = arith.constant 14 : i32
          %add3A_559 = arith.addi %mul3A_557, %add3A_558 : i32
          %xor3A_560 = vector.broadcast %add3A_559 : i32 to vector<16xi32>
          %xor3A_561 = arith.xori %xor3A_560, %iota3A : vector<16xi32>
          %gather3A_562 = tpu.vector_load_idx %arg14[%add3A_135, %xor3A_561] : memref<128x64xi32, #tpu.memory_space<vmem>>[vector<16xi32>, vector<16xi32>], vector<16xi32>,
          %gather3A_563 = tpu.vector_load_idx %arg15[%add3A_135, %xor3A_561] : memref<128x64xi32, #tpu.memory_space<vmem>>[vector<16xi32>, vector<16xi32>], vector<16xi32>,
          %gather3A_564 = tpu.vector_load_idx %arg16[%add3A_135, %xor3A_561] : memref<128x64xi32, #tpu.memory_space<vmem>>[vector<16xi32>, vector<16xi32>], vector<16xi32>,
          %bitcast3A_565 = vector.bitcast %gather3A_562 : vector<16xi32> to vector<32xbf16>
          %bitcast3A_566 = vector.bitcast %gather3A_563 : vector<16xi32> to vector<32xbf16>
          %bitcast3A_567 = vector.bitcast %gather3A_564 : vector<16xi32> to vector<32xbf16>
          %add3A_568 = arith.addf %bitcast3A_565, %bitcast3A_567 : vector<32xbf16>
          %sub3A_569 = arith.subf %add3A_568, %bitcast3A_566 : vector<32xbf16>
          %bitcast3A_570 = vector.bitcast %sub3A_569 : vector<32xbf16> to vector<16xi32>
          %and3A_571 = arith.constant -65536 : i32
          %and3A_572 = vector.broadcast %and3A_571 : i32 to vector<16xi32>
          %and3A_573 = arith.andi %bitcast3A_570, %and3A_572 : vector<16xi32>
          %bitcast3A_574 = vector.bitcast %and3A_573 : vector<16xi32> to vector<16xf32>
          %shift_left3A_575 = arith.constant 16 : i32
          %shift_left3A_576 = vector.broadcast %shift_left3A_575 : i32 to vector<16xi32>
          %shift_left3A_577 = arith.shli %bitcast3A_570, %shift_left3A_576 : vector<16xi32>
          %bitcast3A_578 = vector.bitcast %shift_left3A_577 : vector<16xi32> to vector<16xf32>
          %mul3A_579 = arith.mulf %bitcast3A_574, %bitcast3A_574 : vector<16xf32>
          %add3A_580 = arith.addf %add3A_553, %mul3A_579 : vector<16xf32>
          %mul3A_581 = arith.mulf %bitcast3A_578, %bitcast3A_578 : vector<16xf32>
          %add3A_582 = arith.addf %add3A_555, %mul3A_581 : vector<16xf32>
          %mul3A_583 = arith.constant 32 : i32
          %mul3A_584 = arith.muli %scan3A_179, %mul3A_583 : i32
          %add3A_585 = arith.constant 15 : i32
          %add3A_586 = arith.addi %mul3A_584, %add3A_585 : i32
          %xor3A_587 = vector.broadcast %add3A_586 : i32 to vector<16xi32>
          %xor3A_588 = arith.xori %xor3A_587, %iota3A : vector<16xi32>
          %gather3A_589 = tpu.vector_load_idx %arg14[%add3A_135, %xor3A_588] : memref<128x64xi32, #tpu.memory_space<vmem>>[vector<16xi32>, vector<16xi32>], vector<16xi32>,
          %gather3A_590 = tpu.vector_load_idx %arg15[%add3A_135, %xor3A_588] : memref<128x64xi32, #tpu.memory_space<vmem>>[vector<16xi32>, vector<16xi32>], vector<16xi32>,
          %gather3A_591 = tpu.vector_load_idx %arg16[%add3A_135, %xor3A_588] : memref<128x64xi32, #tpu.memory_space<vmem>>[vector<16xi32>, vector<16xi32>], vector<16xi32>,
          %bitcast3A_592 = vector.bitcast %gather3A_589 : vector<16xi32> to vector<32xbf16>
          %bitcast3A_593 = vector.bitcast %gather3A_590 : vector<16xi32> to vector<32xbf16>
          %bitcast3A_594 = vector.bitcast %gather3A_591 : vector<16xi32> to vector<32xbf16>
          %add3A_595 = arith.addf %bitcast3A_592, %bitcast3A_594 : vector<32xbf16>
          %sub3A_596 = arith.subf %add3A_595, %bitcast3A_593 : vector<32xbf16>
          %bitcast3A_597 = vector.bitcast %sub3A_596 : vector<32xbf16> to vector<16xi32>
          %and3A_598 = arith.constant -65536 : i32
          %and3A_599 = vector.broadcast %and3A_598 : i32 to vector<16xi32>
          %and3A_600 = arith.andi %bitcast3A_597, %and3A_599 : vector<16xi32>
          %bitcast3A_601 = vector.bitcast %and3A_600 : vector<16xi32> to vector<16xf32>
          %shift_left3A_602 = arith.constant 16 : i32
          %shift_left3A_603 = vector.broadcast %shift_left3A_602 : i32 to vector<16xi32>
          %shift_left3A_604 = arith.shli %bitcast3A_597, %shift_left3A_603 : vector<16xi32>
          %bitcast3A_605 = vector.bitcast %shift_left3A_604 : vector<16xi32> to vector<16xf32>
          %mul3A_606 = arith.mulf %bitcast3A_601, %bitcast3A_601 : vector<16xf32>
          %add3A_607 = arith.addf %add3A_580, %mul3A_606 : vector<16xf32>
          %mul3A_608 = arith.mulf %bitcast3A_605, %bitcast3A_605 : vector<16xf32>
          %add3A_609 = arith.addf %add3A_582, %mul3A_608 : vector<16xf32>
          %mul3A_610 = arith.constant 32 : i32
          %mul3A_611 = arith.muli %scan3A_179, %mul3A_610 : i32
          %add3A_612 = arith.constant 16 : i32
          %add3A_613 = arith.addi %mul3A_611, %add3A_612 : i32
          %xor3A_614 = vector.broadcast %add3A_613 : i32 to vector<16xi32>
          %xor3A_615 = arith.xori %xor3A_614, %iota3A : vector<16xi32>
          %gather3A_616 = tpu.vector_load_idx %arg14[%add3A_135, %xor3A_615] : memref<128x64xi32, #tpu.memory_space<vmem>>[vector<16xi32>, vector<16xi32>], vector<16xi32>,
          %gather3A_617 = tpu.vector_load_idx %arg15[%add3A_135, %xor3A_615] : memref<128x64xi32, #tpu.memory_space<vmem>>[vector<16xi32>, vector<16xi32>], vector<16xi32>,
          %gather3A_618 = tpu.vector_load_idx %arg16[%add3A_135, %xor3A_615] : memref<128x64xi32, #tpu.memory_space<vmem>>[vector<16xi32>, vector<16xi32>], vector<16xi32>,
          %bitcast3A_619 = vector.bitcast %gather3A_616 : vector<16xi32> to vector<32xbf16>
          %bitcast3A_620 = vector.bitcast %gather3A_617 : vector<16xi32> to vector<32xbf16>
          %bitcast3A_621 = vector.bitcast %gather3A_618 : vector<16xi32> to vector<32xbf16>
          %add3A_622 = arith.addf %bitcast3A_619, %bitcast3A_621 : vector<32xbf16>
          %sub3A_623 = arith.subf %add3A_622, %bitcast3A_620 : vector<32xbf16>
          %bitcast3A_624 = vector.bitcast %sub3A_623 : vector<32xbf16> to vector<16xi32>
          %and3A_625 = arith.constant -65536 : i32
          %and3A_626 = vector.broadcast %and3A_625 : i32 to vector<16xi32>
          %and3A_627 = arith.andi %bitcast3A_624, %and3A_626 : vector<16xi32>
          %bitcast3A_628 = vector.bitcast %and3A_627 : vector<16xi32> to vector<16xf32>
          %shift_left3A_629 = arith.constant 16 : i32
          %shift_left3A_630 = vector.broadcast %shift_left3A_629 : i32 to vector<16xi32>
          %shift_left3A_631 = arith.shli %bitcast3A_624, %shift_left3A_630 : vector<16xi32>
          %bitcast3A_632 = vector.bitcast %shift_left3A_631 : vector<16xi32> to vector<16xf32>
          %mul3A_633 = arith.mulf %bitcast3A_628, %bitcast3A_628 : vector<16xf32>
          %add3A_634 = arith.addf %add3A_607, %mul3A_633 : vector<16xf32>
          %mul3A_635 = arith.mulf %bitcast3A_632, %bitcast3A_632 : vector<16xf32>
          %add3A_636 = arith.addf %add3A_609, %mul3A_635 : vector<16xf32>
          %mul3A_637 = arith.constant 32 : i32
          %mul3A_638 = arith.muli %scan3A_179, %mul3A_637 : i32
          %add3A_639 = arith.constant 17 : i32
          %add3A_640 = arith.addi %mul3A_638, %add3A_639 : i32
          %xor3A_641 = vector.broadcast %add3A_640 : i32 to vector<16xi32>
          %xor3A_642 = arith.xori %xor3A_641, %iota3A : vector<16xi32>
          %gather3A_643 = tpu.vector_load_idx %arg14[%add3A_135, %xor3A_642] : memref<128x64xi32, #tpu.memory_space<vmem>>[vector<16xi32>, vector<16xi32>], vector<16xi32>,
          %gather3A_644 = tpu.vector_load_idx %arg15[%add3A_135, %xor3A_642] : memref<128x64xi32, #tpu.memory_space<vmem>>[vector<16xi32>, vector<16xi32>], vector<16xi32>,
          %gather3A_645 = tpu.vector_load_idx %arg16[%add3A_135, %xor3A_642] : memref<128x64xi32, #tpu.memory_space<vmem>>[vector<16xi32>, vector<16xi32>], vector<16xi32>,
          %bitcast3A_646 = vector.bitcast %gather3A_643 : vector<16xi32> to vector<32xbf16>
          %bitcast3A_647 = vector.bitcast %gather3A_644 : vector<16xi32> to vector<32xbf16>
          %bitcast3A_648 = vector.bitcast %gather3A_645 : vector<16xi32> to vector<32xbf16>
          %add3A_649 = arith.addf %bitcast3A_646, %bitcast3A_648 : vector<32xbf16>
          %sub3A_650 = arith.subf %add3A_649, %bitcast3A_647 : vector<32xbf16>
          %bitcast3A_651 = vector.bitcast %sub3A_650 : vector<32xbf16> to vector<16xi32>
          %and3A_652 = arith.constant -65536 : i32
          %and3A_653 = vector.broadcast %and3A_652 : i32 to vector<16xi32>
          %and3A_654 = arith.andi %bitcast3A_651, %and3A_653 : vector<16xi32>
          %bitcast3A_655 = vector.bitcast %and3A_654 : vector<16xi32> to vector<16xf32>
          %shift_left3A_656 = arith.constant 16 : i32
          %shift_left3A_657 = vector.broadcast %shift_left3A_656 : i32 to vector<16xi32>
          %shift_left3A_658 = arith.shli %bitcast3A_651, %shift_left3A_657 : vector<16xi32>
          %bitcast3A_659 = vector.bitcast %shift_left3A_658 : vector<16xi32> to vector<16xf32>
          %mul3A_660 = arith.mulf %bitcast3A_655, %bitcast3A_655 : vector<16xf32>
          %add3A_661 = arith.addf %add3A_634, %mul3A_660 : vector<16xf32>
          %mul3A_662 = arith.mulf %bitcast3A_659, %bitcast3A_659 : vector<16xf32>
          %add3A_663 = arith.addf %add3A_636, %mul3A_662 : vector<16xf32>
          %mul3A_664 = arith.constant 32 : i32
          %mul3A_665 = arith.muli %scan3A_179, %mul3A_664 : i32
          %add3A_666 = arith.constant 18 : i32
          %add3A_667 = arith.addi %mul3A_665, %add3A_666 : i32
          %xor3A_668 = vector.broadcast %add3A_667 : i32 to vector<16xi32>
          %xor3A_669 = arith.xori %xor3A_668, %iota3A : vector<16xi32>
          %gather3A_670 = tpu.vector_load_idx %arg14[%add3A_135, %xor3A_669] : memref<128x64xi32, #tpu.memory_space<vmem>>[vector<16xi32>, vector<16xi32>], vector<16xi32>,
          %gather3A_671 = tpu.vector_load_idx %arg15[%add3A_135, %xor3A_669] : memref<128x64xi32, #tpu.memory_space<vmem>>[vector<16xi32>, vector<16xi32>], vector<16xi32>,
          %gather3A_672 = tpu.vector_load_idx %arg16[%add3A_135, %xor3A_669] : memref<128x64xi32, #tpu.memory_space<vmem>>[vector<16xi32>, vector<16xi32>], vector<16xi32>,
          %bitcast3A_673 = vector.bitcast %gather3A_670 : vector<16xi32> to vector<32xbf16>
          %bitcast3A_674 = vector.bitcast %gather3A_671 : vector<16xi32> to vector<32xbf16>
          %bitcast3A_675 = vector.bitcast %gather3A_672 : vector<16xi32> to vector<32xbf16>
          %add3A_676 = arith.addf %bitcast3A_673, %bitcast3A_675 : vector<32xbf16>
          %sub3A_677 = arith.subf %add3A_676, %bitcast3A_674 : vector<32xbf16>
          %bitcast3A_678 = vector.bitcast %sub3A_677 : vector<32xbf16> to vector<16xi32>
          %and3A_679 = arith.constant -65536 : i32
          %and3A_680 = vector.broadcast %and3A_679 : i32 to vector<16xi32>
          %and3A_681 = arith.andi %bitcast3A_678, %and3A_680 : vector<16xi32>
          %bitcast3A_682 = vector.bitcast %and3A_681 : vector<16xi32> to vector<16xf32>
          %shift_left3A_683 = arith.constant 16 : i32
          %shift_left3A_684 = vector.broadcast %shift_left3A_683 : i32 to vector<16xi32>
          %shift_left3A_685 = arith.shli %bitcast3A_678, %shift_left3A_684 : vector<16xi32>
          %bitcast3A_686 = vector.bitcast %shift_left3A_685 : vector<16xi32> to vector<16xf32>
          %mul3A_687 = arith.mulf %bitcast3A_682, %bitcast3A_682 : vector<16xf32>
          %add3A_688 = arith.addf %add3A_661, %mul3A_687 : vector<16xf32>
          %mul3A_689 = arith.mulf %bitcast3A_686, %bitcast3A_686 : vector<16xf32>
          %add3A_690 = arith.addf %add3A_663, %mul3A_689 : vector<16xf32>
          %mul3A_691 = arith.constant 32 : i32
          %mul3A_692 = arith.muli %scan3A_179, %mul3A_691 : i32
          %add3A_693 = arith.constant 19 : i32
          %add3A_694 = arith.addi %mul3A_692, %add3A_693 : i32
          %xor3A_695 = vector.broadcast %add3A_694 : i32 to vector<16xi32>
          %xor3A_696 = arith.xori %xor3A_695, %iota3A : vector<16xi32>
          %gather3A_697 = tpu.vector_load_idx %arg14[%add3A_135, %xor3A_696] : memref<128x64xi32, #tpu.memory_space<vmem>>[vector<16xi32>, vector<16xi32>], vector<16xi32>,
          %gather3A_698 = tpu.vector_load_idx %arg15[%add3A_135, %xor3A_696] : memref<128x64xi32, #tpu.memory_space<vmem>>[vector<16xi32>, vector<16xi32>], vector<16xi32>,
          %gather3A_699 = tpu.vector_load_idx %arg16[%add3A_135, %xor3A_696] : memref<128x64xi32, #tpu.memory_space<vmem>>[vector<16xi32>, vector<16xi32>], vector<16xi32>,
          %bitcast3A_700 = vector.bitcast %gather3A_697 : vector<16xi32> to vector<32xbf16>
          %bitcast3A_701 = vector.bitcast %gather3A_698 : vector<16xi32> to vector<32xbf16>
          %bitcast3A_702 = vector.bitcast %gather3A_699 : vector<16xi32> to vector<32xbf16>
          %add3A_703 = arith.addf %bitcast3A_700, %bitcast3A_702 : vector<32xbf16>
          %sub3A_704 = arith.subf %add3A_703, %bitcast3A_701 : vector<32xbf16>
          %bitcast3A_705 = vector.bitcast %sub3A_704 : vector<32xbf16> to vector<16xi32>
          %and3A_706 = arith.constant -65536 : i32
          %and3A_707 = vector.broadcast %and3A_706 : i32 to vector<16xi32>
          %and3A_708 = arith.andi %bitcast3A_705, %and3A_707 : vector<16xi32>
          %bitcast3A_709 = vector.bitcast %and3A_708 : vector<16xi32> to vector<16xf32>
          %shift_left3A_710 = arith.constant 16 : i32
          %shift_left3A_711 = vector.broadcast %shift_left3A_710 : i32 to vector<16xi32>
          %shift_left3A_712 = arith.shli %bitcast3A_705, %shift_left3A_711 : vector<16xi32>
          %bitcast3A_713 = vector.bitcast %shift_left3A_712 : vector<16xi32> to vector<16xf32>
          %mul3A_714 = arith.mulf %bitcast3A_709, %bitcast3A_709 : vector<16xf32>
          %add3A_715 = arith.addf %add3A_688, %mul3A_714 : vector<16xf32>
          %mul3A_716 = arith.mulf %bitcast3A_713, %bitcast3A_713 : vector<16xf32>
          %add3A_717 = arith.addf %add3A_690, %mul3A_716 : vector<16xf32>
          %mul3A_718 = arith.constant 32 : i32
          %mul3A_719 = arith.muli %scan3A_179, %mul3A_718 : i32
          %add3A_720 = arith.constant 20 : i32
          %add3A_721 = arith.addi %mul3A_719, %add3A_720 : i32
          %xor3A_722 = vector.broadcast %add3A_721 : i32 to vector<16xi32>
          %xor3A_723 = arith.xori %xor3A_722, %iota3A : vector<16xi32>
          %gather3A_724 = tpu.vector_load_idx %arg14[%add3A_135, %xor3A_723] : memref<128x64xi32, #tpu.memory_space<vmem>>[vector<16xi32>, vector<16xi32>], vector<16xi32>,
          %gather3A_725 = tpu.vector_load_idx %arg15[%add3A_135, %xor3A_723] : memref<128x64xi32, #tpu.memory_space<vmem>>[vector<16xi32>, vector<16xi32>], vector<16xi32>,
          %gather3A_726 = tpu.vector_load_idx %arg16[%add3A_135, %xor3A_723] : memref<128x64xi32, #tpu.memory_space<vmem>>[vector<16xi32>, vector<16xi32>], vector<16xi32>,
          %bitcast3A_727 = vector.bitcast %gather3A_724 : vector<16xi32> to vector<32xbf16>
          %bitcast3A_728 = vector.bitcast %gather3A_725 : vector<16xi32> to vector<32xbf16>
          %bitcast3A_729 = vector.bitcast %gather3A_726 : vector<16xi32> to vector<32xbf16>
          %add3A_730 = arith.addf %bitcast3A_727, %bitcast3A_729 : vector<32xbf16>
          %sub3A_731 = arith.subf %add3A_730, %bitcast3A_728 : vector<32xbf16>
          %bitcast3A_732 = vector.bitcast %sub3A_731 : vector<32xbf16> to vector<16xi32>
          %and3A_733 = arith.constant -65536 : i32
          %and3A_734 = vector.broadcast %and3A_733 : i32 to vector<16xi32>
          %and3A_735 = arith.andi %bitcast3A_732, %and3A_734 : vector<16xi32>
          %bitcast3A_736 = vector.bitcast %and3A_735 : vector<16xi32> to vector<16xf32>
          %shift_left3A_737 = arith.constant 16 : i32
          %shift_left3A_738 = vector.broadcast %shift_left3A_737 : i32 to vector<16xi32>
          %shift_left3A_739 = arith.shli %bitcast3A_732, %shift_left3A_738 : vector<16xi32>
          %bitcast3A_740 = vector.bitcast %shift_left3A_739 : vector<16xi32> to vector<16xf32>
          %mul3A_741 = arith.mulf %bitcast3A_736, %bitcast3A_736 : vector<16xf32>
          %add3A_742 = arith.addf %add3A_715, %mul3A_741 : vector<16xf32>
          %mul3A_743 = arith.mulf %bitcast3A_740, %bitcast3A_740 : vector<16xf32>
          %add3A_744 = arith.addf %add3A_717, %mul3A_743 : vector<16xf32>
          %mul3A_745 = arith.constant 32 : i32
          %mul3A_746 = arith.muli %scan3A_179, %mul3A_745 : i32
          %add3A_747 = arith.constant 21 : i32
          %add3A_748 = arith.addi %mul3A_746, %add3A_747 : i32
          %xor3A_749 = vector.broadcast %add3A_748 : i32 to vector<16xi32>
          %xor3A_750 = arith.xori %xor3A_749, %iota3A : vector<16xi32>
          %gather3A_751 = tpu.vector_load_idx %arg14[%add3A_135, %xor3A_750] : memref<128x64xi32, #tpu.memory_space<vmem>>[vector<16xi32>, vector<16xi32>], vector<16xi32>,
          %gather3A_752 = tpu.vector_load_idx %arg15[%add3A_135, %xor3A_750] : memref<128x64xi32, #tpu.memory_space<vmem>>[vector<16xi32>, vector<16xi32>], vector<16xi32>,
          %gather3A_753 = tpu.vector_load_idx %arg16[%add3A_135, %xor3A_750] : memref<128x64xi32, #tpu.memory_space<vmem>>[vector<16xi32>, vector<16xi32>], vector<16xi32>,
          %bitcast3A_754 = vector.bitcast %gather3A_751 : vector<16xi32> to vector<32xbf16>
          %bitcast3A_755 = vector.bitcast %gather3A_752 : vector<16xi32> to vector<32xbf16>
          %bitcast3A_756 = vector.bitcast %gather3A_753 : vector<16xi32> to vector<32xbf16>
          %add3A_757 = arith.addf %bitcast3A_754, %bitcast3A_756 : vector<32xbf16>
          %sub3A_758 = arith.subf %add3A_757, %bitcast3A_755 : vector<32xbf16>
          %bitcast3A_759 = vector.bitcast %sub3A_758 : vector<32xbf16> to vector<16xi32>
          %and3A_760 = arith.constant -65536 : i32
          %and3A_761 = vector.broadcast %and3A_760 : i32 to vector<16xi32>
          %and3A_762 = arith.andi %bitcast3A_759, %and3A_761 : vector<16xi32>
          %bitcast3A_763 = vector.bitcast %and3A_762 : vector<16xi32> to vector<16xf32>
          %shift_left3A_764 = arith.constant 16 : i32
          %shift_left3A_765 = vector.broadcast %shift_left3A_764 : i32 to vector<16xi32>
          %shift_left3A_766 = arith.shli %bitcast3A_759, %shift_left3A_765 : vector<16xi32>
          %bitcast3A_767 = vector.bitcast %shift_left3A_766 : vector<16xi32> to vector<16xf32>
          %mul3A_768 = arith.mulf %bitcast3A_763, %bitcast3A_763 : vector<16xf32>
          %add3A_769 = arith.addf %add3A_742, %mul3A_768 : vector<16xf32>
          %mul3A_770 = arith.mulf %bitcast3A_767, %bitcast3A_767 : vector<16xf32>
          %add3A_771 = arith.addf %add3A_744, %mul3A_770 : vector<16xf32>
          %mul3A_772 = arith.constant 32 : i32
          %mul3A_773 = arith.muli %scan3A_179, %mul3A_772 : i32
          %add3A_774 = arith.constant 22 : i32
          %add3A_775 = arith.addi %mul3A_773, %add3A_774 : i32
          %xor3A_776 = vector.broadcast %add3A_775 : i32 to vector<16xi32>
          %xor3A_777 = arith.xori %xor3A_776, %iota3A : vector<16xi32>
          %gather3A_778 = tpu.vector_load_idx %arg14[%add3A_135, %xor3A_777] : memref<128x64xi32, #tpu.memory_space<vmem>>[vector<16xi32>, vector<16xi32>], vector<16xi32>,
          %gather3A_779 = tpu.vector_load_idx %arg15[%add3A_135, %xor3A_777] : memref<128x64xi32, #tpu.memory_space<vmem>>[vector<16xi32>, vector<16xi32>], vector<16xi32>,
          %gather3A_780 = tpu.vector_load_idx %arg16[%add3A_135, %xor3A_777] : memref<128x64xi32, #tpu.memory_space<vmem>>[vector<16xi32>, vector<16xi32>], vector<16xi32>,
          %bitcast3A_781 = vector.bitcast %gather3A_778 : vector<16xi32> to vector<32xbf16>
          %bitcast3A_782 = vector.bitcast %gather3A_779 : vector<16xi32> to vector<32xbf16>
          %bitcast3A_783 = vector.bitcast %gather3A_780 : vector<16xi32> to vector<32xbf16>
          %add3A_784 = arith.addf %bitcast3A_781, %bitcast3A_783 : vector<32xbf16>
          %sub3A_785 = arith.subf %add3A_784, %bitcast3A_782 : vector<32xbf16>
          %bitcast3A_786 = vector.bitcast %sub3A_785 : vector<32xbf16> to vector<16xi32>
          %and3A_787 = arith.constant -65536 : i32
          %and3A_788 = vector.broadcast %and3A_787 : i32 to vector<16xi32>
          %and3A_789 = arith.andi %bitcast3A_786, %and3A_788 : vector<16xi32>
          %bitcast3A_790 = vector.bitcast %and3A_789 : vector<16xi32> to vector<16xf32>
          %shift_left3A_791 = arith.constant 16 : i32
          %shift_left3A_792 = vector.broadcast %shift_left3A_791 : i32 to vector<16xi32>
          %shift_left3A_793 = arith.shli %bitcast3A_786, %shift_left3A_792 : vector<16xi32>
          %bitcast3A_794 = vector.bitcast %shift_left3A_793 : vector<16xi32> to vector<16xf32>
          %mul3A_795 = arith.mulf %bitcast3A_790, %bitcast3A_790 : vector<16xf32>
          %add3A_796 = arith.addf %add3A_769, %mul3A_795 : vector<16xf32>
          %mul3A_797 = arith.mulf %bitcast3A_794, %bitcast3A_794 : vector<16xf32>
          %add3A_798 = arith.addf %add3A_771, %mul3A_797 : vector<16xf32>
          %mul3A_799 = arith.constant 32 : i32
          %mul3A_800 = arith.muli %scan3A_179, %mul3A_799 : i32
          %add3A_801 = arith.constant 23 : i32
          %add3A_802 = arith.addi %mul3A_800, %add3A_801 : i32
          %xor3A_803 = vector.broadcast %add3A_802 : i32 to vector<16xi32>
          %xor3A_804 = arith.xori %xor3A_803, %iota3A : vector<16xi32>
          %gather3A_805 = tpu.vector_load_idx %arg14[%add3A_135, %xor3A_804] : memref<128x64xi32, #tpu.memory_space<vmem>>[vector<16xi32>, vector<16xi32>], vector<16xi32>,
          %gather3A_806 = tpu.vector_load_idx %arg15[%add3A_135, %xor3A_804] : memref<128x64xi32, #tpu.memory_space<vmem>>[vector<16xi32>, vector<16xi32>], vector<16xi32>,
          %gather3A_807 = tpu.vector_load_idx %arg16[%add3A_135, %xor3A_804] : memref<128x64xi32, #tpu.memory_space<vmem>>[vector<16xi32>, vector<16xi32>], vector<16xi32>,
          %bitcast3A_808 = vector.bitcast %gather3A_805 : vector<16xi32> to vector<32xbf16>
          %bitcast3A_809 = vector.bitcast %gather3A_806 : vector<16xi32> to vector<32xbf16>
          %bitcast3A_810 = vector.bitcast %gather3A_807 : vector<16xi32> to vector<32xbf16>
          %add3A_811 = arith.addf %bitcast3A_808, %bitcast3A_810 : vector<32xbf16>
          %sub3A_812 = arith.subf %add3A_811, %bitcast3A_809 : vector<32xbf16>
          %bitcast3A_813 = vector.bitcast %sub3A_812 : vector<32xbf16> to vector<16xi32>
          %and3A_814 = arith.constant -65536 : i32
          %and3A_815 = vector.broadcast %and3A_814 : i32 to vector<16xi32>
          %and3A_816 = arith.andi %bitcast3A_813, %and3A_815 : vector<16xi32>
          %bitcast3A_817 = vector.bitcast %and3A_816 : vector<16xi32> to vector<16xf32>
          %shift_left3A_818 = arith.constant 16 : i32
          %shift_left3A_819 = vector.broadcast %shift_left3A_818 : i32 to vector<16xi32>
          %shift_left3A_820 = arith.shli %bitcast3A_813, %shift_left3A_819 : vector<16xi32>
          %bitcast3A_821 = vector.bitcast %shift_left3A_820 : vector<16xi32> to vector<16xf32>
          %mul3A_822 = arith.mulf %bitcast3A_817, %bitcast3A_817 : vector<16xf32>
          %add3A_823 = arith.addf %add3A_796, %mul3A_822 : vector<16xf32>
          %mul3A_824 = arith.mulf %bitcast3A_821, %bitcast3A_821 : vector<16xf32>
          %add3A_825 = arith.addf %add3A_798, %mul3A_824 : vector<16xf32>
          %mul3A_826 = arith.constant 32 : i32
          %mul3A_827 = arith.muli %scan3A_179, %mul3A_826 : i32
          %add3A_828 = arith.constant 24 : i32
          %add3A_829 = arith.addi %mul3A_827, %add3A_828 : i32
          %xor3A_830 = vector.broadcast %add3A_829 : i32 to vector<16xi32>
          %xor3A_831 = arith.xori %xor3A_830, %iota3A : vector<16xi32>
          %gather3A_832 = tpu.vector_load_idx %arg14[%add3A_135, %xor3A_831] : memref<128x64xi32, #tpu.memory_space<vmem>>[vector<16xi32>, vector<16xi32>], vector<16xi32>,
          %gather3A_833 = tpu.vector_load_idx %arg15[%add3A_135, %xor3A_831] : memref<128x64xi32, #tpu.memory_space<vmem>>[vector<16xi32>, vector<16xi32>], vector<16xi32>,
          %gather3A_834 = tpu.vector_load_idx %arg16[%add3A_135, %xor3A_831] : memref<128x64xi32, #tpu.memory_space<vmem>>[vector<16xi32>, vector<16xi32>], vector<16xi32>,
          %bitcast3A_835 = vector.bitcast %gather3A_832 : vector<16xi32> to vector<32xbf16>
          %bitcast3A_836 = vector.bitcast %gather3A_833 : vector<16xi32> to vector<32xbf16>
          %bitcast3A_837 = vector.bitcast %gather3A_834 : vector<16xi32> to vector<32xbf16>
          %add3A_838 = arith.addf %bitcast3A_835, %bitcast3A_837 : vector<32xbf16>
          %sub3A_839 = arith.subf %add3A_838, %bitcast3A_836 : vector<32xbf16>
          %bitcast3A_840 = vector.bitcast %sub3A_839 : vector<32xbf16> to vector<16xi32>
          %and3A_841 = arith.constant -65536 : i32
          %and3A_842 = vector.broadcast %and3A_841 : i32 to vector<16xi32>
          %and3A_843 = arith.andi %bitcast3A_840, %and3A_842 : vector<16xi32>
          %bitcast3A_844 = vector.bitcast %and3A_843 : vector<16xi32> to vector<16xf32>
          %shift_left3A_845 = arith.constant 16 : i32
          %shift_left3A_846 = vector.broadcast %shift_left3A_845 : i32 to vector<16xi32>
          %shift_left3A_847 = arith.shli %bitcast3A_840, %shift_left3A_846 : vector<16xi32>
          %bitcast3A_848 = vector.bitcast %shift_left3A_847 : vector<16xi32> to vector<16xf32>
          %mul3A_849 = arith.mulf %bitcast3A_844, %bitcast3A_844 : vector<16xf32>
          %add3A_850 = arith.addf %add3A_823, %mul3A_849 : vector<16xf32>
          %mul3A_851 = arith.mulf %bitcast3A_848, %bitcast3A_848 : vector<16xf32>
          %add3A_852 = arith.addf %add3A_825, %mul3A_851 : vector<16xf32>
          %mul3A_853 = arith.constant 32 : i32
          %mul3A_854 = arith.muli %scan3A_179, %mul3A_853 : i32
          %add3A_855 = arith.constant 25 : i32
          %add3A_856 = arith.addi %mul3A_854, %add3A_855 : i32
          %xor3A_857 = vector.broadcast %add3A_856 : i32 to vector<16xi32>
          %xor3A_858 = arith.xori %xor3A_857, %iota3A : vector<16xi32>
          %gather3A_859 = tpu.vector_load_idx %arg14[%add3A_135, %xor3A_858] : memref<128x64xi32, #tpu.memory_space<vmem>>[vector<16xi32>, vector<16xi32>], vector<16xi32>,
          %gather3A_860 = tpu.vector_load_idx %arg15[%add3A_135, %xor3A_858] : memref<128x64xi32, #tpu.memory_space<vmem>>[vector<16xi32>, vector<16xi32>], vector<16xi32>,
          %gather3A_861 = tpu.vector_load_idx %arg16[%add3A_135, %xor3A_858] : memref<128x64xi32, #tpu.memory_space<vmem>>[vector<16xi32>, vector<16xi32>], vector<16xi32>,
          %bitcast3A_862 = vector.bitcast %gather3A_859 : vector<16xi32> to vector<32xbf16>
          %bitcast3A_863 = vector.bitcast %gather3A_860 : vector<16xi32> to vector<32xbf16>
          %bitcast3A_864 = vector.bitcast %gather3A_861 : vector<16xi32> to vector<32xbf16>
          %add3A_865 = arith.addf %bitcast3A_862, %bitcast3A_864 : vector<32xbf16>
          %sub3A_866 = arith.subf %add3A_865, %bitcast3A_863 : vector<32xbf16>
          %bitcast3A_867 = vector.bitcast %sub3A_866 : vector<32xbf16> to vector<16xi32>
          %and3A_868 = arith.constant -65536 : i32
          %and3A_869 = vector.broadcast %and3A_868 : i32 to vector<16xi32>
          %and3A_870 = arith.andi %bitcast3A_867, %and3A_869 : vector<16xi32>
          %bitcast3A_871 = vector.bitcast %and3A_870 : vector<16xi32> to vector<16xf32>
          %shift_left3A_872 = arith.constant 16 : i32
          %shift_left3A_873 = vector.broadcast %shift_left3A_872 : i32 to vector<16xi32>
          %shift_left3A_874 = arith.shli %bitcast3A_867, %shift_left3A_873 : vector<16xi32>
          %bitcast3A_875 = vector.bitcast %shift_left3A_874 : vector<16xi32> to vector<16xf32>
          %mul3A_876 = arith.mulf %bitcast3A_871, %bitcast3A_871 : vector<16xf32>
          %add3A_877 = arith.addf %add3A_850, %mul3A_876 : vector<16xf32>
          %mul3A_878 = arith.mulf %bitcast3A_875, %bitcast3A_875 : vector<16xf32>
          %add3A_879 = arith.addf %add3A_852, %mul3A_878 : vector<16xf32>
          %mul3A_880 = arith.constant 32 : i32
          %mul3A_881 = arith.muli %scan3A_179, %mul3A_880 : i32
          %add3A_882 = arith.constant 26 : i32
          %add3A_883 = arith.addi %mul3A_881, %add3A_882 : i32
          %xor3A_884 = vector.broadcast %add3A_883 : i32 to vector<16xi32>
          %xor3A_885 = arith.xori %xor3A_884, %iota3A : vector<16xi32>
          %gather3A_886 = tpu.vector_load_idx %arg14[%add3A_135, %xor3A_885] : memref<128x64xi32, #tpu.memory_space<vmem>>[vector<16xi32>, vector<16xi32>], vector<16xi32>,
          %gather3A_887 = tpu.vector_load_idx %arg15[%add3A_135, %xor3A_885] : memref<128x64xi32, #tpu.memory_space<vmem>>[vector<16xi32>, vector<16xi32>], vector<16xi32>,
          %gather3A_888 = tpu.vector_load_idx %arg16[%add3A_135, %xor3A_885] : memref<128x64xi32, #tpu.memory_space<vmem>>[vector<16xi32>, vector<16xi32>], vector<16xi32>,
          %bitcast3A_889 = vector.bitcast %gather3A_886 : vector<16xi32> to vector<32xbf16>
          %bitcast3A_890 = vector.bitcast %gather3A_887 : vector<16xi32> to vector<32xbf16>
          %bitcast3A_891 = vector.bitcast %gather3A_888 : vector<16xi32> to vector<32xbf16>
          %add3A_892 = arith.addf %bitcast3A_889, %bitcast3A_891 : vector<32xbf16>
          %sub3A_893 = arith.subf %add3A_892, %bitcast3A_890 : vector<32xbf16>
          %bitcast3A_894 = vector.bitcast %sub3A_893 : vector<32xbf16> to vector<16xi32>
          %and3A_895 = arith.constant -65536 : i32
          %and3A_896 = vector.broadcast %and3A_895 : i32 to vector<16xi32>
          %and3A_897 = arith.andi %bitcast3A_894, %and3A_896 : vector<16xi32>
          %bitcast3A_898 = vector.bitcast %and3A_897 : vector<16xi32> to vector<16xf32>
          %shift_left3A_899 = arith.constant 16 : i32
          %shift_left3A_900 = vector.broadcast %shift_left3A_899 : i32 to vector<16xi32>
          %shift_left3A_901 = arith.shli %bitcast3A_894, %shift_left3A_900 : vector<16xi32>
          %bitcast3A_902 = vector.bitcast %shift_left3A_901 : vector<16xi32> to vector<16xf32>
          %mul3A_903 = arith.mulf %bitcast3A_898, %bitcast3A_898 : vector<16xf32>
          %add3A_904 = arith.addf %add3A_877, %mul3A_903 : vector<16xf32>
          %mul3A_905 = arith.mulf %bitcast3A_902, %bitcast3A_902 : vector<16xf32>
          %add3A_906 = arith.addf %add3A_879, %mul3A_905 : vector<16xf32>
          %mul3A_907 = arith.constant 32 : i32
          %mul3A_908 = arith.muli %scan3A_179, %mul3A_907 : i32
          %add3A_909 = arith.constant 27 : i32
          %add3A_910 = arith.addi %mul3A_908, %add3A_909 : i32
          %xor3A_911 = vector.broadcast %add3A_910 : i32 to vector<16xi32>
          %xor3A_912 = arith.xori %xor3A_911, %iota3A : vector<16xi32>
          %gather3A_913 = tpu.vector_load_idx %arg14[%add3A_135, %xor3A_912] : memref<128x64xi32, #tpu.memory_space<vmem>>[vector<16xi32>, vector<16xi32>], vector<16xi32>,
          %gather3A_914 = tpu.vector_load_idx %arg15[%add3A_135, %xor3A_912] : memref<128x64xi32, #tpu.memory_space<vmem>>[vector<16xi32>, vector<16xi32>], vector<16xi32>,
          %gather3A_915 = tpu.vector_load_idx %arg16[%add3A_135, %xor3A_912] : memref<128x64xi32, #tpu.memory_space<vmem>>[vector<16xi32>, vector<16xi32>], vector<16xi32>,
          %bitcast3A_916 = vector.bitcast %gather3A_913 : vector<16xi32> to vector<32xbf16>
          %bitcast3A_917 = vector.bitcast %gather3A_914 : vector<16xi32> to vector<32xbf16>
          %bitcast3A_918 = vector.bitcast %gather3A_915 : vector<16xi32> to vector<32xbf16>
          %add3A_919 = arith.addf %bitcast3A_916, %bitcast3A_918 : vector<32xbf16>
          %sub3A_920 = arith.subf %add3A_919, %bitcast3A_917 : vector<32xbf16>
          %bitcast3A_921 = vector.bitcast %sub3A_920 : vector<32xbf16> to vector<16xi32>
          %and3A_922 = arith.constant -65536 : i32
          %and3A_923 = vector.broadcast %and3A_922 : i32 to vector<16xi32>
          %and3A_924 = arith.andi %bitcast3A_921, %and3A_923 : vector<16xi32>
          %bitcast3A_925 = vector.bitcast %and3A_924 : vector<16xi32> to vector<16xf32>
          %shift_left3A_926 = arith.constant 16 : i32
          %shift_left3A_927 = vector.broadcast %shift_left3A_926 : i32 to vector<16xi32>
          %shift_left3A_928 = arith.shli %bitcast3A_921, %shift_left3A_927 : vector<16xi32>
          %bitcast3A_929 = vector.bitcast %shift_left3A_928 : vector<16xi32> to vector<16xf32>
          %mul3A_930 = arith.mulf %bitcast3A_925, %bitcast3A_925 : vector<16xf32>
          %add3A_931 = arith.addf %add3A_904, %mul3A_930 : vector<16xf32>
          %mul3A_932 = arith.mulf %bitcast3A_929, %bitcast3A_929 : vector<16xf32>
          %add3A_933 = arith.addf %add3A_906, %mul3A_932 : vector<16xf32>
          %mul3A_934 = arith.constant 32 : i32
          %mul3A_935 = arith.muli %scan3A_179, %mul3A_934 : i32
          %add3A_936 = arith.constant 28 : i32
          %add3A_937 = arith.addi %mul3A_935, %add3A_936 : i32
          %xor3A_938 = vector.broadcast %add3A_937 : i32 to vector<16xi32>
          %xor3A_939 = arith.xori %xor3A_938, %iota3A : vector<16xi32>
          %gather3A_940 = tpu.vector_load_idx %arg14[%add3A_135, %xor3A_939] : memref<128x64xi32, #tpu.memory_space<vmem>>[vector<16xi32>, vector<16xi32>], vector<16xi32>,
          %gather3A_941 = tpu.vector_load_idx %arg15[%add3A_135, %xor3A_939] : memref<128x64xi32, #tpu.memory_space<vmem>>[vector<16xi32>, vector<16xi32>], vector<16xi32>,
          %gather3A_942 = tpu.vector_load_idx %arg16[%add3A_135, %xor3A_939] : memref<128x64xi32, #tpu.memory_space<vmem>>[vector<16xi32>, vector<16xi32>], vector<16xi32>,
          %bitcast3A_943 = vector.bitcast %gather3A_940 : vector<16xi32> to vector<32xbf16>
          %bitcast3A_944 = vector.bitcast %gather3A_941 : vector<16xi32> to vector<32xbf16>
          %bitcast3A_945 = vector.bitcast %gather3A_942 : vector<16xi32> to vector<32xbf16>
          %add3A_946 = arith.addf %bitcast3A_943, %bitcast3A_945 : vector<32xbf16>
          %sub3A_947 = arith.subf %add3A_946, %bitcast3A_944 : vector<32xbf16>
          %bitcast3A_948 = vector.bitcast %sub3A_947 : vector<32xbf16> to vector<16xi32>
          %and3A_949 = arith.constant -65536 : i32
          %and3A_950 = vector.broadcast %and3A_949 : i32 to vector<16xi32>
          %and3A_951 = arith.andi %bitcast3A_948, %and3A_950 : vector<16xi32>
          %bitcast3A_952 = vector.bitcast %and3A_951 : vector<16xi32> to vector<16xf32>
          %shift_left3A_953 = arith.constant 16 : i32
          %shift_left3A_954 = vector.broadcast %shift_left3A_953 : i32 to vector<16xi32>
          %shift_left3A_955 = arith.shli %bitcast3A_948, %shift_left3A_954 : vector<16xi32>
          %bitcast3A_956 = vector.bitcast %shift_left3A_955 : vector<16xi32> to vector<16xf32>
          %mul3A_957 = arith.mulf %bitcast3A_952, %bitcast3A_952 : vector<16xf32>
          %add3A_958 = arith.addf %add3A_931, %mul3A_957 : vector<16xf32>
          %mul3A_959 = arith.mulf %bitcast3A_956, %bitcast3A_956 : vector<16xf32>
          %add3A_960 = arith.addf %add3A_933, %mul3A_959 : vector<16xf32>
          %mul3A_961 = arith.constant 32 : i32
          %mul3A_962 = arith.muli %scan3A_179, %mul3A_961 : i32
          %add3A_963 = arith.constant 29 : i32
          %add3A_964 = arith.addi %mul3A_962, %add3A_963 : i32
          %xor3A_965 = vector.broadcast %add3A_964 : i32 to vector<16xi32>
          %xor3A_966 = arith.xori %xor3A_965, %iota3A : vector<16xi32>
          %gather3A_967 = tpu.vector_load_idx %arg14[%add3A_135, %xor3A_966] : memref<128x64xi32, #tpu.memory_space<vmem>>[vector<16xi32>, vector<16xi32>], vector<16xi32>,
          %gather3A_968 = tpu.vector_load_idx %arg15[%add3A_135, %xor3A_966] : memref<128x64xi32, #tpu.memory_space<vmem>>[vector<16xi32>, vector<16xi32>], vector<16xi32>,
          %gather3A_969 = tpu.vector_load_idx %arg16[%add3A_135, %xor3A_966] : memref<128x64xi32, #tpu.memory_space<vmem>>[vector<16xi32>, vector<16xi32>], vector<16xi32>,
          %bitcast3A_970 = vector.bitcast %gather3A_967 : vector<16xi32> to vector<32xbf16>
          %bitcast3A_971 = vector.bitcast %gather3A_968 : vector<16xi32> to vector<32xbf16>
          %bitcast3A_972 = vector.bitcast %gather3A_969 : vector<16xi32> to vector<32xbf16>
          %add3A_973 = arith.addf %bitcast3A_970, %bitcast3A_972 : vector<32xbf16>
          %sub3A_974 = arith.subf %add3A_973, %bitcast3A_971 : vector<32xbf16>
          %bitcast3A_975 = vector.bitcast %sub3A_974 : vector<32xbf16> to vector<16xi32>
          %and3A_976 = arith.constant -65536 : i32
          %and3A_977 = vector.broadcast %and3A_976 : i32 to vector<16xi32>
          %and3A_978 = arith.andi %bitcast3A_975, %and3A_977 : vector<16xi32>
          %bitcast3A_979 = vector.bitcast %and3A_978 : vector<16xi32> to vector<16xf32>
          %shift_left3A_980 = arith.constant 16 : i32
          %shift_left3A_981 = vector.broadcast %shift_left3A_980 : i32 to vector<16xi32>
          %shift_left3A_982 = arith.shli %bitcast3A_975, %shift_left3A_981 : vector<16xi32>
          %bitcast3A_983 = vector.bitcast %shift_left3A_982 : vector<16xi32> to vector<16xf32>
          %mul3A_984 = arith.mulf %bitcast3A_979, %bitcast3A_979 : vector<16xf32>
          %add3A_985 = arith.addf %add3A_958, %mul3A_984 : vector<16xf32>
          %mul3A_986 = arith.mulf %bitcast3A_983, %bitcast3A_983 : vector<16xf32>
          %add3A_987 = arith.addf %add3A_960, %mul3A_986 : vector<16xf32>
          %mul3A_988 = arith.constant 32 : i32
          %mul3A_989 = arith.muli %scan3A_179, %mul3A_988 : i32
          %add3A_990 = arith.constant 30 : i32
          %add3A_991 = arith.addi %mul3A_989, %add3A_990 : i32
          %xor3A_992 = vector.broadcast %add3A_991 : i32 to vector<16xi32>
          %xor3A_993 = arith.xori %xor3A_992, %iota3A : vector<16xi32>
          %gather3A_994 = tpu.vector_load_idx %arg14[%add3A_135, %xor3A_993] : memref<128x64xi32, #tpu.memory_space<vmem>>[vector<16xi32>, vector<16xi32>], vector<16xi32>,
          %gather3A_995 = tpu.vector_load_idx %arg15[%add3A_135, %xor3A_993] : memref<128x64xi32, #tpu.memory_space<vmem>>[vector<16xi32>, vector<16xi32>], vector<16xi32>,
          %gather3A_996 = tpu.vector_load_idx %arg16[%add3A_135, %xor3A_993] : memref<128x64xi32, #tpu.memory_space<vmem>>[vector<16xi32>, vector<16xi32>], vector<16xi32>,
          %bitcast3A_997 = vector.bitcast %gather3A_994 : vector<16xi32> to vector<32xbf16>
          %bitcast3A_998 = vector.bitcast %gather3A_995 : vector<16xi32> to vector<32xbf16>
          %bitcast3A_999 = vector.bitcast %gather3A_996 : vector<16xi32> to vector<32xbf16>
          %add3A_1000 = arith.addf %bitcast3A_997, %bitcast3A_999 : vector<32xbf16>
          %sub3A_1001 = arith.subf %add3A_1000, %bitcast3A_998 : vector<32xbf16>
          %bitcast3A_1002 = vector.bitcast %sub3A_1001 : vector<32xbf16> to vector<16xi32>
          %and3A_1003 = arith.constant -65536 : i32
          %and3A_1004 = vector.broadcast %and3A_1003 : i32 to vector<16xi32>
          %and3A_1005 = arith.andi %bitcast3A_1002, %and3A_1004 : vector<16xi32>
          %bitcast3A_1006 = vector.bitcast %and3A_1005 : vector<16xi32> to vector<16xf32>
          %shift_left3A_1007 = arith.constant 16 : i32
          %shift_left3A_1008 = vector.broadcast %shift_left3A_1007 : i32 to vector<16xi32>
          %shift_left3A_1009 = arith.shli %bitcast3A_1002, %shift_left3A_1008 : vector<16xi32>
          %bitcast3A_1010 = vector.bitcast %shift_left3A_1009 : vector<16xi32> to vector<16xf32>
          %mul3A_1011 = arith.mulf %bitcast3A_1006, %bitcast3A_1006 : vector<16xf32>
          %add3A_1012 = arith.addf %add3A_985, %mul3A_1011 : vector<16xf32>
          %mul3A_1013 = arith.mulf %bitcast3A_1010, %bitcast3A_1010 : vector<16xf32>
          %add3A_1014 = arith.addf %add3A_987, %mul3A_1013 : vector<16xf32>
          %mul3A_1015 = arith.constant 32 : i32
          %mul3A_1016 = arith.muli %scan3A_179, %mul3A_1015 : i32
          %add3A_1017 = arith.constant 31 : i32
          %add3A_1018 = arith.addi %mul3A_1016, %add3A_1017 : i32
          %xor3A_1019 = vector.broadcast %add3A_1018 : i32 to vector<16xi32>
          %xor3A_1020 = arith.xori %xor3A_1019, %iota3A : vector<16xi32>
          %gather3A_1021 = tpu.vector_load_idx %arg14[%add3A_135, %xor3A_1020] : memref<128x64xi32, #tpu.memory_space<vmem>>[vector<16xi32>, vector<16xi32>], vector<16xi32>,
          %gather3A_1022 = tpu.vector_load_idx %arg15[%add3A_135, %xor3A_1020] : memref<128x64xi32, #tpu.memory_space<vmem>>[vector<16xi32>, vector<16xi32>], vector<16xi32>,
          %gather3A_1023 = tpu.vector_load_idx %arg16[%add3A_135, %xor3A_1020] : memref<128x64xi32, #tpu.memory_space<vmem>>[vector<16xi32>, vector<16xi32>], vector<16xi32>,
          %bitcast3A_1024 = vector.bitcast %gather3A_1021 : vector<16xi32> to vector<32xbf16>
          %bitcast3A_1025 = vector.bitcast %gather3A_1022 : vector<16xi32> to vector<32xbf16>
          %bitcast3A_1026 = vector.bitcast %gather3A_1023 : vector<16xi32> to vector<32xbf16>
          %add3A_1027 = arith.addf %bitcast3A_1024, %bitcast3A_1026 : vector<32xbf16>
          %sub3A_1028 = arith.subf %add3A_1027, %bitcast3A_1025 : vector<32xbf16>
          %bitcast3A_1029 = vector.bitcast %sub3A_1028 : vector<32xbf16> to vector<16xi32>
          %and3A_1030 = arith.constant -65536 : i32
          %and3A_1031 = vector.broadcast %and3A_1030 : i32 to vector<16xi32>
          %and3A_1032 = arith.andi %bitcast3A_1029, %and3A_1031 : vector<16xi32>
          %bitcast3A_1033 = vector.bitcast %and3A_1032 : vector<16xi32> to vector<16xf32>
          %shift_left3A_1034 = arith.constant 16 : i32
          %shift_left3A_1035 = vector.broadcast %shift_left3A_1034 : i32 to vector<16xi32>
          %shift_left3A_1036 = arith.shli %bitcast3A_1029, %shift_left3A_1035 : vector<16xi32>
          %bitcast3A_1037 = vector.bitcast %shift_left3A_1036 : vector<16xi32> to vector<16xf32>
          %mul3A_1038 = arith.mulf %bitcast3A_1033, %bitcast3A_1033 : vector<16xf32>
          %add3A_1039 = arith.addf %add3A_1012, %mul3A_1038 : vector<16xf32>
          %mul3A_1040 = arith.mulf %bitcast3A_1037, %bitcast3A_1037 : vector<16xf32>
          %add3A_1041 = arith.addf %add3A_1014, %mul3A_1040 : vector<16xf32>
          scf.yield %add3A_1039, %add3A_1041 : vector<16xf32>, vector<16xf32>
        }
        %scan3A_142 = arith.constant 2 : i32
        %add3A_143 = arith.addf %scan3A_141#0, %scan3A_141#1 : vector<16xf32>
        %max3A = arith.constant 1.000000e-30 : f32
        %max3A_144 = vector.broadcast %max3A : f32 to vector<16xf32>
        %max3A_145 = arith.maximumf %add3A_143, %max3A_144 : vector<16xf32>
        %bitcast3A = vector.bitcast %max3A_145 : vector<16xf32> to vector<16xi32>
        %shift_right_arithmetic3A = arith.constant 1 : i32
        %shift_right_arithmetic3A_146 = vector.broadcast %shift_right_arithmetic3A : i32 to vector<16xi32>
        %shift_right_arithmetic3A_147 = arith.shrsi %bitcast3A, %shift_right_arithmetic3A_146 : vector<16xi32>
        %sub3A = arith.constant 1597463007 : i32
        %sub3A_148 = vector.broadcast %sub3A : i32 to vector<16xi32>
        %sub3A_149 = arith.subi %sub3A_148, %shift_right_arithmetic3A_147 : vector<16xi32>
        %bitcast3A_150 = vector.bitcast %sub3A_149 : vector<16xi32> to vector<16xf32>
        %mul3A_151 = arith.constant 5.000000e-01 : f32
        %mul3A_152 = vector.broadcast %mul3A_151 : f32 to vector<16xf32>
        %mul3A_153 = arith.mulf %mul3A_152, %max3A_145 : vector<16xf32>
        %mul3A_154 = arith.mulf %mul3A_153, %bitcast3A_150 : vector<16xf32>
        %mul3A_155 = arith.mulf %mul3A_154, %bitcast3A_150 : vector<16xf32>
        %sub3A_156 = arith.constant 1.500000e+00 : f32
        %sub3A_157 = vector.broadcast %sub3A_156 : f32 to vector<16xf32>
        %sub3A_158 = arith.subf %sub3A_157, %mul3A_155 : vector<16xf32>
        %mul3A_159 = arith.mulf %bitcast3A_150, %sub3A_158 : vector<16xf32>
        %mul3A_160 = arith.mulf %mul3A_153, %mul3A_159 : vector<16xf32>
        %mul3A_161 = arith.mulf %mul3A_160, %mul3A_159 : vector<16xf32>
        %sub3A_162 = arith.constant 1.500000e+00 : f32
        %sub3A_163 = vector.broadcast %sub3A_162 : f32 to vector<16xf32>
        %sub3A_164 = arith.subf %sub3A_163, %mul3A_161 : vector<16xf32>
        %mul3A_165 = arith.mulf %mul3A_159, %sub3A_164 : vector<16xf32>
        %mul3A_166 = arith.mulf %mul3A_153, %mul3A_165 : vector<16xf32>
        %mul3A_167 = arith.mulf %mul3A_166, %mul3A_165 : vector<16xf32>
        %sub3A_168 = arith.constant 1.500000e+00 : f32
        %sub3A_169 = vector.broadcast %sub3A_168 : f32 to vector<16xf32>
        %sub3A_170 = arith.subf %sub3A_169, %mul3A_167 : vector<16xf32>
        %mul3A_171 = arith.mulf %mul3A_165, %sub3A_170 : vector<16xf32>
        %mul3A_172 = arith.mulf %max3A_145, %mul3A_171 : vector<16xf32>
        %mul3A_173 = arith.constant 128 : i32
        %mul3A_174 = arith.muli %add3A_124, %mul3A_173 : i32
        %mul3A_175 = arith.constant 16 : i32
        %mul3A_176 = arith.muli %scan3A_131, %mul3A_175 : i32
        %add3A_177 = arith.addi %mul3A_174, %mul3A_176 : i32
        %swap3A = arith.index_cast %add3A_177 : i32 to index
        %swap3A_178 = tpu.vector_load %arg17[%swap3A] {strides = array<i32>} : memref<18816xf32, #tpu.memory_space<vmem>>, vector<16xf32>,
        tpu.vector_store %arg17[%swap3A], %mul3A_172 {strides = array<i32>} : memref<18816xf32, #tpu.memory_space<vmem>>, vector<16xf32>,
      }
      %scan3A_130 = arith.constant 8 : i32
    }
    %scan3A_21 = arith.constant 73 : i32
    %dma_wait3A = arith.constant 18688 : i32
    %dma_wait3A_22 = tpu.memref_slice %arg8[%dma_wait3A] : memref<18816xi32, #tpu.memory_space<vmem>> -> memref<128xi32, #tpu.memory_space<vmem>>
    %dma_wait3A_23 = arith.constant 0 : i32
    %dma_wait3A_24 = arith.constant 0 : i32
    %dma_wait3A_25 = tpu.memref_slice %arg2[%dma_wait3A_23, %dma_wait3A_24] : memref<100000x64xi32, #tpu.memory_space<hbm>> -> memref<100000x64xi32, #tpu.memory_space<hbm>>
    tpu.wait_indirect_dma semaphore(%arg18 : memref<!tpu.dma_semaphore, #tpu.memory_space<semaphore_mem>>) src(%dma_wait3A_25 : memref<100000x64xi32, #tpu.memory_space<hbm>>) dst(%arg11 : memref<128x64xi32, #tpu.memory_space<vmem>>)
    %dma_wait3A_26 = arith.constant 18688 : i32
    %dma_wait3A_27 = tpu.memref_slice %arg9[%dma_wait3A_26] : memref<18816xi32, #tpu.memory_space<vmem>> -> memref<128xi32, #tpu.memory_space<vmem>>
    %dma_wait3A_28 = arith.constant 0 : i32
    %dma_wait3A_29 = arith.constant 0 : i32
    %dma_wait3A_30 = tpu.memref_slice %arg2[%dma_wait3A_28, %dma_wait3A_29] : memref<100000x64xi32, #tpu.memory_space<hbm>> -> memref<100000x64xi32, #tpu.memory_space<hbm>>
    tpu.wait_indirect_dma semaphore(%arg19 : memref<!tpu.dma_semaphore, #tpu.memory_space<semaphore_mem>>) src(%dma_wait3A_30 : memref<100000x64xi32, #tpu.memory_space<hbm>>) dst(%arg12 : memref<128x64xi32, #tpu.memory_space<vmem>>)
    %dma_wait3A_31 = arith.constant 18688 : i32
    %dma_wait3A_32 = tpu.memref_slice %arg10[%dma_wait3A_31] : memref<18816xi32, #tpu.memory_space<vmem>> -> memref<128xi32, #tpu.memory_space<vmem>>
    %dma_wait3A_33 = arith.constant 0 : i32
    %dma_wait3A_34 = arith.constant 0 : i32
    %dma_wait3A_35 = tpu.memref_slice %arg3[%dma_wait3A_33, %dma_wait3A_34] : memref<1000x64xi32, #tpu.memory_space<hbm>> -> memref<1000x64xi32, #tpu.memory_space<hbm>>
    tpu.wait_indirect_dma semaphore(%arg20 : memref<!tpu.dma_semaphore, #tpu.memory_space<semaphore_mem>>) src(%dma_wait3A_35 : memref<1000x64xi32, #tpu.memory_space<hbm>>) dst(%arg13 : memref<128x64xi32, #tpu.memory_space<vmem>>)
    %scan3A_36 = arith.constant 0 : i32
    %scan3A_37 = arith.constant 0 : i32
    %scan3A_38 = arith.constant 8 : i32
    %scan3A_39 = arith.addi %scan3A_37, %scan3A_38 : i32
    %scan3A_40 = arith.constant 1 : i32
    scf.for %scan3A_44 = %scan3A_37 to %scan3A_39 step %scan3A_40  : i32 {
      %mul3A_45 = arith.constant 16 : i32
      %mul3A_46 = arith.muli %scan3A_44, %mul3A_45 : i32
      %add3A_47 = vector.broadcast %mul3A_46 : i32 to vector<16xi32>
      %add3A_48 = arith.addi %add3A_47, %iota3A : vector<16xi32>
      %broadcast_in_dim3A = arith.constant 0.000000e+00 : f32
      %broadcast_in_dim3A_49 = vector.broadcast %broadcast_in_dim3A : f32 to vector<16xf32>
      %scan3A_50 = arith.constant 0 : i32
      %scan3A_51 = arith.constant 2 : i32
      %scan3A_52 = arith.addi %scan3A_50, %scan3A_51 : i32
      %scan3A_53 = arith.constant 1 : i32
      %scan3A_54:2 = scf.for %scan3A_91 = %scan3A_50 to %scan3A_52 step %scan3A_53 iter_args(%scan3A_92 = %broadcast_in_dim3A_49, %scan3A_93 = %broadcast_in_dim3A_49) -> (vector<16xf32>, vector<16xf32>)  : i32 {
        %mul3A_94 = arith.constant 32 : i32
        %mul3A_95 = arith.muli %scan3A_91, %mul3A_94 : i32
        %add3A_96 = arith.constant 0 : i32
        %add3A_97 = arith.addi %mul3A_95, %add3A_96 : i32
        %xor3A = vector.broadcast %add3A_97 : i32 to vector<16xi32>
        %xor3A_98 = arith.xori %xor3A, %iota3A : vector<16xi32>
        %gather3A = tpu.vector_load_idx %arg11[%add3A_48, %xor3A_98] : memref<128x64xi32, #tpu.memory_space<vmem>>[vector<16xi32>, vector<16xi32>], vector<16xi32>,
        %gather3A_99 = tpu.vector_load_idx %arg12[%add3A_48, %xor3A_98] : memref<128x64xi32, #tpu.memory_space<vmem>>[vector<16xi32>, vector<16xi32>], vector<16xi32>,
        %gather3A_100 = tpu.vector_load_idx %arg13[%add3A_48, %xor3A_98] : memref<128x64xi32, #tpu.memory_space<vmem>>[vector<16xi32>, vector<16xi32>], vector<16xi32>,
        %bitcast3A_101 = vector.bitcast %gather3A : vector<16xi32> to vector<32xbf16>
        %bitcast3A_102 = vector.bitcast %gather3A_99 : vector<16xi32> to vector<32xbf16>
        %bitcast3A_103 = vector.bitcast %gather3A_100 : vector<16xi32> to vector<32xbf16>
        %add3A_104 = arith.addf %bitcast3A_101, %bitcast3A_103 : vector<32xbf16>
        %sub3A_105 = arith.subf %add3A_104, %bitcast3A_102 : vector<32xbf16>
        %bitcast3A_106 = vector.bitcast %sub3A_105 : vector<32xbf16> to vector<16xi32>
        %and3A = arith.constant -65536 : i32
        %and3A_107 = vector.broadcast %and3A : i32 to vector<16xi32>
        %and3A_108 = arith.andi %bitcast3A_106, %and3A_107 : vector<16xi32>
        %bitcast3A_109 = vector.bitcast %and3A_108 : vector<16xi32> to vector<16xf32>
        %shift_left3A = arith.constant 16 : i32
        %shift_left3A_110 = vector.broadcast %shift_left3A : i32 to vector<16xi32>
        %shift_left3A_111 = arith.shli %bitcast3A_106, %shift_left3A_110 : vector<16xi32>
        %bitcast3A_112 = vector.bitcast %shift_left3A_111 : vector<16xi32> to vector<16xf32>
        %mul3A_113 = arith.mulf %bitcast3A_109, %bitcast3A_109 : vector<16xf32>
        %add3A_114 = arith.addf %scan3A_92, %mul3A_113 : vector<16xf32>
        %mul3A_115 = arith.mulf %bitcast3A_112, %bitcast3A_112 : vector<16xf32>
        %add3A_116 = arith.addf %scan3A_93, %mul3A_115 : vector<16xf32>
        %mul3A_117 = arith.constant 32 : i32
        %mul3A_118 = arith.muli %scan3A_91, %mul3A_117 : i32
        %add3A_119 = arith.constant 1 : i32
        %add3A_120 = arith.addi %mul3A_118, %add3A_119 : i32
        %xor3A_121 = vector.broadcast %add3A_120 : i32 to vector<16xi32>
        %xor3A_122 = arith.xori %xor3A_121, %iota3A : vector<16xi32>
        %gather3A_123 = tpu.vector_load_idx %arg11[%add3A_48, %xor3A_122] : memref<128x64xi32, #tpu.memory_space<vmem>>[vector<16xi32>, vector<16xi32>], vector<16xi32>,
        %gather3A_124 = tpu.vector_load_idx %arg12[%add3A_48, %xor3A_122] : memref<128x64xi32, #tpu.memory_space<vmem>>[vector<16xi32>, vector<16xi32>], vector<16xi32>,
        %gather3A_125 = tpu.vector_load_idx %arg13[%add3A_48, %xor3A_122] : memref<128x64xi32, #tpu.memory_space<vmem>>[vector<16xi32>, vector<16xi32>], vector<16xi32>,
        %bitcast3A_126 = vector.bitcast %gather3A_123 : vector<16xi32> to vector<32xbf16>
        %bitcast3A_127 = vector.bitcast %gather3A_124 : vector<16xi32> to vector<32xbf16>
        %bitcast3A_128 = vector.bitcast %gather3A_125 : vector<16xi32> to vector<32xbf16>
        %add3A_129 = arith.addf %bitcast3A_126, %bitcast3A_128 : vector<32xbf16>
        %sub3A_130 = arith.subf %add3A_129, %bitcast3A_127 : vector<32xbf16>
        %bitcast3A_131 = vector.bitcast %sub3A_130 : vector<32xbf16> to vector<16xi32>
        %and3A_132 = arith.constant -65536 : i32
        %and3A_133 = vector.broadcast %and3A_132 : i32 to vector<16xi32>
        %and3A_134 = arith.andi %bitcast3A_131, %and3A_133 : vector<16xi32>
        %bitcast3A_135 = vector.bitcast %and3A_134 : vector<16xi32> to vector<16xf32>
        %shift_left3A_136 = arith.constant 16 : i32
        %shift_left3A_137 = vector.broadcast %shift_left3A_136 : i32 to vector<16xi32>
        %shift_left3A_138 = arith.shli %bitcast3A_131, %shift_left3A_137 : vector<16xi32>
        %bitcast3A_139 = vector.bitcast %shift_left3A_138 : vector<16xi32> to vector<16xf32>
        %mul3A_140 = arith.mulf %bitcast3A_135, %bitcast3A_135 : vector<16xf32>
        %add3A_141 = arith.addf %add3A_114, %mul3A_140 : vector<16xf32>
        %mul3A_142 = arith.mulf %bitcast3A_139, %bitcast3A_139 : vector<16xf32>
        %add3A_143 = arith.addf %add3A_116, %mul3A_142 : vector<16xf32>
        %mul3A_144 = arith.constant 32 : i32
        %mul3A_145 = arith.muli %scan3A_91, %mul3A_144 : i32
        %add3A_146 = arith.constant 2 : i32
        %add3A_147 = arith.addi %mul3A_145, %add3A_146 : i32
        %xor3A_148 = vector.broadcast %add3A_147 : i32 to vector<16xi32>
        %xor3A_149 = arith.xori %xor3A_148, %iota3A : vector<16xi32>
        %gather3A_150 = tpu.vector_load_idx %arg11[%add3A_48, %xor3A_149] : memref<128x64xi32, #tpu.memory_space<vmem>>[vector<16xi32>, vector<16xi32>], vector<16xi32>,
        %gather3A_151 = tpu.vector_load_idx %arg12[%add3A_48, %xor3A_149] : memref<128x64xi32, #tpu.memory_space<vmem>>[vector<16xi32>, vector<16xi32>], vector<16xi32>,
        %gather3A_152 = tpu.vector_load_idx %arg13[%add3A_48, %xor3A_149] : memref<128x64xi32, #tpu.memory_space<vmem>>[vector<16xi32>, vector<16xi32>], vector<16xi32>,
        %bitcast3A_153 = vector.bitcast %gather3A_150 : vector<16xi32> to vector<32xbf16>
        %bitcast3A_154 = vector.bitcast %gather3A_151 : vector<16xi32> to vector<32xbf16>
        %bitcast3A_155 = vector.bitcast %gather3A_152 : vector<16xi32> to vector<32xbf16>
        %add3A_156 = arith.addf %bitcast3A_153, %bitcast3A_155 : vector<32xbf16>
        %sub3A_157 = arith.subf %add3A_156, %bitcast3A_154 : vector<32xbf16>
        %bitcast3A_158 = vector.bitcast %sub3A_157 : vector<32xbf16> to vector<16xi32>
        %and3A_159 = arith.constant -65536 : i32
        %and3A_160 = vector.broadcast %and3A_159 : i32 to vector<16xi32>
        %and3A_161 = arith.andi %bitcast3A_158, %and3A_160 : vector<16xi32>
        %bitcast3A_162 = vector.bitcast %and3A_161 : vector<16xi32> to vector<16xf32>
        %shift_left3A_163 = arith.constant 16 : i32
        %shift_left3A_164 = vector.broadcast %shift_left3A_163 : i32 to vector<16xi32>
        %shift_left3A_165 = arith.shli %bitcast3A_158, %shift_left3A_164 : vector<16xi32>
        %bitcast3A_166 = vector.bitcast %shift_left3A_165 : vector<16xi32> to vector<16xf32>
        %mul3A_167 = arith.mulf %bitcast3A_162, %bitcast3A_162 : vector<16xf32>
        %add3A_168 = arith.addf %add3A_141, %mul3A_167 : vector<16xf32>
        %mul3A_169 = arith.mulf %bitcast3A_166, %bitcast3A_166 : vector<16xf32>
        %add3A_170 = arith.addf %add3A_143, %mul3A_169 : vector<16xf32>
        %mul3A_171 = arith.constant 32 : i32
        %mul3A_172 = arith.muli %scan3A_91, %mul3A_171 : i32
        %add3A_173 = arith.constant 3 : i32
        %add3A_174 = arith.addi %mul3A_172, %add3A_173 : i32
        %xor3A_175 = vector.broadcast %add3A_174 : i32 to vector<16xi32>
        %xor3A_176 = arith.xori %xor3A_175, %iota3A : vector<16xi32>
        %gather3A_177 = tpu.vector_load_idx %arg11[%add3A_48, %xor3A_176] : memref<128x64xi32, #tpu.memory_space<vmem>>[vector<16xi32>, vector<16xi32>], vector<16xi32>,
        %gather3A_178 = tpu.vector_load_idx %arg12[%add3A_48, %xor3A_176] : memref<128x64xi32, #tpu.memory_space<vmem>>[vector<16xi32>, vector<16xi32>], vector<16xi32>,
        %gather3A_179 = tpu.vector_load_idx %arg13[%add3A_48, %xor3A_176] : memref<128x64xi32, #tpu.memory_space<vmem>>[vector<16xi32>, vector<16xi32>], vector<16xi32>,
        %bitcast3A_180 = vector.bitcast %gather3A_177 : vector<16xi32> to vector<32xbf16>
        %bitcast3A_181 = vector.bitcast %gather3A_178 : vector<16xi32> to vector<32xbf16>
        %bitcast3A_182 = vector.bitcast %gather3A_179 : vector<16xi32> to vector<32xbf16>
        %add3A_183 = arith.addf %bitcast3A_180, %bitcast3A_182 : vector<32xbf16>
        %sub3A_184 = arith.subf %add3A_183, %bitcast3A_181 : vector<32xbf16>
        %bitcast3A_185 = vector.bitcast %sub3A_184 : vector<32xbf16> to vector<16xi32>
        %and3A_186 = arith.constant -65536 : i32
        %and3A_187 = vector.broadcast %and3A_186 : i32 to vector<16xi32>
        %and3A_188 = arith.andi %bitcast3A_185, %and3A_187 : vector<16xi32>
        %bitcast3A_189 = vector.bitcast %and3A_188 : vector<16xi32> to vector<16xf32>
        %shift_left3A_190 = arith.constant 16 : i32
        %shift_left3A_191 = vector.broadcast %shift_left3A_190 : i32 to vector<16xi32>
        %shift_left3A_192 = arith.shli %bitcast3A_185, %shift_left3A_191 : vector<16xi32>
        %bitcast3A_193 = vector.bitcast %shift_left3A_192 : vector<16xi32> to vector<16xf32>
        %mul3A_194 = arith.mulf %bitcast3A_189, %bitcast3A_189 : vector<16xf32>
        %add3A_195 = arith.addf %add3A_168, %mul3A_194 : vector<16xf32>
        %mul3A_196 = arith.mulf %bitcast3A_193, %bitcast3A_193 : vector<16xf32>
        %add3A_197 = arith.addf %add3A_170, %mul3A_196 : vector<16xf32>
        %mul3A_198 = arith.constant 32 : i32
        %mul3A_199 = arith.muli %scan3A_91, %mul3A_198 : i32
        %add3A_200 = arith.constant 4 : i32
        %add3A_201 = arith.addi %mul3A_199, %add3A_200 : i32
        %xor3A_202 = vector.broadcast %add3A_201 : i32 to vector<16xi32>
        %xor3A_203 = arith.xori %xor3A_202, %iota3A : vector<16xi32>
        %gather3A_204 = tpu.vector_load_idx %arg11[%add3A_48, %xor3A_203] : memref<128x64xi32, #tpu.memory_space<vmem>>[vector<16xi32>, vector<16xi32>], vector<16xi32>,
        %gather3A_205 = tpu.vector_load_idx %arg12[%add3A_48, %xor3A_203] : memref<128x64xi32, #tpu.memory_space<vmem>>[vector<16xi32>, vector<16xi32>], vector<16xi32>,
        %gather3A_206 = tpu.vector_load_idx %arg13[%add3A_48, %xor3A_203] : memref<128x64xi32, #tpu.memory_space<vmem>>[vector<16xi32>, vector<16xi32>], vector<16xi32>,
        %bitcast3A_207 = vector.bitcast %gather3A_204 : vector<16xi32> to vector<32xbf16>
        %bitcast3A_208 = vector.bitcast %gather3A_205 : vector<16xi32> to vector<32xbf16>
        %bitcast3A_209 = vector.bitcast %gather3A_206 : vector<16xi32> to vector<32xbf16>
        %add3A_210 = arith.addf %bitcast3A_207, %bitcast3A_209 : vector<32xbf16>
        %sub3A_211 = arith.subf %add3A_210, %bitcast3A_208 : vector<32xbf16>
        %bitcast3A_212 = vector.bitcast %sub3A_211 : vector<32xbf16> to vector<16xi32>
        %and3A_213 = arith.constant -65536 : i32
        %and3A_214 = vector.broadcast %and3A_213 : i32 to vector<16xi32>
        %and3A_215 = arith.andi %bitcast3A_212, %and3A_214 : vector<16xi32>
        %bitcast3A_216 = vector.bitcast %and3A_215 : vector<16xi32> to vector<16xf32>
        %shift_left3A_217 = arith.constant 16 : i32
        %shift_left3A_218 = vector.broadcast %shift_left3A_217 : i32 to vector<16xi32>
        %shift_left3A_219 = arith.shli %bitcast3A_212, %shift_left3A_218 : vector<16xi32>
        %bitcast3A_220 = vector.bitcast %shift_left3A_219 : vector<16xi32> to vector<16xf32>
        %mul3A_221 = arith.mulf %bitcast3A_216, %bitcast3A_216 : vector<16xf32>
        %add3A_222 = arith.addf %add3A_195, %mul3A_221 : vector<16xf32>
        %mul3A_223 = arith.mulf %bitcast3A_220, %bitcast3A_220 : vector<16xf32>
        %add3A_224 = arith.addf %add3A_197, %mul3A_223 : vector<16xf32>
        %mul3A_225 = arith.constant 32 : i32
        %mul3A_226 = arith.muli %scan3A_91, %mul3A_225 : i32
        %add3A_227 = arith.constant 5 : i32
        %add3A_228 = arith.addi %mul3A_226, %add3A_227 : i32
        %xor3A_229 = vector.broadcast %add3A_228 : i32 to vector<16xi32>
        %xor3A_230 = arith.xori %xor3A_229, %iota3A : vector<16xi32>
        %gather3A_231 = tpu.vector_load_idx %arg11[%add3A_48, %xor3A_230] : memref<128x64xi32, #tpu.memory_space<vmem>>[vector<16xi32>, vector<16xi32>], vector<16xi32>,
        %gather3A_232 = tpu.vector_load_idx %arg12[%add3A_48, %xor3A_230] : memref<128x64xi32, #tpu.memory_space<vmem>>[vector<16xi32>, vector<16xi32>], vector<16xi32>,
        %gather3A_233 = tpu.vector_load_idx %arg13[%add3A_48, %xor3A_230] : memref<128x64xi32, #tpu.memory_space<vmem>>[vector<16xi32>, vector<16xi32>], vector<16xi32>,
        %bitcast3A_234 = vector.bitcast %gather3A_231 : vector<16xi32> to vector<32xbf16>
        %bitcast3A_235 = vector.bitcast %gather3A_232 : vector<16xi32> to vector<32xbf16>
        %bitcast3A_236 = vector.bitcast %gather3A_233 : vector<16xi32> to vector<32xbf16>
        %add3A_237 = arith.addf %bitcast3A_234, %bitcast3A_236 : vector<32xbf16>
        %sub3A_238 = arith.subf %add3A_237, %bitcast3A_235 : vector<32xbf16>
        %bitcast3A_239 = vector.bitcast %sub3A_238 : vector<32xbf16> to vector<16xi32>
        %and3A_240 = arith.constant -65536 : i32
        %and3A_241 = vector.broadcast %and3A_240 : i32 to vector<16xi32>
        %and3A_242 = arith.andi %bitcast3A_239, %and3A_241 : vector<16xi32>
        %bitcast3A_243 = vector.bitcast %and3A_242 : vector<16xi32> to vector<16xf32>
        %shift_left3A_244 = arith.constant 16 : i32
        %shift_left3A_245 = vector.broadcast %shift_left3A_244 : i32 to vector<16xi32>
        %shift_left3A_246 = arith.shli %bitcast3A_239, %shift_left3A_245 : vector<16xi32>
        %bitcast3A_247 = vector.bitcast %shift_left3A_246 : vector<16xi32> to vector<16xf32>
        %mul3A_248 = arith.mulf %bitcast3A_243, %bitcast3A_243 : vector<16xf32>
        %add3A_249 = arith.addf %add3A_222, %mul3A_248 : vector<16xf32>
        %mul3A_250 = arith.mulf %bitcast3A_247, %bitcast3A_247 : vector<16xf32>
        %add3A_251 = arith.addf %add3A_224, %mul3A_250 : vector<16xf32>
        %mul3A_252 = arith.constant 32 : i32
        %mul3A_253 = arith.muli %scan3A_91, %mul3A_252 : i32
        %add3A_254 = arith.constant 6 : i32
        %add3A_255 = arith.addi %mul3A_253, %add3A_254 : i32
        %xor3A_256 = vector.broadcast %add3A_255 : i32 to vector<16xi32>
        %xor3A_257 = arith.xori %xor3A_256, %iota3A : vector<16xi32>
        %gather3A_258 = tpu.vector_load_idx %arg11[%add3A_48, %xor3A_257] : memref<128x64xi32, #tpu.memory_space<vmem>>[vector<16xi32>, vector<16xi32>], vector<16xi32>,
        %gather3A_259 = tpu.vector_load_idx %arg12[%add3A_48, %xor3A_257] : memref<128x64xi32, #tpu.memory_space<vmem>>[vector<16xi32>, vector<16xi32>], vector<16xi32>,
        %gather3A_260 = tpu.vector_load_idx %arg13[%add3A_48, %xor3A_257] : memref<128x64xi32, #tpu.memory_space<vmem>>[vector<16xi32>, vector<16xi32>], vector<16xi32>,
        %bitcast3A_261 = vector.bitcast %gather3A_258 : vector<16xi32> to vector<32xbf16>
        %bitcast3A_262 = vector.bitcast %gather3A_259 : vector<16xi32> to vector<32xbf16>
        %bitcast3A_263 = vector.bitcast %gather3A_260 : vector<16xi32> to vector<32xbf16>
        %add3A_264 = arith.addf %bitcast3A_261, %bitcast3A_263 : vector<32xbf16>
        %sub3A_265 = arith.subf %add3A_264, %bitcast3A_262 : vector<32xbf16>
        %bitcast3A_266 = vector.bitcast %sub3A_265 : vector<32xbf16> to vector<16xi32>
        %and3A_267 = arith.constant -65536 : i32
        %and3A_268 = vector.broadcast %and3A_267 : i32 to vector<16xi32>
        %and3A_269 = arith.andi %bitcast3A_266, %and3A_268 : vector<16xi32>
        %bitcast3A_270 = vector.bitcast %and3A_269 : vector<16xi32> to vector<16xf32>
        %shift_left3A_271 = arith.constant 16 : i32
        %shift_left3A_272 = vector.broadcast %shift_left3A_271 : i32 to vector<16xi32>
        %shift_left3A_273 = arith.shli %bitcast3A_266, %shift_left3A_272 : vector<16xi32>
        %bitcast3A_274 = vector.bitcast %shift_left3A_273 : vector<16xi32> to vector<16xf32>
        %mul3A_275 = arith.mulf %bitcast3A_270, %bitcast3A_270 : vector<16xf32>
        %add3A_276 = arith.addf %add3A_249, %mul3A_275 : vector<16xf32>
        %mul3A_277 = arith.mulf %bitcast3A_274, %bitcast3A_274 : vector<16xf32>
        %add3A_278 = arith.addf %add3A_251, %mul3A_277 : vector<16xf32>
        %mul3A_279 = arith.constant 32 : i32
        %mul3A_280 = arith.muli %scan3A_91, %mul3A_279 : i32
        %add3A_281 = arith.constant 7 : i32
        %add3A_282 = arith.addi %mul3A_280, %add3A_281 : i32
        %xor3A_283 = vector.broadcast %add3A_282 : i32 to vector<16xi32>
        %xor3A_284 = arith.xori %xor3A_283, %iota3A : vector<16xi32>
        %gather3A_285 = tpu.vector_load_idx %arg11[%add3A_48, %xor3A_284] : memref<128x64xi32, #tpu.memory_space<vmem>>[vector<16xi32>, vector<16xi32>], vector<16xi32>,
        %gather3A_286 = tpu.vector_load_idx %arg12[%add3A_48, %xor3A_284] : memref<128x64xi32, #tpu.memory_space<vmem>>[vector<16xi32>, vector<16xi32>], vector<16xi32>,
        %gather3A_287 = tpu.vector_load_idx %arg13[%add3A_48, %xor3A_284] : memref<128x64xi32, #tpu.memory_space<vmem>>[vector<16xi32>, vector<16xi32>], vector<16xi32>,
        %bitcast3A_288 = vector.bitcast %gather3A_285 : vector<16xi32> to vector<32xbf16>
        %bitcast3A_289 = vector.bitcast %gather3A_286 : vector<16xi32> to vector<32xbf16>
        %bitcast3A_290 = vector.bitcast %gather3A_287 : vector<16xi32> to vector<32xbf16>
        %add3A_291 = arith.addf %bitcast3A_288, %bitcast3A_290 : vector<32xbf16>
        %sub3A_292 = arith.subf %add3A_291, %bitcast3A_289 : vector<32xbf16>
        %bitcast3A_293 = vector.bitcast %sub3A_292 : vector<32xbf16> to vector<16xi32>
        %and3A_294 = arith.constant -65536 : i32
        %and3A_295 = vector.broadcast %and3A_294 : i32 to vector<16xi32>
        %and3A_296 = arith.andi %bitcast3A_293, %and3A_295 : vector<16xi32>
        %bitcast3A_297 = vector.bitcast %and3A_296 : vector<16xi32> to vector<16xf32>
        %shift_left3A_298 = arith.constant 16 : i32
        %shift_left3A_299 = vector.broadcast %shift_left3A_298 : i32 to vector<16xi32>
        %shift_left3A_300 = arith.shli %bitcast3A_293, %shift_left3A_299 : vector<16xi32>
        %bitcast3A_301 = vector.bitcast %shift_left3A_300 : vector<16xi32> to vector<16xf32>
        %mul3A_302 = arith.mulf %bitcast3A_297, %bitcast3A_297 : vector<16xf32>
        %add3A_303 = arith.addf %add3A_276, %mul3A_302 : vector<16xf32>
        %mul3A_304 = arith.mulf %bitcast3A_301, %bitcast3A_301 : vector<16xf32>
        %add3A_305 = arith.addf %add3A_278, %mul3A_304 : vector<16xf32>
        %mul3A_306 = arith.constant 32 : i32
        %mul3A_307 = arith.muli %scan3A_91, %mul3A_306 : i32
        %add3A_308 = arith.constant 8 : i32
        %add3A_309 = arith.addi %mul3A_307, %add3A_308 : i32
        %xor3A_310 = vector.broadcast %add3A_309 : i32 to vector<16xi32>
        %xor3A_311 = arith.xori %xor3A_310, %iota3A : vector<16xi32>
        %gather3A_312 = tpu.vector_load_idx %arg11[%add3A_48, %xor3A_311] : memref<128x64xi32, #tpu.memory_space<vmem>>[vector<16xi32>, vector<16xi32>], vector<16xi32>,
        %gather3A_313 = tpu.vector_load_idx %arg12[%add3A_48, %xor3A_311] : memref<128x64xi32, #tpu.memory_space<vmem>>[vector<16xi32>, vector<16xi32>], vector<16xi32>,
        %gather3A_314 = tpu.vector_load_idx %arg13[%add3A_48, %xor3A_311] : memref<128x64xi32, #tpu.memory_space<vmem>>[vector<16xi32>, vector<16xi32>], vector<16xi32>,
        %bitcast3A_315 = vector.bitcast %gather3A_312 : vector<16xi32> to vector<32xbf16>
        %bitcast3A_316 = vector.bitcast %gather3A_313 : vector<16xi32> to vector<32xbf16>
        %bitcast3A_317 = vector.bitcast %gather3A_314 : vector<16xi32> to vector<32xbf16>
        %add3A_318 = arith.addf %bitcast3A_315, %bitcast3A_317 : vector<32xbf16>
        %sub3A_319 = arith.subf %add3A_318, %bitcast3A_316 : vector<32xbf16>
        %bitcast3A_320 = vector.bitcast %sub3A_319 : vector<32xbf16> to vector<16xi32>
        %and3A_321 = arith.constant -65536 : i32
        %and3A_322 = vector.broadcast %and3A_321 : i32 to vector<16xi32>
        %and3A_323 = arith.andi %bitcast3A_320, %and3A_322 : vector<16xi32>
        %bitcast3A_324 = vector.bitcast %and3A_323 : vector<16xi32> to vector<16xf32>
        %shift_left3A_325 = arith.constant 16 : i32
        %shift_left3A_326 = vector.broadcast %shift_left3A_325 : i32 to vector<16xi32>
        %shift_left3A_327 = arith.shli %bitcast3A_320, %shift_left3A_326 : vector<16xi32>
        %bitcast3A_328 = vector.bitcast %shift_left3A_327 : vector<16xi32> to vector<16xf32>
        %mul3A_329 = arith.mulf %bitcast3A_324, %bitcast3A_324 : vector<16xf32>
        %add3A_330 = arith.addf %add3A_303, %mul3A_329 : vector<16xf32>
        %mul3A_331 = arith.mulf %bitcast3A_328, %bitcast3A_328 : vector<16xf32>
        %add3A_332 = arith.addf %add3A_305, %mul3A_331 : vector<16xf32>
        %mul3A_333 = arith.constant 32 : i32
        %mul3A_334 = arith.muli %scan3A_91, %mul3A_333 : i32
        %add3A_335 = arith.constant 9 : i32
        %add3A_336 = arith.addi %mul3A_334, %add3A_335 : i32
        %xor3A_337 = vector.broadcast %add3A_336 : i32 to vector<16xi32>
        %xor3A_338 = arith.xori %xor3A_337, %iota3A : vector<16xi32>
        %gather3A_339 = tpu.vector_load_idx %arg11[%add3A_48, %xor3A_338] : memref<128x64xi32, #tpu.memory_space<vmem>>[vector<16xi32>, vector<16xi32>], vector<16xi32>,
        %gather3A_340 = tpu.vector_load_idx %arg12[%add3A_48, %xor3A_338] : memref<128x64xi32, #tpu.memory_space<vmem>>[vector<16xi32>, vector<16xi32>], vector<16xi32>,
        %gather3A_341 = tpu.vector_load_idx %arg13[%add3A_48, %xor3A_338] : memref<128x64xi32, #tpu.memory_space<vmem>>[vector<16xi32>, vector<16xi32>], vector<16xi32>,
        %bitcast3A_342 = vector.bitcast %gather3A_339 : vector<16xi32> to vector<32xbf16>
        %bitcast3A_343 = vector.bitcast %gather3A_340 : vector<16xi32> to vector<32xbf16>
        %bitcast3A_344 = vector.bitcast %gather3A_341 : vector<16xi32> to vector<32xbf16>
        %add3A_345 = arith.addf %bitcast3A_342, %bitcast3A_344 : vector<32xbf16>
        %sub3A_346 = arith.subf %add3A_345, %bitcast3A_343 : vector<32xbf16>
        %bitcast3A_347 = vector.bitcast %sub3A_346 : vector<32xbf16> to vector<16xi32>
        %and3A_348 = arith.constant -65536 : i32
        %and3A_349 = vector.broadcast %and3A_348 : i32 to vector<16xi32>
        %and3A_350 = arith.andi %bitcast3A_347, %and3A_349 : vector<16xi32>
        %bitcast3A_351 = vector.bitcast %and3A_350 : vector<16xi32> to vector<16xf32>
        %shift_left3A_352 = arith.constant 16 : i32
        %shift_left3A_353 = vector.broadcast %shift_left3A_352 : i32 to vector<16xi32>
        %shift_left3A_354 = arith.shli %bitcast3A_347, %shift_left3A_353 : vector<16xi32>
        %bitcast3A_355 = vector.bitcast %shift_left3A_354 : vector<16xi32> to vector<16xf32>
        %mul3A_356 = arith.mulf %bitcast3A_351, %bitcast3A_351 : vector<16xf32>
        %add3A_357 = arith.addf %add3A_330, %mul3A_356 : vector<16xf32>
        %mul3A_358 = arith.mulf %bitcast3A_355, %bitcast3A_355 : vector<16xf32>
        %add3A_359 = arith.addf %add3A_332, %mul3A_358 : vector<16xf32>
        %mul3A_360 = arith.constant 32 : i32
        %mul3A_361 = arith.muli %scan3A_91, %mul3A_360 : i32
        %add3A_362 = arith.constant 10 : i32
        %add3A_363 = arith.addi %mul3A_361, %add3A_362 : i32
        %xor3A_364 = vector.broadcast %add3A_363 : i32 to vector<16xi32>
        %xor3A_365 = arith.xori %xor3A_364, %iota3A : vector<16xi32>
        %gather3A_366 = tpu.vector_load_idx %arg11[%add3A_48, %xor3A_365] : memref<128x64xi32, #tpu.memory_space<vmem>>[vector<16xi32>, vector<16xi32>], vector<16xi32>,
        %gather3A_367 = tpu.vector_load_idx %arg12[%add3A_48, %xor3A_365] : memref<128x64xi32, #tpu.memory_space<vmem>>[vector<16xi32>, vector<16xi32>], vector<16xi32>,
        %gather3A_368 = tpu.vector_load_idx %arg13[%add3A_48, %xor3A_365] : memref<128x64xi32, #tpu.memory_space<vmem>>[vector<16xi32>, vector<16xi32>], vector<16xi32>,
        %bitcast3A_369 = vector.bitcast %gather3A_366 : vector<16xi32> to vector<32xbf16>
        %bitcast3A_370 = vector.bitcast %gather3A_367 : vector<16xi32> to vector<32xbf16>
        %bitcast3A_371 = vector.bitcast %gather3A_368 : vector<16xi32> to vector<32xbf16>
        %add3A_372 = arith.addf %bitcast3A_369, %bitcast3A_371 : vector<32xbf16>
        %sub3A_373 = arith.subf %add3A_372, %bitcast3A_370 : vector<32xbf16>
        %bitcast3A_374 = vector.bitcast %sub3A_373 : vector<32xbf16> to vector<16xi32>
        %and3A_375 = arith.constant -65536 : i32
        %and3A_376 = vector.broadcast %and3A_375 : i32 to vector<16xi32>
        %and3A_377 = arith.andi %bitcast3A_374, %and3A_376 : vector<16xi32>
        %bitcast3A_378 = vector.bitcast %and3A_377 : vector<16xi32> to vector<16xf32>
        %shift_left3A_379 = arith.constant 16 : i32
        %shift_left3A_380 = vector.broadcast %shift_left3A_379 : i32 to vector<16xi32>
        %shift_left3A_381 = arith.shli %bitcast3A_374, %shift_left3A_380 : vector<16xi32>
        %bitcast3A_382 = vector.bitcast %shift_left3A_381 : vector<16xi32> to vector<16xf32>
        %mul3A_383 = arith.mulf %bitcast3A_378, %bitcast3A_378 : vector<16xf32>
        %add3A_384 = arith.addf %add3A_357, %mul3A_383 : vector<16xf32>
        %mul3A_385 = arith.mulf %bitcast3A_382, %bitcast3A_382 : vector<16xf32>
        %add3A_386 = arith.addf %add3A_359, %mul3A_385 : vector<16xf32>
        %mul3A_387 = arith.constant 32 : i32
        %mul3A_388 = arith.muli %scan3A_91, %mul3A_387 : i32
        %add3A_389 = arith.constant 11 : i32
        %add3A_390 = arith.addi %mul3A_388, %add3A_389 : i32
        %xor3A_391 = vector.broadcast %add3A_390 : i32 to vector<16xi32>
        %xor3A_392 = arith.xori %xor3A_391, %iota3A : vector<16xi32>
        %gather3A_393 = tpu.vector_load_idx %arg11[%add3A_48, %xor3A_392] : memref<128x64xi32, #tpu.memory_space<vmem>>[vector<16xi32>, vector<16xi32>], vector<16xi32>,
        %gather3A_394 = tpu.vector_load_idx %arg12[%add3A_48, %xor3A_392] : memref<128x64xi32, #tpu.memory_space<vmem>>[vector<16xi32>, vector<16xi32>], vector<16xi32>,
        %gather3A_395 = tpu.vector_load_idx %arg13[%add3A_48, %xor3A_392] : memref<128x64xi32, #tpu.memory_space<vmem>>[vector<16xi32>, vector<16xi32>], vector<16xi32>,
        %bitcast3A_396 = vector.bitcast %gather3A_393 : vector<16xi32> to vector<32xbf16>
        %bitcast3A_397 = vector.bitcast %gather3A_394 : vector<16xi32> to vector<32xbf16>
        %bitcast3A_398 = vector.bitcast %gather3A_395 : vector<16xi32> to vector<32xbf16>
        %add3A_399 = arith.addf %bitcast3A_396, %bitcast3A_398 : vector<32xbf16>
        %sub3A_400 = arith.subf %add3A_399, %bitcast3A_397 : vector<32xbf16>
        %bitcast3A_401 = vector.bitcast %sub3A_400 : vector<32xbf16> to vector<16xi32>
        %and3A_402 = arith.constant -65536 : i32
        %and3A_403 = vector.broadcast %and3A_402 : i32 to vector<16xi32>
        %and3A_404 = arith.andi %bitcast3A_401, %and3A_403 : vector<16xi32>
        %bitcast3A_405 = vector.bitcast %and3A_404 : vector<16xi32> to vector<16xf32>
        %shift_left3A_406 = arith.constant 16 : i32
        %shift_left3A_407 = vector.broadcast %shift_left3A_406 : i32 to vector<16xi32>
        %shift_left3A_408 = arith.shli %bitcast3A_401, %shift_left3A_407 : vector<16xi32>
        %bitcast3A_409 = vector.bitcast %shift_left3A_408 : vector<16xi32> to vector<16xf32>
        %mul3A_410 = arith.mulf %bitcast3A_405, %bitcast3A_405 : vector<16xf32>
        %add3A_411 = arith.addf %add3A_384, %mul3A_410 : vector<16xf32>
        %mul3A_412 = arith.mulf %bitcast3A_409, %bitcast3A_409 : vector<16xf32>
        %add3A_413 = arith.addf %add3A_386, %mul3A_412 : vector<16xf32>
        %mul3A_414 = arith.constant 32 : i32
        %mul3A_415 = arith.muli %scan3A_91, %mul3A_414 : i32
        %add3A_416 = arith.constant 12 : i32
        %add3A_417 = arith.addi %mul3A_415, %add3A_416 : i32
        %xor3A_418 = vector.broadcast %add3A_417 : i32 to vector<16xi32>
        %xor3A_419 = arith.xori %xor3A_418, %iota3A : vector<16xi32>
        %gather3A_420 = tpu.vector_load_idx %arg11[%add3A_48, %xor3A_419] : memref<128x64xi32, #tpu.memory_space<vmem>>[vector<16xi32>, vector<16xi32>], vector<16xi32>,
        %gather3A_421 = tpu.vector_load_idx %arg12[%add3A_48, %xor3A_419] : memref<128x64xi32, #tpu.memory_space<vmem>>[vector<16xi32>, vector<16xi32>], vector<16xi32>,
        %gather3A_422 = tpu.vector_load_idx %arg13[%add3A_48, %xor3A_419] : memref<128x64xi32, #tpu.memory_space<vmem>>[vector<16xi32>, vector<16xi32>], vector<16xi32>,
        %bitcast3A_423 = vector.bitcast %gather3A_420 : vector<16xi32> to vector<32xbf16>
        %bitcast3A_424 = vector.bitcast %gather3A_421 : vector<16xi32> to vector<32xbf16>
        %bitcast3A_425 = vector.bitcast %gather3A_422 : vector<16xi32> to vector<32xbf16>
        %add3A_426 = arith.addf %bitcast3A_423, %bitcast3A_425 : vector<32xbf16>
        %sub3A_427 = arith.subf %add3A_426, %bitcast3A_424 : vector<32xbf16>
        %bitcast3A_428 = vector.bitcast %sub3A_427 : vector<32xbf16> to vector<16xi32>
        %and3A_429 = arith.constant -65536 : i32
        %and3A_430 = vector.broadcast %and3A_429 : i32 to vector<16xi32>
        %and3A_431 = arith.andi %bitcast3A_428, %and3A_430 : vector<16xi32>
        %bitcast3A_432 = vector.bitcast %and3A_431 : vector<16xi32> to vector<16xf32>
        %shift_left3A_433 = arith.constant 16 : i32
        %shift_left3A_434 = vector.broadcast %shift_left3A_433 : i32 to vector<16xi32>
        %shift_left3A_435 = arith.shli %bitcast3A_428, %shift_left3A_434 : vector<16xi32>
        %bitcast3A_436 = vector.bitcast %shift_left3A_435 : vector<16xi32> to vector<16xf32>
        %mul3A_437 = arith.mulf %bitcast3A_432, %bitcast3A_432 : vector<16xf32>
        %add3A_438 = arith.addf %add3A_411, %mul3A_437 : vector<16xf32>
        %mul3A_439 = arith.mulf %bitcast3A_436, %bitcast3A_436 : vector<16xf32>
        %add3A_440 = arith.addf %add3A_413, %mul3A_439 : vector<16xf32>
        %mul3A_441 = arith.constant 32 : i32
        %mul3A_442 = arith.muli %scan3A_91, %mul3A_441 : i32
        %add3A_443 = arith.constant 13 : i32
        %add3A_444 = arith.addi %mul3A_442, %add3A_443 : i32
        %xor3A_445 = vector.broadcast %add3A_444 : i32 to vector<16xi32>
        %xor3A_446 = arith.xori %xor3A_445, %iota3A : vector<16xi32>
        %gather3A_447 = tpu.vector_load_idx %arg11[%add3A_48, %xor3A_446] : memref<128x64xi32, #tpu.memory_space<vmem>>[vector<16xi32>, vector<16xi32>], vector<16xi32>,
        %gather3A_448 = tpu.vector_load_idx %arg12[%add3A_48, %xor3A_446] : memref<128x64xi32, #tpu.memory_space<vmem>>[vector<16xi32>, vector<16xi32>], vector<16xi32>,
        %gather3A_449 = tpu.vector_load_idx %arg13[%add3A_48, %xor3A_446] : memref<128x64xi32, #tpu.memory_space<vmem>>[vector<16xi32>, vector<16xi32>], vector<16xi32>,
        %bitcast3A_450 = vector.bitcast %gather3A_447 : vector<16xi32> to vector<32xbf16>
        %bitcast3A_451 = vector.bitcast %gather3A_448 : vector<16xi32> to vector<32xbf16>
        %bitcast3A_452 = vector.bitcast %gather3A_449 : vector<16xi32> to vector<32xbf16>
        %add3A_453 = arith.addf %bitcast3A_450, %bitcast3A_452 : vector<32xbf16>
        %sub3A_454 = arith.subf %add3A_453, %bitcast3A_451 : vector<32xbf16>
        %bitcast3A_455 = vector.bitcast %sub3A_454 : vector<32xbf16> to vector<16xi32>
        %and3A_456 = arith.constant -65536 : i32
        %and3A_457 = vector.broadcast %and3A_456 : i32 to vector<16xi32>
        %and3A_458 = arith.andi %bitcast3A_455, %and3A_457 : vector<16xi32>
        %bitcast3A_459 = vector.bitcast %and3A_458 : vector<16xi32> to vector<16xf32>
        %shift_left3A_460 = arith.constant 16 : i32
        %shift_left3A_461 = vector.broadcast %shift_left3A_460 : i32 to vector<16xi32>
        %shift_left3A_462 = arith.shli %bitcast3A_455, %shift_left3A_461 : vector<16xi32>
        %bitcast3A_463 = vector.bitcast %shift_left3A_462 : vector<16xi32> to vector<16xf32>
        %mul3A_464 = arith.mulf %bitcast3A_459, %bitcast3A_459 : vector<16xf32>
        %add3A_465 = arith.addf %add3A_438, %mul3A_464 : vector<16xf32>
        %mul3A_466 = arith.mulf %bitcast3A_463, %bitcast3A_463 : vector<16xf32>
        %add3A_467 = arith.addf %add3A_440, %mul3A_466 : vector<16xf32>
        %mul3A_468 = arith.constant 32 : i32
        %mul3A_469 = arith.muli %scan3A_91, %mul3A_468 : i32
        %add3A_470 = arith.constant 14 : i32
        %add3A_471 = arith.addi %mul3A_469, %add3A_470 : i32
        %xor3A_472 = vector.broadcast %add3A_471 : i32 to vector<16xi32>
        %xor3A_473 = arith.xori %xor3A_472, %iota3A : vector<16xi32>
        %gather3A_474 = tpu.vector_load_idx %arg11[%add3A_48, %xor3A_473] : memref<128x64xi32, #tpu.memory_space<vmem>>[vector<16xi32>, vector<16xi32>], vector<16xi32>,
        %gather3A_475 = tpu.vector_load_idx %arg12[%add3A_48, %xor3A_473] : memref<128x64xi32, #tpu.memory_space<vmem>>[vector<16xi32>, vector<16xi32>], vector<16xi32>,
        %gather3A_476 = tpu.vector_load_idx %arg13[%add3A_48, %xor3A_473] : memref<128x64xi32, #tpu.memory_space<vmem>>[vector<16xi32>, vector<16xi32>], vector<16xi32>,
        %bitcast3A_477 = vector.bitcast %gather3A_474 : vector<16xi32> to vector<32xbf16>
        %bitcast3A_478 = vector.bitcast %gather3A_475 : vector<16xi32> to vector<32xbf16>
        %bitcast3A_479 = vector.bitcast %gather3A_476 : vector<16xi32> to vector<32xbf16>
        %add3A_480 = arith.addf %bitcast3A_477, %bitcast3A_479 : vector<32xbf16>
        %sub3A_481 = arith.subf %add3A_480, %bitcast3A_478 : vector<32xbf16>
        %bitcast3A_482 = vector.bitcast %sub3A_481 : vector<32xbf16> to vector<16xi32>
        %and3A_483 = arith.constant -65536 : i32
        %and3A_484 = vector.broadcast %and3A_483 : i32 to vector<16xi32>
        %and3A_485 = arith.andi %bitcast3A_482, %and3A_484 : vector<16xi32>
        %bitcast3A_486 = vector.bitcast %and3A_485 : vector<16xi32> to vector<16xf32>
        %shift_left3A_487 = arith.constant 16 : i32
        %shift_left3A_488 = vector.broadcast %shift_left3A_487 : i32 to vector<16xi32>
        %shift_left3A_489 = arith.shli %bitcast3A_482, %shift_left3A_488 : vector<16xi32>
        %bitcast3A_490 = vector.bitcast %shift_left3A_489 : vector<16xi32> to vector<16xf32>
        %mul3A_491 = arith.mulf %bitcast3A_486, %bitcast3A_486 : vector<16xf32>
        %add3A_492 = arith.addf %add3A_465, %mul3A_491 : vector<16xf32>
        %mul3A_493 = arith.mulf %bitcast3A_490, %bitcast3A_490 : vector<16xf32>
        %add3A_494 = arith.addf %add3A_467, %mul3A_493 : vector<16xf32>
        %mul3A_495 = arith.constant 32 : i32
        %mul3A_496 = arith.muli %scan3A_91, %mul3A_495 : i32
        %add3A_497 = arith.constant 15 : i32
        %add3A_498 = arith.addi %mul3A_496, %add3A_497 : i32
        %xor3A_499 = vector.broadcast %add3A_498 : i32 to vector<16xi32>
        %xor3A_500 = arith.xori %xor3A_499, %iota3A : vector<16xi32>
        %gather3A_501 = tpu.vector_load_idx %arg11[%add3A_48, %xor3A_500] : memref<128x64xi32, #tpu.memory_space<vmem>>[vector<16xi32>, vector<16xi32>], vector<16xi32>,
        %gather3A_502 = tpu.vector_load_idx %arg12[%add3A_48, %xor3A_500] : memref<128x64xi32, #tpu.memory_space<vmem>>[vector<16xi32>, vector<16xi32>], vector<16xi32>,
        %gather3A_503 = tpu.vector_load_idx %arg13[%add3A_48, %xor3A_500] : memref<128x64xi32, #tpu.memory_space<vmem>>[vector<16xi32>, vector<16xi32>], vector<16xi32>,
        %bitcast3A_504 = vector.bitcast %gather3A_501 : vector<16xi32> to vector<32xbf16>
        %bitcast3A_505 = vector.bitcast %gather3A_502 : vector<16xi32> to vector<32xbf16>
        %bitcast3A_506 = vector.bitcast %gather3A_503 : vector<16xi32> to vector<32xbf16>
        %add3A_507 = arith.addf %bitcast3A_504, %bitcast3A_506 : vector<32xbf16>
        %sub3A_508 = arith.subf %add3A_507, %bitcast3A_505 : vector<32xbf16>
        %bitcast3A_509 = vector.bitcast %sub3A_508 : vector<32xbf16> to vector<16xi32>
        %and3A_510 = arith.constant -65536 : i32
        %and3A_511 = vector.broadcast %and3A_510 : i32 to vector<16xi32>
        %and3A_512 = arith.andi %bitcast3A_509, %and3A_511 : vector<16xi32>
        %bitcast3A_513 = vector.bitcast %and3A_512 : vector<16xi32> to vector<16xf32>
        %shift_left3A_514 = arith.constant 16 : i32
        %shift_left3A_515 = vector.broadcast %shift_left3A_514 : i32 to vector<16xi32>
        %shift_left3A_516 = arith.shli %bitcast3A_509, %shift_left3A_515 : vector<16xi32>
        %bitcast3A_517 = vector.bitcast %shift_left3A_516 : vector<16xi32> to vector<16xf32>
        %mul3A_518 = arith.mulf %bitcast3A_513, %bitcast3A_513 : vector<16xf32>
        %add3A_519 = arith.addf %add3A_492, %mul3A_518 : vector<16xf32>
        %mul3A_520 = arith.mulf %bitcast3A_517, %bitcast3A_517 : vector<16xf32>
        %add3A_521 = arith.addf %add3A_494, %mul3A_520 : vector<16xf32>
        %mul3A_522 = arith.constant 32 : i32
        %mul3A_523 = arith.muli %scan3A_91, %mul3A_522 : i32
        %add3A_524 = arith.constant 16 : i32
        %add3A_525 = arith.addi %mul3A_523, %add3A_524 : i32
        %xor3A_526 = vector.broadcast %add3A_525 : i32 to vector<16xi32>
        %xor3A_527 = arith.xori %xor3A_526, %iota3A : vector<16xi32>
        %gather3A_528 = tpu.vector_load_idx %arg11[%add3A_48, %xor3A_527] : memref<128x64xi32, #tpu.memory_space<vmem>>[vector<16xi32>, vector<16xi32>], vector<16xi32>,
        %gather3A_529 = tpu.vector_load_idx %arg12[%add3A_48, %xor3A_527] : memref<128x64xi32, #tpu.memory_space<vmem>>[vector<16xi32>, vector<16xi32>], vector<16xi32>,
        %gather3A_530 = tpu.vector_load_idx %arg13[%add3A_48, %xor3A_527] : memref<128x64xi32, #tpu.memory_space<vmem>>[vector<16xi32>, vector<16xi32>], vector<16xi32>,
        %bitcast3A_531 = vector.bitcast %gather3A_528 : vector<16xi32> to vector<32xbf16>
        %bitcast3A_532 = vector.bitcast %gather3A_529 : vector<16xi32> to vector<32xbf16>
        %bitcast3A_533 = vector.bitcast %gather3A_530 : vector<16xi32> to vector<32xbf16>
        %add3A_534 = arith.addf %bitcast3A_531, %bitcast3A_533 : vector<32xbf16>
        %sub3A_535 = arith.subf %add3A_534, %bitcast3A_532 : vector<32xbf16>
        %bitcast3A_536 = vector.bitcast %sub3A_535 : vector<32xbf16> to vector<16xi32>
        %and3A_537 = arith.constant -65536 : i32
        %and3A_538 = vector.broadcast %and3A_537 : i32 to vector<16xi32>
        %and3A_539 = arith.andi %bitcast3A_536, %and3A_538 : vector<16xi32>
        %bitcast3A_540 = vector.bitcast %and3A_539 : vector<16xi32> to vector<16xf32>
        %shift_left3A_541 = arith.constant 16 : i32
        %shift_left3A_542 = vector.broadcast %shift_left3A_541 : i32 to vector<16xi32>
        %shift_left3A_543 = arith.shli %bitcast3A_536, %shift_left3A_542 : vector<16xi32>
        %bitcast3A_544 = vector.bitcast %shift_left3A_543 : vector<16xi32> to vector<16xf32>
        %mul3A_545 = arith.mulf %bitcast3A_540, %bitcast3A_540 : vector<16xf32>
        %add3A_546 = arith.addf %add3A_519, %mul3A_545 : vector<16xf32>
        %mul3A_547 = arith.mulf %bitcast3A_544, %bitcast3A_544 : vector<16xf32>
        %add3A_548 = arith.addf %add3A_521, %mul3A_547 : vector<16xf32>
        %mul3A_549 = arith.constant 32 : i32
        %mul3A_550 = arith.muli %scan3A_91, %mul3A_549 : i32
        %add3A_551 = arith.constant 17 : i32
        %add3A_552 = arith.addi %mul3A_550, %add3A_551 : i32
        %xor3A_553 = vector.broadcast %add3A_552 : i32 to vector<16xi32>
        %xor3A_554 = arith.xori %xor3A_553, %iota3A : vector<16xi32>
        %gather3A_555 = tpu.vector_load_idx %arg11[%add3A_48, %xor3A_554] : memref<128x64xi32, #tpu.memory_space<vmem>>[vector<16xi32>, vector<16xi32>], vector<16xi32>,
        %gather3A_556 = tpu.vector_load_idx %arg12[%add3A_48, %xor3A_554] : memref<128x64xi32, #tpu.memory_space<vmem>>[vector<16xi32>, vector<16xi32>], vector<16xi32>,
        %gather3A_557 = tpu.vector_load_idx %arg13[%add3A_48, %xor3A_554] : memref<128x64xi32, #tpu.memory_space<vmem>>[vector<16xi32>, vector<16xi32>], vector<16xi32>,
        %bitcast3A_558 = vector.bitcast %gather3A_555 : vector<16xi32> to vector<32xbf16>
        %bitcast3A_559 = vector.bitcast %gather3A_556 : vector<16xi32> to vector<32xbf16>
        %bitcast3A_560 = vector.bitcast %gather3A_557 : vector<16xi32> to vector<32xbf16>
        %add3A_561 = arith.addf %bitcast3A_558, %bitcast3A_560 : vector<32xbf16>
        %sub3A_562 = arith.subf %add3A_561, %bitcast3A_559 : vector<32xbf16>
        %bitcast3A_563 = vector.bitcast %sub3A_562 : vector<32xbf16> to vector<16xi32>
        %and3A_564 = arith.constant -65536 : i32
        %and3A_565 = vector.broadcast %and3A_564 : i32 to vector<16xi32>
        %and3A_566 = arith.andi %bitcast3A_563, %and3A_565 : vector<16xi32>
        %bitcast3A_567 = vector.bitcast %and3A_566 : vector<16xi32> to vector<16xf32>
        %shift_left3A_568 = arith.constant 16 : i32
        %shift_left3A_569 = vector.broadcast %shift_left3A_568 : i32 to vector<16xi32>
        %shift_left3A_570 = arith.shli %bitcast3A_563, %shift_left3A_569 : vector<16xi32>
        %bitcast3A_571 = vector.bitcast %shift_left3A_570 : vector<16xi32> to vector<16xf32>
        %mul3A_572 = arith.mulf %bitcast3A_567, %bitcast3A_567 : vector<16xf32>
        %add3A_573 = arith.addf %add3A_546, %mul3A_572 : vector<16xf32>
        %mul3A_574 = arith.mulf %bitcast3A_571, %bitcast3A_571 : vector<16xf32>
        %add3A_575 = arith.addf %add3A_548, %mul3A_574 : vector<16xf32>
        %mul3A_576 = arith.constant 32 : i32
        %mul3A_577 = arith.muli %scan3A_91, %mul3A_576 : i32
        %add3A_578 = arith.constant 18 : i32
        %add3A_579 = arith.addi %mul3A_577, %add3A_578 : i32
        %xor3A_580 = vector.broadcast %add3A_579 : i32 to vector<16xi32>
        %xor3A_581 = arith.xori %xor3A_580, %iota3A : vector<16xi32>
        %gather3A_582 = tpu.vector_load_idx %arg11[%add3A_48, %xor3A_581] : memref<128x64xi32, #tpu.memory_space<vmem>>[vector<16xi32>, vector<16xi32>], vector<16xi32>,
        %gather3A_583 = tpu.vector_load_idx %arg12[%add3A_48, %xor3A_581] : memref<128x64xi32, #tpu.memory_space<vmem>>[vector<16xi32>, vector<16xi32>], vector<16xi32>,
        %gather3A_584 = tpu.vector_load_idx %arg13[%add3A_48, %xor3A_581] : memref<128x64xi32, #tpu.memory_space<vmem>>[vector<16xi32>, vector<16xi32>], vector<16xi32>,
        %bitcast3A_585 = vector.bitcast %gather3A_582 : vector<16xi32> to vector<32xbf16>
        %bitcast3A_586 = vector.bitcast %gather3A_583 : vector<16xi32> to vector<32xbf16>
        %bitcast3A_587 = vector.bitcast %gather3A_584 : vector<16xi32> to vector<32xbf16>
        %add3A_588 = arith.addf %bitcast3A_585, %bitcast3A_587 : vector<32xbf16>
        %sub3A_589 = arith.subf %add3A_588, %bitcast3A_586 : vector<32xbf16>
        %bitcast3A_590 = vector.bitcast %sub3A_589 : vector<32xbf16> to vector<16xi32>
        %and3A_591 = arith.constant -65536 : i32
        %and3A_592 = vector.broadcast %and3A_591 : i32 to vector<16xi32>
        %and3A_593 = arith.andi %bitcast3A_590, %and3A_592 : vector<16xi32>
        %bitcast3A_594 = vector.bitcast %and3A_593 : vector<16xi32> to vector<16xf32>
        %shift_left3A_595 = arith.constant 16 : i32
        %shift_left3A_596 = vector.broadcast %shift_left3A_595 : i32 to vector<16xi32>
        %shift_left3A_597 = arith.shli %bitcast3A_590, %shift_left3A_596 : vector<16xi32>
        %bitcast3A_598 = vector.bitcast %shift_left3A_597 : vector<16xi32> to vector<16xf32>
        %mul3A_599 = arith.mulf %bitcast3A_594, %bitcast3A_594 : vector<16xf32>
        %add3A_600 = arith.addf %add3A_573, %mul3A_599 : vector<16xf32>
        %mul3A_601 = arith.mulf %bitcast3A_598, %bitcast3A_598 : vector<16xf32>
        %add3A_602 = arith.addf %add3A_575, %mul3A_601 : vector<16xf32>
        %mul3A_603 = arith.constant 32 : i32
        %mul3A_604 = arith.muli %scan3A_91, %mul3A_603 : i32
        %add3A_605 = arith.constant 19 : i32
        %add3A_606 = arith.addi %mul3A_604, %add3A_605 : i32
        %xor3A_607 = vector.broadcast %add3A_606 : i32 to vector<16xi32>
        %xor3A_608 = arith.xori %xor3A_607, %iota3A : vector<16xi32>
        %gather3A_609 = tpu.vector_load_idx %arg11[%add3A_48, %xor3A_608] : memref<128x64xi32, #tpu.memory_space<vmem>>[vector<16xi32>, vector<16xi32>], vector<16xi32>,
        %gather3A_610 = tpu.vector_load_idx %arg12[%add3A_48, %xor3A_608] : memref<128x64xi32, #tpu.memory_space<vmem>>[vector<16xi32>, vector<16xi32>], vector<16xi32>,
        %gather3A_611 = tpu.vector_load_idx %arg13[%add3A_48, %xor3A_608] : memref<128x64xi32, #tpu.memory_space<vmem>>[vector<16xi32>, vector<16xi32>], vector<16xi32>,
        %bitcast3A_612 = vector.bitcast %gather3A_609 : vector<16xi32> to vector<32xbf16>
        %bitcast3A_613 = vector.bitcast %gather3A_610 : vector<16xi32> to vector<32xbf16>
        %bitcast3A_614 = vector.bitcast %gather3A_611 : vector<16xi32> to vector<32xbf16>
        %add3A_615 = arith.addf %bitcast3A_612, %bitcast3A_614 : vector<32xbf16>
        %sub3A_616 = arith.subf %add3A_615, %bitcast3A_613 : vector<32xbf16>
        %bitcast3A_617 = vector.bitcast %sub3A_616 : vector<32xbf16> to vector<16xi32>
        %and3A_618 = arith.constant -65536 : i32
        %and3A_619 = vector.broadcast %and3A_618 : i32 to vector<16xi32>
        %and3A_620 = arith.andi %bitcast3A_617, %and3A_619 : vector<16xi32>
        %bitcast3A_621 = vector.bitcast %and3A_620 : vector<16xi32> to vector<16xf32>
        %shift_left3A_622 = arith.constant 16 : i32
        %shift_left3A_623 = vector.broadcast %shift_left3A_622 : i32 to vector<16xi32>
        %shift_left3A_624 = arith.shli %bitcast3A_617, %shift_left3A_623 : vector<16xi32>
        %bitcast3A_625 = vector.bitcast %shift_left3A_624 : vector<16xi32> to vector<16xf32>
        %mul3A_626 = arith.mulf %bitcast3A_621, %bitcast3A_621 : vector<16xf32>
        %add3A_627 = arith.addf %add3A_600, %mul3A_626 : vector<16xf32>
        %mul3A_628 = arith.mulf %bitcast3A_625, %bitcast3A_625 : vector<16xf32>
        %add3A_629 = arith.addf %add3A_602, %mul3A_628 : vector<16xf32>
        %mul3A_630 = arith.constant 32 : i32
        %mul3A_631 = arith.muli %scan3A_91, %mul3A_630 : i32
        %add3A_632 = arith.constant 20 : i32
        %add3A_633 = arith.addi %mul3A_631, %add3A_632 : i32
        %xor3A_634 = vector.broadcast %add3A_633 : i32 to vector<16xi32>
        %xor3A_635 = arith.xori %xor3A_634, %iota3A : vector<16xi32>
        %gather3A_636 = tpu.vector_load_idx %arg11[%add3A_48, %xor3A_635] : memref<128x64xi32, #tpu.memory_space<vmem>>[vector<16xi32>, vector<16xi32>], vector<16xi32>,
        %gather3A_637 = tpu.vector_load_idx %arg12[%add3A_48, %xor3A_635] : memref<128x64xi32, #tpu.memory_space<vmem>>[vector<16xi32>, vector<16xi32>], vector<16xi32>,
        %gather3A_638 = tpu.vector_load_idx %arg13[%add3A_48, %xor3A_635] : memref<128x64xi32, #tpu.memory_space<vmem>>[vector<16xi32>, vector<16xi32>], vector<16xi32>,
        %bitcast3A_639 = vector.bitcast %gather3A_636 : vector<16xi32> to vector<32xbf16>
        %bitcast3A_640 = vector.bitcast %gather3A_637 : vector<16xi32> to vector<32xbf16>
        %bitcast3A_641 = vector.bitcast %gather3A_638 : vector<16xi32> to vector<32xbf16>
        %add3A_642 = arith.addf %bitcast3A_639, %bitcast3A_641 : vector<32xbf16>
        %sub3A_643 = arith.subf %add3A_642, %bitcast3A_640 : vector<32xbf16>
        %bitcast3A_644 = vector.bitcast %sub3A_643 : vector<32xbf16> to vector<16xi32>
        %and3A_645 = arith.constant -65536 : i32
        %and3A_646 = vector.broadcast %and3A_645 : i32 to vector<16xi32>
        %and3A_647 = arith.andi %bitcast3A_644, %and3A_646 : vector<16xi32>
        %bitcast3A_648 = vector.bitcast %and3A_647 : vector<16xi32> to vector<16xf32>
        %shift_left3A_649 = arith.constant 16 : i32
        %shift_left3A_650 = vector.broadcast %shift_left3A_649 : i32 to vector<16xi32>
        %shift_left3A_651 = arith.shli %bitcast3A_644, %shift_left3A_650 : vector<16xi32>
        %bitcast3A_652 = vector.bitcast %shift_left3A_651 : vector<16xi32> to vector<16xf32>
        %mul3A_653 = arith.mulf %bitcast3A_648, %bitcast3A_648 : vector<16xf32>
        %add3A_654 = arith.addf %add3A_627, %mul3A_653 : vector<16xf32>
        %mul3A_655 = arith.mulf %bitcast3A_652, %bitcast3A_652 : vector<16xf32>
        %add3A_656 = arith.addf %add3A_629, %mul3A_655 : vector<16xf32>
        %mul3A_657 = arith.constant 32 : i32
        %mul3A_658 = arith.muli %scan3A_91, %mul3A_657 : i32
        %add3A_659 = arith.constant 21 : i32
        %add3A_660 = arith.addi %mul3A_658, %add3A_659 : i32
        %xor3A_661 = vector.broadcast %add3A_660 : i32 to vector<16xi32>
        %xor3A_662 = arith.xori %xor3A_661, %iota3A : vector<16xi32>
        %gather3A_663 = tpu.vector_load_idx %arg11[%add3A_48, %xor3A_662] : memref<128x64xi32, #tpu.memory_space<vmem>>[vector<16xi32>, vector<16xi32>], vector<16xi32>,
        %gather3A_664 = tpu.vector_load_idx %arg12[%add3A_48, %xor3A_662] : memref<128x64xi32, #tpu.memory_space<vmem>>[vector<16xi32>, vector<16xi32>], vector<16xi32>,
        %gather3A_665 = tpu.vector_load_idx %arg13[%add3A_48, %xor3A_662] : memref<128x64xi32, #tpu.memory_space<vmem>>[vector<16xi32>, vector<16xi32>], vector<16xi32>,
        %bitcast3A_666 = vector.bitcast %gather3A_663 : vector<16xi32> to vector<32xbf16>
        %bitcast3A_667 = vector.bitcast %gather3A_664 : vector<16xi32> to vector<32xbf16>
        %bitcast3A_668 = vector.bitcast %gather3A_665 : vector<16xi32> to vector<32xbf16>
        %add3A_669 = arith.addf %bitcast3A_666, %bitcast3A_668 : vector<32xbf16>
        %sub3A_670 = arith.subf %add3A_669, %bitcast3A_667 : vector<32xbf16>
        %bitcast3A_671 = vector.bitcast %sub3A_670 : vector<32xbf16> to vector<16xi32>
        %and3A_672 = arith.constant -65536 : i32
        %and3A_673 = vector.broadcast %and3A_672 : i32 to vector<16xi32>
        %and3A_674 = arith.andi %bitcast3A_671, %and3A_673 : vector<16xi32>
        %bitcast3A_675 = vector.bitcast %and3A_674 : vector<16xi32> to vector<16xf32>
        %shift_left3A_676 = arith.constant 16 : i32
        %shift_left3A_677 = vector.broadcast %shift_left3A_676 : i32 to vector<16xi32>
        %shift_left3A_678 = arith.shli %bitcast3A_671, %shift_left3A_677 : vector<16xi32>
        %bitcast3A_679 = vector.bitcast %shift_left3A_678 : vector<16xi32> to vector<16xf32>
        %mul3A_680 = arith.mulf %bitcast3A_675, %bitcast3A_675 : vector<16xf32>
        %add3A_681 = arith.addf %add3A_654, %mul3A_680 : vector<16xf32>
        %mul3A_682 = arith.mulf %bitcast3A_679, %bitcast3A_679 : vector<16xf32>
        %add3A_683 = arith.addf %add3A_656, %mul3A_682 : vector<16xf32>
        %mul3A_684 = arith.constant 32 : i32
        %mul3A_685 = arith.muli %scan3A_91, %mul3A_684 : i32
        %add3A_686 = arith.constant 22 : i32
        %add3A_687 = arith.addi %mul3A_685, %add3A_686 : i32
        %xor3A_688 = vector.broadcast %add3A_687 : i32 to vector<16xi32>
        %xor3A_689 = arith.xori %xor3A_688, %iota3A : vector<16xi32>
        %gather3A_690 = tpu.vector_load_idx %arg11[%add3A_48, %xor3A_689] : memref<128x64xi32, #tpu.memory_space<vmem>>[vector<16xi32>, vector<16xi32>], vector<16xi32>,
        %gather3A_691 = tpu.vector_load_idx %arg12[%add3A_48, %xor3A_689] : memref<128x64xi32, #tpu.memory_space<vmem>>[vector<16xi32>, vector<16xi32>], vector<16xi32>,
        %gather3A_692 = tpu.vector_load_idx %arg13[%add3A_48, %xor3A_689] : memref<128x64xi32, #tpu.memory_space<vmem>>[vector<16xi32>, vector<16xi32>], vector<16xi32>,
        %bitcast3A_693 = vector.bitcast %gather3A_690 : vector<16xi32> to vector<32xbf16>
        %bitcast3A_694 = vector.bitcast %gather3A_691 : vector<16xi32> to vector<32xbf16>
        %bitcast3A_695 = vector.bitcast %gather3A_692 : vector<16xi32> to vector<32xbf16>
        %add3A_696 = arith.addf %bitcast3A_693, %bitcast3A_695 : vector<32xbf16>
        %sub3A_697 = arith.subf %add3A_696, %bitcast3A_694 : vector<32xbf16>
        %bitcast3A_698 = vector.bitcast %sub3A_697 : vector<32xbf16> to vector<16xi32>
        %and3A_699 = arith.constant -65536 : i32
        %and3A_700 = vector.broadcast %and3A_699 : i32 to vector<16xi32>
        %and3A_701 = arith.andi %bitcast3A_698, %and3A_700 : vector<16xi32>
        %bitcast3A_702 = vector.bitcast %and3A_701 : vector<16xi32> to vector<16xf32>
        %shift_left3A_703 = arith.constant 16 : i32
        %shift_left3A_704 = vector.broadcast %shift_left3A_703 : i32 to vector<16xi32>
        %shift_left3A_705 = arith.shli %bitcast3A_698, %shift_left3A_704 : vector<16xi32>
        %bitcast3A_706 = vector.bitcast %shift_left3A_705 : vector<16xi32> to vector<16xf32>
        %mul3A_707 = arith.mulf %bitcast3A_702, %bitcast3A_702 : vector<16xf32>
        %add3A_708 = arith.addf %add3A_681, %mul3A_707 : vector<16xf32>
        %mul3A_709 = arith.mulf %bitcast3A_706, %bitcast3A_706 : vector<16xf32>
        %add3A_710 = arith.addf %add3A_683, %mul3A_709 : vector<16xf32>
        %mul3A_711 = arith.constant 32 : i32
        %mul3A_712 = arith.muli %scan3A_91, %mul3A_711 : i32
        %add3A_713 = arith.constant 23 : i32
        %add3A_714 = arith.addi %mul3A_712, %add3A_713 : i32
        %xor3A_715 = vector.broadcast %add3A_714 : i32 to vector<16xi32>
        %xor3A_716 = arith.xori %xor3A_715, %iota3A : vector<16xi32>
        %gather3A_717 = tpu.vector_load_idx %arg11[%add3A_48, %xor3A_716] : memref<128x64xi32, #tpu.memory_space<vmem>>[vector<16xi32>, vector<16xi32>], vector<16xi32>,
        %gather3A_718 = tpu.vector_load_idx %arg12[%add3A_48, %xor3A_716] : memref<128x64xi32, #tpu.memory_space<vmem>>[vector<16xi32>, vector<16xi32>], vector<16xi32>,
        %gather3A_719 = tpu.vector_load_idx %arg13[%add3A_48, %xor3A_716] : memref<128x64xi32, #tpu.memory_space<vmem>>[vector<16xi32>, vector<16xi32>], vector<16xi32>,
        %bitcast3A_720 = vector.bitcast %gather3A_717 : vector<16xi32> to vector<32xbf16>
        %bitcast3A_721 = vector.bitcast %gather3A_718 : vector<16xi32> to vector<32xbf16>
        %bitcast3A_722 = vector.bitcast %gather3A_719 : vector<16xi32> to vector<32xbf16>
        %add3A_723 = arith.addf %bitcast3A_720, %bitcast3A_722 : vector<32xbf16>
        %sub3A_724 = arith.subf %add3A_723, %bitcast3A_721 : vector<32xbf16>
        %bitcast3A_725 = vector.bitcast %sub3A_724 : vector<32xbf16> to vector<16xi32>
        %and3A_726 = arith.constant -65536 : i32
        %and3A_727 = vector.broadcast %and3A_726 : i32 to vector<16xi32>
        %and3A_728 = arith.andi %bitcast3A_725, %and3A_727 : vector<16xi32>
        %bitcast3A_729 = vector.bitcast %and3A_728 : vector<16xi32> to vector<16xf32>
        %shift_left3A_730 = arith.constant 16 : i32
        %shift_left3A_731 = vector.broadcast %shift_left3A_730 : i32 to vector<16xi32>
        %shift_left3A_732 = arith.shli %bitcast3A_725, %shift_left3A_731 : vector<16xi32>
        %bitcast3A_733 = vector.bitcast %shift_left3A_732 : vector<16xi32> to vector<16xf32>
        %mul3A_734 = arith.mulf %bitcast3A_729, %bitcast3A_729 : vector<16xf32>
        %add3A_735 = arith.addf %add3A_708, %mul3A_734 : vector<16xf32>
        %mul3A_736 = arith.mulf %bitcast3A_733, %bitcast3A_733 : vector<16xf32>
        %add3A_737 = arith.addf %add3A_710, %mul3A_736 : vector<16xf32>
        %mul3A_738 = arith.constant 32 : i32
        %mul3A_739 = arith.muli %scan3A_91, %mul3A_738 : i32
        %add3A_740 = arith.constant 24 : i32
        %add3A_741 = arith.addi %mul3A_739, %add3A_740 : i32
        %xor3A_742 = vector.broadcast %add3A_741 : i32 to vector<16xi32>
        %xor3A_743 = arith.xori %xor3A_742, %iota3A : vector<16xi32>
        %gather3A_744 = tpu.vector_load_idx %arg11[%add3A_48, %xor3A_743] : memref<128x64xi32, #tpu.memory_space<vmem>>[vector<16xi32>, vector<16xi32>], vector<16xi32>,
        %gather3A_745 = tpu.vector_load_idx %arg12[%add3A_48, %xor3A_743] : memref<128x64xi32, #tpu.memory_space<vmem>>[vector<16xi32>, vector<16xi32>], vector<16xi32>,
        %gather3A_746 = tpu.vector_load_idx %arg13[%add3A_48, %xor3A_743] : memref<128x64xi32, #tpu.memory_space<vmem>>[vector<16xi32>, vector<16xi32>], vector<16xi32>,
        %bitcast3A_747 = vector.bitcast %gather3A_744 : vector<16xi32> to vector<32xbf16>
        %bitcast3A_748 = vector.bitcast %gather3A_745 : vector<16xi32> to vector<32xbf16>
        %bitcast3A_749 = vector.bitcast %gather3A_746 : vector<16xi32> to vector<32xbf16>
        %add3A_750 = arith.addf %bitcast3A_747, %bitcast3A_749 : vector<32xbf16>
        %sub3A_751 = arith.subf %add3A_750, %bitcast3A_748 : vector<32xbf16>
        %bitcast3A_752 = vector.bitcast %sub3A_751 : vector<32xbf16> to vector<16xi32>
        %and3A_753 = arith.constant -65536 : i32
        %and3A_754 = vector.broadcast %and3A_753 : i32 to vector<16xi32>
        %and3A_755 = arith.andi %bitcast3A_752, %and3A_754 : vector<16xi32>
        %bitcast3A_756 = vector.bitcast %and3A_755 : vector<16xi32> to vector<16xf32>
        %shift_left3A_757 = arith.constant 16 : i32
        %shift_left3A_758 = vector.broadcast %shift_left3A_757 : i32 to vector<16xi32>
        %shift_left3A_759 = arith.shli %bitcast3A_752, %shift_left3A_758 : vector<16xi32>
        %bitcast3A_760 = vector.bitcast %shift_left3A_759 : vector<16xi32> to vector<16xf32>
        %mul3A_761 = arith.mulf %bitcast3A_756, %bitcast3A_756 : vector<16xf32>
        %add3A_762 = arith.addf %add3A_735, %mul3A_761 : vector<16xf32>
        %mul3A_763 = arith.mulf %bitcast3A_760, %bitcast3A_760 : vector<16xf32>
        %add3A_764 = arith.addf %add3A_737, %mul3A_763 : vector<16xf32>
        %mul3A_765 = arith.constant 32 : i32
        %mul3A_766 = arith.muli %scan3A_91, %mul3A_765 : i32
        %add3A_767 = arith.constant 25 : i32
        %add3A_768 = arith.addi %mul3A_766, %add3A_767 : i32
        %xor3A_769 = vector.broadcast %add3A_768 : i32 to vector<16xi32>
        %xor3A_770 = arith.xori %xor3A_769, %iota3A : vector<16xi32>
        %gather3A_771 = tpu.vector_load_idx %arg11[%add3A_48, %xor3A_770] : memref<128x64xi32, #tpu.memory_space<vmem>>[vector<16xi32>, vector<16xi32>], vector<16xi32>,
        %gather3A_772 = tpu.vector_load_idx %arg12[%add3A_48, %xor3A_770] : memref<128x64xi32, #tpu.memory_space<vmem>>[vector<16xi32>, vector<16xi32>], vector<16xi32>,
        %gather3A_773 = tpu.vector_load_idx %arg13[%add3A_48, %xor3A_770] : memref<128x64xi32, #tpu.memory_space<vmem>>[vector<16xi32>, vector<16xi32>], vector<16xi32>,
        %bitcast3A_774 = vector.bitcast %gather3A_771 : vector<16xi32> to vector<32xbf16>
        %bitcast3A_775 = vector.bitcast %gather3A_772 : vector<16xi32> to vector<32xbf16>
        %bitcast3A_776 = vector.bitcast %gather3A_773 : vector<16xi32> to vector<32xbf16>
        %add3A_777 = arith.addf %bitcast3A_774, %bitcast3A_776 : vector<32xbf16>
        %sub3A_778 = arith.subf %add3A_777, %bitcast3A_775 : vector<32xbf16>
        %bitcast3A_779 = vector.bitcast %sub3A_778 : vector<32xbf16> to vector<16xi32>
        %and3A_780 = arith.constant -65536 : i32
        %and3A_781 = vector.broadcast %and3A_780 : i32 to vector<16xi32>
        %and3A_782 = arith.andi %bitcast3A_779, %and3A_781 : vector<16xi32>
        %bitcast3A_783 = vector.bitcast %and3A_782 : vector<16xi32> to vector<16xf32>
        %shift_left3A_784 = arith.constant 16 : i32
        %shift_left3A_785 = vector.broadcast %shift_left3A_784 : i32 to vector<16xi32>
        %shift_left3A_786 = arith.shli %bitcast3A_779, %shift_left3A_785 : vector<16xi32>
        %bitcast3A_787 = vector.bitcast %shift_left3A_786 : vector<16xi32> to vector<16xf32>
        %mul3A_788 = arith.mulf %bitcast3A_783, %bitcast3A_783 : vector<16xf32>
        %add3A_789 = arith.addf %add3A_762, %mul3A_788 : vector<16xf32>
        %mul3A_790 = arith.mulf %bitcast3A_787, %bitcast3A_787 : vector<16xf32>
        %add3A_791 = arith.addf %add3A_764, %mul3A_790 : vector<16xf32>
        %mul3A_792 = arith.constant 32 : i32
        %mul3A_793 = arith.muli %scan3A_91, %mul3A_792 : i32
        %add3A_794 = arith.constant 26 : i32
        %add3A_795 = arith.addi %mul3A_793, %add3A_794 : i32
        %xor3A_796 = vector.broadcast %add3A_795 : i32 to vector<16xi32>
        %xor3A_797 = arith.xori %xor3A_796, %iota3A : vector<16xi32>
        %gather3A_798 = tpu.vector_load_idx %arg11[%add3A_48, %xor3A_797] : memref<128x64xi32, #tpu.memory_space<vmem>>[vector<16xi32>, vector<16xi32>], vector<16xi32>,
        %gather3A_799 = tpu.vector_load_idx %arg12[%add3A_48, %xor3A_797] : memref<128x64xi32, #tpu.memory_space<vmem>>[vector<16xi32>, vector<16xi32>], vector<16xi32>,
        %gather3A_800 = tpu.vector_load_idx %arg13[%add3A_48, %xor3A_797] : memref<128x64xi32, #tpu.memory_space<vmem>>[vector<16xi32>, vector<16xi32>], vector<16xi32>,
        %bitcast3A_801 = vector.bitcast %gather3A_798 : vector<16xi32> to vector<32xbf16>
        %bitcast3A_802 = vector.bitcast %gather3A_799 : vector<16xi32> to vector<32xbf16>
        %bitcast3A_803 = vector.bitcast %gather3A_800 : vector<16xi32> to vector<32xbf16>
        %add3A_804 = arith.addf %bitcast3A_801, %bitcast3A_803 : vector<32xbf16>
        %sub3A_805 = arith.subf %add3A_804, %bitcast3A_802 : vector<32xbf16>
        %bitcast3A_806 = vector.bitcast %sub3A_805 : vector<32xbf16> to vector<16xi32>
        %and3A_807 = arith.constant -65536 : i32
        %and3A_808 = vector.broadcast %and3A_807 : i32 to vector<16xi32>
        %and3A_809 = arith.andi %bitcast3A_806, %and3A_808 : vector<16xi32>
        %bitcast3A_810 = vector.bitcast %and3A_809 : vector<16xi32> to vector<16xf32>
        %shift_left3A_811 = arith.constant 16 : i32
        %shift_left3A_812 = vector.broadcast %shift_left3A_811 : i32 to vector<16xi32>
        %shift_left3A_813 = arith.shli %bitcast3A_806, %shift_left3A_812 : vector<16xi32>
        %bitcast3A_814 = vector.bitcast %shift_left3A_813 : vector<16xi32> to vector<16xf32>
        %mul3A_815 = arith.mulf %bitcast3A_810, %bitcast3A_810 : vector<16xf32>
        %add3A_816 = arith.addf %add3A_789, %mul3A_815 : vector<16xf32>
        %mul3A_817 = arith.mulf %bitcast3A_814, %bitcast3A_814 : vector<16xf32>
        %add3A_818 = arith.addf %add3A_791, %mul3A_817 : vector<16xf32>
        %mul3A_819 = arith.constant 32 : i32
        %mul3A_820 = arith.muli %scan3A_91, %mul3A_819 : i32
        %add3A_821 = arith.constant 27 : i32
        %add3A_822 = arith.addi %mul3A_820, %add3A_821 : i32
        %xor3A_823 = vector.broadcast %add3A_822 : i32 to vector<16xi32>
        %xor3A_824 = arith.xori %xor3A_823, %iota3A : vector<16xi32>
        %gather3A_825 = tpu.vector_load_idx %arg11[%add3A_48, %xor3A_824] : memref<128x64xi32, #tpu.memory_space<vmem>>[vector<16xi32>, vector<16xi32>], vector<16xi32>,
        %gather3A_826 = tpu.vector_load_idx %arg12[%add3A_48, %xor3A_824] : memref<128x64xi32, #tpu.memory_space<vmem>>[vector<16xi32>, vector<16xi32>], vector<16xi32>,
        %gather3A_827 = tpu.vector_load_idx %arg13[%add3A_48, %xor3A_824] : memref<128x64xi32, #tpu.memory_space<vmem>>[vector<16xi32>, vector<16xi32>], vector<16xi32>,
        %bitcast3A_828 = vector.bitcast %gather3A_825 : vector<16xi32> to vector<32xbf16>
        %bitcast3A_829 = vector.bitcast %gather3A_826 : vector<16xi32> to vector<32xbf16>
        %bitcast3A_830 = vector.bitcast %gather3A_827 : vector<16xi32> to vector<32xbf16>
        %add3A_831 = arith.addf %bitcast3A_828, %bitcast3A_830 : vector<32xbf16>
        %sub3A_832 = arith.subf %add3A_831, %bitcast3A_829 : vector<32xbf16>
        %bitcast3A_833 = vector.bitcast %sub3A_832 : vector<32xbf16> to vector<16xi32>
        %and3A_834 = arith.constant -65536 : i32
        %and3A_835 = vector.broadcast %and3A_834 : i32 to vector<16xi32>
        %and3A_836 = arith.andi %bitcast3A_833, %and3A_835 : vector<16xi32>
        %bitcast3A_837 = vector.bitcast %and3A_836 : vector<16xi32> to vector<16xf32>
        %shift_left3A_838 = arith.constant 16 : i32
        %shift_left3A_839 = vector.broadcast %shift_left3A_838 : i32 to vector<16xi32>
        %shift_left3A_840 = arith.shli %bitcast3A_833, %shift_left3A_839 : vector<16xi32>
        %bitcast3A_841 = vector.bitcast %shift_left3A_840 : vector<16xi32> to vector<16xf32>
        %mul3A_842 = arith.mulf %bitcast3A_837, %bitcast3A_837 : vector<16xf32>
        %add3A_843 = arith.addf %add3A_816, %mul3A_842 : vector<16xf32>
        %mul3A_844 = arith.mulf %bitcast3A_841, %bitcast3A_841 : vector<16xf32>
        %add3A_845 = arith.addf %add3A_818, %mul3A_844 : vector<16xf32>
        %mul3A_846 = arith.constant 32 : i32
        %mul3A_847 = arith.muli %scan3A_91, %mul3A_846 : i32
        %add3A_848 = arith.constant 28 : i32
        %add3A_849 = arith.addi %mul3A_847, %add3A_848 : i32
        %xor3A_850 = vector.broadcast %add3A_849 : i32 to vector<16xi32>
        %xor3A_851 = arith.xori %xor3A_850, %iota3A : vector<16xi32>
        %gather3A_852 = tpu.vector_load_idx %arg11[%add3A_48, %xor3A_851] : memref<128x64xi32, #tpu.memory_space<vmem>>[vector<16xi32>, vector<16xi32>], vector<16xi32>,
        %gather3A_853 = tpu.vector_load_idx %arg12[%add3A_48, %xor3A_851] : memref<128x64xi32, #tpu.memory_space<vmem>>[vector<16xi32>, vector<16xi32>], vector<16xi32>,
        %gather3A_854 = tpu.vector_load_idx %arg13[%add3A_48, %xor3A_851] : memref<128x64xi32, #tpu.memory_space<vmem>>[vector<16xi32>, vector<16xi32>], vector<16xi32>,
        %bitcast3A_855 = vector.bitcast %gather3A_852 : vector<16xi32> to vector<32xbf16>
        %bitcast3A_856 = vector.bitcast %gather3A_853 : vector<16xi32> to vector<32xbf16>
        %bitcast3A_857 = vector.bitcast %gather3A_854 : vector<16xi32> to vector<32xbf16>
        %add3A_858 = arith.addf %bitcast3A_855, %bitcast3A_857 : vector<32xbf16>
        %sub3A_859 = arith.subf %add3A_858, %bitcast3A_856 : vector<32xbf16>
        %bitcast3A_860 = vector.bitcast %sub3A_859 : vector<32xbf16> to vector<16xi32>
        %and3A_861 = arith.constant -65536 : i32
        %and3A_862 = vector.broadcast %and3A_861 : i32 to vector<16xi32>
        %and3A_863 = arith.andi %bitcast3A_860, %and3A_862 : vector<16xi32>
        %bitcast3A_864 = vector.bitcast %and3A_863 : vector<16xi32> to vector<16xf32>
        %shift_left3A_865 = arith.constant 16 : i32
        %shift_left3A_866 = vector.broadcast %shift_left3A_865 : i32 to vector<16xi32>
        %shift_left3A_867 = arith.shli %bitcast3A_860, %shift_left3A_866 : vector<16xi32>
        %bitcast3A_868 = vector.bitcast %shift_left3A_867 : vector<16xi32> to vector<16xf32>
        %mul3A_869 = arith.mulf %bitcast3A_864, %bitcast3A_864 : vector<16xf32>
        %add3A_870 = arith.addf %add3A_843, %mul3A_869 : vector<16xf32>
        %mul3A_871 = arith.mulf %bitcast3A_868, %bitcast3A_868 : vector<16xf32>
        %add3A_872 = arith.addf %add3A_845, %mul3A_871 : vector<16xf32>
        %mul3A_873 = arith.constant 32 : i32
        %mul3A_874 = arith.muli %scan3A_91, %mul3A_873 : i32
        %add3A_875 = arith.constant 29 : i32
        %add3A_876 = arith.addi %mul3A_874, %add3A_875 : i32
        %xor3A_877 = vector.broadcast %add3A_876 : i32 to vector<16xi32>
        %xor3A_878 = arith.xori %xor3A_877, %iota3A : vector<16xi32>
        %gather3A_879 = tpu.vector_load_idx %arg11[%add3A_48, %xor3A_878] : memref<128x64xi32, #tpu.memory_space<vmem>>[vector<16xi32>, vector<16xi32>], vector<16xi32>,
        %gather3A_880 = tpu.vector_load_idx %arg12[%add3A_48, %xor3A_878] : memref<128x64xi32, #tpu.memory_space<vmem>>[vector<16xi32>, vector<16xi32>], vector<16xi32>,
        %gather3A_881 = tpu.vector_load_idx %arg13[%add3A_48, %xor3A_878] : memref<128x64xi32, #tpu.memory_space<vmem>>[vector<16xi32>, vector<16xi32>], vector<16xi32>,
        %bitcast3A_882 = vector.bitcast %gather3A_879 : vector<16xi32> to vector<32xbf16>
        %bitcast3A_883 = vector.bitcast %gather3A_880 : vector<16xi32> to vector<32xbf16>
        %bitcast3A_884 = vector.bitcast %gather3A_881 : vector<16xi32> to vector<32xbf16>
        %add3A_885 = arith.addf %bitcast3A_882, %bitcast3A_884 : vector<32xbf16>
        %sub3A_886 = arith.subf %add3A_885, %bitcast3A_883 : vector<32xbf16>
        %bitcast3A_887 = vector.bitcast %sub3A_886 : vector<32xbf16> to vector<16xi32>
        %and3A_888 = arith.constant -65536 : i32
        %and3A_889 = vector.broadcast %and3A_888 : i32 to vector<16xi32>
        %and3A_890 = arith.andi %bitcast3A_887, %and3A_889 : vector<16xi32>
        %bitcast3A_891 = vector.bitcast %and3A_890 : vector<16xi32> to vector<16xf32>
        %shift_left3A_892 = arith.constant 16 : i32
        %shift_left3A_893 = vector.broadcast %shift_left3A_892 : i32 to vector<16xi32>
        %shift_left3A_894 = arith.shli %bitcast3A_887, %shift_left3A_893 : vector<16xi32>
        %bitcast3A_895 = vector.bitcast %shift_left3A_894 : vector<16xi32> to vector<16xf32>
        %mul3A_896 = arith.mulf %bitcast3A_891, %bitcast3A_891 : vector<16xf32>
        %add3A_897 = arith.addf %add3A_870, %mul3A_896 : vector<16xf32>
        %mul3A_898 = arith.mulf %bitcast3A_895, %bitcast3A_895 : vector<16xf32>
        %add3A_899 = arith.addf %add3A_872, %mul3A_898 : vector<16xf32>
        %mul3A_900 = arith.constant 32 : i32
        %mul3A_901 = arith.muli %scan3A_91, %mul3A_900 : i32
        %add3A_902 = arith.constant 30 : i32
        %add3A_903 = arith.addi %mul3A_901, %add3A_902 : i32
        %xor3A_904 = vector.broadcast %add3A_903 : i32 to vector<16xi32>
        %xor3A_905 = arith.xori %xor3A_904, %iota3A : vector<16xi32>
        %gather3A_906 = tpu.vector_load_idx %arg11[%add3A_48, %xor3A_905] : memref<128x64xi32, #tpu.memory_space<vmem>>[vector<16xi32>, vector<16xi32>], vector<16xi32>,
        %gather3A_907 = tpu.vector_load_idx %arg12[%add3A_48, %xor3A_905] : memref<128x64xi32, #tpu.memory_space<vmem>>[vector<16xi32>, vector<16xi32>], vector<16xi32>,
        %gather3A_908 = tpu.vector_load_idx %arg13[%add3A_48, %xor3A_905] : memref<128x64xi32, #tpu.memory_space<vmem>>[vector<16xi32>, vector<16xi32>], vector<16xi32>,
        %bitcast3A_909 = vector.bitcast %gather3A_906 : vector<16xi32> to vector<32xbf16>
        %bitcast3A_910 = vector.bitcast %gather3A_907 : vector<16xi32> to vector<32xbf16>
        %bitcast3A_911 = vector.bitcast %gather3A_908 : vector<16xi32> to vector<32xbf16>
        %add3A_912 = arith.addf %bitcast3A_909, %bitcast3A_911 : vector<32xbf16>
        %sub3A_913 = arith.subf %add3A_912, %bitcast3A_910 : vector<32xbf16>
        %bitcast3A_914 = vector.bitcast %sub3A_913 : vector<32xbf16> to vector<16xi32>
        %and3A_915 = arith.constant -65536 : i32
        %and3A_916 = vector.broadcast %and3A_915 : i32 to vector<16xi32>
        %and3A_917 = arith.andi %bitcast3A_914, %and3A_916 : vector<16xi32>
        %bitcast3A_918 = vector.bitcast %and3A_917 : vector<16xi32> to vector<16xf32>
        %shift_left3A_919 = arith.constant 16 : i32
        %shift_left3A_920 = vector.broadcast %shift_left3A_919 : i32 to vector<16xi32>
        %shift_left3A_921 = arith.shli %bitcast3A_914, %shift_left3A_920 : vector<16xi32>
        %bitcast3A_922 = vector.bitcast %shift_left3A_921 : vector<16xi32> to vector<16xf32>
        %mul3A_923 = arith.mulf %bitcast3A_918, %bitcast3A_918 : vector<16xf32>
        %add3A_924 = arith.addf %add3A_897, %mul3A_923 : vector<16xf32>
        %mul3A_925 = arith.mulf %bitcast3A_922, %bitcast3A_922 : vector<16xf32>
        %add3A_926 = arith.addf %add3A_899, %mul3A_925 : vector<16xf32>
        %mul3A_927 = arith.constant 32 : i32
        %mul3A_928 = arith.muli %scan3A_91, %mul3A_927 : i32
        %add3A_929 = arith.constant 31 : i32
        %add3A_930 = arith.addi %mul3A_928, %add3A_929 : i32
        %xor3A_931 = vector.broadcast %add3A_930 : i32 to vector<16xi32>
        %xor3A_932 = arith.xori %xor3A_931, %iota3A : vector<16xi32>
        %gather3A_933 = tpu.vector_load_idx %arg11[%add3A_48, %xor3A_932] : memref<128x64xi32, #tpu.memory_space<vmem>>[vector<16xi32>, vector<16xi32>], vector<16xi32>,
        %gather3A_934 = tpu.vector_load_idx %arg12[%add3A_48, %xor3A_932] : memref<128x64xi32, #tpu.memory_space<vmem>>[vector<16xi32>, vector<16xi32>], vector<16xi32>,
        %gather3A_935 = tpu.vector_load_idx %arg13[%add3A_48, %xor3A_932] : memref<128x64xi32, #tpu.memory_space<vmem>>[vector<16xi32>, vector<16xi32>], vector<16xi32>,
        %bitcast3A_936 = vector.bitcast %gather3A_933 : vector<16xi32> to vector<32xbf16>
        %bitcast3A_937 = vector.bitcast %gather3A_934 : vector<16xi32> to vector<32xbf16>
        %bitcast3A_938 = vector.bitcast %gather3A_935 : vector<16xi32> to vector<32xbf16>
        %add3A_939 = arith.addf %bitcast3A_936, %bitcast3A_938 : vector<32xbf16>
        %sub3A_940 = arith.subf %add3A_939, %bitcast3A_937 : vector<32xbf16>
        %bitcast3A_941 = vector.bitcast %sub3A_940 : vector<32xbf16> to vector<16xi32>
        %and3A_942 = arith.constant -65536 : i32
        %and3A_943 = vector.broadcast %and3A_942 : i32 to vector<16xi32>
        %and3A_944 = arith.andi %bitcast3A_941, %and3A_943 : vector<16xi32>
        %bitcast3A_945 = vector.bitcast %and3A_944 : vector<16xi32> to vector<16xf32>
        %shift_left3A_946 = arith.constant 16 : i32
        %shift_left3A_947 = vector.broadcast %shift_left3A_946 : i32 to vector<16xi32>
        %shift_left3A_948 = arith.shli %bitcast3A_941, %shift_left3A_947 : vector<16xi32>
        %bitcast3A_949 = vector.bitcast %shift_left3A_948 : vector<16xi32> to vector<16xf32>
        %mul3A_950 = arith.mulf %bitcast3A_945, %bitcast3A_945 : vector<16xf32>
        %add3A_951 = arith.addf %add3A_924, %mul3A_950 : vector<16xf32>
        %mul3A_952 = arith.mulf %bitcast3A_949, %bitcast3A_949 : vector<16xf32>
        %add3A_953 = arith.addf %add3A_926, %mul3A_952 : vector<16xf32>
        scf.yield %add3A_951, %add3A_953 : vector<16xf32>, vector<16xf32>
      }
      %scan3A_55 = arith.constant 2 : i32
      %add3A_56 = arith.addf %scan3A_54#0, %scan3A_54#1 : vector<16xf32>
      %max3A = arith.constant 1.000000e-30 : f32
      %max3A_57 = vector.broadcast %max3A : f32 to vector<16xf32>
      %max3A_58 = arith.maximumf %add3A_56, %max3A_57 : vector<16xf32>
      %bitcast3A = vector.bitcast %max3A_58 : vector<16xf32> to vector<16xi32>
      %shift_right_arithmetic3A = arith.constant 1 : i32
      %shift_right_arithmetic3A_59 = vector.broadcast %shift_right_arithmetic3A : i32 to vector<16xi32>
      %shift_right_arithmetic3A_60 = arith.shrsi %bitcast3A, %shift_right_arithmetic3A_59 : vector<16xi32>
      %sub3A = arith.constant 1597463007 : i32
      %sub3A_61 = vector.broadcast %sub3A : i32 to vector<16xi32>
      %sub3A_62 = arith.subi %sub3A_61, %shift_right_arithmetic3A_60 : vector<16xi32>
      %bitcast3A_63 = vector.bitcast %sub3A_62 : vector<16xi32> to vector<16xf32>
      %mul3A_64 = arith.constant 5.000000e-01 : f32
      %mul3A_65 = vector.broadcast %mul3A_64 : f32 to vector<16xf32>
      %mul3A_66 = arith.mulf %mul3A_65, %max3A_58 : vector<16xf32>
      %mul3A_67 = arith.mulf %mul3A_66, %bitcast3A_63 : vector<16xf32>
      %mul3A_68 = arith.mulf %mul3A_67, %bitcast3A_63 : vector<16xf32>
      %sub3A_69 = arith.constant 1.500000e+00 : f32
      %sub3A_70 = vector.broadcast %sub3A_69 : f32 to vector<16xf32>
      %sub3A_71 = arith.subf %sub3A_70, %mul3A_68 : vector<16xf32>
      %mul3A_72 = arith.mulf %bitcast3A_63, %sub3A_71 : vector<16xf32>
      %mul3A_73 = arith.mulf %mul3A_66, %mul3A_72 : vector<16xf32>
      %mul3A_74 = arith.mulf %mul3A_73, %mul3A_72 : vector<16xf32>
      %sub3A_75 = arith.constant 1.500000e+00 : f32
      %sub3A_76 = vector.broadcast %sub3A_75 : f32 to vector<16xf32>
      %sub3A_77 = arith.subf %sub3A_76, %mul3A_74 : vector<16xf32>
      %mul3A_78 = arith.mulf %mul3A_72, %sub3A_77 : vector<16xf32>
      %mul3A_79 = arith.mulf %mul3A_66, %mul3A_78 : vector<16xf32>
      %mul3A_80 = arith.mulf %mul3A_79, %mul3A_78 : vector<16xf32>
      %sub3A_81 = arith.constant 1.500000e+00 : f32
      %sub3A_82 = vector.broadcast %sub3A_81 : f32 to vector<16xf32>
      %sub3A_83 = arith.subf %sub3A_82, %mul3A_80 : vector<16xf32>
      %mul3A_84 = arith.mulf %mul3A_78, %sub3A_83 : vector<16xf32>
      %mul3A_85 = arith.mulf %max3A_58, %mul3A_84 : vector<16xf32>
      %mul3A_86 = arith.constant 16 : i32
      %mul3A_87 = arith.muli %scan3A_44, %mul3A_86 : i32
      %add3A_88 = arith.constant 18688 : i32
      %add3A_89 = arith.addi %add3A_88, %mul3A_87 : i32
      %swap3A = arith.index_cast %add3A_89 : i32 to index
      %swap3A_90 = tpu.vector_load %arg17[%swap3A] {strides = array<i32>} : memref<18816xf32, #tpu.memory_space<vmem>>, vector<16xf32>,
      tpu.vector_store %arg17[%swap3A], %mul3A_85 {strides = array<i32>} : memref<18816xf32, #tpu.memory_space<vmem>>, vector<16xf32>,
    }
    %scan3A_41 = arith.constant 8 : i32
    %mul3A_42 = arith.constant 18816 : i32
    %mul3A_43 = arith.muli %add3A, %mul3A_42 : i32
    "tpu.region"() ({
      %run_scoped3A = tpu.sem_alloc : memref<!tpu.dma_semaphore, #tpu.memory_space<semaphore_mem>>
      %dma_start3A_44 = tpu.memref_slice %arg7[%mul3A_43] : memref<602112xf32, #tpu.memory_space<hbm>> -> memref<18816xf32, #tpu.memory_space<hbm>>
      %dma_start3A_45 = tpu.memref_slice %arg7[%mul3A_43] : memref<602112xf32, #tpu.memory_space<hbm>> -> memref<18816xf32, #tpu.memory_space<hbm>>
      tpu.enqueue_dma source(%arg17 : memref<18816xf32, #tpu.memory_space<vmem>>) target(%dma_start3A_45 : memref<18816xf32, #tpu.memory_space<hbm>>) target_semaphore(%run_scoped3A : memref<!tpu.dma_semaphore, #tpu.memory_space<semaphore_mem>>)
      %dma_wait3A_46 = tpu.memref_slice %arg7[%mul3A_43] : memref<602112xf32, #tpu.memory_space<hbm>> -> memref<18816xf32, #tpu.memory_space<hbm>>
      %dma_wait3A_47 = tpu.memref_slice %arg7[%mul3A_43] : memref<602112xf32, #tpu.memory_space<hbm>> -> memref<18816xf32, #tpu.memory_space<hbm>>
      tpu.wait_dma2 semaphore(%run_scoped3A : memref<!tpu.dma_semaphore, #tpu.memory_space<semaphore_mem>>) src(%arg17 : memref<18816xf32, #tpu.memory_space<vmem>>) dst(%dma_wait3A_47 : memref<18816xf32, #tpu.memory_space<hbm>>)
      tpu.yield
    }) : () -> ()
    return
  }
}

</mosaic_0001>

<sc_bundles>
// kernel: _sc_scores.3.cloned.1.call-start
scs
__scs_entry_jumppad:
0x0: {  	(pc) =	sbr.rel $0x88, $3  }
0x1: {  	(tag) =	ssettag $0x0;
	lr =	simm.s32 $0x1  }
0x2: {  	[smem:$0x3F9C] =	sst lr;
	_ =	strace $0xD0000000  }
0x3: {  	_ = 	snop  }
0x4: {  	_ = 	snop  }
0x5: {  	_ = 	snop  }
0x6: {  	_ = 	snop  }
0x7: {  	_ = 	snop  }
__scs_overlays_trampoline_lowered:
0x8: {  	[smem:$0x3FAB] =	sst s0  }
0x9: {  	[smem:$0x3FAC] =	sst s1  }
0xa: {  	[smem:$0x3FAD] =	sst s2  }
0xb: {  	[smem:$0x3FAE] =	sst s3  }
0xc: {  	[smem:$0x3FAF] =	sst s4  }
0xd: {  	[smem:$0x3FB0] =	sst s5  }
0xe: {  	[smem:$0x3FB1] =	sst s6  }
0xf: {  	[smem:$0x3FB2] =	sst s7  }
0x10: {  	[smem:$0x3FB3] =	sst s8  }
0x11: {  	[smem:$0x3FB4] =	sst s9;
	s0 =	simm.s32 @!p0 $0x0  }
0x12: {  	s1 =	sld [smem:$0x3F9A];
	s0 =	simm.s32 @p0 $0x1  }
0x13: {  	[smem:$0x3FB5] =	sst s0;
	s0 =	simm.s32 @!p1 $0x0  }
0x14: {  	s2 =	sld [smem:$0x3F99];
	s0 =	simm.s32 @p1 $0x1  }
0x15: {  	[smem:$0x3FB6] =	sst s0;
	s0 =	simm.s32 @!p2 $0x0  }
0x16: {  	s3 =	sld [smem:$0x3FDB];
	s0 =	simm.s32 @p2 $0x1  }
0x17: {  	s4 =	simm.s32 $0x1BF5;
	[smem:$0x3FB8] =	sst s0  }
0x18: {  	s0 =	sld [smem:$0x3F9B];
	_ =	swait.ge [sflag:s4], $0x0  }
0x19: {  	s7 =	sld [smem:$0x3F9C]  }
0x1a: {  	s8 =	sadd.s32 $0xFFFFE003, lr  }
0x1b: {  	s9 =	sadd.s32 $0xFFFFFEF7, lr;
	s5 =	simm.s32 $0xFFFFFFFF;
	p2 =	slt.u32 s8, $0xFFFFF086  }
0x1c: {  	p1 =	slt.u32 s9, $0xF7A;
	s5 =	simm.s32 @!p2 $0x0  }
0x1d: {  	s5 =	simm.s32 @p1 $0x1;
	p0 =	seq.s32 s7, s2  }
0x1e: {  	s7 =	smul.u32 @!p0 $0xF7A, s2;
	p2 =	seq.s32 @!p0 s5, $0x0  }
0x1f: {  	s9 =	smul.u32 $0xF7A, s1;
	s8 =	simm.s32 @!p0 $0x1BF5;
	p2 =	por !p2, p0  }
0x20: {  	[sflag:s8] =	ssyncset.s32 @!p0 $0xFFFFF086;
	s6 =	sadd.s32 @!p0 s3, s7;
	s7 =	simm.s32 @!p0 $0x108  }
0x21: {  	s3 =	sadd.s32 s3, s9;
	s6 =	sadd.s32 @!p0 $0x88, s6;
	s7 =	simm.s32 @p2 $0x1082  }
0x22: {  	[simem:s7], [sflag:s8] =	dma.local @!p0 [hbm:s6], $0xF7A  }
0x23: {  	s9 =	sor.u32 $0xD0000000, s2;
	s6 =	simm.s32 $0x108;
	_ =	swait.ge @!p0 [sflag:s8], $0x0  }
0x24: {  	s3 =	sadd.s32 $0x88, s3;
	s6 =	simm.s32 @!p1 $0x1082;
	[sflag:s4] =	ssyncset.s32 $0xFFFFF086  }
0x25: {  	[simem:s6], [sflag:s4] =	dma.local [hbm:s3], $0xF7A  }
0x26: {  	[smem:$0x3F9C] =	sst s1;
	(tag) =	ssettag s2;
	_ =	strace s9  }
0x27: {  	s1 =	sld [smem:$0x3FAC]  }
0x28: {  	s2 =	sld [smem:$0x3FAD]  }
0x29: {  	s4 =	sld [smem:$0x3FAF]  }
0x2a: {  	p0 =	seq.s32 s5, $0x0;
	s5 =	sld [smem:$0x3FB0]  }
0x2b: {  	s6 =	sld [smem:$0x3FB1]  }
0x2c: {  	s7 =	sld [smem:$0x3FB2]  }
0x2d: {  	s3 =	simm.s32 $0x108;
	s8 =	sld [smem:$0x3FB3]  }
0x2e: {  	s3 =	simm.s32 @!p0 $0x1082;
	s9 =	sld [smem:$0x3FB4]  }
0x2f: {  	lr =	sadd.s32 s0, s3;
	s0 =	sld [smem:$0x3FAB]  }
0x30: {  	s3 =	sld [smem:$0x3FAE]  }
0x31: {  	[smem:$0x3FB7] =	sst s10  }
0x32: {  	s10 =	sld [smem:$0x3FB5];
	_ =	sdelay $0x3  }
0x33: {  	p0 =	seq.s32 s10, $0x1;
	s10 =	sld [smem:$0x3FB7];
	_ =	sdelay $0x3  }
0x34: {  	[smem:$0x3FB7] =	sst s10  }
0x35: {  	s10 =	sld [smem:$0x3FB6];
	_ =	sdelay $0x3  }
0x36: {  	p1 =	seq.s32 s10, $0x1;
	s10 =	sld [smem:$0x3FB7];
	_ =	sdelay $0x3  }
0x37: {  	[smem:$0x3FB7] =	sst s10  }
0x38: {  	s10 =	sld [smem:$0x3FB8]  }
0x39: {  	_ = 	snop;
	(pc) =	sbr.ind lr, $3  }
0x3a: {  	_ = 	snop  }
0x3b: {  	_ = 	snop  }
0x3c: {  	p2 =	seq.s32 s10, $0x1;
	s10 =	sld [smem:$0x3FB7]  }
0x3d: {  	_ =	shalt  }
0x3e: {  	_ =	shalt  }
0x3f: {  	_ =	shalt  }
0x40: {  	_ =	shalt  }
0x41: {  	_ =	shalt  }
0x42: {  	_ =	shalt  }
0x43: {  	_ =	shalt  }
0x44: {  	_ =	shalt  }
0x45: {  	_ =	shalt  }
0x46: {  	_ =	shalt  }
0x47: {  	_ =	shalt  }
0x48: {  	_ =	shalt  }
0x49: {  	_ =	shalt  }
0x4a: {  	_ =	shalt  }
0x4b: {  	_ =	shalt  }
0x4c: {  	_ =	shalt  }
0x4d: {  	_ =	shalt  }
0x4e: {  	_ =	shalt  }
0x4f: {  	_ =	shalt  }
0x50: {  	_ =	shalt  }
0x51: {  	_ =	shalt  }
0x52: {  	_ =	shalt  }
0x53: {  	_ =	shalt  }
0x54: {  	_ =	shalt  }
0x55: {  	_ =	shalt  }
0x56: {  	_ =	shalt  }
0x57: {  	_ =	shalt  }
0x58: {  	_ =	shalt  }
0x59: {  	_ =	shalt  }
0x5a: {  	_ =	shalt  }
0x5b: {  	_ =	shalt  }
0x5c: {  	_ =	shalt  }
0x5d: {  	_ =	shalt  }
0x5e: {  	_ =	shalt  }
0x5f: {  	_ =	shalt  }
0x60: {  	_ =	shalt  }
0x61: {  	_ =	shalt  }
0x62: {  	_ =	shalt  }
0x63: {  	_ =	shalt  }
0x64: {  	_ =	shalt  }
0x65: {  	_ =	shalt  }
0x66: {  	_ =	shalt  }
0x67: {  	_ =	shalt  }
0x68: {  	_ =	shalt  }
0x69: {  	_ =	shalt  }
0x6a: {  	_ =	shalt  }
0x6b: {  	_ =	shalt  }
0x6c: {  	_ =	shalt  }
0x6d: {  	_ =	shalt  }
0x6e: {  	_ =	shalt  }
0x6f: {  	_ =	shalt  }
0x70: {  	_ =	shalt  }
0x71: {  	_ =	shalt  }
0x72: {  	_ =	shalt  }
0x73: {  	_ =	shalt  }
0x74: {  	_ =	shalt  }
0x75: {  	_ =	shalt  }
0x76: {  	_ =	shalt  }
0x77: {  	_ =	shalt  }
0x78: {  	_ =	shalt  }
0x79: {  	_ =	shalt  }
0x7a: {  	_ =	shalt  }
0x7b: {  	_ =	shalt  }
0x7c: {  	_ =	shalt  }
0x7d: {  	_ =	shalt  }
0x7e: {  	_ =	shalt  }
0x7f: {  	_ =	shalt  }
0x80: {  	_ =	shalt  }
0x81: {  	_ =	shalt  }
0x82: {  	_ =	shalt  }
0x83: {  	_ =	shalt  }
0x84: {  	_ =	shalt  }
0x85: {  	_ =	shalt  }
0x86: {  	_ =	shalt  }
0x87: {  	_ =	shalt  }
.Lfunc_end0:
.L_simem_size_0:
called_computation_lowered:
.L_overlay_start_0:
0x88: {  	s2 =	sld [smem:$0x3FD9]  }
0x89: {  	s3 =	sld [smem:$0x3FFE];
	_ =	sdelay $0x1  }
0x8a: {  	s1 =	srdreg.scid  }
0x8b: {  	s0 =	sand.u32 $0x1, s1  }
0x8c: {  	s17 =	sshll.u32 s0, $0xA;
	s2 =	sadd.s32 s3, s2  }
0x8d: {  	s2 =	sadd.s32 s2, s17  }
0x8e: {  	[smem:$0x3FC3] =	sst s2  }
0x8f: {  	_ = 	snop  }
0x90: {  	s2 =	sld [smem:$0x3FC7]  }
0x91: {  	s18 =	sld [smem:$0x3FC6]  }
0x92: {  	s4 =	sld [smem:$0x3FC5]  }
0x93: {  	s5 =	sld [smem:$0x3FD0];
	(tm) =	ssettm $0x1  }
0x94: {  	s6 =	sld [smem:$0x3FFB];
	_ =	sdelay $0x3  }
0x95: {  	_ =	strace s6  }
0x96: {  	s6 =	sld [smem:$0x3FFC];
	_ =	sdelay $0x3  }
0x97: {  	_ =	strace s6  }
0x98: {  	s6 =	sld [smem:$0x3FFD];
	_ =	sdelay $0x3  }
0x99: {  	_ =	strace s6  }
0x9a: {  	_ =	strace $0x8FFFFFFF  }
0x9b: {  	s19 =	sld [smem:$0x3FDB];
	_ =	sdelay $0x1  }
0x9c: {  	s7 =	simm.s32 $_scs_section_size  }
0x9d: {  	s8 =	simm.s32 $_size__tile_overlayer_lowered;
	s9 =	simm.s32 $_tile_overlayer_lowered  }
0x9e: {  	s22 =	simm.s32 $0x1BFF;
	s21 =	sshll.u32 s9, $0x1;
	s6 =	sadd.s32 s7, s19  }
0x9f: {  	s10 =	simm.s32 $0x0;
	s20 =	sshll.u32 s8, $0x1;
	s8 =	sadd.s32 s21, s6  }
0xa0: {  	[timem:s10], [sflag:s22] =	dma.local [hbm:s8], s20  }
0xa1: {  	_ =	swait.ge [sflag:s22], s20  }
0xa2: {  	s7 =	ssub.s32 $0x0, s20;
	[sflag:s22] =	ssyncset.done $0x0  }
0xa3: {  	[sflag:s22] =	ssyncadd.s32 s7;
	_ =	sdelay $0x1  }
0xa4: {  	s23 =	simm.s32 $0x1B8B  }
0xa5: {  	_ =	swait.ge [sflag:s23], $0x1  }
0xa6: {  	[sflag:s23] =	ssyncset.done $0x0  }
0xa7: {  	s25 =	simm.s32 $0x1B8E;
	s24 =	sld [smem:$0x3FFE];
	[sflag:s23] =	ssyncadd.s32 $0xFFFFFFFF  }
0xa8: {  	s26 =	simm.s32 $execute0_lowered;
	[smem:$0x3FD2] =	sst s25  }
0xa9: {  	s8 =	sshll.u32 s26, $0x1;
	_ =	strace $0x80000046;
	[dreg:$0x1] =	wrdreg $0xFFFFFFFF  }
0xaa: {  	s28 =	simm.s32 $_size_execute0_lowered;
	s6 =	sadd.s32 s6, s8;
	[dreg:$0x0] =	wrdreg $0x0  }
0xab: {  	s8 =	sshll.u32 s28, $0x1;
	[dreg:$0x2] =	wrdreg s6  }
0xac: {  	[dreg:$0x3] =	wrdreg s8  }
0xad: {  	[dreg:$0x4] =	wrdreg $0xC0  }
0xae: {  	_ =	task [dreg:s10], $0x5FFFF  }
0xaf: {  	[dreg:$0x1] =	wrdreg $0xFFFFFFFF  }
0xb0: {  	[dreg:$0x0] =	wrdreg $0x60  }
0xb1: {  	[dreg:$0x2] =	wrdreg s24  }
0xb2: {  	[dreg:$0x3] =	wrdreg s2  }
0xb3: {  	[dreg:$0x4] =	wrdreg s18  }
0xb4: {  	[dreg:$0x5] =	wrdreg s4  }
0xb5: {  	[dreg:$0x6] =	wrdreg s5  }
0xb6: {  	[dreg:$0x7] =	wrdreg $0x9  }
0xb7: {  	_ =	task.clear_ibuf [dreg:s10], $0x8FFFF;
	_ =	strace $0x90000046  }
0xb8: {  	s29 =	simm.s32 $0x9;
	_ =	strace $0x80000048  }
0xb9: {  	_ =	swait.ge [sflag:s29], $0x1  }
0xba: {  	[sflag:s29] =	ssyncadd.s32 $0xFFFFFFFF  }
0xbb: {  	_ =	strace $0x90000048  }
0xbc: {  	_ =	sfence  }
0xbd: {  	s30 =	sld [smem:$0x0];
	_ =	sdelay $0x2  }
0xbe: {  	s31 =	sshll.u32 s1, $0xD;
	s1 =	sshrl.u32 s1, $0x2  }
0xbf: {  	s3 =	sand.u32 $0x4000, s31;
	s1 =	sadd.s32 s1, s30  }
0xc0: {  	s0 =	sor.u32 s3, s0;
	s1 =	sshll.u32 s1, $0x11  }
0xc1: {  	s0 =	sor.u32 s1, s0  }
0xc2: {  	s0 =	sadd.s32 $0x8F2B, s0  }
0xc3: {  	[sflag:s0] =	ssyncadd.remote.s32 $0x1  }
0xc4: {  	_ =	sfence.sel $0xFFFF  }
0xc5: {  	[dreg:$0x0] =	wrdreg $0xFFFFFFFF;
	(pc) =	sbr.abs _section_cstart, $3  }
0xc6: {  	[dreg:$0x1] =	wrdreg $0xFFFFFFFF  }
0xc7: {  	_ =	task.clear_ibuf [dreg:s10], $0x2FFFF;
	_ =	strace $0x9FFFFFFF  }
0xc8: {  	(tm) =	ssettm $0x7FFFFFFF  }
0xc9: {  	_ =	shalt  }
tec
execute0_lowered:
.L_overlay_start_1:
0x0: {  	(tag) =	ssettag $0x1  }
0x1: {  	s0 =	rddreg [dreg:$0x0]  }
0x2: {  	s1 =	rddreg [dreg:$0x1]  }
0x3: {  	s6 =	rddreg [dreg:$0x2]  }
0x4: {  	s7 =	rddreg [dreg:$0x3]  }
0x5: {  	s8 =	rddreg [dreg:$0x4]  }
0x6: {  	s3 =	srdreg.scid;
	s4 =	stileid.u32  }
0x7: {  	s2 =	simm.s32 $0x0;
	s10 =	simm.s32 $0x7;
	s12 =	simm.s32 $0x9300  }
0x8: {  	s13 =	simm.s32 $0x80;
	s14 =	simm.s32 $0xDC80;
	s15 =	simm.s32 $0xFC80  }
0x9: {  	s16 =	simm.s32 $0x11C80;
	s17 =	simm.s32 $0x13C80;
	s18 =	simm.s32 $0x15C80  }
0xa: {  	s19 =	simm.s32 $0x17C80;
	s20 =	simm.s32 $0x1;
	s21 =	simm.s32 $0x2  }
0xb: {  	s22 =	simm.s32 $0x3;
	s23 =	simm.s32 $0x4;
	s24 =	simm.s32 $0x5  }
0xc: {  	s25 =	simm.s32 $0x6;
	s3 =	sand.u32 $0x1, s3;
	s4 =	sshll.u32 s4, $0x1  }
0xd: {  	s28 =	simm.s32 $0x0;
	[smem:$0x7FF] =	sst s2;
	s4 =	sor.u32 s3, s4  }
0xe: {  	_ =	strace $0x80000047;
	s5 =	ssub.s32 $0x2, s3;
	s9 =	smul.u32 $0x930, s4  }
0xf: {  	v0 =	vlaneseq.u32;
	s3 =	sadd.s32 $0x187000, s0;
	s4 =	sadd.s32 $0x600, s0;
	s31 =	sshrl.u32 s5, $0x1  }
0x10: {  	v3 =	vshrl.u32 v0, $0x3;
	s0 =	ssub.s32 s5, s31;
	s5 =	sadd.s32 s1, s9;
	s6 =	sadd.s32 s6, s9  }
0x11: {  	v1 =	vmul.u32 $0x40, v0;
	v2 =	vand.u32 $0x7, v0;
	v3 =	vmul.u32 $0x8, v3;
	s7 =	sadd.s32 s7, s9;
	s8 =	sadd.s32 s8, s9;
	s9 =	smax.u32 s0, $0x1  }
.LBB2_1:
0x12: {  	[tilespmem:s2], [sflag:$0x7] =	stream.linear.gather [hbm4b:s5+s2], $0x4980, $0x38;
	[tilespmem:$0x1E600] =	vst v63  }
0x13: {  	_ =	swait.ge [sflag:s10], $0x4980  }
0x14: {  	[sflag:s10] =	ssyncset.done $0x0  }
0x15: {  	s0 =	simm.s32 $0x4980;
	[sflag:s10] =	ssyncadd.s32 $0xFFFFB680  }
0x16: {  	[tilespmem:s0], [sflag:$0x7] =	stream.linear.gather [hbm4b:s6+s2], $0x4980, $0x38;
	[tilespmem:$0x1E600] =	vst v63  }
0x17: {  	_ =	swait.ge [sflag:s10], $0x4980  }
0x18: {  	[sflag:s10] =	ssyncset.done $0x0  }
0x19: {  	[sflag:s10] =	ssyncadd.s32 $0xFFFFB680  }
0x1a: {  	[tilespmem:s12], [sflag:$0x7] =	stream.linear.gather [hbm4b:s7+s2], $0x4980, $0x38;
	[tilespmem:$0x1E600] =	vst v63  }
0x1b: {  	_ =	swait.ge [sflag:s10], $0x4980  }
0x1c: {  	[sflag:s10] =	ssyncset.done $0x0  }
0x1d: {  	[sflag:s10] =	ssyncadd.s32 $0xFFFFB680  }
0x1e: {  	[tilespmem:s14], [sflag:$0x1] =	stream.indirect.gather [hbm4b:s3+s13], $0x40, s2, s13, $0xb8;
	[tilespmem:$0x1E600] =	vst v63  }
0x1f: {  	_ = 	snop  }
0x20: {  	[tilespmem:s15], [sflag:$0x2] =	stream.indirect.gather [hbm4b:s3+s13], $0x40, s0, s13, $0xb8;
	[tilespmem:$0x1E600] =	vst v63  }
0x21: {  	s29 =	simm.s32 $0x0  }
0x22: {  	[tilespmem:s16], [sflag:$0x3] =	stream.indirect.gather [hbm4b:s4+s13], $0x40, s12, s13, $0xb8;
	[tilespmem:$0x1E600] =	vst v63  }
.LBB2_2:
0x23: {  	s31 =	sshll.u32 s29, $0x8  }
0x24: {  	s30 =	sor.u32 $0x80, s31  }
0x25: {  	[tilespmem:s17], [sflag:$0x4] =	stream.indirect.gather [hbm4b:s3+s13], $0x40, s30, s13, $0xb8;
	[tilespmem:$0x1E600] =	vst v63  }
0x26: {  	s0 =	sadd.s32 $0x4A00, s31  }
0x27: {  	[tilespmem:s18], [sflag:$0x5] =	stream.indirect.gather [hbm4b:s3+s13], $0x40, s0, s13, $0xb8;
	[tilespmem:$0x1E600] =	vst v63  }
0x28: {  	s11 =	sadd.s32 $0x9380, s31  }
0x29: {  	[tilespmem:s19], [sflag:$0x6] =	stream.indirect.gather [hbm4b:s4+s13], $0x40, s11, s13, $0xb8;
	[tilespmem:$0x1E600] =	vst v63  }
0x2a: {  	_ =	swait.ge [sflag:s20], $0x2000  }
0x2b: {  	[sflag:s20] =	ssyncset.done $0x0  }
0x2c: {  	[sflag:s20] =	ssyncadd.s32 $0xFFFFE000  }
0x2d: {  	_ =	swait.ge [sflag:s21], $0x2000  }
0x2e: {  	[sflag:s21] =	ssyncset.done $0x0  }
0x2f: {  	[sflag:s21] =	ssyncadd.s32 $0xFFFFE000  }
0x30: {  	s26 =	sand.u32 $0x3FFFFF00, s31;
	_ =	swait.ge [sflag:s22], $0x2000  }
0x31: {  	s1 =	sadd.s32 $0x19C80, s26;
	[sflag:s22] =	ssyncset.done $0x0  }
0x32: {  	v4 =	vmov s1;
	s0 =	simm.s32 $0x0;
	[sflag:s22] =	ssyncadd.s32 $0xFFFFE000  }
.LBB2_3:
0x33: {  	s1 =	sshll.u32 s0, $0x4  }
0x34: {  	v5 =	vmov s1  }
0x35: {  	v5 =	vshll.u32 v5, $0x6  }
0x36: {  	v8 =	vimm.f32 $0.0e+00;
	v5 =	vor.u32 v1, v5  }
0x37: {  	p0 =	por $0x1, $0x1;
	v9 =	vimm.f32 $0.0e+00;
	s26 =	simm.s32 $0x0;
	v6 =	vor.u32 v0, v5;
	v7 =	vor.u32 v2, v5  }
.LBB2_4:
0x38: {  	v10 =	vor.u32 s26, v6  }
0x39: {  	s11 =	sor.u32 $0x1, s26  }
0x3a: {  	v11 =	vxor.u32 s11, v0  }
0x3b: {  	v11 =	vor.u32 v5, v11  }
0x3c: {  	s11 =	sor.u32 $0x2, s26  }
0x3d: {  	v14 =	vxor.u32 s11, v0;
	v12 =	vld.idx.msk [tilespmem:v10+s14+$0x0], $0xffff  }
0x3e: {  	v14 =	vor.u32 v5, v14;
	v13 =	vld.idx.msk [tilespmem:v10+s16+$0x0], $0xffff  }
0x3f: {  	s11 =	sor.u32 $0x3, s26;
	v10 =	vld.idx.msk [tilespmem:v10+s15+$0x0], $0xffff  }
0x40: {  	v17 =	vxor.u32 s11, v0;
	v15 =	vld.idx.msk [tilespmem:v11+s14+$0x0], $0xffff  }
0x41: {  	s11 =	sor.u32 $0x4, s26;
	v17 =	vor.u32 v5, v17;
	v16 =	vld.idx.msk [tilespmem:v11+s16+$0x0], $0xffff  }
0x42: {  	v18 =	vxor.u32 s11, v0;
	v11 =	vld.idx.msk [tilespmem:v11+s15+$0x0], $0xffff  }
0x43: {  	s11 =	sor.u32 $0x5, s26;
	v42 =	vor.u32 v5, v18;
	v40 =	vld.idx.msk [tilespmem:v14+s14+$0x0], $0xffff  }
0x44: {  	v20 =	vxor.u32 s11, v0;
	v41 =	vld.idx.msk [tilespmem:v14+s16+$0x0], $0xffff  }
0x45: {  	v20 =	vor.u32 v5, v20;
	v14 =	vld.idx.msk [tilespmem:v14+s15+$0x0], $0xffff  }
0x46: {  	s11 =	sor.u32 $0x6, s26;
	v19 =	vld.idx.msk [tilespmem:v17+s14+$0x0], $0xffff  }
0x47: {  	v48 =	vxor.u32 s11, v0;
	s11 =	sor.u32 $0x7, s26;
	v44 =	vld.idx.msk [tilespmem:v17+s16+$0x0], $0xffff  }
0x48: {  	v54 =	vxor.u32 s11, v0;
	s11 =	sor.u32 $0x8, s26;
	v46 =	vld.idx.msk [tilespmem:v42+s14+$0x0], $0xffff  }
0x49: {  	v50 =	vor.u32 v5, v48;
	v60 =	vxor.u32 s11, v3;
	s11 =	sor.u32 $0x9, s26;
	v12 =	vadd.bf16 v13, v12;
	v47 =	vld.idx.msk [tilespmem:v42+s16+$0x0], $0xffff  }
0x4a: {  	v55 =	vor.u32 v5, v54;
	v61 =	vor.u32 v60, v7;
	v63 =	vxor.u32 s11, v0;
	s11 =	sor.u32 $0xA, s26;
	v52 =	vld.idx.msk [tilespmem:v20+s14+$0x0], $0xffff  }
0x4b: {  	v27 =	vxor.u32 s11, v0;
	v53 =	vld.idx.msk [tilespmem:v20+s16+$0x0], $0xffff;
	v10 =	vsub.bf16 v12, v10;
	v15 =	vadd.bf16 v16, v15  }
0x4c: {  	v57 =	vld.idx.msk [tilespmem:v20+s15+$0x0], $0xffff;
	v20 =	vor.u32 v5, v63;
	v28 =	vor.u32 v5, v27;
	v12 =	vadd.bf16 v41, v40  }
0x4d: {  	v45 =	vld.idx.msk [tilespmem:v17+s15+$0x0], $0xffff;
	s11 =	sor.u32 $0xB, s26;
	v43 =	vand.u32 $0xFFFF0000, v10;
	v10 =	vshll.u32 v10, $0x10;
	v11 =	vsub.bf16 v15, v11  }
0x4e: {  	v49 =	vld.idx.msk [tilespmem:v42+s15+$0x0], $0xffff;
	v32 =	vxor.u32 s11, v0;
	v18 =	vmul.f32 v43, v43;
	v10 =	vmul.f32 v10, v10  }
0x4f: {  	v58 =	vld.idx.msk [tilespmem:v50+s14+$0x0], $0xffff;
	v34 =	vor.u32 v5, v32;
	v12 =	vsub.bf16 v12, v14;
	v21 =	vand.u32 $0xFFFF0000, v11  }
0x50: {  	s11 =	sor.u32 $0xC, s26;
	v59 =	vld.idx.msk [tilespmem:v50+s16+$0x0], $0xffff;
	v9 =	vadd.f32 v18, v9;
	v8 =	vadd.f32 v10, v8;
	v10 =	vmul.f32 v21, v21  }
0x51: {  	v40 =	vxor.u32 s11, v0;
	v14 =	vadd.bf16 v47, v46;
	v13 =	vadd.bf16 v53, v52  }
0x52: {  	v11 =	vshll.u32 v11, $0x10;
	v9 =	vadd.f32 v10, v9;
	v10 =	vadd.bf16 v44, v19  }
0x53: {  	v16 =	vld.idx.msk [tilespmem:v50+s15+$0x0], $0xffff;
	v11 =	vmul.f32 v11, v11;
	v51 =	vand.u32 $0xFFFF0000, v12;
	v12 =	vshll.u32 v12, $0x10  }
0x54: {  	v14 =	vsub.bf16 v14, v49;
	v18 =	vmul.f32 v51, v51;
	v10 =	vsub.bf16 v10, v45  }
0x55: {  	v62 =	vld.idx.msk [tilespmem:v55+s16+$0x0], $0xffff;
	v15 =	vadd.bf16 v59, v58;
	v8 =	vadd.f32 v11, v8;
	v11 =	vmul.f32 v12, v12  }
0x56: {  	v25 =	vld.idx.msk [tilespmem:v61+s14+$0x0], $0xffff;
	v9 =	vadd.f32 v18, v9;
	v56 =	vand.u32 $0xFFFF0000, v10;
	v10 =	vshll.u32 v10, $0x10  }
0x57: {  	v30 =	vld.idx.msk [tilespmem:v20+s14+$0x0], $0xffff;
	v8 =	vadd.f32 v11, v8;
	v11 =	vmul.f32 v56, v56;
	v10 =	vmul.f32 v10, v10  }
0x58: {  	v41 =	vor.u32 v5, v40;
	v31 =	vld.idx.msk [tilespmem:v20+s16+$0x0], $0xffff;
	v13 =	vsub.bf16 v13, v57;
	v15 =	vsub.bf16 v15, v16  }
0x59: {  	s11 =	sor.u32 $0xD, s26;
	v9 =	vadd.f32 v11, v9;
	v8 =	vadd.f32 v10, v8;
	v10 =	vand.u32 $0xFFFF0000, v14;
	v11 =	vld.idx.msk [tilespmem:v55+s14+$0x0], $0xffff  }
0x5a: {  	v36 =	vld.idx.msk [tilespmem:v20+s15+$0x0], $0xffff;
	v44 =	vxor.u32 s11, v0;
	s11 =	sor.u32 $0xE, s26;
	v24 =	vand.u32 $0xFFFF0000, v13;
	v10 =	vmul.f32 v10, v10  }
0x5b: {  	v12 =	vld.idx.msk [tilespmem:v55+s15+$0x0], $0xffff;
	v13 =	vshll.u32 v13, $0x10;
	v20 =	vor.u32 v5, v44;
	v47 =	vxor.u32 s11, v0  }
0x5c: {  	v26 =	vld.idx.msk [tilespmem:v61+s16+$0x0], $0xffff;
	v14 =	vshll.u32 v14, $0x10;
	v9 =	vadd.f32 v10, v9;
	v10 =	vmul.f32 v24, v24  }
0x5d: {  	v38 =	vld.idx.msk [tilespmem:v28+s14+$0x0], $0xffff;
	v13 =	vmul.f32 v13, v13;
	v29 =	vand.u32 $0xFFFF0000, v15;
	v14 =	vmul.f32 v14, v14  }
0x5e: {  	s11 =	sor.u32 $0xF, s26;
	v49 =	vor.u32 v5, v47;
	v9 =	vadd.f32 v10, v9;
	v10 =	vadd.bf16 v62, v11;
	v11 =	vld.idx.msk [tilespmem:v61+s15+$0x0], $0xffff  }
0x5f: {  	v39 =	vld.idx.msk [tilespmem:v28+s16+$0x0], $0xffff;
	v15 =	vshll.u32 v15, $0x10;
	v53 =	vxor.u32 s11, v0;
	v8 =	vadd.f32 v14, v8  }
0x60: {  	v17 =	vld.idx.msk [tilespmem:v28+s15+$0x0], $0xffff;
	v18 =	vmul.f32 v29, v29;
	v33 =	vmul.f32 v15, v15;
	v10 =	vsub.bf16 v10, v12  }
0x61: {  	v42 =	vld.idx.msk [tilespmem:v34+s14+$0x0], $0xffff;
	v55 =	vor.u32 v5, v53;
	v14 =	vadd.bf16 v26, v25;
	v8 =	vadd.f32 v13, v8  }
0x62: {  	v43 =	vld.idx.msk [tilespmem:v34+s16+$0x0], $0xffff;
	v12 =	vadd.bf16 v31, v30;
	v35 =	vand.u32 $0xFFFF0000, v10;
	v10 =	vshll.u32 v10, $0x10  }
0x63: {  	v59 =	vld.idx.msk [tilespmem:v49+s14+$0x0], $0xffff;
	v8 =	vadd.f32 v33, v8;
	v10 =	vmul.f32 v10, v10;
	v11 =	vsub.bf16 v14, v11  }
0x64: {  	v60 =	vld.idx.msk [tilespmem:v49+s16+$0x0], $0xffff;
	v9 =	vadd.f32 v18, v9;
	v12 =	vsub.bf16 v12, v36;
	v37 =	vmul.f32 v35, v35  }
0x65: {  	v46 =	vld.idx.msk [tilespmem:v41+s16+$0x0], $0xffff;
	v8 =	vadd.f32 v10, v8;
	v10 =	vand.u32 $0xFFFF0000, v11;
	v11 =	vshll.u32 v11, $0x10  }
0x66: {  	v48 =	vld.idx.msk [tilespmem:v41+s15+$0x0], $0xffff;
	s11 =	sor.u32 $0x10, s26;
	v9 =	vadd.f32 v37, v9;
	v10 =	vmul.f32 v10, v10;
	v11 =	vmul.f32 v11, v11  }
0x67: {  	v15 =	vld.idx.msk [tilespmem:v34+s15+$0x0], $0xffff;
	v61 =	vor.u32 s11, v6;
	v14 =	vadd.bf16 v39, v38;
	v45 =	vand.u32 $0xFFFF0000, v12  }
0x68: {  	v9 =	vadd.f32 v10, v9;
	v8 =	vadd.f32 v11, v8;
	v10 =	vmul.f32 v45, v45;
	v11 =	vld.idx.msk [tilespmem:v41+s14+$0x0], $0xffff  }
0x69: {  	v51 =	vld.idx.msk [tilespmem:v20+s14+$0x0], $0xffff;
	v13 =	vadd.bf16 v60, v59;
	v12 =	vshll.u32 v12, $0x10;
	v14 =	vsub.bf16 v14, v17  }
0x6a: {  	v52 =	vld.idx.msk [tilespmem:v20+s16+$0x0], $0xffff;
	s11 =	sor.u32 $0x11, s26;
	v12 =	vmul.f32 v12, v12;
	v9 =	vadd.f32 v10, v9;
	v10 =	vadd.bf16 v43, v42  }
0x6b: {  	v16 =	vld.idx.msk [tilespmem:v49+s15+$0x0], $0xffff;
	v23 =	vxor.u32 s11, v0;
	v50 =	vand.u32 $0xFFFF0000, v14;
	v14 =	vshll.u32 v14, $0x10  }
0x6c: {  	v57 =	vld.idx.msk [tilespmem:v20+s15+$0x0], $0xffff;
	v54 =	vmul.f32 v14, v14;
	v8 =	vadd.f32 v12, v8;
	v10 =	vsub.bf16 v10, v15  }
0x6d: {  	v19 =	vor.u32 v5, v23;
	v18 =	vmul.f32 v50, v50;
	v11 =	vadd.bf16 v46, v11  }
0x6e: {  	v8 =	vadd.f32 v54, v8;
	v56 =	vand.u32 $0xFFFF0000, v10;
	v10 =	vshll.u32 v10, $0x10  }
0x6f: {  	v15 =	vadd.bf16 v52, v51;
	v10 =	vmul.f32 v10, v10;
	v11 =	vsub.bf16 v11, v48  }
0x70: {  	v13 =	vsub.bf16 v13, v16;
	v9 =	vadd.f32 v18, v9;
	v58 =	vmul.f32 v56, v56  }
0x71: {  	v62 =	vld.idx.msk [tilespmem:v55+s14+$0x0], $0xffff;
	v15 =	vsub.bf16 v15, v57;
	v8 =	vadd.f32 v10, v8;
	v10 =	vand.u32 $0xFFFF0000, v11  }
0x72: {  	s11 =	sor.u32 $0x12, s26;
	v14 =	vld.idx.msk [tilespmem:v55+s16+$0x0], $0xffff;
	v9 =	vadd.f32 v58, v9;
	v11 =	vshll.u32 v11, $0x10;
	v10 =	vmul.f32 v10, v10  }
0x73: {  	v63 =	vld.idx.msk [tilespmem:v55+s15+$0x0], $0xffff;
	v26 =	vxor.u32 s11, v0;
	v24 =	vand.u32 $0xFFFF0000, v15;
	v11 =	vmul.f32 v11, v11  }
0x74: {  	s11 =	sor.u32 $0x13, s26;
	v16 =	vor.u32 v5, v26;
	v25 =	vld.idx.msk [tilespmem:v61+s14+$0x0], $0xffff;
	v9 =	vadd.f32 v10, v9;
	v10 =	vmul.f32 v24, v24  }
0x75: {  	v31 =	vxor.u32 s11, v0;
	v15 =	vshll.u32 v15, $0x10;
	v8 =	vadd.f32 v11, v8;
	v11 =	vld.idx.msk [tilespmem:v61+s16+$0x0], $0xffff  }
0x76: {  	s11 =	sor.u32 $0x14, s26;
	v28 =	vand.u32 $0xFFFF0000, v13;
	v27 =	vld.idx.msk [tilespmem:v61+s15+$0x0], $0xffff;
	v9 =	vadd.f32 v10, v9;
	v10 =	vmul.f32 v15, v15  }
0x77: {  	v13 =	vshll.u32 v13, $0x10;
	v36 =	vxor.u32 s11, v0;
	s11 =	sor.u32 $0x15, s26;
	v29 =	vld.idx.msk [tilespmem:v19+s14+$0x0], $0xffff;
	v12 =	vadd.bf16 v14, v62  }
0x78: {  	v40 =	vxor.u32 s11, v0;
	s11 =	sor.u32 $0x16, s26;
	v30 =	vld.idx.msk [tilespmem:v19+s16+$0x0], $0xffff;
	v8 =	vadd.f32 v10, v8;
	v10 =	vmul.f32 v28, v28  }
0x79: {  	v32 =	vor.u32 v5, v31;
	v45 =	vxor.u32 s11, v0;
	s11 =	sor.u32 $0x17, s26;
	v12 =	vsub.bf16 v12, v63  }
0x7a: {  	v49 =	vxor.u32 s11, v0;
	v11 =	vadd.bf16 v11, v25;
	v9 =	vadd.f32 v10, v9;
	v10 =	vld.idx.msk [tilespmem:v19+s15+$0x0], $0xffff  }
0x7b: {  	v13 =	vmul.f32 v13, v13;
	v50 =	vor.u32 v5, v49;
	v33 =	vand.u32 $0xFFFF0000, v12  }
0x7c: {  	v34 =	vld.idx.msk [tilespmem:v16+s14+$0x0], $0xffff;
	v12 =	vshll.u32 v12, $0x10;
	v17 =	vmul.f32 v33, v33;
	v11 =	vsub.bf16 v11, v27  }
0x7d: {  	v35 =	vld.idx.msk [tilespmem:v16+s16+$0x0], $0xffff;
	v14 =	vadd.bf16 v30, v29;
	v12 =	vmul.f32 v12, v12;
	v8 =	vadd.f32 v13, v8  }
0x7e: {  	v16 =	vld.idx.msk [tilespmem:v16+s15+$0x0], $0xffff;
	v19 =	vor.u32 v5, v36;
	v9 =	vadd.f32 v17, v9;
	v37 =	vand.u32 $0xFFFF0000, v11  }
0x7f: {  	v39 =	vld.idx.msk [tilespmem:v32+s14+$0x0], $0xffff;
	v11 =	vshll.u32 v11, $0x10;
	v38 =	vmul.f32 v37, v37;
	v10 =	vsub.bf16 v14, v10  }
0x80: {  	v41 =	vld.idx.msk [tilespmem:v32+s16+$0x0], $0xffff;
	v8 =	vadd.f32 v12, v8;
	v11 =	vmul.f32 v11, v11  }
0x81: {  	v57 =	vld.idx.msk [tilespmem:v50+s14+$0x0], $0xffff;
	v17 =	vor.u32 v5, v40;
	v9 =	vadd.f32 v38, v9;
	v42 =	vand.u32 $0xFFFF0000, v10  }
0x82: {  	v59 =	vld.idx.msk [tilespmem:v50+s16+$0x0], $0xffff;
	v8 =	vadd.f32 v11, v8;
	v10 =	vshll.u32 v10, $0x10;
	v11 =	vmul.f32 v42, v42  }
0x83: {  	s11 =	sor.u32 $0x18, s26;
	v13 =	vld.idx.msk [tilespmem:v32+s15+$0x0], $0xffff;
	v10 =	vmul.f32 v10, v10  }
0x84: {  	v55 =	vxor.u32 s11, v3;
	s11 =	sor.u32 $0x19, s26;
	v43 =	vld.idx.msk [tilespmem:v19+s14+$0x0], $0xffff;
	v9 =	vadd.f32 v11, v9;
	v11 =	vor.u32 v5, v45  }
0x85: {  	v60 =	vxor.u32 s11, v0;
	s11 =	sor.u32 $0x1A, s26;
	v15 =	vadd.bf16 v35, v34;
	v8 =	vadd.f32 v10, v8;
	v10 =	vld.idx.msk [tilespmem:v19+s16+$0x0], $0xffff  }
0x86: {  	v24 =	vxor.u32 s11, v0;
	s11 =	sor.u32 $0x1B, s26;
	v44 =	vld.idx.msk [tilespmem:v19+s15+$0x0], $0xffff  }
0x87: {  	v29 =	vxor.u32 s11, v0;
	v15 =	vsub.bf16 v15, v16;
	v12 =	vadd.bf16 v41, v39;
	v47 =	vld.idx.msk [tilespmem:v17+s14+$0x0], $0xffff  }
0x88: {  	v20 =	vor.u32 v5, v60;
	v56 =	vor.u32 v55, v7;
	s11 =	sor.u32 $0x1C, s26;
	v21 =	vor.u32 v5, v29;
	v48 =	vld.idx.msk [tilespmem:v17+s16+$0x0], $0xffff  }
0x89: {  	v22 =	vxor.u32 s11, v0;
	v46 =	vand.u32 $0xFFFF0000, v15;
	v12 =	vsub.bf16 v12, v13;
	v53 =	vld.idx.msk [tilespmem:v11+s14+$0x0], $0xffff  }
0x8a: {  	v15 =	vshll.u32 v15, $0x10;
	v19 =	vmul.f32 v46, v46;
	v10 =	vadd.bf16 v10, v43;
	v54 =	vld.idx.msk [tilespmem:v11+s16+$0x0], $0xffff  }
0x8b: {  	v15 =	vmul.f32 v15, v15;
	v51 =	vld.idx.msk [tilespmem:v17+s15+$0x0], $0xffff;
	v52 =	vand.u32 $0xFFFF0000, v12;
	v12 =	vshll.u32 v12, $0x10  }
0x8c: {  	v17 =	vmul.f32 v52, v52;
	v9 =	vadd.f32 v19, v9;
	v11 =	vld.idx.msk [tilespmem:v11+s15+$0x0], $0xffff;
	v10 =	vsub.bf16 v10, v44  }
0x8d: {  	v13 =	vld.idx.msk [tilespmem:v50+s15+$0x0], $0xffff;
	v12 =	vmul.f32 v12, v12;
	v8 =	vadd.f32 v15, v8;
	v14 =	vadd.bf16 v48, v47  }
0x8e: {  	v9 =	vadd.f32 v17, v9;
	v58 =	vand.u32 $0xFFFF0000, v10;
	v10 =	vshll.u32 v10, $0x10  }
0x8f: {  	v8 =	vadd.f32 v12, v8;
	v10 =	vmul.f32 v10, v10;
	v18 =	vadd.bf16 v54, v53  }
0x90: {  	v63 =	vld.idx.msk [tilespmem:v56+s14+$0x0], $0xffff;
	v22 =	vor.u32 v5, v22;
	v14 =	vsub.bf16 v14, v51;
	v12 =	vadd.bf16 v59, v57  }
0x91: {  	v17 =	vmul.f32 v58, v58;
	v8 =	vadd.f32 v10, v8;
	v10 =	vsub.bf16 v18, v11;
	v11 =	vld.idx.msk [tilespmem:v56+s16+$0x0], $0xffff  }
0x92: {  	v26 =	vld.idx.msk [tilespmem:v56+s15+$0x0], $0xffff;
	v25 =	vor.u32 v5, v24;
	v61 =	vand.u32 $0xFFFF0000, v14;
	v12 =	vsub.bf16 v12, v13  }
0x93: {  	v28 =	vld.idx.msk [tilespmem:v20+s14+$0x0], $0xffff;
	v14 =	vshll.u32 v14, $0x10;
	v62 =	vmul.f32 v61, v61;
	v9 =	vadd.f32 v17, v9  }
0x94: {  	v32 =	vld.idx.msk [tilespmem:v20+s16+$0x0], $0xffff;
	v14 =	vmul.f32 v14, v14;
	v33 =	vand.u32 $0xFFFF0000, v12;
	v27 =	vand.u32 $0xFFFF0000, v10  }
0x95: {  	v30 =	vld.idx.msk [tilespmem:v20+s15+$0x0], $0xffff;
	v9 =	vadd.f32 v62, v9;
	v10 =	vshll.u32 v10, $0x10;
	v31 =	vmul.f32 v27, v27  }
0x96: {  	s11 =	sor.u32 $0x1D, s26;
	v41 =	vld.idx.msk [tilespmem:v21+s16+$0x0], $0xffff;
	v8 =	vadd.f32 v14, v8;
	v10 =	vmul.f32 v10, v10;
	v11 =	vadd.bf16 v11, v63  }
0x97: {  	v39 =	vxor.u32 s11, v0;
	v34 =	vld.idx.msk [tilespmem:v25+s14+$0x0], $0xffff;
	v35 =	vmul.f32 v33, v33;
	v9 =	vadd.f32 v31, v9  }
0x98: {  	v37 =	vld.idx.msk [tilespmem:v25+s16+$0x0], $0xffff;
	v8 =	vadd.f32 v10, v8;
	v10 =	vshll.u32 v12, $0x10;
	v11 =	vsub.bf16 v11, v26  }
0x99: {  	s11 =	sor.u32 $0x1E, s26;
	v16 =	vadd.bf16 v32, v28;
	v38 =	vld.idx.msk [tilespmem:v21+s14+$0x0], $0xffff;
	v15 =	vor.u32 v5, v39;
	v10 =	vmul.f32 v10, v10  }
0x9a: {  	v36 =	vld.idx.msk [tilespmem:v25+s15+$0x0], $0xffff;
	v44 =	vxor.u32 s11, v0;
	v9 =	vadd.f32 v35, v9;
	v40 =	vand.u32 $0xFFFF0000, v11  }
0x9b: {  	s26 =	sor.u32 $0x1F, s26;
	v42 =	vld.idx.msk [tilespmem:v21+s15+$0x0], $0xffff;
	v8 =	vadd.f32 v10, v8;
	v10 =	vshll.u32 v11, $0x10;
	v11 =	vmul.f32 v40, v40  }
0x9c: {  	v49 =	vxor.u32 s26, v0;
	v47 =	vld.idx.msk [tilespmem:v22+s16+$0x0], $0xffff;
	v13 =	vsub.bf16 v16, v30;
	v46 =	vor.u32 v5, v44  }
0x9d: {  	v43 =	vld.idx.msk [tilespmem:v22+s14+$0x0], $0xffff;
	v10 =	vmul.f32 v10, v10;
	v9 =	vadd.f32 v11, v9;
	v11 =	vadd.bf16 v37, v34  }
0x9e: {  	v20 =	vor.u32 v5, v49;
	v45 =	vld.idx.msk [tilespmem:v22+s15+$0x0], $0xffff;
	v14 =	vadd.bf16 v41, v38  }
0x9f: {  	v48 =	vld.idx.msk [tilespmem:v15+s14+$0x0], $0xffff;
	v8 =	vadd.f32 v10, v8;
	v10 =	vand.u32 $0xFFFF0000, v13;
	v11 =	vsub.bf16 v11, v36  }
0xa0: {  	v50 =	vld.idx.msk [tilespmem:v15+s16+$0x0], $0xffff;
	v13 =	vshll.u32 v13, $0x10;
	v10 =	vmul.f32 v10, v10  }
0xa1: {  	v15 =	vld.idx.msk [tilespmem:v15+s15+$0x0], $0xffff;
	v14 =	vsub.bf16 v14, v42;
	v13 =	vmul.f32 v13, v13;
	v51 =	vand.u32 $0xFFFF0000, v11  }
0xa2: {  	v16 =	vadd.bf16 v47, v43;
	v52 =	vld.idx.msk [tilespmem:v46+s14+$0x0], $0xffff;
	v9 =	vadd.f32 v10, v9;
	v10 =	vmul.f32 v51, v51  }
0xa3: {  	v54 =	vld.idx.msk [tilespmem:v46+s16+$0x0], $0xffff;
	v53 =	vand.u32 $0xFFFF0000, v14;
	v8 =	vadd.f32 v13, v8;
	v11 =	vshll.u32 v11, $0x10  }
0xa4: {  	v57 =	vld.idx.msk [tilespmem:v20+s14+$0x0], $0xffff;
	v9 =	vadd.f32 v10, v9;
	v10 =	vmul.f32 v11, v11;
	v11 =	vmul.f32 v53, v53  }
0xa5: {  	v56 =	vadd.bf16 v50, v48;
	v55 =	vld.idx.msk [tilespmem:v46+s15+$0x0], $0xffff;
	v12 =	vsub.bf16 v16, v45  }
0xa6: {  	v8 =	vadd.f32 v10, v8;
	v10 =	vshll.u32 v14, $0x10;
	v9 =	vadd.f32 v11, v9;
	v11 =	vld.idx.msk [tilespmem:v20+s16+$0x0], $0xffff  }
0xa7: {  	v58 =	vsub.bf16 v56, v15;
	v59 =	vand.u32 $0xFFFF0000, v12;
	v10 =	vmul.f32 v10, v10  }
0xa8: {  	v60 =	vld.idx.msk [tilespmem:v20+s15+$0x0], $0xffff;
	v12 =	vshll.u32 v12, $0x10;
	v15 =	vmul.f32 v59, v59;
	v13 =	vadd.bf16 v54, v52  }
0xa9: {  	v61 =	vand.u32 $0xFFFF0000, v58;
	v8 =	vadd.f32 v10, v8;
	v10 =	vmul.f32 v12, v12  }
0xaa: {  	v13 =	vsub.bf16 v13, v55;
	v9 =	vadd.f32 v15, v9;
	v12 =	vmul.f32 v61, v61  }
0xab: {  	v8 =	vadd.f32 v10, v8;
	v10 =	vadd.bf16 v11, v57;
	v11 =	vshll.u32 v58, $0x10  }
0xac: {  	v62 =	vand.u32 $0xFFFF0000, v13;
	v13 =	vshll.u32 v13, $0x10;
	v11 =	vmul.f32 v11, v11  }
0xad: {  	p1 =	por p0, p0;
	v9 =	vadd.f32 v12, v9;
	v12 =	vmul.f32 v62, v62;
	v10 =	vsub.bf16 v10, v60  }
.Ltmp0:
0xae: {  	v8 =	vadd.f32 v11, v8;
	v11 =	vmul.f32 v13, v13;
	(pc) =	sbr.rel @p1 .LBB2_4-.Ltmp0, $3  }
0xaf: {  	v9 =	vadd.f32 v12, v9;
	v63 =	vand.u32 $0xFFFF0000, v10;
	v10 =	vshll.u32 v10, $0x10  }
0xb0: {  	v8 =	vadd.f32 v11, v8;
	v11 =	vmul.f32 v63, v63;
	v10 =	vmul.f32 v10, v10;
	_ =	sdelay $0x1  }
0xb1: {  	p0 =	por $0x0, $0x0;
	s26 =	simm.s32 $0x20;
	v9 =	vadd.f32 v11, v9;
	v8 =	vadd.f32 v10, v8  }
0xb2: {  	_ = 	snop  }
0xb3: {  	v5 =	vadd.f32 v8, v9;
	_ =	sdelay $0x1  }
0xb4: {  	v5 =	vmax.f32 v5, $1.000000000e-30  }
0xb5: {  	v6 =	vshra.s32 v5, $0x1;
	v7 =	vmul.f32 $5.000000000e-01, v5  }
0xb6: {  	v6 =	vsub.s32 $0x5F3759DF, v6  }
0xb7: {  	v63 =	vmul.f32 v6, v7;
	_ =	sdelay $0x1  }
0xb8: {  	v8 =	vmul.f32 v6, v63;
	_ =	sdelay $0x1  }
0xb9: {  	v8 =	vsub.f32 $1.500000000e+00, v8;
	_ =	sdelay $0x1  }
0xba: {  	v6 =	vmul.f32 v6, v8;
	_ =	sdelay $0x1  }
0xbb: {  	v8 =	vmul.f32 v6, v7;
	_ =	sdelay $0x1  }
0xbc: {  	v8 =	vmul.f32 v8, v6;
	_ =	sdelay $0x1  }
0xbd: {  	v8 =	vsub.f32 $1.500000000e+00, v8;
	_ =	sdelay $0x1  }
0xbe: {  	v6 =	vmul.f32 v8, v6;
	_ =	sdelay $0x1  }
0xbf: {  	v7 =	vmul.f32 v6, v7;
	_ =	sdelay $0x1  }
0xc0: {  	v7 =	vmul.f32 v7, v6;
	_ =	sdelay $0x1  }
0xc1: {  	s0 =	sadd.s32 $0x1, s0;
	v7 =	vsub.f32 $1.500000000e+00, v7  }
0xc2: {  	p0 =	sne.s32 s0, $0x8  }
.Ltmp1:
0xc3: {  	v6 =	vmul.f32 v7, v6;
	(pc) =	sbr.rel @p0 .LBB2_3-.Ltmp1, $3  }
0xc4: {  	_ = 	snop  }
0xc5: {  	v5 =	vmul.f32 v6, v5;
	_ =	sdelay $0x1  }
0xc6: {  	[tilespmem:v4+s1+$0x0 ss:$0x1] =	vst.idx.msk $0xffff, v5  }
0xc7: {  	s0 =	sadd.s32 $0x100, s31  }
0xc8: {  	[tilespmem:s14], [sflag:$0x1] =	stream.indirect.gather [hbm4b:s3+s13], $0x40, s0, s13, $0xb8;
	[tilespmem:$0x1E600] =	vst v63  }
0xc9: {  	s26 =	sadd.s32 $0x4A80, s31  }
0xca: {  	[tilespmem:s15], [sflag:$0x2] =	stream.indirect.gather [hbm4b:s3+s13], $0x40, s26, s13, $0xb8;
	[tilespmem:$0x1E600] =	vst v63  }
0xcb: {  	s31 =	sadd.s32 $0x9400, s31  }
0xcc: {  	[tilespmem:s16], [sflag:$0x3] =	stream.indirect.gather [hbm4b:s4+s13], $0x40, s31, s13, $0xb8;
	[tilespmem:$0x1E600] =	vst v63  }
0xcd: {  	_ =	swait.ge [sflag:s23], $0x2000  }
0xce: {  	[sflag:s23] =	ssyncset.done $0x0  }
0xcf: {  	[sflag:s23] =	ssyncadd.s32 $0xFFFFE000  }
0xd0: {  	_ =	swait.ge [sflag:s24], $0x2000  }
0xd1: {  	[sflag:s24] =	ssyncset.done $0x0  }
0xd2: {  	[sflag:s24] =	ssyncadd.s32 $0xFFFFE000  }
0xd3: {  	_ =	swait.ge [sflag:s25], $0x2000  }
0xd4: {  	s1 =	sadd.s32 $0x19C80, s30;
	[sflag:s25] =	ssyncset.done $0x0  }
0xd5: {  	s0 =	simm.s32 $0x0;
	v4 =	vmov s1;
	[sflag:s25] =	ssyncadd.s32 $0xFFFFE000  }
.LBB2_7:
0xd6: {  	s1 =	sshll.u32 s0, $0x4  }
0xd7: {  	v5 =	vmov s1  }
0xd8: {  	v5 =	vshll.u32 v5, $0x6  }
0xd9: {  	v8 =	vimm.f32 $0.0e+00;
	v5 =	vor.u32 v1, v5  }
0xda: {  	p0 =	por $0x1, $0x1;
	v9 =	vimm.f32 $0.0e+00;
	s26 =	simm.s32 $0x0;
	v6 =	vor.u32 v0, v5;
	v7 =	vor.u32 v2, v5  }
.LBB2_8:
0xdb: {  	v10 =	vor.u32 s26, v6  }
0xdc: {  	s11 =	sor.u32 $0x1, s26  }
0xdd: {  	v11 =	vxor.u32 s11, v0  }
0xde: {  	v11 =	vor.u32 v5, v11  }
0xdf: {  	s30 =	sor.u32 $0x2, s26  }
0xe0: {  	v14 =	vxor.u32 s30, v0;
	v12 =	vld.idx.msk [tilespmem:v10+s17+$0x0], $0xffff  }
0xe1: {  	v14 =	vor.u32 v5, v14;
	v13 =	vld.idx.msk [tilespmem:v10+s19+$0x0], $0xffff  }
0xe2: {  	s31 =	sor.u32 $0x3, s26;
	v10 =	vld.idx.msk [tilespmem:v10+s18+$0x0], $0xffff  }
0xe3: {  	v17 =	vxor.u32 s31, v0;
	v15 =	vld.idx.msk [tilespmem:v11+s17+$0x0], $0xffff  }
0xe4: {  	v17 =	vor.u32 v5, v17;
	v16 =	vld.idx.msk [tilespmem:v11+s19+$0x0], $0xffff  }
0xe5: {  	s31 =	sor.u32 $0x5, s26;
	v11 =	vld.idx.msk [tilespmem:v11+s18+$0x0], $0xffff  }
0xe6: {  	v20 =	vxor.u32 s31, v0;
	v40 =	vld.idx.msk [tilespmem:v14+s17+$0x0], $0xffff  }
0xe7: {  	s30 =	sor.u32 $0x4, s26;
	v20 =	vor.u32 v5, v20;
	v41 =	vld.idx.msk [tilespmem:v14+s19+$0x0], $0xffff  }
0xe8: {  	v18 =	vxor.u32 s30, v0;
	s30 =	sor.u32 $0x6, s26;
	v14 =	vld.idx.msk [tilespmem:v14+s18+$0x0], $0xffff  }
0xe9: {  	s31 =	sor.u32 $0x7, s26;
	v42 =	vor.u32 v5, v18;
	v48 =	vxor.u32 s30, v0;
	v19 =	vld.idx.msk [tilespmem:v17+s17+$0x0], $0xffff  }
0xea: {  	v54 =	vxor.u32 s31, v0;
	s30 =	sor.u32 $0x8, s26;
	s31 =	sor.u32 $0x9, s26;
	v50 =	vor.u32 v5, v48;
	v44 =	vld.idx.msk [tilespmem:v17+s19+$0x0], $0xffff;
	v12 =	vadd.bf16 v13, v12  }
0xeb: {  	v55 =	vor.u32 v5, v54;
	v60 =	vxor.u32 s30, v3;
	v63 =	vxor.u32 s31, v0;
	s30 =	sor.u32 $0xA, s26;
	v45 =	vld.idx.msk [tilespmem:v17+s18+$0x0], $0xffff  }
0xec: {  	s31 =	sor.u32 $0xB, s26;
	v27 =	vxor.u32 s30, v0;
	v52 =	vld.idx.msk [tilespmem:v20+s17+$0x0], $0xffff;
	v10 =	vsub.bf16 v12, v10;
	v15 =	vadd.bf16 v16, v15  }
0xed: {  	v61 =	vor.u32 v60, v7;
	v32 =	vxor.u32 s31, v0;
	v28 =	vor.u32 v5, v27;
	v53 =	vld.idx.msk [tilespmem:v20+s19+$0x0], $0xffff  }
0xee: {  	v46 =	vld.idx.msk [tilespmem:v42+s17+$0x0], $0xffff;
	v43 =	vand.u32 $0xFFFF0000, v10;
	v10 =	vshll.u32 v10, $0x10;
	v11 =	vsub.bf16 v15, v11  }
0xef: {  	v34 =	vor.u32 v5, v32;
	v47 =	vld.idx.msk [tilespmem:v42+s19+$0x0], $0xffff;
	v18 =	vmul.f32 v43, v43;
	v10 =	vmul.f32 v10, v10  }
0xf0: {  	v57 =	vld.idx.msk [tilespmem:v20+s18+$0x0], $0xffff;
	v20 =	vor.u32 v5, v63;
	v12 =	vadd.bf16 v41, v40;
	v21 =	vand.u32 $0xFFFF0000, v11  }
0xf1: {  	s30 =	sor.u32 $0xC, s26;
	v49 =	vld.idx.msk [tilespmem:v42+s18+$0x0], $0xffff;
	v9 =	vadd.f32 v18, v9;
	v8 =	vadd.f32 v10, v8;
	v10 =	vmul.f32 v21, v21  }
0xf2: {  	v40 =	vxor.u32 s30, v0;
	v13 =	vadd.bf16 v53, v52;
	v12 =	vsub.bf16 v12, v14  }
0xf3: {  	v58 =	vld.idx.msk [tilespmem:v50+s17+$0x0], $0xffff;
	v11 =	vshll.u32 v11, $0x10;
	v9 =	vadd.f32 v10, v9;
	v10 =	vadd.bf16 v44, v19  }
0xf4: {  	v59 =	vld.idx.msk [tilespmem:v50+s19+$0x0], $0xffff;
	v14 =	vadd.bf16 v47, v46;
	v51 =	vand.u32 $0xFFFF0000, v12;
	v11 =	vmul.f32 v11, v11  }
0xf5: {  	v12 =	vshll.u32 v12, $0x10;
	v18 =	vmul.f32 v51, v51;
	v10 =	vsub.bf16 v10, v45  }
0xf6: {  	v62 =	vld.idx.msk [tilespmem:v55+s19+$0x0], $0xffff;
	v14 =	vsub.bf16 v14, v49;
	v8 =	vadd.f32 v11, v8;
	v11 =	vmul.f32 v12, v12  }
0xf7: {  	v16 =	vld.idx.msk [tilespmem:v50+s18+$0x0], $0xffff;
	v9 =	vadd.f32 v18, v9;
	v56 =	vand.u32 $0xFFFF0000, v10;
	v10 =	vshll.u32 v10, $0x10  }
0xf8: {  	v25 =	vld.idx.msk [tilespmem:v61+s17+$0x0], $0xffff;
	s30 =	sor.u32 $0xE, s26;
	v8 =	vadd.f32 v11, v8;
	v11 =	vmul.f32 v56, v56;
	v10 =	vmul.f32 v10, v10  }
0xf9: {  	v26 =	vld.idx.msk [tilespmem:v61+s19+$0x0], $0xffff;
	v15 =	vadd.bf16 v59, v58;
	v47 =	vxor.u32 s30, v0;
	v13 =	vsub.bf16 v13, v57  }
0xfa: {  	v9 =	vadd.f32 v11, v9;
	v8 =	vadd.f32 v10, v8;
	v10 =	vand.u32 $0xFFFF0000, v14;
	v11 =	vld.idx.msk [tilespmem:v55+s17+$0x0], $0xffff  }
0xfb: {  	v38 =	vld.idx.msk [tilespmem:v28+s17+$0x0], $0xffff;
	v41 =	vor.u32 v5, v40;
	v49 =	vor.u32 v5, v47;
	v10 =	vmul.f32 v10, v10  }
0xfc: {  	v24 =	vand.u32 $0xFFFF0000, v13;
	v13 =	vshll.u32 v13, $0x10;
	v15 =	vsub.bf16 v15, v16;
	v12 =	vld.idx.msk [tilespmem:v55+s18+$0x0], $0xffff  }
0xfd: {  	v30 =	vld.idx.msk [tilespmem:v20+s17+$0x0], $0xffff;
	v14 =	vshll.u32 v14, $0x10;
	v9 =	vadd.f32 v10, v9;
	v10 =	vmul.f32 v24, v24  }
0xfe: {  	v31 =	vld.idx.msk [tilespmem:v20+s19+$0x0], $0xffff;
	v13 =	vmul.f32 v13, v13;
	v29 =	vand.u32 $0xFFFF0000, v15;
	v14 =	vmul.f32 v14, v14  }
0xff: {  	s31 =	sor.u32 $0xD, s26;
	v15 =	vshll.u32 v15, $0x10;
	v9 =	vadd.f32 v10, v9;
	v10 =	vadd.bf16 v62, v11;
	v11 =	vld.idx.msk [tilespmem:v61+s18+$0x0], $0xffff  }
0x100: {  	v36 =	vld.idx.msk [tilespmem:v20+s18+$0x0], $0xffff;
	v44 =	vxor.u32 s31, v0;
	s31 =	sor.u32 $0xF, s26;
	v33 =	vmul.f32 v15, v15;
	v8 =	vadd.f32 v14, v8  }
0x101: {  	v39 =	vld.idx.msk [tilespmem:v28+s19+$0x0], $0xffff;
	v20 =	vor.u32 v5, v44;
	v53 =	vxor.u32 s31, v0;
	v10 =	vsub.bf16 v10, v12  }
0x102: {  	v17 =	vld.idx.msk [tilespmem:v28+s18+$0x0], $0xffff;
	v18 =	vmul.f32 v29, v29;
	v14 =	vadd.bf16 v26, v25;
	v8 =	vadd.f32 v13, v8  }
0x103: {  	v42 =	vld.idx.msk [tilespmem:v34+s17+$0x0], $0xffff;
	v12 =	vadd.bf16 v31, v30;
	v35 =	vand.u32 $0xFFFF0000, v10;
	v10 =	vshll.u32 v10, $0x10  }
0x104: {  	v43 =	vld.idx.msk [tilespmem:v34+s19+$0x0], $0xffff;
	v8 =	vadd.f32 v33, v8;
	v10 =	vmul.f32 v10, v10;
	v11 =	vsub.bf16 v14, v11  }
0x105: {  	v46 =	vld.idx.msk [tilespmem:v41+s19+$0x0], $0xffff;
	v9 =	vadd.f32 v18, v9;
	v12 =	vsub.bf16 v12, v36;
	v37 =	vmul.f32 v35, v35  }
0x106: {  	v48 =	vld.idx.msk [tilespmem:v41+s18+$0x0], $0xffff;
	v8 =	vadd.f32 v10, v8;
	v10 =	vand.u32 $0xFFFF0000, v11;
	v11 =	vshll.u32 v11, $0x10  }
0x107: {  	v15 =	vld.idx.msk [tilespmem:v34+s18+$0x0], $0xffff;
	s31 =	sor.u32 $0x11, s26;
	v9 =	vadd.f32 v37, v9;
	v10 =	vmul.f32 v10, v10;
	v11 =	vmul.f32 v11, v11  }
0x108: {  	v59 =	vld.idx.msk [tilespmem:v49+s17+$0x0], $0xffff;
	v23 =	vxor.u32 s31, v0;
	v14 =	vadd.bf16 v39, v38;
	v45 =	vand.u32 $0xFFFF0000, v12  }
0x109: {  	v9 =	vadd.f32 v10, v9;
	v8 =	vadd.f32 v11, v8;
	v10 =	vmul.f32 v45, v45;
	v11 =	vld.idx.msk [tilespmem:v41+s17+$0x0], $0xffff  }
0x10a: {  	v19 =	vor.u32 v5, v23;
	v51 =	vld.idx.msk [tilespmem:v20+s17+$0x0], $0xffff;
	v12 =	vshll.u32 v12, $0x10;
	v14 =	vsub.bf16 v14, v17  }
0x10b: {  	v52 =	vld.idx.msk [tilespmem:v20+s19+$0x0], $0xffff;
	v12 =	vmul.f32 v12, v12;
	v9 =	vadd.f32 v10, v9;
	v10 =	vadd.bf16 v43, v42  }
0x10c: {  	v60 =	vld.idx.msk [tilespmem:v49+s19+$0x0], $0xffff;
	v55 =	vor.u32 v5, v53;
	v50 =	vand.u32 $0xFFFF0000, v14;
	v14 =	vshll.u32 v14, $0x10  }
0x10d: {  	s30 =	sor.u32 $0x10, s26;
	v57 =	vld.idx.msk [tilespmem:v20+s18+$0x0], $0xffff;
	v54 =	vmul.f32 v14, v14;
	v8 =	vadd.f32 v12, v8;
	v10 =	vsub.bf16 v10, v15  }
0x10e: {  	v61 =	vor.u32 s30, v6;
	v18 =	vmul.f32 v50, v50;
	v11 =	vadd.bf16 v46, v11  }
0x10f: {  	v8 =	vadd.f32 v54, v8;
	v56 =	vand.u32 $0xFFFF0000, v10;
	v10 =	vshll.u32 v10, $0x10  }
0x110: {  	v16 =	vld.idx.msk [tilespmem:v49+s18+$0x0], $0xffff;
	v15 =	vadd.bf16 v52, v51;
	v10 =	vmul.f32 v10, v10;
	v11 =	vsub.bf16 v11, v48  }
0x111: {  	v13 =	vadd.bf16 v60, v59;
	v9 =	vadd.f32 v18, v9;
	v58 =	vmul.f32 v56, v56  }
0x112: {  	v62 =	vld.idx.msk [tilespmem:v55+s17+$0x0], $0xffff;
	v15 =	vsub.bf16 v15, v57;
	v8 =	vadd.f32 v10, v8;
	v10 =	vand.u32 $0xFFFF0000, v11  }
0x113: {  	s30 =	sor.u32 $0x12, s26;
	v14 =	vld.idx.msk [tilespmem:v55+s19+$0x0], $0xffff;
	v9 =	vadd.f32 v58, v9;
	v11 =	vshll.u32 v11, $0x10;
	v10 =	vmul.f32 v10, v10  }
0x114: {  	v63 =	vld.idx.msk [tilespmem:v55+s18+$0x0], $0xffff;
	v26 =	vxor.u32 s30, v0;
	v24 =	vand.u32 $0xFFFF0000, v15;
	v11 =	vmul.f32 v11, v11  }
0x115: {  	v13 =	vsub.bf16 v13, v16;
	v25 =	vld.idx.msk [tilespmem:v61+s17+$0x0], $0xffff;
	v9 =	vadd.f32 v10, v9;
	v10 =	vmul.f32 v24, v24  }
0x116: {  	s31 =	sor.u32 $0x13, s26;
	v16 =	vor.u32 v5, v26;
	v15 =	vshll.u32 v15, $0x10;
	v8 =	vadd.f32 v11, v8;
	v11 =	vld.idx.msk [tilespmem:v61+s19+$0x0], $0xffff  }
0x117: {  	v29 =	vld.idx.msk [tilespmem:v19+s17+$0x0], $0xffff;
	v31 =	vxor.u32 s31, v0;
	v9 =	vadd.f32 v10, v9;
	v10 =	vmul.f32 v15, v15  }
0x118: {  	s31 =	sor.u32 $0x15, s26;
	v32 =	vor.u32 v5, v31;
	v28 =	vand.u32 $0xFFFF0000, v13;
	v27 =	vld.idx.msk [tilespmem:v61+s18+$0x0], $0xffff;
	v12 =	vadd.bf16 v14, v62  }
0x119: {  	s30 =	sor.u32 $0x14, s26;
	v30 =	vld.idx.msk [tilespmem:v19+s19+$0x0], $0xffff;
	v40 =	vxor.u32 s31, v0;
	v8 =	vadd.f32 v10, v8;
	v10 =	vmul.f32 v28, v28  }
0x11a: {  	s31 =	sor.u32 $0x17, s26;
	v13 =	vshll.u32 v13, $0x10;
	v36 =	vxor.u32 s30, v0;
	v12 =	vsub.bf16 v12, v63  }
0x11b: {  	v49 =	vxor.u32 s31, v0;
	v11 =	vadd.bf16 v11, v25;
	v9 =	vadd.f32 v10, v9;
	v10 =	vld.idx.msk [tilespmem:v19+s18+$0x0], $0xffff  }
0x11c: {  	v13 =	vmul.f32 v13, v13;
	v50 =	vor.u32 v5, v49;
	v33 =	vand.u32 $0xFFFF0000, v12  }
0x11d: {  	v34 =	vld.idx.msk [tilespmem:v16+s17+$0x0], $0xffff;
	v12 =	vshll.u32 v12, $0x10;
	v17 =	vmul.f32 v33, v33;
	v11 =	vsub.bf16 v11, v27  }
0x11e: {  	v35 =	vld.idx.msk [tilespmem:v16+s19+$0x0], $0xffff;
	v14 =	vadd.bf16 v30, v29;
	v12 =	vmul.f32 v12, v12;
	v8 =	vadd.f32 v13, v8  }
0x11f: {  	v16 =	vld.idx.msk [tilespmem:v16+s18+$0x0], $0xffff;
	v19 =	vor.u32 v5, v36;
	v9 =	vadd.f32 v17, v9;
	v37 =	vand.u32 $0xFFFF0000, v11  }
0x120: {  	v39 =	vld.idx.msk [tilespmem:v32+s17+$0x0], $0xffff;
	v11 =	vshll.u32 v11, $0x10;
	v38 =	vmul.f32 v37, v37;
	v10 =	vsub.bf16 v14, v10  }
0x121: {  	v41 =	vld.idx.msk [tilespmem:v32+s19+$0x0], $0xffff;
	v8 =	vadd.f32 v12, v8;
	v11 =	vmul.f32 v11, v11  }
0x122: {  	v59 =	vld.idx.msk [tilespmem:v50+s19+$0x0], $0xffff;
	v17 =	vor.u32 v5, v40;
	v9 =	vadd.f32 v38, v9;
	v42 =	vand.u32 $0xFFFF0000, v10  }
0x123: {  	s30 =	sor.u32 $0x16, s26;
	v57 =	vld.idx.msk [tilespmem:v50+s17+$0x0], $0xffff;
	v8 =	vadd.f32 v11, v8;
	v10 =	vshll.u32 v10, $0x10;
	v11 =	vmul.f32 v42, v42  }
0x124: {  	v45 =	vxor.u32 s30, v0;
	v13 =	vld.idx.msk [tilespmem:v32+s18+$0x0], $0xffff;
	v10 =	vmul.f32 v10, v10  }
0x125: {  	s31 =	sor.u32 $0x19, s26;
	v43 =	vld.idx.msk [tilespmem:v19+s17+$0x0], $0xffff;
	v9 =	vadd.f32 v11, v9;
	v11 =	vor.u32 v5, v45  }
0x126: {  	v60 =	vxor.u32 s31, v0;
	s30 =	sor.u32 $0x18, s26;
	v15 =	vadd.bf16 v35, v34;
	v8 =	vadd.f32 v10, v8;
	v10 =	vld.idx.msk [tilespmem:v19+s19+$0x0], $0xffff  }
0x127: {  	s31 =	sor.u32 $0x1B, s26;
	v20 =	vor.u32 v5, v60;
	v55 =	vxor.u32 s30, v3;
	v44 =	vld.idx.msk [tilespmem:v19+s18+$0x0], $0xffff  }
0x128: {  	s30 =	sor.u32 $0x1A, s26;
	v29 =	vxor.u32 s31, v0;
	v15 =	vsub.bf16 v15, v16;
	v12 =	vadd.bf16 v41, v39;
	v47 =	vld.idx.msk [tilespmem:v17+s17+$0x0], $0xffff  }
0x129: {  	v21 =	vor.u32 v5, v29;
	v56 =	vor.u32 v55, v7;
	v24 =	vxor.u32 s30, v0;
	s30 =	sor.u32 $0x1C, s26;
	v48 =	vld.idx.msk [tilespmem:v17+s19+$0x0], $0xffff  }
0x12a: {  	v22 =	vxor.u32 s30, v0;
	v46 =	vand.u32 $0xFFFF0000, v15;
	v12 =	vsub.bf16 v12, v13;
	v53 =	vld.idx.msk [tilespmem:v11+s17+$0x0], $0xffff  }
0x12b: {  	v15 =	vshll.u32 v15, $0x10;
	v19 =	vmul.f32 v46, v46;
	v10 =	vadd.bf16 v10, v43;
	v54 =	vld.idx.msk [tilespmem:v11+s19+$0x0], $0xffff  }
0x12c: {  	v15 =	vmul.f32 v15, v15;
	v51 =	vld.idx.msk [tilespmem:v17+s18+$0x0], $0xffff;
	v52 =	vand.u32 $0xFFFF0000, v12;
	v12 =	vshll.u32 v12, $0x10  }
0x12d: {  	v17 =	vmul.f32 v52, v52;
	v9 =	vadd.f32 v19, v9;
	v11 =	vld.idx.msk [tilespmem:v11+s18+$0x0], $0xffff;
	v10 =	vsub.bf16 v10, v44  }
0x12e: {  	v13 =	vld.idx.msk [tilespmem:v50+s18+$0x0], $0xffff;
	v12 =	vmul.f32 v12, v12;
	v8 =	vadd.f32 v15, v8;
	v14 =	vadd.bf16 v48, v47  }
0x12f: {  	v9 =	vadd.f32 v17, v9;
	v58 =	vand.u32 $0xFFFF0000, v10;
	v10 =	vshll.u32 v10, $0x10  }
0x130: {  	v8 =	vadd.f32 v12, v8;
	v10 =	vmul.f32 v10, v10;
	v18 =	vadd.bf16 v54, v53  }
0x131: {  	v63 =	vld.idx.msk [tilespmem:v56+s17+$0x0], $0xffff;
	v22 =	vor.u32 v5, v22;
	v14 =	vsub.bf16 v14, v51;
	v12 =	vadd.bf16 v59, v57  }
0x132: {  	v17 =	vmul.f32 v58, v58;
	v8 =	vadd.f32 v10, v8;
	v10 =	vsub.bf16 v18, v11;
	v11 =	vld.idx.msk [tilespmem:v56+s19+$0x0], $0xffff  }
0x133: {  	v26 =	vld.idx.msk [tilespmem:v56+s18+$0x0], $0xffff;
	v25 =	vor.u32 v5, v24;
	v61 =	vand.u32 $0xFFFF0000, v14;
	v12 =	vsub.bf16 v12, v13  }
0x134: {  	v28 =	vld.idx.msk [tilespmem:v20+s17+$0x0], $0xffff;
	v14 =	vshll.u32 v14, $0x10;
	v62 =	vmul.f32 v61, v61;
	v9 =	vadd.f32 v17, v9  }
0x135: {  	v32 =	vld.idx.msk [tilespmem:v20+s19+$0x0], $0xffff;
	v14 =	vmul.f32 v14, v14;
	v33 =	vand.u32 $0xFFFF0000, v12;
	v27 =	vand.u32 $0xFFFF0000, v10  }
0x136: {  	v30 =	vld.idx.msk [tilespmem:v20+s18+$0x0], $0xffff;
	v9 =	vadd.f32 v62, v9;
	v10 =	vshll.u32 v10, $0x10;
	v31 =	vmul.f32 v27, v27  }
0x137: {  	s31 =	sor.u32 $0x1D, s26;
	v41 =	vld.idx.msk [tilespmem:v21+s19+$0x0], $0xffff;
	v8 =	vadd.f32 v14, v8;
	v10 =	vmul.f32 v10, v10;
	v11 =	vadd.bf16 v11, v63  }
0x138: {  	v39 =	vxor.u32 s31, v0;
	v34 =	vld.idx.msk [tilespmem:v25+s17+$0x0], $0xffff;
	v35 =	vmul.f32 v33, v33;
	v9 =	vadd.f32 v31, v9  }
0x139: {  	v37 =	vld.idx.msk [tilespmem:v25+s19+$0x0], $0xffff;
	v8 =	vadd.f32 v10, v8;
	v10 =	vshll.u32 v12, $0x10;
	v11 =	vsub.bf16 v11, v26  }
0x13a: {  	s30 =	sor.u32 $0x1E, s26;
	v16 =	vadd.bf16 v32, v28;
	v38 =	vld.idx.msk [tilespmem:v21+s17+$0x0], $0xffff;
	v15 =	vor.u32 v5, v39;
	v10 =	vmul.f32 v10, v10  }
0x13b: {  	v36 =	vld.idx.msk [tilespmem:v25+s18+$0x0], $0xffff;
	v44 =	vxor.u32 s30, v0;
	v9 =	vadd.f32 v35, v9;
	v40 =	vand.u32 $0xFFFF0000, v11  }
0x13c: {  	s31 =	sor.u32 $0x1F, s26;
	v42 =	vld.idx.msk [tilespmem:v21+s18+$0x0], $0xffff;
	v8 =	vadd.f32 v10, v8;
	v10 =	vshll.u32 v11, $0x10;
	v11 =	vmul.f32 v40, v40  }
0x13d: {  	v49 =	vxor.u32 s31, v0;
	v47 =	vld.idx.msk [tilespmem:v22+s19+$0x0], $0xffff;
	v13 =	vsub.bf16 v16, v30;
	v46 =	vor.u32 v5, v44  }
0x13e: {  	v43 =	vld.idx.msk [tilespmem:v22+s17+$0x0], $0xffff;
	v10 =	vmul.f32 v10, v10;
	v9 =	vadd.f32 v11, v9;
	v11 =	vadd.bf16 v37, v34  }
0x13f: {  	v20 =	vor.u32 v5, v49;
	v45 =	vld.idx.msk [tilespmem:v22+s18+$0x0], $0xffff;
	v14 =	vadd.bf16 v41, v38  }
0x140: {  	v48 =	vld.idx.msk [tilespmem:v15+s17+$0x0], $0xffff;
	v8 =	vadd.f32 v10, v8;
	v10 =	vand.u32 $0xFFFF0000, v13;
	v11 =	vsub.bf16 v11, v36  }
0x141: {  	v50 =	vld.idx.msk [tilespmem:v15+s19+$0x0], $0xffff;
	v13 =	vshll.u32 v13, $0x10;
	v10 =	vmul.f32 v10, v10  }
0x142: {  	v15 =	vld.idx.msk [tilespmem:v15+s18+$0x0], $0xffff;
	v14 =	vsub.bf16 v14, v42;
	v13 =	vmul.f32 v13, v13;
	v51 =	vand.u32 $0xFFFF0000, v11  }
0x143: {  	v16 =	vadd.bf16 v47, v43;
	v52 =	vld.idx.msk [tilespmem:v46+s17+$0x0], $0xffff;
	v9 =	vadd.f32 v10, v9;
	v10 =	vmul.f32 v51, v51  }
0x144: {  	v54 =	vld.idx.msk [tilespmem:v46+s19+$0x0], $0xffff;
	v53 =	vand.u32 $0xFFFF0000, v14;
	v8 =	vadd.f32 v13, v8;
	v11 =	vshll.u32 v11, $0x10  }
0x145: {  	v57 =	vld.idx.msk [tilespmem:v20+s17+$0x0], $0xffff;
	v9 =	vadd.f32 v10, v9;
	v10 =	vmul.f32 v11, v11;
	v11 =	vmul.f32 v53, v53  }
0x146: {  	v56 =	vadd.bf16 v50, v48;
	v55 =	vld.idx.msk [tilespmem:v46+s18+$0x0], $0xffff;
	v12 =	vsub.bf16 v16, v45  }
0x147: {  	v8 =	vadd.f32 v10, v8;
	v10 =	vshll.u32 v14, $0x10;
	v9 =	vadd.f32 v11, v9;
	v11 =	vld.idx.msk [tilespmem:v20+s19+$0x0], $0xffff  }
0x148: {  	v58 =	vsub.bf16 v56, v15;
	v59 =	vand.u32 $0xFFFF0000, v12;
	v10 =	vmul.f32 v10, v10  }
0x149: {  	v60 =	vld.idx.msk [tilespmem:v20+s18+$0x0], $0xffff;
	v12 =	vshll.u32 v12, $0x10;
	v15 =	vmul.f32 v59, v59;
	v13 =	vadd.bf16 v54, v52  }
0x14a: {  	v61 =	vand.u32 $0xFFFF0000, v58;
	v8 =	vadd.f32 v10, v8;
	v10 =	vmul.f32 v12, v12  }
0x14b: {  	v13 =	vsub.bf16 v13, v55;
	v9 =	vadd.f32 v15, v9;
	v12 =	vmul.f32 v61, v61  }
0x14c: {  	v8 =	vadd.f32 v10, v8;
	v10 =	vadd.bf16 v11, v57;
	v11 =	vshll.u32 v58, $0x10  }
0x14d: {  	v62 =	vand.u32 $0xFFFF0000, v13;
	v13 =	vshll.u32 v13, $0x10;
	v11 =	vmul.f32 v11, v11  }
0x14e: {  	p1 =	por p0, p0;
	v9 =	vadd.f32 v12, v9;
	v12 =	vmul.f32 v62, v62;
	v10 =	vsub.bf16 v10, v60  }
.Ltmp2:
0x14f: {  	v8 =	vadd.f32 v11, v8;
	v11 =	vmul.f32 v13, v13;
	(pc) =	sbr.rel @p1 .LBB2_8-.Ltmp2, $3  }
0x150: {  	v9 =	vadd.f32 v12, v9;
	v63 =	vand.u32 $0xFFFF0000, v10;
	v10 =	vshll.u32 v10, $0x10  }
0x151: {  	v8 =	vadd.f32 v11, v8;
	v11 =	vmul.f32 v63, v63;
	v10 =	vmul.f32 v10, v10;
	_ =	sdelay $0x1  }
0x152: {  	p0 =	por $0x0, $0x0;
	s26 =	simm.s32 $0x20;
	v9 =	vadd.f32 v11, v9;
	v8 =	vadd.f32 v10, v8  }
0x153: {  	_ = 	snop  }
0x154: {  	v5 =	vadd.f32 v8, v9;
	_ =	sdelay $0x1  }
0x155: {  	v5 =	vmax.f32 v5, $1.000000000e-30  }
0x156: {  	v6 =	vshra.s32 v5, $0x1;
	v7 =	vmul.f32 $5.000000000e-01, v5  }
0x157: {  	v6 =	vsub.s32 $0x5F3759DF, v6  }
0x158: {  	v63 =	vmul.f32 v6, v7;
	_ =	sdelay $0x1  }
0x159: {  	v8 =	vmul.f32 v6, v63;
	_ =	sdelay $0x1  }
0x15a: {  	v8 =	vsub.f32 $1.500000000e+00, v8;
	_ =	sdelay $0x1  }
0x15b: {  	v6 =	vmul.f32 v6, v8;
	_ =	sdelay $0x1  }
0x15c: {  	v8 =	vmul.f32 v6, v7;
	_ =	sdelay $0x1  }
0x15d: {  	v8 =	vmul.f32 v8, v6;
	_ =	sdelay $0x1  }
0x15e: {  	v8 =	vsub.f32 $1.500000000e+00, v8;
	_ =	sdelay $0x1  }
0x15f: {  	v6 =	vmul.f32 v8, v6;
	_ =	sdelay $0x1  }
0x160: {  	v7 =	vmul.f32 v6, v7;
	_ =	sdelay $0x1  }
0x161: {  	v7 =	vmul.f32 v7, v6;
	_ =	sdelay $0x1  }
0x162: {  	s0 =	sadd.s32 $0x1, s0;
	v7 =	vsub.f32 $1.500000000e+00, v7  }
0x163: {  	p0 =	sne.s32 s0, $0x8  }
.Ltmp3:
0x164: {  	v6 =	vmul.f32 v7, v6;
	(pc) =	sbr.rel @p0 .LBB2_7-.Ltmp3, $3  }
0x165: {  	_ = 	snop  }
0x166: {  	v5 =	vmul.f32 v6, v5;
	_ =	sdelay $0x1  }
0x167: {  	[tilespmem:v4+s1+$0x0 ss:$0x1] =	vst.idx.msk $0xffff, v5  }
0x168: {  	s29 =	sadd.s32 $0x1, s29  }
0x169: {  	p0 =	sne.s32 s29, $0x49  }
.Ltmp4:
0x16a: {  	_ = 	snop;
	(pc) =	sbr.rel @p0 .LBB2_2-.Ltmp4, $1  }
0x16b: {  	_ =	sdelay $0x3  }
0x16c: {  	_ =	swait.ge [sflag:s20], $0x2000  }
0x16d: {  	[sflag:s20] =	ssyncset.done $0x0  }
0x16e: {  	[sflag:s20] =	ssyncadd.s32 $0xFFFFE000  }
0x16f: {  	_ =	swait.ge [sflag:s21], $0x2000  }
0x170: {  	[sflag:s21] =	ssyncset.done $0x0  }
0x171: {  	[sflag:s21] =	ssyncadd.s32 $0xFFFFE000  }
0x172: {  	_ =	swait.ge [sflag:s22], $0x2000  }
0x173: {  	[sflag:s22] =	ssyncset.done $0x0  }
0x174: {  	s0 =	simm.s32 $0x0;
	[sflag:s22] =	ssyncadd.s32 $0xFFFFE000  }
.LBB2_12:
0x175: {  	s1 =	sshll.u32 s0, $0x4  }
0x176: {  	v4 =	vmov s1  }
0x177: {  	v4 =	vshll.u32 v4, $0x6  }
0x178: {  	v7 =	vimm.f32 $0.0e+00;
	v4 =	vor.u32 v1, v4  }
0x179: {  	p0 =	por $0x1, $0x1;
	v8 =	vimm.f32 $0.0e+00;
	s26 =	simm.s32 $0x0;
	v5 =	vor.u32 v0, v4;
	v6 =	vor.u32 v2, v4  }
.LBB2_13:
0x17a: {  	v9 =	vor.u32 s26, v5  }
0x17b: {  	s11 =	sor.u32 $0x1, s26  }
0x17c: {  	v10 =	vxor.u32 s11, v0  }
0x17d: {  	v10 =	vor.u32 v4, v10;
	_ =	sdelay $0x1  }
0x17e: {  	s29 =	sor.u32 $0x2, s26;
	v11 =	vld.idx.msk [tilespmem:v9+s14+$0x0], $0xffff  }
0x17f: {  	v13 =	vxor.u32 s29, v0;
	v12 =	vld.idx.msk [tilespmem:v9+s16+$0x0], $0xffff  }
0x180: {  	s30 =	sor.u32 $0x3, s26;
	v13 =	vor.u32 v4, v13;
	v9 =	vld.idx.msk [tilespmem:v9+s15+$0x0], $0xffff  }
0x181: {  	v16 =	vxor.u32 s30, v0;
	v14 =	vld.idx.msk [tilespmem:v10+s14+$0x0], $0xffff  }
0x182: {  	v16 =	vor.u32 v4, v16;
	v15 =	vld.idx.msk [tilespmem:v10+s16+$0x0], $0xffff;
	_ =	sdelay $0x1  }
0x183: {  	s31 =	sor.u32 $0x4, s26;
	v10 =	vld.idx.msk [tilespmem:v10+s15+$0x0], $0xffff;
	v11 =	vadd.bf16 v12, v11  }
0x184: {  	v17 =	vxor.u32 s31, v0;
	v54 =	vld.idx.msk [tilespmem:v13+s14+$0x0], $0xffff  }
0x185: {  	s29 =	sor.u32 $0x5, s26;
	v55 =	vor.u32 v4, v17;
	v9 =	vsub.bf16 v11, v9;
	v11 =	vld.idx.msk [tilespmem:v13+s16+$0x0], $0xffff  }
0x186: {  	s30 =	sor.u32 $0x6, s26;
	v19 =	vxor.u32 s29, v0;
	v18 =	vld.idx.msk [tilespmem:v16+s14+$0x0], $0xffff;
	v14 =	vadd.bf16 v15, v14  }
0x187: {  	v61 =	vxor.u32 s30, v0;
	v19 =	vor.u32 v4, v19;
	v13 =	vld.idx.msk [tilespmem:v13+s15+$0x0], $0xffff  }
0x188: {  	s31 =	sor.u32 $0x7, s26;
	v57 =	vld.idx.msk [tilespmem:v16+s16+$0x0], $0xffff;
	v56 =	vand.u32 $0xFFFF0000, v9;
	v9 =	vshll.u32 v9, $0x10;
	v10 =	vsub.bf16 v14, v10  }
0x189: {  	v27 =	vxor.u32 s31, v0;
	v58 =	vld.idx.msk [tilespmem:v16+s15+$0x0], $0xffff;
	v17 =	vmul.f32 v56, v56;
	v9 =	vmul.f32 v9, v9  }
0x18a: {  	v59 =	vld.idx.msk [tilespmem:v55+s14+$0x0], $0xffff;
	v20 =	vand.u32 $0xFFFF0000, v10;
	v10 =	vshll.u32 v10, $0x10;
	v11 =	vadd.bf16 v11, v54  }
0x18b: {  	v60 =	vld.idx.msk [tilespmem:v55+s16+$0x0], $0xffff;
	v8 =	vadd.f32 v17, v8;
	v7 =	vadd.f32 v9, v7;
	v9 =	vmul.f32 v20, v20  }
0x18c: {  	s29 =	sor.u32 $0x8, s26;
	v63 =	vor.u32 v4, v61;
	v62 =	vld.idx.msk [tilespmem:v55+s15+$0x0], $0xffff;
	v10 =	vmul.f32 v10, v10;
	v11 =	vsub.bf16 v11, v13  }
0x18d: {  	v32 =	vxor.u32 s29, v3;
	v25 =	vld.idx.msk [tilespmem:v19+s14+$0x0], $0xffff;
	v8 =	vadd.f32 v9, v8;
	v9 =	vadd.bf16 v57, v18  }
0x18e: {  	v26 =	vld.idx.msk [tilespmem:v19+s16+$0x0], $0xffff;
	v7 =	vadd.f32 v10, v7;
	v24 =	vand.u32 $0xFFFF0000, v11;
	v11 =	vshll.u32 v11, $0x10  }
0x18f: {  	s30 =	sor.u32 $0x9, s26;
	v9 =	vsub.bf16 v9, v58;
	v10 =	vmul.f32 v11, v11;
	v11 =	vor.u32 v4, v27  }
0x190: {  	v35 =	vxor.u32 s30, v0;
	v33 =	vor.u32 v32, v6;
	v29 =	vld.idx.msk [tilespmem:v19+s15+$0x0], $0xffff;
	v17 =	vmul.f32 v24, v24  }
0x191: {  	v30 =	vld.idx.msk [tilespmem:v63+s14+$0x0], $0xffff;
	v13 =	vadd.bf16 v60, v59;
	v28 =	vand.u32 $0xFFFF0000, v9;
	v9 =	vshll.u32 v9, $0x10  }
0x192: {  	v31 =	vld.idx.msk [tilespmem:v63+s16+$0x0], $0xffff;
	v8 =	vadd.f32 v17, v8;
	v7 =	vadd.f32 v10, v7;
	v10 =	vmul.f32 v28, v28  }
0x193: {  	s31 =	sor.u32 $0xA, s26;
	v15 =	vld.idx.msk [tilespmem:v63+s15+$0x0], $0xffff;
	v12 =	vadd.bf16 v26, v25;
	v13 =	vsub.bf16 v13, v62;
	v9 =	vmul.f32 v9, v9  }
0x194: {  	v39 =	vxor.u32 s31, v0;
	v19 =	vor.u32 v4, v35;
	v8 =	vadd.f32 v10, v8;
	v10 =	vld.idx.msk [tilespmem:v11+s14+$0x0], $0xffff  }
0x195: {  	s29 =	sor.u32 $0xB, s26;
	v12 =	vsub.bf16 v12, v29;
	v7 =	vadd.f32 v9, v7;
	v9 =	vand.u32 $0xFFFF0000, v13;
	v34 =	vld.idx.msk [tilespmem:v11+s16+$0x0], $0xffff  }
0x196: {  	s30 =	sor.u32 $0xC, s26;
	v40 =	vor.u32 v4, v39;
	v43 =	vxor.u32 s29, v0;
	v9 =	vmul.f32 v9, v9  }
0x197: {  	v51 =	vxor.u32 s30, v0;
	v14 =	vadd.bf16 v31, v30;
	v36 =	vand.u32 $0xFFFF0000, v12;
	v11 =	vld.idx.msk [tilespmem:v11+s15+$0x0], $0xffff  }
0x198: {  	v45 =	vor.u32 v4, v43;
	v37 =	vld.idx.msk [tilespmem:v33+s14+$0x0], $0xffff;
	v8 =	vadd.f32 v9, v8;
	v9 =	vmul.f32 v36, v36  }
0x199: {  	v38 =	vld.idx.msk [tilespmem:v33+s16+$0x0], $0xffff;
	v12 =	vshll.u32 v12, $0x10;
	v14 =	vsub.bf16 v14, v15;
	v13 =	vshll.u32 v13, $0x10  }
0x19a: {  	s31 =	sor.u32 $0xD, s26;
	v42 =	vld.idx.msk [tilespmem:v19+s14+$0x0], $0xffff;
	v13 =	vmul.f32 v13, v13;
	v8 =	vadd.f32 v9, v8;
	v9 =	vadd.bf16 v34, v10  }
0x19b: {  	v55 =	vxor.u32 s31, v0;
	v12 =	vmul.f32 v12, v12;
	v41 =	vand.u32 $0xFFFF0000, v14;
	v10 =	vld.idx.msk [tilespmem:v33+s15+$0x0], $0xffff  }
0x19c: {  	s31 =	sor.u32 $0x10, s26;
	v14 =	vshll.u32 v14, $0x10;
	v7 =	vadd.f32 v13, v7;
	v9 =	vsub.bf16 v9, v11;
	v11 =	vld.idx.msk [tilespmem:v19+s16+$0x0], $0xffff  }
0x19d: {  	s29 =	sor.u32 $0xE, s26;
	v52 =	vor.u32 v4, v51;
	v49 =	vld.idx.msk [tilespmem:v40+s14+$0x0], $0xffff;
	v30 =	vor.u32 s31, v5;
	v44 =	vmul.f32 v14, v14  }
0x19e: {  	v47 =	vld.idx.msk [tilespmem:v19+s15+$0x0], $0xffff;
	v58 =	vxor.u32 s29, v0;
	v17 =	vmul.f32 v41, v41;
	v7 =	vadd.f32 v12, v7  }
0x19f: {  	v50 =	vld.idx.msk [tilespmem:v40+s16+$0x0], $0xffff;
	v13 =	vadd.bf16 v38, v37;
	v46 =	vand.u32 $0xFFFF0000, v9;
	v9 =	vshll.u32 v9, $0x10  }
0x1a0: {  	v16 =	vld.idx.msk [tilespmem:v40+s15+$0x0], $0xffff;
	v7 =	vadd.f32 v44, v7;
	v19 =	vor.u32 v4, v55;
	v9 =	vmul.f32 v9, v9  }
0x1a1: {  	v53 =	vld.idx.msk [tilespmem:v45+s14+$0x0], $0xffff;
	v60 =	vor.u32 v4, v58;
	v10 =	vsub.bf16 v13, v10;
	v11 =	vadd.bf16 v11, v42  }
0x1a2: {  	v54 =	vld.idx.msk [tilespmem:v45+s16+$0x0], $0xffff;
	v8 =	vadd.f32 v17, v8;
	v48 =	vmul.f32 v46, v46;
	v7 =	vadd.f32 v9, v7  }
0x1a3: {  	v57 =	vld.idx.msk [tilespmem:v52+s16+$0x0], $0xffff;
	v9 =	vand.u32 $0xFFFF0000, v10;
	v10 =	vshll.u32 v10, $0x10;
	v11 =	vsub.bf16 v11, v47  }
0x1a4: {  	s30 =	sor.u32 $0xF, s26;
	v14 =	vld.idx.msk [tilespmem:v45+s15+$0x0], $0xffff;
	v8 =	vadd.f32 v48, v8;
	v9 =	vmul.f32 v9, v9;
	v10 =	vmul.f32 v10, v10  }
0x1a5: {  	v24 =	vxor.u32 s30, v0;
	v13 =	vadd.bf16 v50, v49;
	v62 =	vld.idx.msk [tilespmem:v19+s14+$0x0], $0xffff;
	v56 =	vand.u32 $0xFFFF0000, v11  }
0x1a6: {  	s29 =	sor.u32 $0x11, s26;
	v8 =	vadd.f32 v9, v8;
	v7 =	vadd.f32 v10, v7;
	v10 =	vld.idx.msk [tilespmem:v52+s14+$0x0], $0xffff;
	v9 =	vmul.f32 v56, v56  }
0x1a7: {  	v32 =	vxor.u32 s29, v0;
	v25 =	vor.u32 v4, v24;
	v13 =	vsub.bf16 v13, v16;
	v63 =	vld.idx.msk [tilespmem:v19+s16+$0x0], $0xffff  }
0x1a8: {  	v59 =	vld.idx.msk [tilespmem:v52+s15+$0x0], $0xffff;
	v11 =	vshll.u32 v11, $0x10;
	v8 =	vadd.f32 v9, v8;
	v9 =	vadd.bf16 v54, v53  }
0x1a9: {  	v18 =	vor.u32 v4, v32;
	v27 =	vld.idx.msk [tilespmem:v19+s15+$0x0], $0xffff;
	v61 =	vand.u32 $0xFFFF0000, v13;
	v11 =	vmul.f32 v11, v11  }
0x1aa: {  	v13 =	vshll.u32 v13, $0x10;
	v17 =	vmul.f32 v61, v61;
	v9 =	vsub.bf16 v9, v14  }
0x1ab: {  	v28 =	vld.idx.msk [tilespmem:v60+s14+$0x0], $0xffff;
	v7 =	vadd.f32 v11, v7;
	v11 =	vmul.f32 v13, v13;
	v10 =	vadd.bf16 v57, v10  }
0x1ac: {  	v29 =	vld.idx.msk [tilespmem:v60+s16+$0x0], $0xffff;
	v14 =	vadd.bf16 v63, v62;
	v26 =	vand.u32 $0xFFFF0000, v9;
	v9 =	vshll.u32 v9, $0x10  }
0x1ad: {  	v15 =	vld.idx.msk [tilespmem:v60+s15+$0x0], $0xffff;
	v7 =	vadd.f32 v11, v7;
	v10 =	vsub.bf16 v10, v59;
	v9 =	vmul.f32 v9, v9  }
0x1ae: {  	v31 =	vld.idx.msk [tilespmem:v25+s15+$0x0], $0xffff;
	v8 =	vadd.f32 v17, v8;
	v14 =	vsub.bf16 v14, v27;
	v11 =	vmul.f32 v26, v26  }
0x1af: {  	v13 =	vld.idx.msk [tilespmem:v25+s16+$0x0], $0xffff;
	v7 =	vadd.f32 v9, v7;
	v9 =	vand.u32 $0xFFFF0000, v10;
	v10 =	vshll.u32 v10, $0x10  }
0x1b0: {  	s31 =	sor.u32 $0x13, s26;
	v8 =	vadd.f32 v11, v8;
	v11 =	vld.idx.msk [tilespmem:v25+s14+$0x0], $0xffff;
	v9 =	vmul.f32 v9, v9;
	v10 =	vmul.f32 v10, v10  }
0x1b1: {  	v40 =	vxor.u32 s31, v0;
	v12 =	vadd.bf16 v29, v28;
	v34 =	vld.idx.msk [tilespmem:v30+s14+$0x0], $0xffff;
	v33 =	vand.u32 $0xFFFF0000, v14  }
0x1b2: {  	s30 =	sor.u32 $0x12, s26;
	v8 =	vadd.f32 v9, v8;
	v7 =	vadd.f32 v10, v7;
	v9 =	vmul.f32 v33, v33;
	v10 =	vld.idx.msk [tilespmem:v30+s16+$0x0], $0xffff  }
0x1b3: {  	s29 =	sor.u32 $0x14, s26;
	v35 =	vxor.u32 s30, v0;
	v12 =	vsub.bf16 v12, v15;
	v14 =	vshll.u32 v14, $0x10  }
0x1b4: {  	v45 =	vxor.u32 s29, v0;
	v36 =	vld.idx.msk [tilespmem:v30+s15+$0x0], $0xffff;
	v8 =	vadd.f32 v9, v8;
	v9 =	vmul.f32 v14, v14  }
0x1b5: {  	v39 =	vld.idx.msk [tilespmem:v18+s16+$0x0], $0xffff;
	v15 =	vor.u32 v4, v35;
	v37 =	vand.u32 $0xFFFF0000, v12;
	v11 =	vadd.bf16 v13, v11  }
0x1b6: {  	v41 =	vor.u32 v4, v40;
	v38 =	vld.idx.msk [tilespmem:v18+s14+$0x0], $0xffff;
	v7 =	vadd.f32 v9, v7;
	v9 =	vmul.f32 v37, v37  }
0x1b7: {  	s30 =	sor.u32 $0x15, s26;
	v12 =	vshll.u32 v12, $0x10;
	v11 =	vsub.bf16 v11, v31;
	v10 =	vadd.bf16 v10, v34  }
0x1b8: {  	v12 =	vmul.f32 v12, v12;
	v48 =	vxor.u32 s30, v0;
	v8 =	vadd.f32 v9, v8;
	v9 =	vld.idx.msk [tilespmem:v18+s15+$0x0], $0xffff  }
0x1b9: {  	v42 =	vand.u32 $0xFFFF0000, v11;
	v11 =	vshll.u32 v11, $0x10;
	v10 =	vsub.bf16 v10, v36  }
0x1ba: {  	v43 =	vld.idx.msk [tilespmem:v15+s14+$0x0], $0xffff;
	v7 =	vadd.f32 v12, v7;
	v16 =	vmul.f32 v42, v42;
	v11 =	vmul.f32 v11, v11  }
0x1bb: {  	v44 =	vld.idx.msk [tilespmem:v15+s16+$0x0], $0xffff;
	v13 =	vadd.bf16 v39, v38;
	v18 =	vor.u32 v4, v45;
	v46 =	vand.u32 $0xFFFF0000, v10  }
0x1bc: {  	v15 =	vld.idx.msk [tilespmem:v15+s15+$0x0], $0xffff;
	v8 =	vadd.f32 v16, v8;
	v7 =	vadd.f32 v11, v7;
	v16 =	vor.u32 v4, v48  }
0x1bd: {  	v47 =	vld.idx.msk [tilespmem:v41+s14+$0x0], $0xffff;
	v10 =	vshll.u32 v10, $0x10;
	v11 =	vmul.f32 v46, v46;
	v9 =	vsub.bf16 v13, v9  }
0x1be: {  	v12 =	vld.idx.msk [tilespmem:v41+s15+$0x0], $0xffff;
	v10 =	vmul.f32 v10, v10  }
0x1bf: {  	v8 =	vadd.f32 v11, v8;
	v11 =	vld.idx.msk [tilespmem:v41+s16+$0x0], $0xffff;
	v49 =	vand.u32 $0xFFFF0000, v9;
	v9 =	vshll.u32 v9, $0x10  }
0x1c0: {  	s31 =	sor.u32 $0x16, s26;
	s29 =	sor.u32 $0x17, s26;
	v50 =	vld.idx.msk [tilespmem:v18+s14+$0x0], $0xffff;
	v7 =	vadd.f32 v10, v7;
	v10 =	vmul.f32 v49, v49;
	v9 =	vmul.f32 v9, v9  }
0x1c1: {  	v52 =	vxor.u32 s31, v0;
	v56 =	vxor.u32 s29, v0;
	v14 =	vadd.bf16 v44, v43;
	v54 =	vld.idx.msk [tilespmem:v16+s14+$0x0], $0xffff  }
0x1c2: {  	s29 =	sor.u32 $0x1A, s26;
	v8 =	vadd.f32 v10, v8;
	v7 =	vadd.f32 v9, v7;
	v9 =	vld.idx.msk [tilespmem:v18+s16+$0x0], $0xffff;
	v10 =	vor.u32 v4, v52  }
0x1c3: {  	s30 =	sor.u32 $0x18, s26;
	v29 =	vxor.u32 s29, v0;
	v14 =	vsub.bf16 v14, v15;
	v55 =	vld.idx.msk [tilespmem:v16+s16+$0x0], $0xffff  }
0x1c4: {  	s31 =	sor.u32 $0x19, s26;
	v57 =	vor.u32 v4, v56;
	v62 =	vxor.u32 s30, v3;
	v51 =	vld.idx.msk [tilespmem:v18+s15+$0x0], $0xffff;
	v11 =	vadd.bf16 v11, v47  }
0x1c5: {  	v63 =	vor.u32 v62, v6;
	v25 =	vxor.u32 s31, v0;
	v53 =	vand.u32 $0xFFFF0000, v14  }
0x1c6: {  	v14 =	vshll.u32 v14, $0x10;
	v58 =	vld.idx.msk [tilespmem:v16+s15+$0x0], $0xffff;
	v18 =	vmul.f32 v53, v53;
	v11 =	vsub.bf16 v11, v12  }
0x1c7: {  	v19 =	vor.u32 v4, v25;
	v14 =	vmul.f32 v14, v14;
	v9 =	vadd.bf16 v9, v50;
	v60 =	vld.idx.msk [tilespmem:v10+s14+$0x0], $0xffff  }
0x1c8: {  	v8 =	vadd.f32 v18, v8;
	v13 =	vadd.bf16 v55, v54;
	v59 =	vand.u32 $0xFFFF0000, v11;
	v61 =	vld.idx.msk [tilespmem:v10+s16+$0x0], $0xffff  }
0x1c9: {  	v11 =	vshll.u32 v11, $0x10;
	v16 =	vmul.f32 v59, v59;
	v9 =	vsub.bf16 v9, v51  }
0x1ca: {  	v30 =	vor.u32 v4, v29;
	v7 =	vadd.f32 v14, v7;
	v10 =	vld.idx.msk [tilespmem:v10+s15+$0x0], $0xffff;
	v11 =	vmul.f32 v11, v11  }
0x1cb: {  	v24 =	vld.idx.msk [tilespmem:v57+s16+$0x0], $0xffff;
	v13 =	vsub.bf16 v13, v58;
	v8 =	vadd.f32 v16, v8;
	v23 =	vand.u32 $0xFFFF0000, v9  }
0x1cc: {  	s30 =	sor.u32 $0x1B, s26;
	v7 =	vadd.f32 v11, v7;
	v11 =	vld.idx.msk [tilespmem:v57+s14+$0x0], $0xffff;
	v9 =	vshll.u32 v9, $0x10;
	v16 =	vmul.f32 v23, v23  }
0x1cd: {  	v28 =	vld.idx.msk [tilespmem:v63+s14+$0x0], $0xffff;
	v34 =	vxor.u32 s30, v0;
	v9 =	vmul.f32 v9, v9;
	v17 =	vadd.bf16 v61, v60  }
0x1ce: {  	v12 =	vld.idx.msk [tilespmem:v57+s15+$0x0], $0xffff;
	v26 =	vand.u32 $0xFFFF0000, v13;
	v13 =	vshll.u32 v13, $0x10;
	v8 =	vadd.f32 v16, v8  }
0x1cf: {  	v27 =	vmul.f32 v26, v26;
	v7 =	vadd.f32 v9, v7;
	v9 =	vsub.bf16 v17, v10;
	v10 =	vld.idx.msk [tilespmem:v63+s16+$0x0], $0xffff  }
0x1d0: {  	s31 =	sor.u32 $0x1C, s26;
	v33 =	vld.idx.msk [tilespmem:v19+s14+$0x0], $0xffff;
	v20 =	vor.u32 v4, v34;
	v13 =	vmul.f32 v13, v13  }
0x1d1: {  	v21 =	vxor.u32 s31, v0;
	v31 =	vld.idx.msk [tilespmem:v63+s15+$0x0], $0xffff;
	v11 =	vadd.bf16 v24, v11;
	v8 =	vadd.f32 v27, v8  }
0x1d2: {  	v37 =	vld.idx.msk [tilespmem:v19+s16+$0x0], $0xffff;
	v32 =	vand.u32 $0xFFFF0000, v9;
	v9 =	vshll.u32 v9, $0x10;
	v7 =	vadd.f32 v13, v7  }
0x1d3: {  	s29 =	sor.u32 $0x1D, s26;
	v35 =	vld.idx.msk [tilespmem:v19+s15+$0x0], $0xffff;
	v11 =	vsub.bf16 v11, v12;
	v36 =	vmul.f32 v32, v32;
	v9 =	vmul.f32 v9, v9  }
0x1d4: {  	v21 =	vor.u32 v4, v21;
	v43 =	vxor.u32 s29, v0;
	v39 =	vld.idx.msk [tilespmem:v30+s14+$0x0], $0xffff;
	v10 =	vadd.bf16 v10, v28  }
0x1d5: {  	v42 =	vld.idx.msk [tilespmem:v20+s14+$0x0], $0xffff;
	v38 =	vand.u32 $0xFFFF0000, v11;
	v8 =	vadd.f32 v36, v8;
	v7 =	vadd.f32 v9, v7  }
0x1d6: {  	v9 =	vshll.u32 v11, $0x10;
	v11 =	vld.idx.msk [tilespmem:v30+s16+$0x0], $0xffff;
	v40 =	vmul.f32 v38, v38;
	v10 =	vsub.bf16 v10, v31  }
0x1d7: {  	s30 =	sor.u32 $0x1E, s26;
	v15 =	vadd.bf16 v37, v33;
	v45 =	vld.idx.msk [tilespmem:v20+s16+$0x0], $0xffff;
	v14 =	vor.u32 v4, v43;
	v9 =	vmul.f32 v9, v9  }
0x1d8: {  	v48 =	vxor.u32 s30, v0;
	v41 =	vld.idx.msk [tilespmem:v30+s15+$0x0], $0xffff;
	v8 =	vadd.f32 v40, v8;
	v44 =	vand.u32 $0xFFFF0000, v10  }
0x1d9: {  	v46 =	vld.idx.msk [tilespmem:v20+s15+$0x0], $0xffff;
	v7 =	vadd.f32 v9, v7;
	v9 =	vshll.u32 v10, $0x10;
	v10 =	vmul.f32 v44, v44  }
0x1da: {  	v49 =	vor.u32 v4, v48;
	v47 =	vld.idx.msk [tilespmem:v21+s14+$0x0], $0xffff;
	v12 =	vsub.bf16 v15, v35  }
0x1db: {  	s31 =	sor.u32 $0x1F, s26;
	v50 =	vld.idx.msk [tilespmem:v21+s16+$0x0], $0xffff;
	v9 =	vmul.f32 v9, v9;
	v8 =	vadd.f32 v10, v8;
	v10 =	vadd.bf16 v11, v39  }
0x1dc: {  	v52 =	vxor.u32 s31, v0;
	v51 =	vld.idx.msk [tilespmem:v14+s14+$0x0], $0xffff;
	v13 =	vadd.bf16 v45, v42  }
0x1dd: {  	v53 =	vld.idx.msk [tilespmem:v14+s16+$0x0], $0xffff;
	v7 =	vadd.f32 v9, v7;
	v9 =	vand.u32 $0xFFFF0000, v12;
	v10 =	vsub.bf16 v10, v41  }
0x1de: {  	v19 =	vor.u32 v4, v52;
	v11 =	vld.idx.msk [tilespmem:v21+s15+$0x0], $0xffff;
	v12 =	vshll.u32 v12, $0x10;
	v9 =	vmul.f32 v9, v9  }
0x1df: {  	v55 =	vld.idx.msk [tilespmem:v49+s14+$0x0], $0xffff;
	v13 =	vsub.bf16 v13, v46;
	v12 =	vmul.f32 v12, v12;
	v54 =	vand.u32 $0xFFFF0000, v10  }
0x1e0: {  	v14 =	vld.idx.msk [tilespmem:v14+s15+$0x0], $0xffff;
	v15 =	vadd.bf16 v50, v47;
	v8 =	vadd.f32 v9, v8;
	v9 =	vmul.f32 v54, v54  }
0x1e1: {  	v57 =	vld.idx.msk [tilespmem:v49+s16+$0x0], $0xffff;
	v56 =	vand.u32 $0xFFFF0000, v13;
	v7 =	vadd.f32 v12, v7;
	v10 =	vshll.u32 v10, $0x10  }
0x1e2: {  	v58 =	vld.idx.msk [tilespmem:v49+s15+$0x0], $0xffff;
	v8 =	vadd.f32 v9, v8;
	v9 =	vmul.f32 v10, v10;
	v10 =	vmul.f32 v56, v56  }
0x1e3: {  	v60 =	vld.idx.msk [tilespmem:v19+s14+$0x0], $0xffff;
	v59 =	vadd.bf16 v53, v51;
	v11 =	vsub.bf16 v15, v11  }
0x1e4: {  	v7 =	vadd.f32 v9, v7;
	v9 =	vshll.u32 v13, $0x10;
	v8 =	vadd.f32 v10, v8;
	v10 =	vld.idx.msk [tilespmem:v19+s16+$0x0], $0xffff  }
0x1e5: {  	v61 =	vsub.bf16 v59, v14;
	v62 =	vand.u32 $0xFFFF0000, v11;
	v9 =	vmul.f32 v9, v9  }
0x1e6: {  	v63 =	vld.idx.msk [tilespmem:v19+s15+$0x0], $0xffff;
	v12 =	vadd.bf16 v57, v55;
	v11 =	vshll.u32 v11, $0x10;
	v14 =	vmul.f32 v62, v62  }
0x1e7: {  	v7 =	vadd.f32 v9, v7;
	v9 =	vmul.f32 v11, v11;
	v11 =	vand.u32 $0xFFFF0000, v61  }
0x1e8: {  	v12 =	vsub.bf16 v12, v58;
	v8 =	vadd.f32 v14, v8;
	v11 =	vmul.f32 v11, v11  }
0x1e9: {  	v7 =	vadd.f32 v9, v7;
	v9 =	vadd.bf16 v10, v60;
	v10 =	vshll.u32 v61, $0x10  }
0x1ea: {  	v8 =	vadd.f32 v11, v8;
	v10 =	vmul.f32 v10, v10;
	v11 =	vand.u32 $0xFFFF0000, v12  }
0x1eb: {  	p1 =	por p0, p0;
	v12 =	vshll.u32 v12, $0x10;
	v9 =	vsub.bf16 v9, v63;
	v11 =	vmul.f32 v11, v11  }
.Ltmp5:
0x1ec: {  	v7 =	vadd.f32 v10, v7;
	v10 =	vmul.f32 v12, v12;
	(pc) =	sbr.rel @p1 .LBB2_13-.Ltmp5, $3  }
0x1ed: {  	v8 =	vadd.f32 v11, v8;
	v11 =	vand.u32 $0xFFFF0000, v9;
	v9 =	vshll.u32 v9, $0x10  }
0x1ee: {  	v7 =	vadd.f32 v10, v7;
	v10 =	vmul.f32 v11, v11;
	v9 =	vmul.f32 v9, v9;
	_ =	sdelay $0x1  }
0x1ef: {  	p0 =	por $0x0, $0x0;
	s26 =	simm.s32 $0x20;
	v8 =	vadd.f32 v10, v8;
	v7 =	vadd.f32 v9, v7  }
0x1f0: {  	_ = 	snop  }
0x1f1: {  	v4 =	vadd.f32 v7, v8;
	_ =	sdelay $0x1  }
0x1f2: {  	v4 =	vmax.f32 v4, $1.000000000e-30  }
0x1f3: {  	v5 =	vshra.s32 v4, $0x1;
	v6 =	vmul.f32 $5.000000000e-01, v4  }
0x1f4: {  	v5 =	vsub.s32 $0x5F3759DF, v5  }
0x1f5: {  	v63 =	vmul.f32 v5, v6;
	_ =	sdelay $0x1  }
0x1f6: {  	v7 =	vmul.f32 v5, v63;
	_ =	sdelay $0x1  }
0x1f7: {  	v7 =	vsub.f32 $1.500000000e+00, v7;
	_ =	sdelay $0x1  }
0x1f8: {  	v5 =	vmul.f32 v5, v7;
	_ =	sdelay $0x1  }
0x1f9: {  	v7 =	vmul.f32 v5, v6;
	_ =	sdelay $0x1  }
0x1fa: {  	v7 =	vmul.f32 v7, v5;
	_ =	sdelay $0x1  }
0x1fb: {  	v7 =	vsub.f32 $1.500000000e+00, v7;
	_ =	sdelay $0x1  }
0x1fc: {  	v5 =	vmul.f32 v7, v5;
	_ =	sdelay $0x1  }
0x1fd: {  	v6 =	vmul.f32 v5, v6;
	_ =	sdelay $0x1  }
0x1fe: {  	v6 =	vmul.f32 v6, v5;
	_ =	sdelay $0x1  }
0x1ff: {  	s0 =	sadd.s32 $0x1, s0;
	v6 =	vsub.f32 $1.500000000e+00, v6  }
0x200: {  	p0 =	sne.s32 s0, $0x8  }
.Ltmp6:
0x201: {  	v5 =	vmul.f32 v6, v5;
	(pc) =	sbr.rel @p0 .LBB2_12-.Ltmp6, $3  }
0x202: {  	_ = 	snop  }
0x203: {  	v4 =	vmul.f32 v5, v4;
	_ =	sdelay $0x1  }
0x204: {  	[tilespmem:s1+$0x1E580] =	vst v4  }
0x205: {  	s28 =	sadd.s32 $0x1, s28  }
0x206: {  	p0 =	sne.s32 s28, s9  }
.Ltmp7:
0x207: {  	s0 =	simm.s32 $0x19C80;
	(pc) =	sbr.rel @p0 .LBB2_1-.Ltmp7, $4  }
0x208: {  	[hbm4b:s8+s2] =	stream.linear.scatter [tilespmem:s0], [sflag:$0x7], $0x4980, $0x38;
	[tilespmem:$0x1E600] =	vst v63  }
0x209: {  	_ =	swait.ge [sflag:s10], $0x4980  }
0x20a: {  	[sflag:s10] =	ssyncset.done $0x0  }
0x20b: {  	[sflag:s10] =	ssyncadd.s32 $0xFFFFB680  }
0x20c: {  	_ =	sfence.sel $0x180000  }
0x20d: {  	[bflag:$0x0] =	sbarrier.arrive $0xFFFF  }
0x20e: {  	_ =	strace $0x90000047  }
0x20f: {  	s0 =	stileid.u32;
	[bflag:$0x2] =	sbarrier.arrive $0xFFFF  }
0x210: {  	p0 =	sne.s32 s0, $0x0;
	s0 =	rddreg [dreg:$0x5]  }
0x211: {  	s0 =	sadd.s32 @!p0 $0x100000, s0  }
0x212: {  	[sflag:s0] =	ssyncadd.tile.s32 @!p0 $0x1;
	_ =	shalt  }
.Lfunc_end2:
_tile_overlayer_lowered:
.L_overlay_start_2:
0x213: {  	(tag) =	ssettag $0x2  }
0x214: {  	s0 =	rddreg [dreg:$0x0];
	s2 =	stileid.u32  }
0x215: {  	s1 =	rddreg [dreg:$0x1];
	p0 =	sne.s32 s2, $0x0  }
0x216: {  	s3 =	rddreg [dreg:$0x2];
	[bflag:$0x3] =	sbarrier.arrive $0xFFFF;
	s2 =	simm.s32 @!p0 $0x1C07  }
0x217: {  	[timem:s3], [sflag:s2] =	dma.local @!p0 [hbm:s0], s1  }
0x218: {  	s0 =	simm.s32 @!p0 $0x7  }
0x219: {  	_ =	swait.ge @!p0 [sflag:s0], s1  }
0x21a: {  	s1 =	ssub.s32 @!p0 $0x0, s1;
	[sflag:s0] =	ssyncset.done @!p0 $0x0  }
0x21b: {  	[sflag:s0] =	ssyncadd.s32 @!p0 s1  }
0x21c: {  	[bflag:$0x3] =	sbarrier.arrive $0xFFFF  }
0x21d: {  	_ =	shalt  }

</sc_bundles>
